<compile_context>
chip_gen: v7x
topology: tpu7x:2x2x1
jax: 0.10.2.dev20260603
libtpu: 0.0.44.dev20260713+nightly
codegen_flags: <defaults>
</compile_context>

<pallas_src>
import dataclasses
import functools

import jax
import jax.numpy as jnp
from jax import lax
from jax.experimental import pallas as pl
from jax.experimental.pallas import tpu as pltpu
from jax.experimental.pallas import tpu_sc as plsc

N = 10000
E = 78000
D = 1024
H = 16
C = D // H
ETOT = E + N
EP = 90112
NP = 10240
RB = 400
NRB = N // RB
RB3 = 400
NRB3 = N // RB3
NB = 8
BW = 128
W_A = 2816
HALF = EP // 2
W_B = 128
NW_B = EP // 16 // W_B
STRIPE = NP // 16

_SC_PARAMS = pltpu.CompilerParams()
if "needs_layout_passes" in pltpu.CompilerParams.__dataclass_fields__:
    _SC_PARAMS = dataclasses.replace(_SC_PARAMS, needs_layout_passes=False)


def _stage1_body(x_ref, w_ref, a2_ref, xh_ref, a_ref, k_ref, kacc):
    i = pl.program_id(0)
    xh = jnp.dot(x_ref[...], w_ref[...], preferred_element_type=jnp.float32)
    for j in range(NB):
        xh_ref[j] = xh[:, j * BW:(j + 1) * BW]
    a = jnp.dot(xh, a2_ref[...], preferred_element_type=jnp.float32)
    a_ref[...] = a
    amax = jnp.max(a, axis=0, keepdims=True)

    @pl.when(i == 0)
    def _():
        kacc[...] = amax

    @pl.when(i > 0)
    def _():
        kacc[...] = jnp.maximum(kacc[...], amax)

    @pl.when(i == NRB - 1)
    def _():
        k_ref[...] = kacc[...]


def _stage1(x, w, a2):
    return pl.pallas_call(
        _stage1_body,
        grid=(NRB,),
        in_specs=[
            pl.BlockSpec((RB, D), lambda i: (i, 0)),
            pl.BlockSpec((D, D), lambda i: (0, 0)),
            pl.BlockSpec((D, 2 * H), lambda i: (0, 0)),
        ],
        out_specs=[
            pl.BlockSpec((NB, RB, BW), lambda i: (0, i, 0)),
            pl.BlockSpec((RB, 2 * H), lambda i: (i, 0)),
            pl.BlockSpec((1, 2 * H), lambda i: (0, 0)),
        ],
        out_shape=[
            jax.ShapeDtypeStruct((NB, N, BW), jnp.float32),
            jax.ShapeDtypeStruct((N, 2 * H), jnp.float32),
            jax.ShapeDtypeStruct((1, 2 * H), jnp.float32),
        ],
        scratch_shapes=[pltpu.VMEM((1, 2 * H), jnp.float32)],
    )(x, w, a2)


def _pass_a(asrc_t, adst_t, kb, src, dst):
    mesh = plsc.VectorSubcoreMesh(core_axis_name="c", subcore_axis_name="s")

    @functools.partial(
        pl.kernel,
        mesh=mesh,
        out_type=[
            jax.ShapeDtypeStruct((H * EP,), jnp.float32),
            jax.ShapeDtypeStruct((2 * H * NP,), jnp.float32),
        ],
        scratch_types=[
            pltpu.VMEM((NP,), jnp.float32),
            pltpu.VMEM((NP,), jnp.float32),
            pltpu.VMEM((NP,), jnp.float32),
            pltpu.VMEM((16,), jnp.float32),
            pltpu.VMEM((W_A,), jnp.int32),
            pltpu.VMEM((W_A,), jnp.int32),
            pltpu.VMEM((W_A,), jnp.float32),
        ],
        compiler_params=_SC_PARAMS,
    )
    def kfn(asrc_hbm, adst_hbm, k_hbm, src_hbm, dst_hbm, ea_hbm, den_hbm,
            at_ref, bt_ref, den_ref, k_ref, sw_ref, dw_ref, ea_ref):
        c = lax.axis_index("c")
        h = lax.axis_index("s")
        pltpu.sync_copy(asrc_hbm.at[pl.ds(h * NP, NP)], at_ref)
        pltpu.sync_copy(adst_hbm.at[pl.ds(h * NP, NP)], bt_ref)
        pltpu.sync_copy(k_hbm.at[pl.ds(h * 16, 16)], k_ref)
        kvec = k_ref[...]

        @pl.loop(0, NP, step=16)
        def _(i):
            den_ref[pl.ds(i, 16)] = jnp.zeros((16,), jnp.float32)

        base = c * HALF

        @pl.loop(0, HALF, step=W_A)
        def _(off):
            pltpu.sync_copy(src_hbm.at[pl.ds(base + off, W_A)], sw_ref)
            pltpu.sync_copy(dst_hbm.at[pl.ds(base + off, W_A)], dw_ref)

            @pl.loop(0, W_A, step=16)
            def _(k):
                sv = sw_ref[pl.ds(k, 16)]
                dv = dw_ref[pl.ds(k, 16)]
                asv = plsc.load_gather(at_ref, [sv])
                adv = plsc.load_gather(bt_ref, [dv])
                al = asv + adv
                al = jnp.where(al >= 0.0, al, 0.2 * al)
                ea = jnp.exp(al - kvec)
                ea_ref[pl.ds(k, 16)] = ea
                plsc.addupdate_scatter(den_ref, [dv], ea)

            pltpu.sync_copy(ea_ref, ea_hbm.at[pl.ds(h * EP + base + off, W_A)])

        pltpu.sync_copy(den_ref, den_hbm.at[pl.ds((c * H + h) * NP, NP)])

    return kfn(asrc_t, adst_t, kb, src, dst)


def _den_combine_body(d_ref, o_ref):
    o_ref[...] = d_ref[0] + d_ref[1]


def _den_combine(den):
    d2 = den.reshape(2, H * NP // 128, 128)
    out = pl.pallas_call(
        _den_combine_body,
        grid=(10,),
        in_specs=[pl.BlockSpec((2, H * NP // 1280, 128), lambda i: (0, i, 0))],
        out_specs=pl.BlockSpec((H * NP // 1280, 128), lambda i: (i, 0)),
        out_shape=jax.ShapeDtypeStruct((H * NP // 128, 128), jnp.float32),
    )(d2)
    return out.reshape(-1)


def _pass_b(xh8, src, dst, ea, den):
    mesh = plsc.VectorSubcoreMesh(core_axis_name="c", subcore_axis_name="s")

    @functools.partial(
        pl.kernel,
        mesh=mesh,
        out_type=jax.ShapeDtypeStruct((NB, NP, BW), jnp.float32),
        scratch_types=[
            pltpu.VMEM((W_B,), jnp.int32),
            pltpu.VMEM((W_B,), jnp.int32),
            pltpu.VMEM((W_B,), jnp.float32),
            pltpu.VMEM((W_B,), jnp.float32),
            pltpu.VMEM((W_B,), jnp.float32),
            pltpu.VMEM((W_B,), jnp.float32),
            pltpu.VMEM((W_B, BW), jnp.float32),
            pltpu.VMEM((NP,), jnp.float32),
            pltpu.VMEM((NP,), jnp.float32),
            pltpu.VMEM_SHARED((NP, BW), jnp.float32),
            pltpu.SemaphoreType.DMA,
        ],
        compiler_params=_SC_PARAMS,
    )
    def kfn(xh_hbm, src_hbm, dst_hbm, ea_hbm, den_hbm, out_hbm,
            sw, dw, e0, e1, cf0, cf1, gbuf, p0t, p1t, acc, sem):
        c = lax.axis_index("c")
        s = lax.axis_index("s")
        r0 = s * STRIPE
        ebase0 = s * (EP // 16)
        for jl in range(NB // 2):
            j = 2 * jl + c

            pltpu.sync_copy(den_hbm.at[pl.ds(2 * j * NP, NP)], p0t)
            pltpu.sync_copy(den_hbm.at[pl.ds((2 * j + 1) * NP, NP)], p1t)

            @pl.loop(0, W_B)
            def _(r):
                grow = gbuf.at[r]
                for q in range(BW // 16):
                    grow[pl.ds(q * 16, 16)] = jnp.zeros((16,), jnp.float32)

            @pl.loop(0, STRIPE, step=W_B)
            def _(b):
                pltpu.sync_copy(gbuf, acc.at[pl.ds(r0 + b, W_B)])

            plsc.subcore_barrier()

            @pl.loop(0, NW_B)
            def _(w):
                eb = ebase0 + w * W_B
                pltpu.sync_copy(src_hbm.at[pl.ds(eb, W_B)], sw)
                pltpu.sync_copy(dst_hbm.at[pl.ds(eb, W_B)], dw)
                pltpu.sync_copy(ea_hbm.at[pl.ds(2 * j * EP + eb, W_B)], e0)
                pltpu.sync_copy(ea_hbm.at[pl.ds((2 * j + 1) * EP + eb, W_B)],
                                e1)
                pltpu.async_copy(xh_hbm.at[j].at[sw], gbuf, sem).wait()

                @pl.loop(0, W_B, step=16)
                def _(g):
                    sl = pl.ds(g, 16)
                    dv = dw[sl]
                    g0 = plsc.load_gather(p0t, [dv])
                    g1 = plsc.load_gather(p1t, [dv])
                    cf0[sl] = e0[sl] / (g0 + 1e-16)
                    cf1[sl] = e1[sl] / (g1 + 1e-16)

                @pl.loop(0, W_B)
                def _(e):
                    esplat = jnp.full((16,), e, jnp.int32)
                    b0 = plsc.load_gather(cf0, [esplat])
                    b1 = plsc.load_gather(cf1, [esplat])
                    row = gbuf.at[e]
                    for q in range(4):
                        sl = pl.ds(q * 16, 16)
                        row[sl] = row[sl] * b0
                    for q in range(4, 8):
                        sl = pl.ds(q * 16, 16)
                        row[sl] = row[sl] * b1

                pltpu.sync_copy(gbuf, acc.at[dw], add=True)

            plsc.subcore_barrier()

            @pl.loop(0, STRIPE, step=W_B)
            def _(b):
                pltpu.sync_copy(acc.at[pl.ds(r0 + b, W_B)], gbuf)
                pltpu.sync_copy(gbuf, out_hbm.at[j, pl.ds(r0 + b, W_B)])

            plsc.subcore_barrier()

    return kfn(xh8, src, dst, ea, den)


def _stage3a_body(prev_ref, out_ref, bias_ref, s_ref, ss_ref, sacc, ssacc):
    i = pl.program_id(0)
    s_parts = []
    ss_parts = []
    for jj in range(NB):
        y = (prev_ref[:, jj * BW:(jj + 1) * BW] + out_ref[jj]
             + bias_ref[jj][None, :])
        s_parts.append(jnp.sum(y, axis=0, keepdims=True))
        ss_parts.append(jnp.sum(y * y, axis=0, keepdims=True))
    ssum = jnp.concatenate(s_parts, axis=0)
    sssum = jnp.concatenate(ss_parts, axis=0)

    @pl.when(i == 0)
    def _():
        sacc[...] = ssum
        ssacc[...] = sssum

    @pl.when(i > 0)
    def _():
        sacc[...] = sacc[...] + ssum
        ssacc[...] = ssacc[...] + sssum

    @pl.when(i == NRB3 - 1)
    def _():
        s_ref[...] = sacc[...]
        ss_ref[...] = ssacc[...]


def _stage3a(prev, out, bias8):
    return pl.pallas_call(
        _stage3a_body,
        grid=(NRB3,),
        in_specs=[
            pl.BlockSpec((RB3, D), lambda i: (i, 0)),
            pl.BlockSpec((NB, RB3, BW), lambda i: (0, i, 0)),
            pl.BlockSpec((NB, BW), lambda i: (0, 0)),
        ],
        out_specs=[
            pl.BlockSpec((NB, BW), lambda i: (0, 0)),
            pl.BlockSpec((NB, BW), lambda i: (0, 0)),
        ],
        out_shape=[
            jax.ShapeDtypeStruct((NB, BW), jnp.float32),
            jax.ShapeDtypeStruct((NB, BW), jnp.float32),
        ],
        scratch_shapes=[
            pltpu.VMEM((NB, BW), jnp.float32),
            pltpu.VMEM((NB, BW), jnp.float32),
        ],
    )(prev, out, bias8)


def _stage3b_body(prev_ref, out_ref, bias_ref, g_ref, bt_ref, s_ref, ss_ref,
                  y_ref):
    j = pl.program_id(0)
    row = lambda ref: ref[pl.ds(j, 1), :]
    inv_n = 1.0 / N
    mean = row(s_ref) * inv_n
    var = row(ss_ref) * inv_n - mean * mean
    scale = row(g_ref) * lax.rsqrt(var + 1e-5)
    shift = row(bt_ref) - mean * scale
    y = prev_ref[...] + out_ref[0] + row(bias_ref)
    y = y * scale + shift
    y_ref[...] = jnp.maximum(y, 0.0)


def _stage3b(prev, out, bias8, gamma8, beta8, sums, sumsq):
    return pl.pallas_call(
        _stage3b_body,
        grid=(NB, NRB3),
        in_specs=[
            pl.BlockSpec((RB3, BW), lambda j, i: (i, j)),
            pl.BlockSpec((1, RB3, BW), lambda j, i: (j, i, 0)),
            pl.BlockSpec((NB, BW), lambda j, i: (0, 0)),
            pl.BlockSpec((NB, BW), lambda j, i: (0, 0)),
            pl.BlockSpec((NB, BW), lambda j, i: (0, 0)),
            pl.BlockSpec((NB, BW), lambda j, i: (0, 0)),
            pl.BlockSpec((NB, BW), lambda j, i: (0, 0)),
        ],
        out_specs=pl.BlockSpec((RB3, BW), lambda j, i: (i, j)),
        out_shape=jax.ShapeDtypeStruct((N, D), jnp.float32),
    )(prev, out, bias8, gamma8, beta8, sums, sumsq)


def kernel(prev, x, edge_index, W, att_src, att_dst, bias, gamma, beta):
    loop = jnp.arange(N, dtype=edge_index.dtype)
    ei = jnp.concatenate([edge_index, jnp.stack([loop, loop])], axis=1)
    src = ei[0].astype(jnp.int32)
    dst = ei[1].astype(jnp.int32)
    npad = EP - ETOT
    pad_src = jnp.zeros((npad,), jnp.int32)
    pad_dst = N + (jnp.arange(npad, dtype=jnp.int32) % (NP - N))
    src = jnp.concatenate([src, pad_src])
    dst = jnp.concatenate([dst, pad_dst])

    att_s = att_src.reshape(H, C)
    att_d = att_dst.reshape(H, C)
    eye = jnp.eye(H, dtype=jnp.float32)
    a2 = jnp.concatenate(
        [
            (att_s[:, :, None] * eye[:, None, :]).reshape(D, H),
            (att_d[:, :, None] * eye[:, None, :]).reshape(D, H),
        ],
        axis=1,
    )

    xh8, a, kmax = _stage1(x, W, a2)

    a_t = a.T
    asrc_t = jnp.zeros((H, NP), jnp.float32).at[:, :N].set(a_t[:H]).reshape(-1)
    adst_t = jnp.zeros((H, NP), jnp.float32).at[:, :N].set(a_t[H:]).reshape(-1)
    ksum = kmax[0, :H] + kmax[0, H:]
    shift = jnp.where(ksum >= 0.0, ksum, 0.2 * ksum)
    kb = jnp.broadcast_to(shift[:, None], (H, 16)).reshape(-1)

    ea, den = _pass_a(asrc_t, adst_t, kb, src, dst)
    den2 = _den_combine(den)
    out8 = _pass_b(xh8, src, dst, ea, den2)

    bias8 = bias.reshape(NB, BW)
    gamma8 = gamma.reshape(NB, BW)
    beta8 = beta.reshape(NB, BW)
    sums, sumsq = _stage3a(prev, out8, bias8)
    return _stage3b(prev, out8, bias8, gamma8, beta8, sums, sumsq)

# --- scband reference (transcript-rebuilt; emitter-appended) ---
"""Pipeline reference for scband-gatblock-50620484551056 (READ-ONLY COPY).

The authoritative reference and input builder live on the scoring server;
editing this copy changes nothing except your own understanding.
"""

import jax, jax.numpy as jnp
import numpy as np

N = 10000
E = 78000
D = 1024
H = 16
C = D // H

def setup_inputs(seed: int = 0) -> dict:
    key = jax.random.key(seed)
    ks = jax.random.split(key, 8)
    prev = jax.random.normal(ks[0], (N, D), dtype=jnp.float32)
    x = jax.random.normal(ks[1], (N, D), dtype=jnp.float32)
    edge_index = jax.random.randint(ks[2], (2, E), 0, N).astype(jnp.int64)
    # GATConv params: lin weight (glorot, no bias), per-head attention vectors, out bias
    limW = np.sqrt(6.0 / (D + D))
    W = jax.random.uniform(ks[3], (D, D), dtype=jnp.float32, minval=-limW, maxval=limW)
    lima = np.sqrt(6.0 / (1 + C))
    att_src = jax.random.uniform(ks[4], (1, H, C), dtype=jnp.float32, minval=-lima, maxval=lima)
    att_dst = jax.random.uniform(ks[5], (1, H, C), dtype=jnp.float32, minval=-lima, maxval=lima)
    bias = jnp.zeros((D,), dtype=jnp.float32)
    # BatchNorm1d affine params
    gamma = jnp.ones((D,), dtype=jnp.float32)
    beta = jnp.zeros((D,), dtype=jnp.float32)
    return {"prev": prev, "x": x, "edge_index": edge_index, "W": W,
            "att_src": att_src, "att_dst": att_dst, "bias": bias,
            "gamma": gamma, "beta": beta}

def reference(prev, x, edge_index, W, att_src, att_dst, bias, gamma, beta):
    n = x.shape[0]
    # GATConv with add_self_loops=True (PyG default)
    loop = jnp.arange(n, dtype=edge_index.dtype)
    ei = jnp.concatenate([edge_index, jnp.stack([loop, loop])], axis=1)
    src, dst = ei[0], ei[1]
    xh = (x @ W).reshape(n, H, C)
    a_src = (xh * att_src).sum(-1)  # [n, H]
    a_dst = (xh * att_dst).sum(-1)  # [n, H]
    alpha = a_src[src] + a_dst[dst]  # [Etot, H]
    alpha = jax.nn.leaky_relu(alpha, negative_slope=0.2)
    # segment softmax over incoming edges of each dst node
    amax = jax.ops.segment_max(alpha, dst, num_segments=n)
    amax = jax.lax.stop_gradient(amax)
    ea = jnp.exp(alpha - amax[dst])
    denom = jax.ops.segment_sum(ea, dst, num_segments=n)
    coef = ea / (denom[dst] + 1e-16)
    msg = xh[src] * coef[:, :, None]
    out = jax.ops.segment_sum(msg, dst, num_segments=n).reshape(n, H * C) + bias
    # residual + BatchNorm1d (training-mode batch stats, eps=1e-5) + ReLU
    y = prev + out
    mean = y.mean(axis=0)
    var = y.var(axis=0)
    y = (y - mean) / jnp.sqrt(var + 1e-5) * gamma + beta
    return jax.nn.relu(y)

if __name__ == "__main__":
    import jax
    _d = setup_inputs()
    print(jax.jit(kernel)(*tuple(_d.values())))

</pallas_src>

<mosaic_0001>
#map = affine_map<(d0, d1) -> (0, 0, 0)>
#map1 = affine_map<(d0, d1) -> (0)>
module attributes {stable_mosaic.version = 14 : i64} {
  func.func @kfn(%arg0: i32, %arg1: i32, %arg2: memref<8x10000x128xf32, #tpu.memory_space<hbm>>, %arg3: memref<90112xi32, #tpu.memory_space<hbm>>, %arg4: memref<90112xi32, #tpu.memory_space<hbm>>, %arg5: memref<1441792xf32, #tpu.memory_space<hbm>>, %arg6: memref<163840xf32, #tpu.memory_space<hbm>>, %arg7: memref<8x10240x128xf32, #tpu.memory_space<hbm>>, %arg8: memref<128xi32, #tpu.memory_space<vmem>>, %arg9: memref<128xi32, #tpu.memory_space<vmem>>, %arg10: memref<128xf32, #tpu.memory_space<vmem>>, %arg11: memref<128xf32, #tpu.memory_space<vmem>>, %arg12: memref<128xf32, #tpu.memory_space<vmem>>, %arg13: memref<128xf32, #tpu.memory_space<vmem>>, %arg14: memref<128x128xf32, #tpu.memory_space<vmem>>, %arg15: memref<10240xf32, #tpu.memory_space<vmem>>, %arg16: memref<10240xf32, #tpu.memory_space<vmem>>, %arg17: memref<10240x128xf32, #tpu.memory_space<vmem_shared>>, %arg18: memref<!tpu.dma_semaphore, #tpu.memory_space<semaphore_mem>>) attributes {dimension_semantics = [#tpu.dimension_semantics<core_parallel>, #tpu.dimension_semantics<subcore_parallel>], iteration_bounds = array<i64: 2, 16>, scalar_prefetch = 0 : i64, scratch_operands = 11 : i64, tpu.core_type = #tpu.core_type<sc_vector_subcore>, window_params = [{transform_indices = #map}, {transform_indices = #map1}, {transform_indices = #map1}, {transform_indices = #map1}, {transform_indices = #map1}, {transform_indices = #map}]} {
    %mul3A = arith.constant 640 : i32
    %mul3A_0 = arith.muli %arg1, %mul3A : i32
    %mul3A_1 = arith.constant 5632 : i32
    %mul3A_2 = arith.muli %arg1, %mul3A_1 : i32
    %add3A = arith.constant 0 : i32
    %add3A_3 = arith.addi %add3A, %arg0 : i32
    %mul3A_4 = arith.constant 2 : i32
    %mul3A_5 = arith.muli %mul3A_4, %add3A_3 : i32
    %mul3A_6 = arith.constant 10240 : i32
    %mul3A_7 = arith.muli %mul3A_5, %mul3A_6 : i32
    "tpu.region"() ({
      %run_scoped3A = tpu.sem_alloc : memref<!tpu.dma_semaphore, #tpu.memory_space<semaphore_mem>>
      %dma_start3A = tpu.memref_slice %arg6[%mul3A_7] : memref<163840xf32, #tpu.memory_space<hbm>> -> memref<10240xf32, #tpu.memory_space<hbm>>
      %dma_start3A_140 = tpu.memref_slice %arg6[%mul3A_7] : memref<163840xf32, #tpu.memory_space<hbm>> -> memref<10240xf32, #tpu.memory_space<hbm>>
      tpu.enqueue_dma source(%dma_start3A_140 : memref<10240xf32, #tpu.memory_space<hbm>>) target(%arg15 : memref<10240xf32, #tpu.memory_space<vmem>>) target_semaphore(%run_scoped3A : memref<!tpu.dma_semaphore, #tpu.memory_space<semaphore_mem>>)
      %dma_wait3A = tpu.memref_slice %arg6[%mul3A_7] : memref<163840xf32, #tpu.memory_space<hbm>> -> memref<10240xf32, #tpu.memory_space<hbm>>
      %dma_wait3A_141 = tpu.memref_slice %arg6[%mul3A_7] : memref<163840xf32, #tpu.memory_space<hbm>> -> memref<10240xf32, #tpu.memory_space<hbm>>
      tpu.wait_dma2 semaphore(%run_scoped3A : memref<!tpu.dma_semaphore, #tpu.memory_space<semaphore_mem>>) src(%dma_wait3A_141 : memref<10240xf32, #tpu.memory_space<hbm>>) dst(%arg15 : memref<10240xf32, #tpu.memory_space<vmem>>)
      tpu.yield
    }) : () -> ()
    %mul3A_8 = arith.constant 2 : i32
    %mul3A_9 = arith.muli %mul3A_8, %add3A_3 : i32
    %add3A_10 = arith.constant 1 : i32
    %add3A_11 = arith.addi %mul3A_9, %add3A_10 : i32
    %mul3A_12 = arith.constant 10240 : i32
    %mul3A_13 = arith.muli %add3A_11, %mul3A_12 : i32
    "tpu.region"() ({
      %run_scoped3A = tpu.sem_alloc : memref<!tpu.dma_semaphore, #tpu.memory_space<semaphore_mem>>
      %dma_start3A = tpu.memref_slice %arg6[%mul3A_13] : memref<163840xf32, #tpu.memory_space<hbm>> -> memref<10240xf32, #tpu.memory_space<hbm>>
      %dma_start3A_140 = tpu.memref_slice %arg6[%mul3A_13] : memref<163840xf32, #tpu.memory_space<hbm>> -> memref<10240xf32, #tpu.memory_space<hbm>>
      tpu.enqueue_dma source(%dma_start3A_140 : memref<10240xf32, #tpu.memory_space<hbm>>) target(%arg16 : memref<10240xf32, #tpu.memory_space<vmem>>) target_semaphore(%run_scoped3A : memref<!tpu.dma_semaphore, #tpu.memory_space<semaphore_mem>>)
      %dma_wait3A = tpu.memref_slice %arg6[%mul3A_13] : memref<163840xf32, #tpu.memory_space<hbm>> -> memref<10240xf32, #tpu.memory_space<hbm>>
      %dma_wait3A_141 = tpu.memref_slice %arg6[%mul3A_13] : memref<163840xf32, #tpu.memory_space<hbm>> -> memref<10240xf32, #tpu.memory_space<hbm>>
      tpu.wait_dma2 semaphore(%run_scoped3A : memref<!tpu.dma_semaphore, #tpu.memory_space<semaphore_mem>>) src(%dma_wait3A_141 : memref<10240xf32, #tpu.memory_space<hbm>>) dst(%arg16 : memref<10240xf32, #tpu.memory_space<vmem>>)
      tpu.yield
    }) : () -> ()
    %scan3A = arith.constant 0 : i32
    %scan3A_14 = arith.constant 128 : i32
    %scan3A_15 = arith.addi %scan3A, %scan3A_14 : i32
    %scan3A_16 = arith.constant 1 : i32
    scf.for %scan3A_140 = %scan3A to %scan3A_15 step %scan3A_16  : i32 {
      %mul3A_141 = arith.constant 1 : i32
      %mul3A_142 = arith.muli %scan3A_140, %mul3A_141 : i32
      %add3A_143 = arith.constant 0 : i32
      %add3A_144 = arith.addi %add3A_143, %mul3A_142 : i32
      %broadcast_in_dim3A = arith.constant 0.000000e+00 : f32
      %broadcast_in_dim3A_145 = vector.broadcast %broadcast_in_dim3A : f32 to vector<16xf32>
      %swap3A = arith.constant 0 : i32
      %swap3A_146 = tpu.memref_slice %arg14[%add3A_144, %swap3A] : memref<128x128xf32, #tpu.memory_space<vmem>> -> memref<1x128xf32, #tpu.memory_space<vmem>>
      %swap3A_147 = tpu.memref_squeeze %swap3A_146 : memref<1x128xf32, #tpu.memory_space<vmem>> -> memref<128xf32, #tpu.memory_space<vmem>>
      %swap3A_148 = arith.constant 0 : index
      %swap3A_149 = tpu.vector_load %swap3A_147[%swap3A_148] {strides = array<i32>} : memref<128xf32, #tpu.memory_space<vmem>>, vector<16xf32>,
      tpu.vector_store %swap3A_147[%swap3A_148], %broadcast_in_dim3A_145 {strides = array<i32>} : memref<128xf32, #tpu.memory_space<vmem>>, vector<16xf32>,
      %broadcast_in_dim3A_150 = arith.constant 0.000000e+00 : f32
      %broadcast_in_dim3A_151 = vector.broadcast %broadcast_in_dim3A_150 : f32 to vector<16xf32>
      %swap3A_152 = arith.constant 0 : i32
      %swap3A_153 = tpu.memref_slice %arg14[%add3A_144, %swap3A_152] : memref<128x128xf32, #tpu.memory_space<vmem>> -> memref<1x128xf32, #tpu.memory_space<vmem>>
      %swap3A_154 = tpu.memref_squeeze %swap3A_153 : memref<1x128xf32, #tpu.memory_space<vmem>> -> memref<128xf32, #tpu.memory_space<vmem>>
      %swap3A_155 = arith.constant 16 : index
      %swap3A_156 = tpu.vector_load %swap3A_154[%swap3A_155] {strides = array<i32>} : memref<128xf32, #tpu.memory_space<vmem>>, vector<16xf32>,
      tpu.vector_store %swap3A_154[%swap3A_155], %broadcast_in_dim3A_151 {strides = array<i32>} : memref<128xf32, #tpu.memory_space<vmem>>, vector<16xf32>,
      %broadcast_in_dim3A_157 = arith.constant 0.000000e+00 : f32
      %broadcast_in_dim3A_158 = vector.broadcast %broadcast_in_dim3A_157 : f32 to vector<16xf32>
      %swap3A_159 = arith.constant 0 : i32
      %swap3A_160 = tpu.memref_slice %arg14[%add3A_144, %swap3A_159] : memref<128x128xf32, #tpu.memory_space<vmem>> -> memref<1x128xf32, #tpu.memory_space<vmem>>
      %swap3A_161 = tpu.memref_squeeze %swap3A_160 : memref<1x128xf32, #tpu.memory_space<vmem>> -> memref<128xf32, #tpu.memory_space<vmem>>
      %swap3A_162 = arith.constant 32 : index
      %swap3A_163 = tpu.vector_load %swap3A_161[%swap3A_162] {strides = array<i32>} : memref<128xf32, #tpu.memory_space<vmem>>, vector<16xf32>,
      tpu.vector_store %swap3A_161[%swap3A_162], %broadcast_in_dim3A_158 {strides = array<i32>} : memref<128xf32, #tpu.memory_space<vmem>>, vector<16xf32>,
      %broadcast_in_dim3A_164 = arith.constant 0.000000e+00 : f32
      %broadcast_in_dim3A_165 = vector.broadcast %broadcast_in_dim3A_164 : f32 to vector<16xf32>
      %swap3A_166 = arith.constant 0 : i32
      %swap3A_167 = tpu.memref_slice %arg14[%add3A_144, %swap3A_166] : memref<128x128xf32, #tpu.memory_space<vmem>> -> memref<1x128xf32, #tpu.memory_space<vmem>>
      %swap3A_168 = tpu.memref_squeeze %swap3A_167 : memref<1x128xf32, #tpu.memory_space<vmem>> -> memref<128xf32, #tpu.memory_space<vmem>>
      %swap3A_169 = arith.constant 48 : index
      %swap3A_170 = tpu.vector_load %swap3A_168[%swap3A_169] {strides = array<i32>} : memref<128xf32, #tpu.memory_space<vmem>>, vector<16xf32>,
      tpu.vector_store %swap3A_168[%swap3A_169], %broadcast_in_dim3A_165 {strides = array<i32>} : memref<128xf32, #tpu.memory_space<vmem>>, vector<16xf32>,
      %broadcast_in_dim3A_171 = arith.constant 0.000000e+00 : f32
      %broadcast_in_dim3A_172 = vector.broadcast %broadcast_in_dim3A_171 : f32 to vector<16xf32>
      %swap3A_173 = arith.constant 0 : i32
      %swap3A_174 = tpu.memref_slice %arg14[%add3A_144, %swap3A_173] : memref<128x128xf32, #tpu.memory_space<vmem>> -> memref<1x128xf32, #tpu.memory_space<vmem>>
      %swap3A_175 = tpu.memref_squeeze %swap3A_174 : memref<1x128xf32, #tpu.memory_space<vmem>> -> memref<128xf32, #tpu.memory_space<vmem>>
      %swap3A_176 = arith.constant 64 : index
      %swap3A_177 = tpu.vector_load %swap3A_175[%swap3A_176] {strides = array<i32>} : memref<128xf32, #tpu.memory_space<vmem>>, vector<16xf32>,
      tpu.vector_store %swap3A_175[%swap3A_176], %broadcast_in_dim3A_172 {strides = array<i32>} : memref<128xf32, #tpu.memory_space<vmem>>, vector<16xf32>,
      %broadcast_in_dim3A_178 = arith.constant 0.000000e+00 : f32
      %broadcast_in_dim3A_179 = vector.broadcast %broadcast_in_dim3A_178 : f32 to vector<16xf32>
      %swap3A_180 = arith.constant 0 : i32
      %swap3A_181 = tpu.memref_slice %arg14[%add3A_144, %swap3A_180] : memref<128x128xf32, #tpu.memory_space<vmem>> -> memref<1x128xf32, #tpu.memory_space<vmem>>
      %swap3A_182 = tpu.memref_squeeze %swap3A_181 : memref<1x128xf32, #tpu.memory_space<vmem>> -> memref<128xf32, #tpu.memory_space<vmem>>
      %swap3A_183 = arith.constant 80 : index
      %swap3A_184 = tpu.vector_load %swap3A_182[%swap3A_183] {strides = array<i32>} : memref<128xf32, #tpu.memory_space<vmem>>, vector<16xf32>,
      tpu.vector_store %swap3A_182[%swap3A_183], %broadcast_in_dim3A_179 {strides = array<i32>} : memref<128xf32, #tpu.memory_space<vmem>>, vector<16xf32>,
      %broadcast_in_dim3A_185 = arith.constant 0.000000e+00 : f32
      %broadcast_in_dim3A_186 = vector.broadcast %broadcast_in_dim3A_185 : f32 to vector<16xf32>
      %swap3A_187 = arith.constant 0 : i32
      %swap3A_188 = tpu.memref_slice %arg14[%add3A_144, %swap3A_187] : memref<128x128xf32, #tpu.memory_space<vmem>> -> memref<1x128xf32, #tpu.memory_space<vmem>>
      %swap3A_189 = tpu.memref_squeeze %swap3A_188 : memref<1x128xf32, #tpu.memory_space<vmem>> -> memref<128xf32, #tpu.memory_space<vmem>>
      %swap3A_190 = arith.constant 96 : index
      %swap3A_191 = tpu.vector_load %swap3A_189[%swap3A_190] {strides = array<i32>} : memref<128xf32, #tpu.memory_space<vmem>>, vector<16xf32>,
      tpu.vector_store %swap3A_189[%swap3A_190], %broadcast_in_dim3A_186 {strides = array<i32>} : memref<128xf32, #tpu.memory_space<vmem>>, vector<16xf32>,
      %broadcast_in_dim3A_192 = arith.constant 0.000000e+00 : f32
      %broadcast_in_dim3A_193 = vector.broadcast %broadcast_in_dim3A_192 : f32 to vector<16xf32>
      %swap3A_194 = arith.constant 0 : i32
      %swap3A_195 = tpu.memref_slice %arg14[%add3A_144, %swap3A_194] : memref<128x128xf32, #tpu.memory_space<vmem>> -> memref<1x128xf32, #tpu.memory_space<vmem>>
      %swap3A_196 = tpu.memref_squeeze %swap3A_195 : memref<1x128xf32, #tpu.memory_space<vmem>> -> memref<128xf32, #tpu.memory_space<vmem>>
      %swap3A_197 = arith.constant 112 : index
      %swap3A_198 = tpu.vector_load %swap3A_196[%swap3A_197] {strides = array<i32>} : memref<128xf32, #tpu.memory_space<vmem>>, vector<16xf32>,
      tpu.vector_store %swap3A_196[%swap3A_197], %broadcast_in_dim3A_193 {strides = array<i32>} : memref<128xf32, #tpu.memory_space<vmem>>, vector<16xf32>,
    }
    %scan3A_17 = arith.constant 128 : i32
    %scan3A_18 = arith.constant 0 : i32
    %scan3A_19 = arith.constant 5 : i32
    %scan3A_20 = arith.addi %scan3A_18, %scan3A_19 : i32
    %scan3A_21 = arith.constant 1 : i32
    scf.for %scan3A_140 = %scan3A_18 to %scan3A_20 step %scan3A_21  : i32 {
      %mul3A_141 = arith.constant 128 : i32
      %mul3A_142 = arith.muli %scan3A_140, %mul3A_141 : i32
      %add3A_143 = arith.constant 0 : i32
      %add3A_144 = arith.addi %add3A_143, %mul3A_142 : i32
      %add3A_145 = arith.addi %mul3A_0, %add3A_144 : i32
      "tpu.region"() ({
        %run_scoped3A = tpu.sem_alloc : memref<!tpu.dma_semaphore, #tpu.memory_space<semaphore_mem>>
        %dma_start3A = arith.constant 0 : i32
        %dma_start3A_146 = tpu.memref_slice %arg17[%add3A_145, %dma_start3A] : memref<10240x128xf32, #tpu.memory_space<vmem_shared>> -> memref<128x128xf32, #tpu.memory_space<vmem_shared>>
        %dma_start3A_147 = arith.constant 0 : i32
        %dma_start3A_148 = tpu.memref_slice %arg17[%add3A_145, %dma_start3A_147] : memref<10240x128xf32, #tpu.memory_space<vmem_shared>> -> memref<128x128xf32, #tpu.memory_space<vmem_shared>>
        tpu.enqueue_dma source(%arg14 : memref<128x128xf32, #tpu.memory_space<vmem>>) target(%dma_start3A_148 : memref<128x128xf32, #tpu.memory_space<vmem_shared>>) target_semaphore(%run_scoped3A : memref<!tpu.dma_semaphore, #tpu.memory_space<semaphore_mem>>)
        %dma_wait3A = arith.constant 0 : i32
        %dma_wait3A_149 = tpu.memref_slice %arg17[%add3A_145, %dma_wait3A] : memref<10240x128xf32, #tpu.memory_space<vmem_shared>> -> memref<128x128xf32, #tpu.memory_space<vmem_shared>>
        %dma_wait3A_150 = arith.constant 0 : i32
        %dma_wait3A_151 = tpu.memref_slice %arg17[%add3A_145, %dma_wait3A_150] : memref<10240x128xf32, #tpu.memory_space<vmem_shared>> -> memref<128x128xf32, #tpu.memory_space<vmem_shared>>
        tpu.wait_dma2 semaphore(%run_scoped3A : memref<!tpu.dma_semaphore, #tpu.memory_space<semaphore_mem>>) src(%arg14 : memref<128x128xf32, #tpu.memory_space<vmem>>) dst(%dma_wait3A_151 : memref<128x128xf32, #tpu.memory_space<vmem_shared>>)
        tpu.yield
      }) : () -> ()
    }
    %scan3A_22 = arith.constant 5 : i32
    %barrier3A = arith.constant 0 : index
    tpu.barrier barrier_id(%barrier3A)
    %scan3A_23 = arith.constant 0 : i32
    %scan3A_24 = arith.constant 44 : i32
    %scan3A_25 = arith.addi %scan3A_23, %scan3A_24 : i32
    %scan3A_26 = arith.constant 1 : i32
    scf.for %scan3A_140 = %scan3A_23 to %scan3A_25 step %scan3A_26  : i32 {
      %mul3A_141 = arith.constant 1 : i32
      %mul3A_142 = arith.muli %scan3A_140, %mul3A_141 : i32
      %add3A_143 = arith.constant 0 : i32
      %add3A_144 = arith.addi %add3A_143, %mul3A_142 : i32
      %mul3A_145 = arith.constant 128 : i32
      %mul3A_146 = arith.muli %add3A_144, %mul3A_145 : i32
      %add3A_147 = arith.addi %mul3A_2, %mul3A_146 : i32
      "tpu.region"() ({
        %run_scoped3A = tpu.sem_alloc : memref<!tpu.dma_semaphore, #tpu.memory_space<semaphore_mem>>
        %dma_start3A_182 = tpu.memref_slice %arg3[%add3A_147] : memref<90112xi32, #tpu.memory_space<hbm>> -> memref<128xi32, #tpu.memory_space<hbm>>
        %dma_start3A_183 = tpu.memref_slice %arg3[%add3A_147] : memref<90112xi32, #tpu.memory_space<hbm>> -> memref<128xi32, #tpu.memory_space<hbm>>
        tpu.enqueue_dma source(%dma_start3A_183 : memref<128xi32, #tpu.memory_space<hbm>>) target(%arg8 : memref<128xi32, #tpu.memory_space<vmem>>) target_semaphore(%run_scoped3A : memref<!tpu.dma_semaphore, #tpu.memory_space<semaphore_mem>>)
        %dma_wait3A_184 = tpu.memref_slice %arg3[%add3A_147] : memref<90112xi32, #tpu.memory_space<hbm>> -> memref<128xi32, #tpu.memory_space<hbm>>
        %dma_wait3A_185 = tpu.memref_slice %arg3[%add3A_147] : memref<90112xi32, #tpu.memory_space<hbm>> -> memref<128xi32, #tpu.memory_space<hbm>>
        tpu.wait_dma2 semaphore(%run_scoped3A : memref<!tpu.dma_semaphore, #tpu.memory_space<semaphore_mem>>) src(%dma_wait3A_185 : memref<128xi32, #tpu.memory_space<hbm>>) dst(%arg8 : memref<128xi32, #tpu.memory_space<vmem>>)
        tpu.yield
      }) : () -> ()
      "tpu.region"() ({
        %run_scoped3A = tpu.sem_alloc : memref<!tpu.dma_semaphore, #tpu.memory_space<semaphore_mem>>
        %dma_start3A_182 = tpu.memref_slice %arg4[%add3A_147] : memref<90112xi32, #tpu.memory_space<hbm>> -> memref<128xi32, #tpu.memory_space<hbm>>
        %dma_start3A_183 = tpu.memref_slice %arg4[%add3A_147] : memref<90112xi32, #tpu.memory_space<hbm>> -> memref<128xi32, #tpu.memory_space<hbm>>
        tpu.enqueue_dma source(%dma_start3A_183 : memref<128xi32, #tpu.memory_space<hbm>>) target(%arg9 : memref<128xi32, #tpu.memory_space<vmem>>) target_semaphore(%run_scoped3A : memref<!tpu.dma_semaphore, #tpu.memory_space<semaphore_mem>>)
        %dma_wait3A_184 = tpu.memref_slice %arg4[%add3A_147] : memref<90112xi32, #tpu.memory_space<hbm>> -> memref<128xi32, #tpu.memory_space<hbm>>
        %dma_wait3A_185 = tpu.memref_slice %arg4[%add3A_147] : memref<90112xi32, #tpu.memory_space<hbm>> -> memref<128xi32, #tpu.memory_space<hbm>>
        tpu.wait_dma2 semaphore(%run_scoped3A : memref<!tpu.dma_semaphore, #tpu.memory_space<semaphore_mem>>) src(%dma_wait3A_185 : memref<128xi32, #tpu.memory_space<hbm>>) dst(%arg9 : memref<128xi32, #tpu.memory_space<vmem>>)
        tpu.yield
      }) : () -> ()
      %mul3A_148 = arith.constant 2 : i32
      %mul3A_149 = arith.muli %mul3A_148, %add3A_3 : i32
      %mul3A_150 = arith.constant 90112 : i32
      %mul3A_151 = arith.muli %mul3A_149, %mul3A_150 : i32
      %add3A_152 = arith.addi %mul3A_151, %add3A_147 : i32
      "tpu.region"() ({
        %run_scoped3A = tpu.sem_alloc : memref<!tpu.dma_semaphore, #tpu.memory_space<semaphore_mem>>
        %dma_start3A_182 = tpu.memref_slice %arg5[%add3A_152] : memref<1441792xf32, #tpu.memory_space<hbm>> -> memref<128xf32, #tpu.memory_space<hbm>>
        %dma_start3A_183 = tpu.memref_slice %arg5[%add3A_152] : memref<1441792xf32, #tpu.memory_space<hbm>> -> memref<128xf32, #tpu.memory_space<hbm>>
        tpu.enqueue_dma source(%dma_start3A_183 : memref<128xf32, #tpu.memory_space<hbm>>) target(%arg10 : memref<128xf32, #tpu.memory_space<vmem>>) target_semaphore(%run_scoped3A : memref<!tpu.dma_semaphore, #tpu.memory_space<semaphore_mem>>)
        %dma_wait3A_184 = tpu.memref_slice %arg5[%add3A_152] : memref<1441792xf32, #tpu.memory_space<hbm>> -> memref<128xf32, #tpu.memory_space<hbm>>
        %dma_wait3A_185 = tpu.memref_slice %arg5[%add3A_152] : memref<1441792xf32, #tpu.memory_space<hbm>> -> memref<128xf32, #tpu.memory_space<hbm>>
        tpu.wait_dma2 semaphore(%run_scoped3A : memref<!tpu.dma_semaphore, #tpu.memory_space<semaphore_mem>>) src(%dma_wait3A_185 : memref<128xf32, #tpu.memory_space<hbm>>) dst(%arg10 : memref<128xf32, #tpu.memory_space<vmem>>)
        tpu.yield
      }) : () -> ()
      %mul3A_153 = arith.constant 2 : i32
      %mul3A_154 = arith.muli %mul3A_153, %add3A_3 : i32
      %add3A_155 = arith.constant 1 : i32
      %add3A_156 = arith.addi %mul3A_154, %add3A_155 : i32
      %mul3A_157 = arith.constant 90112 : i32
      %mul3A_158 = arith.muli %add3A_156, %mul3A_157 : i32
      %add3A_159 = arith.addi %mul3A_158, %add3A_147 : i32
      "tpu.region"() ({
        %run_scoped3A = tpu.sem_alloc : memref<!tpu.dma_semaphore, #tpu.memory_space<semaphore_mem>>
        %dma_start3A_182 = tpu.memref_slice %arg5[%add3A_159] : memref<1441792xf32, #tpu.memory_space<hbm>> -> memref<128xf32, #tpu.memory_space<hbm>>
        %dma_start3A_183 = tpu.memref_slice %arg5[%add3A_159] : memref<1441792xf32, #tpu.memory_space<hbm>> -> memref<128xf32, #tpu.memory_space<hbm>>
        tpu.enqueue_dma source(%dma_start3A_183 : memref<128xf32, #tpu.memory_space<hbm>>) target(%arg11 : memref<128xf32, #tpu.memory_space<vmem>>) target_semaphore(%run_scoped3A : memref<!tpu.dma_semaphore, #tpu.memory_space<semaphore_mem>>)
        %dma_wait3A_184 = tpu.memref_slice %arg5[%add3A_159] : memref<1441792xf32, #tpu.memory_space<hbm>> -> memref<128xf32, #tpu.memory_space<hbm>>
        %dma_wait3A_185 = tpu.memref_slice %arg5[%add3A_159] : memref<1441792xf32, #tpu.memory_space<hbm>> -> memref<128xf32, #tpu.memory_space<hbm>>
        tpu.wait_dma2 semaphore(%run_scoped3A : memref<!tpu.dma_semaphore, #tpu.memory_space<semaphore_mem>>) src(%dma_wait3A_185 : memref<128xf32, #tpu.memory_space<hbm>>) dst(%arg11 : memref<128xf32, #tpu.memory_space<vmem>>)
        tpu.yield
      }) : () -> ()
      %dma_start3A = arith.constant 0 : i32
      %dma_start3A_160 = arith.constant 0 : i32
      %dma_start3A_161 = tpu.memref_slice %arg2[%add3A_3, %dma_start3A, %dma_start3A_160] : memref<8x10000x128xf32, #tpu.memory_space<hbm>> -> memref<1x10000x128xf32, #tpu.memory_space<hbm>>
      %dma_start3A_162 = tpu.memref_squeeze %dma_start3A_161 : memref<1x10000x128xf32, #tpu.memory_space<hbm>> -> memref<10000x128xf32, #tpu.memory_space<hbm>>
      %dma_start3A_163 = arith.constant 0 : i32
      %dma_start3A_164 = arith.constant 0 : i32
      %dma_start3A_165 = tpu.memref_slice %dma_start3A_162[%dma_start3A_163, %dma_start3A_164] : memref<10000x128xf32, #tpu.memory_space<hbm>> -> memref<10000x128xf32, #tpu.memory_space<hbm>>
      tpu.enqueue_indirect_dma source(%dma_start3A_165 : memref<10000x128xf32, #tpu.memory_space<hbm>>) target(%arg14 : memref<128x128xf32, #tpu.memory_space<vmem>>) offsets(%arg8 : memref<128xi32, #tpu.memory_space<vmem>>) semaphore(%arg18 : memref<!tpu.dma_semaphore, #tpu.memory_space<semaphore_mem>>)
      %dma_wait3A = arith.constant 0 : i32
      %dma_wait3A_166 = arith.constant 0 : i32
      %dma_wait3A_167 = tpu.memref_slice %arg2[%add3A_3, %dma_wait3A, %dma_wait3A_166] : memref<8x10000x128xf32, #tpu.memory_space<hbm>> -> memref<1x10000x128xf32, #tpu.memory_space<hbm>>
      %dma_wait3A_168 = tpu.memref_squeeze %dma_wait3A_167 : memref<1x10000x128xf32, #tpu.memory_space<hbm>> -> memref<10000x128xf32, #tpu.memory_space<hbm>>
      %dma_wait3A_169 = arith.constant 0 : i32
      %dma_wait3A_170 = arith.constant 0 : i32
      %dma_wait3A_171 = tpu.memref_slice %dma_wait3A_168[%dma_wait3A_169, %dma_wait3A_170] : memref<10000x128xf32, #tpu.memory_space<hbm>> -> memref<10000x128xf32, #tpu.memory_space<hbm>>
      tpu.wait_indirect_dma semaphore(%arg18 : memref<!tpu.dma_semaphore, #tpu.memory_space<semaphore_mem>>) src(%dma_wait3A_171 : memref<10000x128xf32, #tpu.memory_space<hbm>>) dst(%arg14 : memref<128x128xf32, #tpu.memory_space<vmem>>)
      %scan3A_172 = arith.constant 0 : i32
      %scan3A_173 = arith.constant 8 : i32
      %scan3A_174 = arith.addi %scan3A_172, %scan3A_173 : i32
      %scan3A_175 = arith.constant 1 : i32
      scf.for %scan3A_182 = %scan3A_172 to %scan3A_174 step %scan3A_175  : i32 {
        %mul3A_183 = arith.constant 16 : i32
        %mul3A_184 = arith.muli %scan3A_182, %mul3A_183 : i32
        %add3A_185 = arith.constant 0 : i32
        %add3A_186 = arith.addi %add3A_185, %mul3A_184 : i32
        %get3A = arith.index_cast %add3A_186 : i32 to index
        %get3A_187 = tpu.vector_load %arg9[%get3A] {strides = array<i32>} : memref<128xi32, #tpu.memory_space<vmem>>, vector<16xi32>,
        %gather3A = tpu.vector_load_idx %arg15[%get3A_187] : memref<10240xf32, #tpu.memory_space<vmem>>[vector<16xi32>], vector<16xf32>,
        %gather3A_188 = tpu.vector_load_idx %arg16[%get3A_187] : memref<10240xf32, #tpu.memory_space<vmem>>[vector<16xi32>], vector<16xf32>,
        %get3A_189 = arith.index_cast %add3A_186 : i32 to index
        %get3A_190 = tpu.vector_load %arg10[%get3A_189] {strides = array<i32>} : memref<128xf32, #tpu.memory_space<vmem>>, vector<16xf32>,
        %add3A_191 = arith.constant 1.000000e-16 : f32
        %add3A_192 = vector.broadcast %add3A_191 : f32 to vector<16xf32>
        %add3A_193 = arith.addf %gather3A, %add3A_192 : vector<16xf32>
        %div3A = arith.divf %get3A_190, %add3A_193 : vector<16xf32>
        %swap3A = arith.index_cast %add3A_186 : i32 to index
        %swap3A_194 = tpu.vector_load %arg12[%swap3A] {strides = array<i32>} : memref<128xf32, #tpu.memory_space<vmem>>, vector<16xf32>,
        tpu.vector_store %arg12[%swap3A], %div3A {strides = array<i32>} : memref<128xf32, #tpu.memory_space<vmem>>, vector<16xf32>,
        %get3A_195 = arith.index_cast %add3A_186 : i32 to index
        %get3A_196 = tpu.vector_load %arg11[%get3A_195] {strides = array<i32>} : memref<128xf32, #tpu.memory_space<vmem>>, vector<16xf32>,
        %add3A_197 = arith.constant 1.000000e-16 : f32
        %add3A_198 = vector.broadcast %add3A_197 : f32 to vector<16xf32>
        %add3A_199 = arith.addf %gather3A_188, %add3A_198 : vector<16xf32>
        %div3A_200 = arith.divf %get3A_196, %add3A_199 : vector<16xf32>
        %swap3A_201 = arith.index_cast %add3A_186 : i32 to index
        %swap3A_202 = tpu.vector_load %arg13[%swap3A_201] {strides = array<i32>} : memref<128xf32, #tpu.memory_space<vmem>>, vector<16xf32>,
        tpu.vector_store %arg13[%swap3A_201], %div3A_200 {strides = array<i32>} : memref<128xf32, #tpu.memory_space<vmem>>, vector<16xf32>,
      }
      %scan3A_176 = arith.constant 8 : i32
      %scan3A_177 = arith.constant 0 : i32
      %scan3A_178 = arith.constant 128 : i32
      %scan3A_179 = arith.addi %scan3A_177, %scan3A_178 : i32
      %scan3A_180 = arith.constant 1 : i32
      scf.for %scan3A_182 = %scan3A_177 to %scan3A_179 step %scan3A_180  : i32 {
        %mul3A_183 = arith.constant 1 : i32
        %mul3A_184 = arith.muli %scan3A_182, %mul3A_183 : i32
        %add3A_185 = arith.constant 0 : i32
        %add3A_186 = arith.addi %add3A_185, %mul3A_184 : i32
        %broadcast_in_dim3A = vector.broadcast %add3A_186 : i32 to vector<16xi32>
        %gather3A = tpu.vector_load_idx %arg12[%broadcast_in_dim3A] : memref<128xf32, #tpu.memory_space<vmem>>[vector<16xi32>], vector<16xf32>,
        %gather3A_187 = tpu.vector_load_idx %arg13[%broadcast_in_dim3A] : memref<128xf32, #tpu.memory_space<vmem>>[vector<16xi32>], vector<16xf32>,
        %get3A = arith.constant 0 : i32
        %get3A_188 = tpu.memref_slice %arg14[%add3A_186, %get3A] : memref<128x128xf32, #tpu.memory_space<vmem>> -> memref<1x128xf32, #tpu.memory_space<vmem>>
        %get3A_189 = tpu.memref_squeeze %get3A_188 : memref<1x128xf32, #tpu.memory_space<vmem>> -> memref<128xf32, #tpu.memory_space<vmem>>
        %get3A_190 = arith.constant 0 : index
        %get3A_191 = tpu.vector_load %get3A_189[%get3A_190] {strides = array<i32>} : memref<128xf32, #tpu.memory_space<vmem>>, vector<16xf32>,
        %mul3A_192 = arith.mulf %get3A_191, %gather3A : vector<16xf32>
        %swap3A = arith.constant 0 : i32
        %swap3A_193 = tpu.memref_slice %arg14[%add3A_186, %swap3A] : memref<128x128xf32, #tpu.memory_space<vmem>> -> memref<1x128xf32, #tpu.memory_space<vmem>>
        %swap3A_194 = tpu.memref_squeeze %swap3A_193 : memref<1x128xf32, #tpu.memory_space<vmem>> -> memref<128xf32, #tpu.memory_space<vmem>>
        %swap3A_195 = arith.constant 0 : index
        %swap3A_196 = tpu.vector_load %swap3A_194[%swap3A_195] {strides = array<i32>} : memref<128xf32, #tpu.memory_space<vmem>>, vector<16xf32>,
        tpu.vector_store %swap3A_194[%swap3A_195], %mul3A_192 {strides = array<i32>} : memref<128xf32, #tpu.memory_space<vmem>>, vector<16xf32>,
        %get3A_197 = arith.constant 0 : i32
        %get3A_198 = tpu.memref_slice %arg14[%add3A_186, %get3A_197] : memref<128x128xf32, #tpu.memory_space<vmem>> -> memref<1x128xf32, #tpu.memory_space<vmem>>
        %get3A_199 = tpu.memref_squeeze %get3A_198 : memref<1x128xf32, #tpu.memory_space<vmem>> -> memref<128xf32, #tpu.memory_space<vmem>>
        %get3A_200 = arith.constant 16 : index
        %get3A_201 = tpu.vector_load %get3A_199[%get3A_200] {strides = array<i32>} : memref<128xf32, #tpu.memory_space<vmem>>, vector<16xf32>,
        %mul3A_202 = arith.mulf %get3A_201, %gather3A : vector<16xf32>
        %swap3A_203 = arith.constant 0 : i32
        %swap3A_204 = tpu.memref_slice %arg14[%add3A_186, %swap3A_203] : memref<128x128xf32, #tpu.memory_space<vmem>> -> memref<1x128xf32, #tpu.memory_space<vmem>>
        %swap3A_205 = tpu.memref_squeeze %swap3A_204 : memref<1x128xf32, #tpu.memory_space<vmem>> -> memref<128xf32, #tpu.memory_space<vmem>>
        %swap3A_206 = arith.constant 16 : index
        %swap3A_207 = tpu.vector_load %swap3A_205[%swap3A_206] {strides = array<i32>} : memref<128xf32, #tpu.memory_space<vmem>>, vector<16xf32>,
        tpu.vector_store %swap3A_205[%swap3A_206], %mul3A_202 {strides = array<i32>} : memref<128xf32, #tpu.memory_space<vmem>>, vector<16xf32>,
        %get3A_208 = arith.constant 0 : i32
        %get3A_209 = tpu.memref_slice %arg14[%add3A_186, %get3A_208] : memref<128x128xf32, #tpu.memory_space<vmem>> -> memref<1x128xf32, #tpu.memory_space<vmem>>
        %get3A_210 = tpu.memref_squeeze %get3A_209 : memref<1x128xf32, #tpu.memory_space<vmem>> -> memref<128xf32, #tpu.memory_space<vmem>>
        %get3A_211 = arith.constant 32 : index
        %get3A_212 = tpu.vector_load %get3A_210[%get3A_211] {strides = array<i32>} : memref<128xf32, #tpu.memory_space<vmem>>, vector<16xf32>,
        %mul3A_213 = arith.mulf %get3A_212, %gather3A : vector<16xf32>
        %swap3A_214 = arith.constant 0 : i32
        %swap3A_215 = tpu.memref_slice %arg14[%add3A_186, %swap3A_214] : memref<128x128xf32, #tpu.memory_space<vmem>> -> memref<1x128xf32, #tpu.memory_space<vmem>>
        %swap3A_216 = tpu.memref_squeeze %swap3A_215 : memref<1x128xf32, #tpu.memory_space<vmem>> -> memref<128xf32, #tpu.memory_space<vmem>>
        %swap3A_217 = arith.constant 32 : index
        %swap3A_218 = tpu.vector_load %swap3A_216[%swap3A_217] {strides = array<i32>} : memref<128xf32, #tpu.memory_space<vmem>>, vector<16xf32>,
        tpu.vector_store %swap3A_216[%swap3A_217], %mul3A_213 {strides = array<i32>} : memref<128xf32, #tpu.memory_space<vmem>>, vector<16xf32>,
        %get3A_219 = arith.constant 0 : i32
        %get3A_220 = tpu.memref_slice %arg14[%add3A_186, %get3A_219] : memref<128x128xf32, #tpu.memory_space<vmem>> -> memref<1x128xf32, #tpu.memory_space<vmem>>
        %get3A_221 = tpu.memref_squeeze %get3A_220 : memref<1x128xf32, #tpu.memory_space<vmem>> -> memref<128xf32, #tpu.memory_space<vmem>>
        %get3A_222 = arith.constant 48 : index
        %get3A_223 = tpu.vector_load %get3A_221[%get3A_222] {strides = array<i32>} : memref<128xf32, #tpu.memory_space<vmem>>, vector<16xf32>,
        %mul3A_224 = arith.mulf %get3A_223, %gather3A : vector<16xf32>
        %swap3A_225 = arith.constant 0 : i32
        %swap3A_226 = tpu.memref_slice %arg14[%add3A_186, %swap3A_225] : memref<128x128xf32, #tpu.memory_space<vmem>> -> memref<1x128xf32, #tpu.memory_space<vmem>>
        %swap3A_227 = tpu.memref_squeeze %swap3A_226 : memref<1x128xf32, #tpu.memory_space<vmem>> -> memref<128xf32, #tpu.memory_space<vmem>>
        %swap3A_228 = arith.constant 48 : index
        %swap3A_229 = tpu.vector_load %swap3A_227[%swap3A_228] {strides = array<i32>} : memref<128xf32, #tpu.memory_space<vmem>>, vector<16xf32>,
        tpu.vector_store %swap3A_227[%swap3A_228], %mul3A_224 {strides = array<i32>} : memref<128xf32, #tpu.memory_space<vmem>>, vector<16xf32>,
        %get3A_230 = arith.constant 0 : i32
        %get3A_231 = tpu.memref_slice %arg14[%add3A_186, %get3A_230] : memref<128x128xf32, #tpu.memory_space<vmem>> -> memref<1x128xf32, #tpu.memory_space<vmem>>
        %get3A_232 = tpu.memref_squeeze %get3A_231 : memref<1x128xf32, #tpu.memory_space<vmem>> -> memref<128xf32, #tpu.memory_space<vmem>>
        %get3A_233 = arith.constant 64 : index
        %get3A_234 = tpu.vector_load %get3A_232[%get3A_233] {strides = array<i32>} : memref<128xf32, #tpu.memory_space<vmem>>, vector<16xf32>,
        %mul3A_235 = arith.mulf %get3A_234, %gather3A_187 : vector<16xf32>
        %swap3A_236 = arith.constant 0 : i32
        %swap3A_237 = tpu.memref_slice %arg14[%add3A_186, %swap3A_236] : memref<128x128xf32, #tpu.memory_space<vmem>> -> memref<1x128xf32, #tpu.memory_space<vmem>>
        %swap3A_238 = tpu.memref_squeeze %swap3A_237 : memref<1x128xf32, #tpu.memory_space<vmem>> -> memref<128xf32, #tpu.memory_space<vmem>>
        %swap3A_239 = arith.constant 64 : index
        %swap3A_240 = tpu.vector_load %swap3A_238[%swap3A_239] {strides = array<i32>} : memref<128xf32, #tpu.memory_space<vmem>>, vector<16xf32>,
        tpu.vector_store %swap3A_238[%swap3A_239], %mul3A_235 {strides = array<i32>} : memref<128xf32, #tpu.memory_space<vmem>>, vector<16xf32>,
        %get3A_241 = arith.constant 0 : i32
        %get3A_242 = tpu.memref_slice %arg14[%add3A_186, %get3A_241] : memref<128x128xf32, #tpu.memory_space<vmem>> -> memref<1x128xf32, #tpu.memory_space<vmem>>
        %get3A_243 = tpu.memref_squeeze %get3A_242 : memref<1x128xf32, #tpu.memory_space<vmem>> -> memref<128xf32, #tpu.memory_space<vmem>>
        %get3A_244 = arith.constant 80 : index
        %get3A_245 = tpu.vector_load %get3A_243[%get3A_244] {strides = array<i32>} : memref<128xf32, #tpu.memory_space<vmem>>, vector<16xf32>,
        %mul3A_246 = arith.mulf %get3A_245, %gather3A_187 : vector<16xf32>
        %swap3A_247 = arith.constant 0 : i32
        %swap3A_248 = tpu.memref_slice %arg14[%add3A_186, %swap3A_247] : memref<128x128xf32, #tpu.memory_space<vmem>> -> memref<1x128xf32, #tpu.memory_space<vmem>>
        %swap3A_249 = tpu.memref_squeeze %swap3A_248 : memref<1x128xf32, #tpu.memory_space<vmem>> -> memref<128xf32, #tpu.memory_space<vmem>>
        %swap3A_250 = arith.constant 80 : index
        %swap3A_251 = tpu.vector_load %swap3A_249[%swap3A_250] {strides = array<i32>} : memref<128xf32, #tpu.memory_space<vmem>>, vector<16xf32>,
        tpu.vector_store %swap3A_249[%swap3A_250], %mul3A_246 {strides = array<i32>} : memref<128xf32, #tpu.memory_space<vmem>>, vector<16xf32>,
        %get3A_252 = arith.constant 0 : i32
        %get3A_253 = tpu.memref_slice %arg14[%add3A_186, %get3A_252] : memref<128x128xf32, #tpu.memory_space<vmem>> -> memref<1x128xf32, #tpu.memory_space<vmem>>
        %get3A_254 = tpu.memref_squeeze %get3A_253 : memref<1x128xf32, #tpu.memory_space<vmem>> -> memref<128xf32, #tpu.memory_space<vmem>>
        %get3A_255 = arith.constant 96 : index
        %get3A_256 = tpu.vector_load %get3A_254[%get3A_255] {strides = array<i32>} : memref<128xf32, #tpu.memory_space<vmem>>, vector<16xf32>,
        %mul3A_257 = arith.mulf %get3A_256, %gather3A_187 : vector<16xf32>
        %swap3A_258 = arith.constant 0 : i32
        %swap3A_259 = tpu.memref_slice %arg14[%add3A_186, %swap3A_258] : memref<128x128xf32, #tpu.memory_space<vmem>> -> memref<1x128xf32, #tpu.memory_space<vmem>>
        %swap3A_260 = tpu.memref_squeeze %swap3A_259 : memref<1x128xf32, #tpu.memory_space<vmem>> -> memref<128xf32, #tpu.memory_space<vmem>>
        %swap3A_261 = arith.constant 96 : index
        %swap3A_262 = tpu.vector_load %swap3A_260[%swap3A_261] {strides = array<i32>} : memref<128xf32, #tpu.memory_space<vmem>>, vector<16xf32>,
        tpu.vector_store %swap3A_260[%swap3A_261], %mul3A_257 {strides = array<i32>} : memref<128xf32, #tpu.memory_space<vmem>>, vector<16xf32>,
        %get3A_263 = arith.constant 0 : i32
        %get3A_264 = tpu.memref_slice %arg14[%add3A_186, %get3A_263] : memref<128x128xf32, #tpu.memory_space<vmem>> -> memref<1x128xf32, #tpu.memory_space<vmem>>
        %get3A_265 = tpu.memref_squeeze %get3A_264 : memref<1x128xf32, #tpu.memory_space<vmem>> -> memref<128xf32, #tpu.memory_space<vmem>>
        %get3A_266 = arith.constant 112 : index
        %get3A_267 = tpu.vector_load %get3A_265[%get3A_266] {strides = array<i32>} : memref<128xf32, #tpu.memory_space<vmem>>, vector<16xf32>,
        %mul3A_268 = arith.mulf %get3A_267, %gather3A_187 : vector<16xf32>
        %swap3A_269 = arith.constant 0 : i32
        %swap3A_270 = tpu.memref_slice %arg14[%add3A_186, %swap3A_269] : memref<128x128xf32, #tpu.memory_space<vmem>> -> memref<1x128xf32, #tpu.memory_space<vmem>>
        %swap3A_271 = tpu.memref_squeeze %swap3A_270 : memref<1x128xf32, #tpu.memory_space<vmem>> -> memref<128xf32, #tpu.memory_space<vmem>>
        %swap3A_272 = arith.constant 112 : index
        %swap3A_273 = tpu.vector_load %swap3A_271[%swap3A_272] {strides = array<i32>} : memref<128xf32, #tpu.memory_space<vmem>>, vector<16xf32>,
        tpu.vector_store %swap3A_271[%swap3A_272], %mul3A_268 {strides = array<i32>} : memref<128xf32, #tpu.memory_space<vmem>>, vector<16xf32>,
      }
      %scan3A_181 = arith.constant 128 : i32
      "tpu.region"() ({
        %run_scoped3A = tpu.sem_alloc : memref<!tpu.dma_semaphore, #tpu.memory_space<semaphore_mem>>
        %dma_start3A_182 = arith.constant 0 : i32
        %dma_start3A_183 = arith.constant 0 : i32
        %dma_start3A_184 = tpu.memref_slice %arg17[%dma_start3A_182, %dma_start3A_183] : memref<10240x128xf32, #tpu.memory_space<vmem_shared>> -> memref<10240x128xf32, #tpu.memory_space<vmem_shared>>
        tpu.enqueue_indirect_dma source(%arg14 : memref<128x128xf32, #tpu.memory_space<vmem>>) target(%dma_start3A_184 : memref<10240x128xf32, #tpu.memory_space<vmem_shared>>) offsets(%arg9 : memref<128xi32, #tpu.memory_space<vmem>>) semaphore(%run_scoped3A : memref<!tpu.dma_semaphore, #tpu.memory_space<semaphore_mem>>) {add = true}
        %dma_wait3A_185 = arith.constant 0 : i32
        %dma_wait3A_186 = arith.constant 0 : i32
        %dma_wait3A_187 = tpu.memref_slice %arg17[%dma_wait3A_185, %dma_wait3A_186] : memref<10240x128xf32, #tpu.memory_space<vmem_shared>> -> memref<10240x128xf32, #tpu.memory_space<vmem_shared>>
        tpu.wait_indirect_dma semaphore(%run_scoped3A : memref<!tpu.dma_semaphore, #tpu.memory_space<semaphore_mem>>) src(%arg14 : memref<128x128xf32, #tpu.memory_space<vmem>>) dst(%dma_wait3A_187 : memref<10240x128xf32, #tpu.memory_space<vmem_shared>>)
        tpu.yield
      }) : () -> ()
    }
    %scan3A_27 = arith.constant 44 : i32
    %barrier3A_28 = arith.constant 0 : index
    tpu.barrier barrier_id(%barrier3A_28)
    %scan3A_29 = arith.constant 0 : i32
    %scan3A_30 = arith.constant 5 : i32
    %scan3A_31 = arith.addi %scan3A_29, %scan3A_30 : i32
    %scan3A_32 = arith.constant 1 : i32
    scf.for %scan3A_140 = %scan3A_29 to %scan3A_31 step %scan3A_32  : i32 {
      %mul3A_141 = arith.constant 128 : i32
      %mul3A_142 = arith.muli %scan3A_140, %mul3A_141 : i32
      %add3A_143 = arith.constant 0 : i32
      %add3A_144 = arith.addi %add3A_143, %mul3A_142 : i32
      %add3A_145 = arith.addi %mul3A_0, %add3A_144 : i32
      "tpu.region"() ({
        %run_scoped3A = tpu.sem_alloc : memref<!tpu.dma_semaphore, #tpu.memory_space<semaphore_mem>>
        %dma_start3A = arith.constant 0 : i32
        %dma_start3A_147 = tpu.memref_slice %arg17[%add3A_145, %dma_start3A] : memref<10240x128xf32, #tpu.memory_space<vmem_shared>> -> memref<128x128xf32, #tpu.memory_space<vmem_shared>>
        %dma_start3A_148 = arith.constant 0 : i32
        %dma_start3A_149 = tpu.memref_slice %arg17[%add3A_145, %dma_start3A_148] : memref<10240x128xf32, #tpu.memory_space<vmem_shared>> -> memref<128x128xf32, #tpu.memory_space<vmem_shared>>
        tpu.enqueue_dma source(%dma_start3A_149 : memref<128x128xf32, #tpu.memory_space<vmem_shared>>) target(%arg14 : memref<128x128xf32, #tpu.memory_space<vmem>>) target_semaphore(%run_scoped3A : memref<!tpu.dma_semaphore, #tpu.memory_space<semaphore_mem>>)
        %dma_wait3A = arith.constant 0 : i32
        %dma_wait3A_150 = tpu.memref_slice %arg17[%add3A_145, %dma_wait3A] : memref<10240x128xf32, #tpu.memory_space<vmem_shared>> -> memref<128x128xf32, #tpu.memory_space<vmem_shared>>
        %dma_wait3A_151 = arith.constant 0 : i32
        %dma_wait3A_152 = tpu.memref_slice %arg17[%add3A_145, %dma_wait3A_151] : memref<10240x128xf32, #tpu.memory_space<vmem_shared>> -> memref<128x128xf32, #tpu.memory_space<vmem_shared>>
        tpu.wait_dma2 semaphore(%run_scoped3A : memref<!tpu.dma_semaphore, #tpu.memory_space<semaphore_mem>>) src(%dma_wait3A_152 : memref<128x128xf32, #tpu.memory_space<vmem_shared>>) dst(%arg14 : memref<128x128xf32, #tpu.memory_space<vmem>>)
        tpu.yield
      }) : () -> ()
      %add3A_146 = arith.addi %mul3A_0, %add3A_144 : i32
      "tpu.region"() ({
        %run_scoped3A = tpu.sem_alloc : memref<!tpu.dma_semaphore, #tpu.memory_space<semaphore_mem>>
        %dma_start3A = arith.constant 0 : i32
        %dma_start3A_147 = tpu.memref_slice %arg7[%add3A_3, %add3A_146, %dma_start3A] : memref<8x10240x128xf32, #tpu.memory_space<hbm>> -> memref<1x128x128xf32, #tpu.memory_space<hbm>>
        %dma_start3A_148 = tpu.memref_squeeze %dma_start3A_147 : memref<1x128x128xf32, #tpu.memory_space<hbm>> -> memref<128x128xf32, #tpu.memory_space<hbm>>
        %dma_start3A_149 = arith.constant 0 : i32
        %dma_start3A_150 = tpu.memref_slice %arg7[%add3A_3, %add3A_146, %dma_start3A_149] : memref<8x10240x128xf32, #tpu.memory_space<hbm>> -> memref<1x128x128xf32, #tpu.memory_space<hbm>>
        %dma_start3A_151 = tpu.memref_squeeze %dma_start3A_150 : memref<1x128x128xf32, #tpu.memory_space<hbm>> -> memref<128x128xf32, #tpu.memory_space<hbm>>
        tpu.enqueue_dma source(%arg14 : memref<128x128xf32, #tpu.memory_space<vmem>>) target(%dma_start3A_151 : memref<128x128xf32, #tpu.memory_space<hbm>>) target_semaphore(%run_scoped3A : memref<!tpu.dma_semaphore, #tpu.memory_space<semaphore_mem>>)
        %dma_wait3A = arith.constant 0 : i32
        %dma_wait3A_152 = tpu.memref_slice %arg7[%add3A_3, %add3A_146, %dma_wait3A] : memref<8x10240x128xf32, #tpu.memory_space<hbm>> -> memref<1x128x128xf32, #tpu.memory_space<hbm>>
        %dma_wait3A_153 = tpu.memref_squeeze %dma_wait3A_152 : memref<1x128x128xf32, #tpu.memory_space<hbm>> -> memref<128x128xf32, #tpu.memory_space<hbm>>
        %dma_wait3A_154 = arith.constant 0 : i32
        %dma_wait3A_155 = tpu.memref_slice %arg7[%add3A_3, %add3A_146, %dma_wait3A_154] : memref<8x10240x128xf32, #tpu.memory_space<hbm>> -> memref<1x128x128xf32, #tpu.memory_space<hbm>>
        %dma_wait3A_156 = tpu.memref_squeeze %dma_wait3A_155 : memref<1x128x128xf32, #tpu.memory_space<hbm>> -> memref<128x128xf32, #tpu.memory_space<hbm>>
        tpu.wait_dma2 semaphore(%run_scoped3A : memref<!tpu.dma_semaphore, #tpu.memory_space<semaphore_mem>>) src(%arg14 : memref<128x128xf32, #tpu.memory_space<vmem>>) dst(%dma_wait3A_156 : memref<128x128xf32, #tpu.memory_space<hbm>>)
        tpu.yield
      }) : () -> ()
    }
    %scan3A_33 = arith.constant 5 : i32
    %barrier3A_34 = arith.constant 0 : index
    tpu.barrier barrier_id(%barrier3A_34)
    %add3A_35 = arith.constant 2 : i32
    %add3A_36 = arith.addi %add3A_35, %arg0 : i32
    %mul3A_37 = arith.constant 2 : i32
    %mul3A_38 = arith.muli %mul3A_37, %add3A_36 : i32
    %mul3A_39 = arith.constant 10240 : i32
    %mul3A_40 = arith.muli %mul3A_38, %mul3A_39 : i32
    "tpu.region"() ({
      %run_scoped3A = tpu.sem_alloc : memref<!tpu.dma_semaphore, #tpu.memory_space<semaphore_mem>>
      %dma_start3A = tpu.memref_slice %arg6[%mul3A_40] : memref<163840xf32, #tpu.memory_space<hbm>> -> memref<10240xf32, #tpu.memory_space<hbm>>
      %dma_start3A_140 = tpu.memref_slice %arg6[%mul3A_40] : memref<163840xf32, #tpu.memory_space<hbm>> -> memref<10240xf32, #tpu.memory_space<hbm>>
      tpu.enqueue_dma source(%dma_start3A_140 : memref<10240xf32, #tpu.memory_space<hbm>>) target(%arg15 : memref<10240xf32, #tpu.memory_space<vmem>>) target_semaphore(%run_scoped3A : memref<!tpu.dma_semaphore, #tpu.memory_space<semaphore_mem>>)
      %dma_wait3A = tpu.memref_slice %arg6[%mul3A_40] : memref<163840xf32, #tpu.memory_space<hbm>> -> memref<10240xf32, #tpu.memory_space<hbm>>
      %dma_wait3A_141 = tpu.memref_slice %arg6[%mul3A_40] : memref<163840xf32, #tpu.memory_space<hbm>> -> memref<10240xf32, #tpu.memory_space<hbm>>
      tpu.wait_dma2 semaphore(%run_scoped3A : memref<!tpu.dma_semaphore, #tpu.memory_space<semaphore_mem>>) src(%dma_wait3A_141 : memref<10240xf32, #tpu.memory_space<hbm>>) dst(%arg15 : memref<10240xf32, #tpu.memory_space<vmem>>)
      tpu.yield
    }) : () -> ()
    %mul3A_41 = arith.constant 2 : i32
    %mul3A_42 = arith.muli %mul3A_41, %add3A_36 : i32
    %add3A_43 = arith.constant 1 : i32
    %add3A_44 = arith.addi %mul3A_42, %add3A_43 : i32
    %mul3A_45 = arith.constant 10240 : i32
    %mul3A_46 = arith.muli %add3A_44, %mul3A_45 : i32
    "tpu.region"() ({
      %run_scoped3A = tpu.sem_alloc : memref<!tpu.dma_semaphore, #tpu.memory_space<semaphore_mem>>
      %dma_start3A = tpu.memref_slice %arg6[%mul3A_46] : memref<163840xf32, #tpu.memory_space<hbm>> -> memref<10240xf32, #tpu.memory_space<hbm>>
      %dma_start3A_140 = tpu.memref_slice %arg6[%mul3A_46] : memref<163840xf32, #tpu.memory_space<hbm>> -> memref<10240xf32, #tpu.memory_space<hbm>>
      tpu.enqueue_dma source(%dma_start3A_140 : memref<10240xf32, #tpu.memory_space<hbm>>) target(%arg16 : memref<10240xf32, #tpu.memory_space<vmem>>) target_semaphore(%run_scoped3A : memref<!tpu.dma_semaphore, #tpu.memory_space<semaphore_mem>>)
      %dma_wait3A = tpu.memref_slice %arg6[%mul3A_46] : memref<163840xf32, #tpu.memory_space<hbm>> -> memref<10240xf32, #tpu.memory_space<hbm>>
      %dma_wait3A_141 = tpu.memref_slice %arg6[%mul3A_46] : memref<163840xf32, #tpu.memory_space<hbm>> -> memref<10240xf32, #tpu.memory_space<hbm>>
      tpu.wait_dma2 semaphore(%run_scoped3A : memref<!tpu.dma_semaphore, #tpu.memory_space<semaphore_mem>>) src(%dma_wait3A_141 : memref<10240xf32, #tpu.memory_space<hbm>>) dst(%arg16 : memref<10240xf32, #tpu.memory_space<vmem>>)
      tpu.yield
    }) : () -> ()
    %scan3A_47 = arith.constant 0 : i32
    %scan3A_48 = arith.constant 128 : i32
    %scan3A_49 = arith.addi %scan3A_47, %scan3A_48 : i32
    %scan3A_50 = arith.constant 1 : i32
    scf.for %scan3A_140 = %scan3A_47 to %scan3A_49 step %scan3A_50  : i32 {
      %mul3A_141 = arith.constant 1 : i32
      %mul3A_142 = arith.muli %scan3A_140, %mul3A_141 : i32
      %add3A_143 = arith.constant 0 : i32
      %add3A_144 = arith.addi %add3A_143, %mul3A_142 : i32
      %broadcast_in_dim3A = arith.constant 0.000000e+00 : f32
      %broadcast_in_dim3A_145 = vector.broadcast %broadcast_in_dim3A : f32 to vector<16xf32>
      %swap3A = arith.constant 0 : i32
      %swap3A_146 = tpu.memref_slice %arg14[%add3A_144, %swap3A] : memref<128x128xf32, #tpu.memory_space<vmem>> -> memref<1x128xf32, #tpu.memory_space<vmem>>
      %swap3A_147 = tpu.memref_squeeze %swap3A_146 : memref<1x128xf32, #tpu.memory_space<vmem>> -> memref<128xf32, #tpu.memory_space<vmem>>
      %swap3A_148 = arith.constant 0 : index
      %swap3A_149 = tpu.vector_load %swap3A_147[%swap3A_148] {strides = array<i32>} : memref<128xf32, #tpu.memory_space<vmem>>, vector<16xf32>,
      tpu.vector_store %swap3A_147[%swap3A_148], %broadcast_in_dim3A_145 {strides = array<i32>} : memref<128xf32, #tpu.memory_space<vmem>>, vector<16xf32>,
      %broadcast_in_dim3A_150 = arith.constant 0.000000e+00 : f32
      %broadcast_in_dim3A_151 = vector.broadcast %broadcast_in_dim3A_150 : f32 to vector<16xf32>
      %swap3A_152 = arith.constant 0 : i32
      %swap3A_153 = tpu.memref_slice %arg14[%add3A_144, %swap3A_152] : memref<128x128xf32, #tpu.memory_space<vmem>> -> memref<1x128xf32, #tpu.memory_space<vmem>>
      %swap3A_154 = tpu.memref_squeeze %swap3A_153 : memref<1x128xf32, #tpu.memory_space<vmem>> -> memref<128xf32, #tpu.memory_space<vmem>>
      %swap3A_155 = arith.constant 16 : index
      %swap3A_156 = tpu.vector_load %swap3A_154[%swap3A_155] {strides = array<i32>} : memref<128xf32, #tpu.memory_space<vmem>>, vector<16xf32>,
      tpu.vector_store %swap3A_154[%swap3A_155], %broadcast_in_dim3A_151 {strides = array<i32>} : memref<128xf32, #tpu.memory_space<vmem>>, vector<16xf32>,
      %broadcast_in_dim3A_157 = arith.constant 0.000000e+00 : f32
      %broadcast_in_dim3A_158 = vector.broadcast %broadcast_in_dim3A_157 : f32 to vector<16xf32>
      %swap3A_159 = arith.constant 0 : i32
      %swap3A_160 = tpu.memref_slice %arg14[%add3A_144, %swap3A_159] : memref<128x128xf32, #tpu.memory_space<vmem>> -> memref<1x128xf32, #tpu.memory_space<vmem>>
      %swap3A_161 = tpu.memref_squeeze %swap3A_160 : memref<1x128xf32, #tpu.memory_space<vmem>> -> memref<128xf32, #tpu.memory_space<vmem>>
      %swap3A_162 = arith.constant 32 : index
      %swap3A_163 = tpu.vector_load %swap3A_161[%swap3A_162] {strides = array<i32>} : memref<128xf32, #tpu.memory_space<vmem>>, vector<16xf32>,
      tpu.vector_store %swap3A_161[%swap3A_162], %broadcast_in_dim3A_158 {strides = array<i32>} : memref<128xf32, #tpu.memory_space<vmem>>, vector<16xf32>,
      %broadcast_in_dim3A_164 = arith.constant 0.000000e+00 : f32
      %broadcast_in_dim3A_165 = vector.broadcast %broadcast_in_dim3A_164 : f32 to vector<16xf32>
      %swap3A_166 = arith.constant 0 : i32
      %swap3A_167 = tpu.memref_slice %arg14[%add3A_144, %swap3A_166] : memref<128x128xf32, #tpu.memory_space<vmem>> -> memref<1x128xf32, #tpu.memory_space<vmem>>
      %swap3A_168 = tpu.memref_squeeze %swap3A_167 : memref<1x128xf32, #tpu.memory_space<vmem>> -> memref<128xf32, #tpu.memory_space<vmem>>
      %swap3A_169 = arith.constant 48 : index
      %swap3A_170 = tpu.vector_load %swap3A_168[%swap3A_169] {strides = array<i32>} : memref<128xf32, #tpu.memory_space<vmem>>, vector<16xf32>,
      tpu.vector_store %swap3A_168[%swap3A_169], %broadcast_in_dim3A_165 {strides = array<i32>} : memref<128xf32, #tpu.memory_space<vmem>>, vector<16xf32>,
      %broadcast_in_dim3A_171 = arith.constant 0.000000e+00 : f32
      %broadcast_in_dim3A_172 = vector.broadcast %broadcast_in_dim3A_171 : f32 to vector<16xf32>
      %swap3A_173 = arith.constant 0 : i32
      %swap3A_174 = tpu.memref_slice %arg14[%add3A_144, %swap3A_173] : memref<128x128xf32, #tpu.memory_space<vmem>> -> memref<1x128xf32, #tpu.memory_space<vmem>>
      %swap3A_175 = tpu.memref_squeeze %swap3A_174 : memref<1x128xf32, #tpu.memory_space<vmem>> -> memref<128xf32, #tpu.memory_space<vmem>>
      %swap3A_176 = arith.constant 64 : index
      %swap3A_177 = tpu.vector_load %swap3A_175[%swap3A_176] {strides = array<i32>} : memref<128xf32, #tpu.memory_space<vmem>>, vector<16xf32>,
      tpu.vector_store %swap3A_175[%swap3A_176], %broadcast_in_dim3A_172 {strides = array<i32>} : memref<128xf32, #tpu.memory_space<vmem>>, vector<16xf32>,
      %broadcast_in_dim3A_178 = arith.constant 0.000000e+00 : f32
      %broadcast_in_dim3A_179 = vector.broadcast %broadcast_in_dim3A_178 : f32 to vector<16xf32>
      %swap3A_180 = arith.constant 0 : i32
      %swap3A_181 = tpu.memref_slice %arg14[%add3A_144, %swap3A_180] : memref<128x128xf32, #tpu.memory_space<vmem>> -> memref<1x128xf32, #tpu.memory_space<vmem>>
      %swap3A_182 = tpu.memref_squeeze %swap3A_181 : memref<1x128xf32, #tpu.memory_space<vmem>> -> memref<128xf32, #tpu.memory_space<vmem>>
      %swap3A_183 = arith.constant 80 : index
      %swap3A_184 = tpu.vector_load %swap3A_182[%swap3A_183] {strides = array<i32>} : memref<128xf32, #tpu.memory_space<vmem>>, vector<16xf32>,
      tpu.vector_store %swap3A_182[%swap3A_183], %broadcast_in_dim3A_179 {strides = array<i32>} : memref<128xf32, #tpu.memory_space<vmem>>, vector<16xf32>,
      %broadcast_in_dim3A_185 = arith.constant 0.000000e+00 : f32
      %broadcast_in_dim3A_186 = vector.broadcast %broadcast_in_dim3A_185 : f32 to vector<16xf32>
      %swap3A_187 = arith.constant 0 : i32
      %swap3A_188 = tpu.memref_slice %arg14[%add3A_144, %swap3A_187] : memref<128x128xf32, #tpu.memory_space<vmem>> -> memref<1x128xf32, #tpu.memory_space<vmem>>
      %swap3A_189 = tpu.memref_squeeze %swap3A_188 : memref<1x128xf32, #tpu.memory_space<vmem>> -> memref<128xf32, #tpu.memory_space<vmem>>
      %swap3A_190 = arith.constant 96 : index
      %swap3A_191 = tpu.vector_load %swap3A_189[%swap3A_190] {strides = array<i32>} : memref<128xf32, #tpu.memory_space<vmem>>, vector<16xf32>,
      tpu.vector_store %swap3A_189[%swap3A_190], %broadcast_in_dim3A_186 {strides = array<i32>} : memref<128xf32, #tpu.memory_space<vmem>>, vector<16xf32>,
      %broadcast_in_dim3A_192 = arith.constant 0.000000e+00 : f32
      %broadcast_in_dim3A_193 = vector.broadcast %broadcast_in_dim3A_192 : f32 to vector<16xf32>
      %swap3A_194 = arith.constant 0 : i32
      %swap3A_195 = tpu.memref_slice %arg14[%add3A_144, %swap3A_194] : memref<128x128xf32, #tpu.memory_space<vmem>> -> memref<1x128xf32, #tpu.memory_space<vmem>>
      %swap3A_196 = tpu.memref_squeeze %swap3A_195 : memref<1x128xf32, #tpu.memory_space<vmem>> -> memref<128xf32, #tpu.memory_space<vmem>>
      %swap3A_197 = arith.constant 112 : index
      %swap3A_198 = tpu.vector_load %swap3A_196[%swap3A_197] {strides = array<i32>} : memref<128xf32, #tpu.memory_space<vmem>>, vector<16xf32>,
      tpu.vector_store %swap3A_196[%swap3A_197], %broadcast_in_dim3A_193 {strides = array<i32>} : memref<128xf32, #tpu.memory_space<vmem>>, vector<16xf32>,
    }
    %scan3A_51 = arith.constant 128 : i32
    %scan3A_52 = arith.constant 0 : i32
    %scan3A_53 = arith.constant 5 : i32
    %scan3A_54 = arith.addi %scan3A_52, %scan3A_53 : i32
    %scan3A_55 = arith.constant 1 : i32
    scf.for %scan3A_140 = %scan3A_52 to %scan3A_54 step %scan3A_55  : i32 {
      %mul3A_141 = arith.constant 128 : i32
      %mul3A_142 = arith.muli %scan3A_140, %mul3A_141 : i32
      %add3A_143 = arith.constant 0 : i32
      %add3A_144 = arith.addi %add3A_143, %mul3A_142 : i32
      %add3A_145 = arith.addi %mul3A_0, %add3A_144 : i32
      "tpu.region"() ({
        %run_scoped3A = tpu.sem_alloc : memref<!tpu.dma_semaphore, #tpu.memory_space<semaphore_mem>>
        %dma_start3A = arith.constant 0 : i32
        %dma_start3A_146 = tpu.memref_slice %arg17[%add3A_145, %dma_start3A] : memref<10240x128xf32, #tpu.memory_space<vmem_shared>> -> memref<128x128xf32, #tpu.memory_space<vmem_shared>>
        %dma_start3A_147 = arith.constant 0 : i32
        %dma_start3A_148 = tpu.memref_slice %arg17[%add3A_145, %dma_start3A_147] : memref<10240x128xf32, #tpu.memory_space<vmem_shared>> -> memref<128x128xf32, #tpu.memory_space<vmem_shared>>
        tpu.enqueue_dma source(%arg14 : memref<128x128xf32, #tpu.memory_space<vmem>>) target(%dma_start3A_148 : memref<128x128xf32, #tpu.memory_space<vmem_shared>>) target_semaphore(%run_scoped3A : memref<!tpu.dma_semaphore, #tpu.memory_space<semaphore_mem>>)
        %dma_wait3A = arith.constant 0 : i32
        %dma_wait3A_149 = tpu.memref_slice %arg17[%add3A_145, %dma_wait3A] : memref<10240x128xf32, #tpu.memory_space<vmem_shared>> -> memref<128x128xf32, #tpu.memory_space<vmem_shared>>
        %dma_wait3A_150 = arith.constant 0 : i32
        %dma_wait3A_151 = tpu.memref_slice %arg17[%add3A_145, %dma_wait3A_150] : memref<10240x128xf32, #tpu.memory_space<vmem_shared>> -> memref<128x128xf32, #tpu.memory_space<vmem_shared>>
        tpu.wait_dma2 semaphore(%run_scoped3A : memref<!tpu.dma_semaphore, #tpu.memory_space<semaphore_mem>>) src(%arg14 : memref<128x128xf32, #tpu.memory_space<vmem>>) dst(%dma_wait3A_151 : memref<128x128xf32, #tpu.memory_space<vmem_shared>>)
        tpu.yield
      }) : () -> ()
    }
    %scan3A_56 = arith.constant 5 : i32
    %barrier3A_57 = arith.constant 0 : index
    tpu.barrier barrier_id(%barrier3A_57)
    %scan3A_58 = arith.constant 0 : i32
    %scan3A_59 = arith.constant 44 : i32
    %scan3A_60 = arith.addi %scan3A_58, %scan3A_59 : i32
    %scan3A_61 = arith.constant 1 : i32
    scf.for %scan3A_140 = %scan3A_58 to %scan3A_60 step %scan3A_61  : i32 {
      %mul3A_141 = arith.constant 1 : i32
      %mul3A_142 = arith.muli %scan3A_140, %mul3A_141 : i32
      %add3A_143 = arith.constant 0 : i32
      %add3A_144 = arith.addi %add3A_143, %mul3A_142 : i32
      %mul3A_145 = arith.constant 128 : i32
      %mul3A_146 = arith.muli %add3A_144, %mul3A_145 : i32
      %add3A_147 = arith.addi %mul3A_2, %mul3A_146 : i32
      "tpu.region"() ({
        %run_scoped3A = tpu.sem_alloc : memref<!tpu.dma_semaphore, #tpu.memory_space<semaphore_mem>>
        %dma_start3A_182 = tpu.memref_slice %arg3[%add3A_147] : memref<90112xi32, #tpu.memory_space<hbm>> -> memref<128xi32, #tpu.memory_space<hbm>>
        %dma_start3A_183 = tpu.memref_slice %arg3[%add3A_147] : memref<90112xi32, #tpu.memory_space<hbm>> -> memref<128xi32, #tpu.memory_space<hbm>>
        tpu.enqueue_dma source(%dma_start3A_183 : memref<128xi32, #tpu.memory_space<hbm>>) target(%arg8 : memref<128xi32, #tpu.memory_space<vmem>>) target_semaphore(%run_scoped3A : memref<!tpu.dma_semaphore, #tpu.memory_space<semaphore_mem>>)
        %dma_wait3A_184 = tpu.memref_slice %arg3[%add3A_147] : memref<90112xi32, #tpu.memory_space<hbm>> -> memref<128xi32, #tpu.memory_space<hbm>>
        %dma_wait3A_185 = tpu.memref_slice %arg3[%add3A_147] : memref<90112xi32, #tpu.memory_space<hbm>> -> memref<128xi32, #tpu.memory_space<hbm>>
        tpu.wait_dma2 semaphore(%run_scoped3A : memref<!tpu.dma_semaphore, #tpu.memory_space<semaphore_mem>>) src(%dma_wait3A_185 : memref<128xi32, #tpu.memory_space<hbm>>) dst(%arg8 : memref<128xi32, #tpu.memory_space<vmem>>)
        tpu.yield
      }) : () -> ()
      "tpu.region"() ({
        %run_scoped3A = tpu.sem_alloc : memref<!tpu.dma_semaphore, #tpu.memory_space<semaphore_mem>>
        %dma_start3A_182 = tpu.memref_slice %arg4[%add3A_147] : memref<90112xi32, #tpu.memory_space<hbm>> -> memref<128xi32, #tpu.memory_space<hbm>>
        %dma_start3A_183 = tpu.memref_slice %arg4[%add3A_147] : memref<90112xi32, #tpu.memory_space<hbm>> -> memref<128xi32, #tpu.memory_space<hbm>>
        tpu.enqueue_dma source(%dma_start3A_183 : memref<128xi32, #tpu.memory_space<hbm>>) target(%arg9 : memref<128xi32, #tpu.memory_space<vmem>>) target_semaphore(%run_scoped3A : memref<!tpu.dma_semaphore, #tpu.memory_space<semaphore_mem>>)
        %dma_wait3A_184 = tpu.memref_slice %arg4[%add3A_147] : memref<90112xi32, #tpu.memory_space<hbm>> -> memref<128xi32, #tpu.memory_space<hbm>>
        %dma_wait3A_185 = tpu.memref_slice %arg4[%add3A_147] : memref<90112xi32, #tpu.memory_space<hbm>> -> memref<128xi32, #tpu.memory_space<hbm>>
        tpu.wait_dma2 semaphore(%run_scoped3A : memref<!tpu.dma_semaphore, #tpu.memory_space<semaphore_mem>>) src(%dma_wait3A_185 : memref<128xi32, #tpu.memory_space<hbm>>) dst(%arg9 : memref<128xi32, #tpu.memory_space<vmem>>)
        tpu.yield
      }) : () -> ()
      %mul3A_148 = arith.constant 2 : i32
      %mul3A_149 = arith.muli %mul3A_148, %add3A_36 : i32
      %mul3A_150 = arith.constant 90112 : i32
      %mul3A_151 = arith.muli %mul3A_149, %mul3A_150 : i32
      %add3A_152 = arith.addi %mul3A_151, %add3A_147 : i32
      "tpu.region"() ({
        %run_scoped3A = tpu.sem_alloc : memref<!tpu.dma_semaphore, #tpu.memory_space<semaphore_mem>>
        %dma_start3A_182 = tpu.memref_slice %arg5[%add3A_152] : memref<1441792xf32, #tpu.memory_space<hbm>> -> memref<128xf32, #tpu.memory_space<hbm>>
        %dma_start3A_183 = tpu.memref_slice %arg5[%add3A_152] : memref<1441792xf32, #tpu.memory_space<hbm>> -> memref<128xf32, #tpu.memory_space<hbm>>
        tpu.enqueue_dma source(%dma_start3A_183 : memref<128xf32, #tpu.memory_space<hbm>>) target(%arg10 : memref<128xf32, #tpu.memory_space<vmem>>) target_semaphore(%run_scoped3A : memref<!tpu.dma_semaphore, #tpu.memory_space<semaphore_mem>>)
        %dma_wait3A_184 = tpu.memref_slice %arg5[%add3A_152] : memref<1441792xf32, #tpu.memory_space<hbm>> -> memref<128xf32, #tpu.memory_space<hbm>>
        %dma_wait3A_185 = tpu.memref_slice %arg5[%add3A_152] : memref<1441792xf32, #tpu.memory_space<hbm>> -> memref<128xf32, #tpu.memory_space<hbm>>
        tpu.wait_dma2 semaphore(%run_scoped3A : memref<!tpu.dma_semaphore, #tpu.memory_space<semaphore_mem>>) src(%dma_wait3A_185 : memref<128xf32, #tpu.memory_space<hbm>>) dst(%arg10 : memref<128xf32, #tpu.memory_space<vmem>>)
        tpu.yield
      }) : () -> ()
      %mul3A_153 = arith.constant 2 : i32
      %mul3A_154 = arith.muli %mul3A_153, %add3A_36 : i32
      %add3A_155 = arith.constant 1 : i32
      %add3A_156 = arith.addi %mul3A_154, %add3A_155 : i32
      %mul3A_157 = arith.constant 90112 : i32
      %mul3A_158 = arith.muli %add3A_156, %mul3A_157 : i32
      %add3A_159 = arith.addi %mul3A_158, %add3A_147 : i32
      "tpu.region"() ({
        %run_scoped3A = tpu.sem_alloc : memref<!tpu.dma_semaphore, #tpu.memory_space<semaphore_mem>>
        %dma_start3A_182 = tpu.memref_slice %arg5[%add3A_159] : memref<1441792xf32, #tpu.memory_space<hbm>> -> memref<128xf32, #tpu.memory_space<hbm>>
        %dma_start3A_183 = tpu.memref_slice %arg5[%add3A_159] : memref<1441792xf32, #tpu.memory_space<hbm>> -> memref<128xf32, #tpu.memory_space<hbm>>
        tpu.enqueue_dma source(%dma_start3A_183 : memref<128xf32, #tpu.memory_space<hbm>>) target(%arg11 : memref<128xf32, #tpu.memory_space<vmem>>) target_semaphore(%run_scoped3A : memref<!tpu.dma_semaphore, #tpu.memory_space<semaphore_mem>>)
        %dma_wait3A_184 = tpu.memref_slice %arg5[%add3A_159] : memref<1441792xf32, #tpu.memory_space<hbm>> -> memref<128xf32, #tpu.memory_space<hbm>>
        %dma_wait3A_185 = tpu.memref_slice %arg5[%add3A_159] : memref<1441792xf32, #tpu.memory_space<hbm>> -> memref<128xf32, #tpu.memory_space<hbm>>
        tpu.wait_dma2 semaphore(%run_scoped3A : memref<!tpu.dma_semaphore, #tpu.memory_space<semaphore_mem>>) src(%dma_wait3A_185 : memref<128xf32, #tpu.memory_space<hbm>>) dst(%arg11 : memref<128xf32, #tpu.memory_space<vmem>>)
        tpu.yield
      }) : () -> ()
      %dma_start3A = arith.constant 0 : i32
      %dma_start3A_160 = arith.constant 0 : i32
      %dma_start3A_161 = tpu.memref_slice %arg2[%add3A_36, %dma_start3A, %dma_start3A_160] : memref<8x10000x128xf32, #tpu.memory_space<hbm>> -> memref<1x10000x128xf32, #tpu.memory_space<hbm>>
      %dma_start3A_162 = tpu.memref_squeeze %dma_start3A_161 : memref<1x10000x128xf32, #tpu.memory_space<hbm>> -> memref<10000x128xf32, #tpu.memory_space<hbm>>
      %dma_start3A_163 = arith.constant 0 : i32
      %dma_start3A_164 = arith.constant 0 : i32
      %dma_start3A_165 = tpu.memref_slice %dma_start3A_162[%dma_start3A_163, %dma_start3A_164] : memref<10000x128xf32, #tpu.memory_space<hbm>> -> memref<10000x128xf32, #tpu.memory_space<hbm>>
      tpu.enqueue_indirect_dma source(%dma_start3A_165 : memref<10000x128xf32, #tpu.memory_space<hbm>>) target(%arg14 : memref<128x128xf32, #tpu.memory_space<vmem>>) offsets(%arg8 : memref<128xi32, #tpu.memory_space<vmem>>) semaphore(%arg18 : memref<!tpu.dma_semaphore, #tpu.memory_space<semaphore_mem>>)
      %dma_wait3A = arith.constant 0 : i32
      %dma_wait3A_166 = arith.constant 0 : i32
      %dma_wait3A_167 = tpu.memref_slice %arg2[%add3A_36, %dma_wait3A, %dma_wait3A_166] : memref<8x10000x128xf32, #tpu.memory_space<hbm>> -> memref<1x10000x128xf32, #tpu.memory_space<hbm>>
      %dma_wait3A_168 = tpu.memref_squeeze %dma_wait3A_167 : memref<1x10000x128xf32, #tpu.memory_space<hbm>> -> memref<10000x128xf32, #tpu.memory_space<hbm>>
      %dma_wait3A_169 = arith.constant 0 : i32
      %dma_wait3A_170 = arith.constant 0 : i32
      %dma_wait3A_171 = tpu.memref_slice %dma_wait3A_168[%dma_wait3A_169, %dma_wait3A_170] : memref<10000x128xf32, #tpu.memory_space<hbm>> -> memref<10000x128xf32, #tpu.memory_space<hbm>>
      tpu.wait_indirect_dma semaphore(%arg18 : memref<!tpu.dma_semaphore, #tpu.memory_space<semaphore_mem>>) src(%dma_wait3A_171 : memref<10000x128xf32, #tpu.memory_space<hbm>>) dst(%arg14 : memref<128x128xf32, #tpu.memory_space<vmem>>)
      %scan3A_172 = arith.constant 0 : i32
      %scan3A_173 = arith.constant 8 : i32
      %scan3A_174 = arith.addi %scan3A_172, %scan3A_173 : i32
      %scan3A_175 = arith.constant 1 : i32
      scf.for %scan3A_182 = %scan3A_172 to %scan3A_174 step %scan3A_175  : i32 {
        %mul3A_183 = arith.constant 16 : i32
        %mul3A_184 = arith.muli %scan3A_182, %mul3A_183 : i32
        %add3A_185 = arith.constant 0 : i32
        %add3A_186 = arith.addi %add3A_185, %mul3A_184 : i32
        %get3A = arith.index_cast %add3A_186 : i32 to index
        %get3A_187 = tpu.vector_load %arg9[%get3A] {strides = array<i32>} : memref<128xi32, #tpu.memory_space<vmem>>, vector<16xi32>,
        %gather3A = tpu.vector_load_idx %arg15[%get3A_187] : memref<10240xf32, #tpu.memory_space<vmem>>[vector<16xi32>], vector<16xf32>,
        %gather3A_188 = tpu.vector_load_idx %arg16[%get3A_187] : memref<10240xf32, #tpu.memory_space<vmem>>[vector<16xi32>], vector<16xf32>,
        %get3A_189 = arith.index_cast %add3A_186 : i32 to index
        %get3A_190 = tpu.vector_load %arg10[%get3A_189] {strides = array<i32>} : memref<128xf32, #tpu.memory_space<vmem>>, vector<16xf32>,
        %add3A_191 = arith.constant 1.000000e-16 : f32
        %add3A_192 = vector.broadcast %add3A_191 : f32 to vector<16xf32>
        %add3A_193 = arith.addf %gather3A, %add3A_192 : vector<16xf32>
        %div3A = arith.divf %get3A_190, %add3A_193 : vector<16xf32>
        %swap3A = arith.index_cast %add3A_186 : i32 to index
        %swap3A_194 = tpu.vector_load %arg12[%swap3A] {strides = array<i32>} : memref<128xf32, #tpu.memory_space<vmem>>, vector<16xf32>,
        tpu.vector_store %arg12[%swap3A], %div3A {strides = array<i32>} : memref<128xf32, #tpu.memory_space<vmem>>, vector<16xf32>,
        %get3A_195 = arith.index_cast %add3A_186 : i32 to index
        %get3A_196 = tpu.vector_load %arg11[%get3A_195] {strides = array<i32>} : memref<128xf32, #tpu.memory_space<vmem>>, vector<16xf32>,
        %add3A_197 = arith.constant 1.000000e-16 : f32
        %add3A_198 = vector.broadcast %add3A_197 : f32 to vector<16xf32>
        %add3A_199 = arith.addf %gather3A_188, %add3A_198 : vector<16xf32>
        %div3A_200 = arith.divf %get3A_196, %add3A_199 : vector<16xf32>
        %swap3A_201 = arith.index_cast %add3A_186 : i32 to index
        %swap3A_202 = tpu.vector_load %arg13[%swap3A_201] {strides = array<i32>} : memref<128xf32, #tpu.memory_space<vmem>>, vector<16xf32>,
        tpu.vector_store %arg13[%swap3A_201], %div3A_200 {strides = array<i32>} : memref<128xf32, #tpu.memory_space<vmem>>, vector<16xf32>,
      }
      %scan3A_176 = arith.constant 8 : i32
      %scan3A_177 = arith.constant 0 : i32
      %scan3A_178 = arith.constant 128 : i32
      %scan3A_179 = arith.addi %scan3A_177, %scan3A_178 : i32
      %scan3A_180 = arith.constant 1 : i32
      scf.for %scan3A_182 = %scan3A_177 to %scan3A_179 step %scan3A_180  : i32 {
        %mul3A_183 = arith.constant 1 : i32
        %mul3A_184 = arith.muli %scan3A_182, %mul3A_183 : i32
        %add3A_185 = arith.constant 0 : i32
        %add3A_186 = arith.addi %add3A_185, %mul3A_184 : i32
        %broadcast_in_dim3A = vector.broadcast %add3A_186 : i32 to vector<16xi32>
        %gather3A = tpu.vector_load_idx %arg12[%broadcast_in_dim3A] : memref<128xf32, #tpu.memory_space<vmem>>[vector<16xi32>], vector<16xf32>,
        %gather3A_187 = tpu.vector_load_idx %arg13[%broadcast_in_dim3A] : memref<128xf32, #tpu.memory_space<vmem>>[vector<16xi32>], vector<16xf32>,
        %get3A = arith.constant 0 : i32
        %get3A_188 = tpu.memref_slice %arg14[%add3A_186, %get3A] : memref<128x128xf32, #tpu.memory_space<vmem>> -> memref<1x128xf32, #tpu.memory_space<vmem>>
        %get3A_189 = tpu.memref_squeeze %get3A_188 : memref<1x128xf32, #tpu.memory_space<vmem>> -> memref<128xf32, #tpu.memory_space<vmem>>
        %get3A_190 = arith.constant 0 : index
        %get3A_191 = tpu.vector_load %get3A_189[%get3A_190] {strides = array<i32>} : memref<128xf32, #tpu.memory_space<vmem>>, vector<16xf32>,
        %mul3A_192 = arith.mulf %get3A_191, %gather3A : vector<16xf32>
        %swap3A = arith.constant 0 : i32
        %swap3A_193 = tpu.memref_slice %arg14[%add3A_186, %swap3A] : memref<128x128xf32, #tpu.memory_space<vmem>> -> memref<1x128xf32, #tpu.memory_space<vmem>>
        %swap3A_194 = tpu.memref_squeeze %swap3A_193 : memref<1x128xf32, #tpu.memory_space<vmem>> -> memref<128xf32, #tpu.memory_space<vmem>>
        %swap3A_195 = arith.constant 0 : index
        %swap3A_196 = tpu.vector_load %swap3A_194[%swap3A_195] {strides = array<i32>} : memref<128xf32, #tpu.memory_space<vmem>>, vector<16xf32>,
        tpu.vector_store %swap3A_194[%swap3A_195], %mul3A_192 {strides = array<i32>} : memref<128xf32, #tpu.memory_space<vmem>>, vector<16xf32>,
        %get3A_197 = arith.constant 0 : i32
        %get3A_198 = tpu.memref_slice %arg14[%add3A_186, %get3A_197] : memref<128x128xf32, #tpu.memory_space<vmem>> -> memref<1x128xf32, #tpu.memory_space<vmem>>
        %get3A_199 = tpu.memref_squeeze %get3A_198 : memref<1x128xf32, #tpu.memory_space<vmem>> -> memref<128xf32, #tpu.memory_space<vmem>>
        %get3A_200 = arith.constant 16 : index
        %get3A_201 = tpu.vector_load %get3A_199[%get3A_200] {strides = array<i32>} : memref<128xf32, #tpu.memory_space<vmem>>, vector<16xf32>,
        %mul3A_202 = arith.mulf %get3A_201, %gather3A : vector<16xf32>
        %swap3A_203 = arith.constant 0 : i32
        %swap3A_204 = tpu.memref_slice %arg14[%add3A_186, %swap3A_203] : memref<128x128xf32, #tpu.memory_space<vmem>> -> memref<1x128xf32, #tpu.memory_space<vmem>>
        %swap3A_205 = tpu.memref_squeeze %swap3A_204 : memref<1x128xf32, #tpu.memory_space<vmem>> -> memref<128xf32, #tpu.memory_space<vmem>>
        %swap3A_206 = arith.constant 16 : index
        %swap3A_207 = tpu.vector_load %swap3A_205[%swap3A_206] {strides = array<i32>} : memref<128xf32, #tpu.memory_space<vmem>>, vector<16xf32>,
        tpu.vector_store %swap3A_205[%swap3A_206], %mul3A_202 {strides = array<i32>} : memref<128xf32, #tpu.memory_space<vmem>>, vector<16xf32>,
        %get3A_208 = arith.constant 0 : i32
        %get3A_209 = tpu.memref_slice %arg14[%add3A_186, %get3A_208] : memref<128x128xf32, #tpu.memory_space<vmem>> -> memref<1x128xf32, #tpu.memory_space<vmem>>
        %get3A_210 = tpu.memref_squeeze %get3A_209 : memref<1x128xf32, #tpu.memory_space<vmem>> -> memref<128xf32, #tpu.memory_space<vmem>>
        %get3A_211 = arith.constant 32 : index
        %get3A_212 = tpu.vector_load %get3A_210[%get3A_211] {strides = array<i32>} : memref<128xf32, #tpu.memory_space<vmem>>, vector<16xf32>,
        %mul3A_213 = arith.mulf %get3A_212, %gather3A : vector<16xf32>
        %swap3A_214 = arith.constant 0 : i32
        %swap3A_215 = tpu.memref_slice %arg14[%add3A_186, %swap3A_214] : memref<128x128xf32, #tpu.memory_space<vmem>> -> memref<1x128xf32, #tpu.memory_space<vmem>>
        %swap3A_216 = tpu.memref_squeeze %swap3A_215 : memref<1x128xf32, #tpu.memory_space<vmem>> -> memref<128xf32, #tpu.memory_space<vmem>>
        %swap3A_217 = arith.constant 32 : index
        %swap3A_218 = tpu.vector_load %swap3A_216[%swap3A_217] {strides = array<i32>} : memref<128xf32, #tpu.memory_space<vmem>>, vector<16xf32>,
        tpu.vector_store %swap3A_216[%swap3A_217], %mul3A_213 {strides = array<i32>} : memref<128xf32, #tpu.memory_space<vmem>>, vector<16xf32>,
        %get3A_219 = arith.constant 0 : i32
        %get3A_220 = tpu.memref_slice %arg14[%add3A_186, %get3A_219] : memref<128x128xf32, #tpu.memory_space<vmem>> -> memref<1x128xf32, #tpu.memory_space<vmem>>
        %get3A_221 = tpu.memref_squeeze %get3A_220 : memref<1x128xf32, #tpu.memory_space<vmem>> -> memref<128xf32, #tpu.memory_space<vmem>>
        %get3A_222 = arith.constant 48 : index
        %get3A_223 = tpu.vector_load %get3A_221[%get3A_222] {strides = array<i32>} : memref<128xf32, #tpu.memory_space<vmem>>, vector<16xf32>,
        %mul3A_224 = arith.mulf %get3A_223, %gather3A : vector<16xf32>
        %swap3A_225 = arith.constant 0 : i32
        %swap3A_226 = tpu.memref_slice %arg14[%add3A_186, %swap3A_225] : memref<128x128xf32, #tpu.memory_space<vmem>> -> memref<1x128xf32, #tpu.memory_space<vmem>>
        %swap3A_227 = tpu.memref_squeeze %swap3A_226 : memref<1x128xf32, #tpu.memory_space<vmem>> -> memref<128xf32, #tpu.memory_space<vmem>>
        %swap3A_228 = arith.constant 48 : index
        %swap3A_229 = tpu.vector_load %swap3A_227[%swap3A_228] {strides = array<i32>} : memref<128xf32, #tpu.memory_space<vmem>>, vector<16xf32>,
        tpu.vector_store %swap3A_227[%swap3A_228], %mul3A_224 {strides = array<i32>} : memref<128xf32, #tpu.memory_space<vmem>>, vector<16xf32>,
        %get3A_230 = arith.constant 0 : i32
        %get3A_231 = tpu.memref_slice %arg14[%add3A_186, %get3A_230] : memref<128x128xf32, #tpu.memory_space<vmem>> -> memref<1x128xf32, #tpu.memory_space<vmem>>
        %get3A_232 = tpu.memref_squeeze %get3A_231 : memref<1x128xf32, #tpu.memory_space<vmem>> -> memref<128xf32, #tpu.memory_space<vmem>>
        %get3A_233 = arith.constant 64 : index
        %get3A_234 = tpu.vector_load %get3A_232[%get3A_233] {strides = array<i32>} : memref<128xf32, #tpu.memory_space<vmem>>, vector<16xf32>,
        %mul3A_235 = arith.mulf %get3A_234, %gather3A_187 : vector<16xf32>
        %swap3A_236 = arith.constant 0 : i32
        %swap3A_237 = tpu.memref_slice %arg14[%add3A_186, %swap3A_236] : memref<128x128xf32, #tpu.memory_space<vmem>> -> memref<1x128xf32, #tpu.memory_space<vmem>>
        %swap3A_238 = tpu.memref_squeeze %swap3A_237 : memref<1x128xf32, #tpu.memory_space<vmem>> -> memref<128xf32, #tpu.memory_space<vmem>>
        %swap3A_239 = arith.constant 64 : index
        %swap3A_240 = tpu.vector_load %swap3A_238[%swap3A_239] {strides = array<i32>} : memref<128xf32, #tpu.memory_space<vmem>>, vector<16xf32>,
        tpu.vector_store %swap3A_238[%swap3A_239], %mul3A_235 {strides = array<i32>} : memref<128xf32, #tpu.memory_space<vmem>>, vector<16xf32>,
        %get3A_241 = arith.constant 0 : i32
        %get3A_242 = tpu.memref_slice %arg14[%add3A_186, %get3A_241] : memref<128x128xf32, #tpu.memory_space<vmem>> -> memref<1x128xf32, #tpu.memory_space<vmem>>
        %get3A_243 = tpu.memref_squeeze %get3A_242 : memref<1x128xf32, #tpu.memory_space<vmem>> -> memref<128xf32, #tpu.memory_space<vmem>>
        %get3A_244 = arith.constant 80 : index
        %get3A_245 = tpu.vector_load %get3A_243[%get3A_244] {strides = array<i32>} : memref<128xf32, #tpu.memory_space<vmem>>, vector<16xf32>,
        %mul3A_246 = arith.mulf %get3A_245, %gather3A_187 : vector<16xf32>
        %swap3A_247 = arith.constant 0 : i32
        %swap3A_248 = tpu.memref_slice %arg14[%add3A_186, %swap3A_247] : memref<128x128xf32, #tpu.memory_space<vmem>> -> memref<1x128xf32, #tpu.memory_space<vmem>>
        %swap3A_249 = tpu.memref_squeeze %swap3A_248 : memref<1x128xf32, #tpu.memory_space<vmem>> -> memref<128xf32, #tpu.memory_space<vmem>>
        %swap3A_250 = arith.constant 80 : index
        %swap3A_251 = tpu.vector_load %swap3A_249[%swap3A_250] {strides = array<i32>} : memref<128xf32, #tpu.memory_space<vmem>>, vector<16xf32>,
        tpu.vector_store %swap3A_249[%swap3A_250], %mul3A_246 {strides = array<i32>} : memref<128xf32, #tpu.memory_space<vmem>>, vector<16xf32>,
        %get3A_252 = arith.constant 0 : i32
        %get3A_253 = tpu.memref_slice %arg14[%add3A_186, %get3A_252] : memref<128x128xf32, #tpu.memory_space<vmem>> -> memref<1x128xf32, #tpu.memory_space<vmem>>
        %get3A_254 = tpu.memref_squeeze %get3A_253 : memref<1x128xf32, #tpu.memory_space<vmem>> -> memref<128xf32, #tpu.memory_space<vmem>>
        %get3A_255 = arith.constant 96 : index
        %get3A_256 = tpu.vector_load %get3A_254[%get3A_255] {strides = array<i32>} : memref<128xf32, #tpu.memory_space<vmem>>, vector<16xf32>,
        %mul3A_257 = arith.mulf %get3A_256, %gather3A_187 : vector<16xf32>
        %swap3A_258 = arith.constant 0 : i32
        %swap3A_259 = tpu.memref_slice %arg14[%add3A_186, %swap3A_258] : memref<128x128xf32, #tpu.memory_space<vmem>> -> memref<1x128xf32, #tpu.memory_space<vmem>>
        %swap3A_260 = tpu.memref_squeeze %swap3A_259 : memref<1x128xf32, #tpu.memory_space<vmem>> -> memref<128xf32, #tpu.memory_space<vmem>>
        %swap3A_261 = arith.constant 96 : index
        %swap3A_262 = tpu.vector_load %swap3A_260[%swap3A_261] {strides = array<i32>} : memref<128xf32, #tpu.memory_space<vmem>>, vector<16xf32>,
        tpu.vector_store %swap3A_260[%swap3A_261], %mul3A_257 {strides = array<i32>} : memref<128xf32, #tpu.memory_space<vmem>>, vector<16xf32>,
        %get3A_263 = arith.constant 0 : i32
        %get3A_264 = tpu.memref_slice %arg14[%add3A_186, %get3A_263] : memref<128x128xf32, #tpu.memory_space<vmem>> -> memref<1x128xf32, #tpu.memory_space<vmem>>
        %get3A_265 = tpu.memref_squeeze %get3A_264 : memref<1x128xf32, #tpu.memory_space<vmem>> -> memref<128xf32, #tpu.memory_space<vmem>>
        %get3A_266 = arith.constant 112 : index
        %get3A_267 = tpu.vector_load %get3A_265[%get3A_266] {strides = array<i32>} : memref<128xf32, #tpu.memory_space<vmem>>, vector<16xf32>,
        %mul3A_268 = arith.mulf %get3A_267, %gather3A_187 : vector<16xf32>
        %swap3A_269 = arith.constant 0 : i32
        %swap3A_270 = tpu.memref_slice %arg14[%add3A_186, %swap3A_269] : memref<128x128xf32, #tpu.memory_space<vmem>> -> memref<1x128xf32, #tpu.memory_space<vmem>>
        %swap3A_271 = tpu.memref_squeeze %swap3A_270 : memref<1x128xf32, #tpu.memory_space<vmem>> -> memref<128xf32, #tpu.memory_space<vmem>>
        %swap3A_272 = arith.constant 112 : index
        %swap3A_273 = tpu.vector_load %swap3A_271[%swap3A_272] {strides = array<i32>} : memref<128xf32, #tpu.memory_space<vmem>>, vector<16xf32>,
        tpu.vector_store %swap3A_271[%swap3A_272], %mul3A_268 {strides = array<i32>} : memref<128xf32, #tpu.memory_space<vmem>>, vector<16xf32>,
      }
      %scan3A_181 = arith.constant 128 : i32
      "tpu.region"() ({
        %run_scoped3A = tpu.sem_alloc : memref<!tpu.dma_semaphore, #tpu.memory_space<semaphore_mem>>
        %dma_start3A_182 = arith.constant 0 : i32
        %dma_start3A_183 = arith.constant 0 : i32
        %dma_start3A_184 = tpu.memref_slice %arg17[%dma_start3A_182, %dma_start3A_183] : memref<10240x128xf32, #tpu.memory_space<vmem_shared>> -> memref<10240x128xf32, #tpu.memory_space<vmem_shared>>
        tpu.enqueue_indirect_dma source(%arg14 : memref<128x128xf32, #tpu.memory_space<vmem>>) target(%dma_start3A_184 : memref<10240x128xf32, #tpu.memory_space<vmem_shared>>) offsets(%arg9 : memref<128xi32, #tpu.memory_space<vmem>>) semaphore(%run_scoped3A : memref<!tpu.dma_semaphore, #tpu.memory_space<semaphore_mem>>) {add = true}
        %dma_wait3A_185 = arith.constant 0 : i32
        %dma_wait3A_186 = arith.constant 0 : i32
        %dma_wait3A_187 = tpu.memref_slice %arg17[%dma_wait3A_185, %dma_wait3A_186] : memref<10240x128xf32, #tpu.memory_space<vmem_shared>> -> memref<10240x128xf32, #tpu.memory_space<vmem_shared>>
        tpu.wait_indirect_dma semaphore(%run_scoped3A : memref<!tpu.dma_semaphore, #tpu.memory_space<semaphore_mem>>) src(%arg14 : memref<128x128xf32, #tpu.memory_space<vmem>>) dst(%dma_wait3A_187 : memref<10240x128xf32, #tpu.memory_space<vmem_shared>>)
        tpu.yield
      }) : () -> ()
    }
    %scan3A_62 = arith.constant 44 : i32
    %barrier3A_63 = arith.constant 0 : index
    tpu.barrier barrier_id(%barrier3A_63)
    %scan3A_64 = arith.constant 0 : i32
    %scan3A_65 = arith.constant 5 : i32
    %scan3A_66 = arith.addi %scan3A_64, %scan3A_65 : i32
    %scan3A_67 = arith.constant 1 : i32
    scf.for %scan3A_140 = %scan3A_64 to %scan3A_66 step %scan3A_67  : i32 {
      %mul3A_141 = arith.constant 128 : i32
      %mul3A_142 = arith.muli %scan3A_140, %mul3A_141 : i32
      %add3A_143 = arith.constant 0 : i32
      %add3A_144 = arith.addi %add3A_143, %mul3A_142 : i32
      %add3A_145 = arith.addi %mul3A_0, %add3A_144 : i32
      "tpu.region"() ({
        %run_scoped3A = tpu.sem_alloc : memref<!tpu.dma_semaphore, #tpu.memory_space<semaphore_mem>>
        %dma_start3A = arith.constant 0 : i32
        %dma_start3A_147 = tpu.memref_slice %arg17[%add3A_145, %dma_start3A] : memref<10240x128xf32, #tpu.memory_space<vmem_shared>> -> memref<128x128xf32, #tpu.memory_space<vmem_shared>>
        %dma_start3A_148 = arith.constant 0 : i32
        %dma_start3A_149 = tpu.memref_slice %arg17[%add3A_145, %dma_start3A_148] : memref<10240x128xf32, #tpu.memory_space<vmem_shared>> -> memref<128x128xf32, #tpu.memory_space<vmem_shared>>
        tpu.enqueue_dma source(%dma_start3A_149 : memref<128x128xf32, #tpu.memory_space<vmem_shared>>) target(%arg14 : memref<128x128xf32, #tpu.memory_space<vmem>>) target_semaphore(%run_scoped3A : memref<!tpu.dma_semaphore, #tpu.memory_space<semaphore_mem>>)
        %dma_wait3A = arith.constant 0 : i32
        %dma_wait3A_150 = tpu.memref_slice %arg17[%add3A_145, %dma_wait3A] : memref<10240x128xf32, #tpu.memory_space<vmem_shared>> -> memref<128x128xf32, #tpu.memory_space<vmem_shared>>
        %dma_wait3A_151 = arith.constant 0 : i32
        %dma_wait3A_152 = tpu.memref_slice %arg17[%add3A_145, %dma_wait3A_151] : memref<10240x128xf32, #tpu.memory_space<vmem_shared>> -> memref<128x128xf32, #tpu.memory_space<vmem_shared>>
        tpu.wait_dma2 semaphore(%run_scoped3A : memref<!tpu.dma_semaphore, #tpu.memory_space<semaphore_mem>>) src(%dma_wait3A_152 : memref<128x128xf32, #tpu.memory_space<vmem_shared>>) dst(%arg14 : memref<128x128xf32, #tpu.memory_space<vmem>>)
        tpu.yield
      }) : () -> ()
      %add3A_146 = arith.addi %mul3A_0, %add3A_144 : i32
      "tpu.region"() ({
        %run_scoped3A = tpu.sem_alloc : memref<!tpu.dma_semaphore, #tpu.memory_space<semaphore_mem>>
        %dma_start3A = arith.constant 0 : i32
        %dma_start3A_147 = tpu.memref_slice %arg7[%add3A_36, %add3A_146, %dma_start3A] : memref<8x10240x128xf32, #tpu.memory_space<hbm>> -> memref<1x128x128xf32, #tpu.memory_space<hbm>>
        %dma_start3A_148 = tpu.memref_squeeze %dma_start3A_147 : memref<1x128x128xf32, #tpu.memory_space<hbm>> -> memref<128x128xf32, #tpu.memory_space<hbm>>
        %dma_start3A_149 = arith.constant 0 : i32
        %dma_start3A_150 = tpu.memref_slice %arg7[%add3A_36, %add3A_146, %dma_start3A_149] : memref<8x10240x128xf32, #tpu.memory_space<hbm>> -> memref<1x128x128xf32, #tpu.memory_space<hbm>>
        %dma_start3A_151 = tpu.memref_squeeze %dma_start3A_150 : memref<1x128x128xf32, #tpu.memory_space<hbm>> -> memref<128x128xf32, #tpu.memory_space<hbm>>
        tpu.enqueue_dma source(%arg14 : memref<128x128xf32, #tpu.memory_space<vmem>>) target(%dma_start3A_151 : memref<128x128xf32, #tpu.memory_space<hbm>>) target_semaphore(%run_scoped3A : memref<!tpu.dma_semaphore, #tpu.memory_space<semaphore_mem>>)
        %dma_wait3A = arith.constant 0 : i32
        %dma_wait3A_152 = tpu.memref_slice %arg7[%add3A_36, %add3A_146, %dma_wait3A] : memref<8x10240x128xf32, #tpu.memory_space<hbm>> -> memref<1x128x128xf32, #tpu.memory_space<hbm>>
        %dma_wait3A_153 = tpu.memref_squeeze %dma_wait3A_152 : memref<1x128x128xf32, #tpu.memory_space<hbm>> -> memref<128x128xf32, #tpu.memory_space<hbm>>
        %dma_wait3A_154 = arith.constant 0 : i32
        %dma_wait3A_155 = tpu.memref_slice %arg7[%add3A_36, %add3A_146, %dma_wait3A_154] : memref<8x10240x128xf32, #tpu.memory_space<hbm>> -> memref<1x128x128xf32, #tpu.memory_space<hbm>>
        %dma_wait3A_156 = tpu.memref_squeeze %dma_wait3A_155 : memref<1x128x128xf32, #tpu.memory_space<hbm>> -> memref<128x128xf32, #tpu.memory_space<hbm>>
        tpu.wait_dma2 semaphore(%run_scoped3A : memref<!tpu.dma_semaphore, #tpu.memory_space<semaphore_mem>>) src(%arg14 : memref<128x128xf32, #tpu.memory_space<vmem>>) dst(%dma_wait3A_156 : memref<128x128xf32, #tpu.memory_space<hbm>>)
        tpu.yield
      }) : () -> ()
    }
    %scan3A_68 = arith.constant 5 : i32
    %barrier3A_69 = arith.constant 0 : index
    tpu.barrier barrier_id(%barrier3A_69)
    %add3A_70 = arith.constant 4 : i32
    %add3A_71 = arith.addi %add3A_70, %arg0 : i32
    %mul3A_72 = arith.constant 2 : i32
    %mul3A_73 = arith.muli %mul3A_72, %add3A_71 : i32
    %mul3A_74 = arith.constant 10240 : i32
    %mul3A_75 = arith.muli %mul3A_73, %mul3A_74 : i32
    "tpu.region"() ({
      %run_scoped3A = tpu.sem_alloc : memref<!tpu.dma_semaphore, #tpu.memory_space<semaphore_mem>>
      %dma_start3A = tpu.memref_slice %arg6[%mul3A_75] : memref<163840xf32, #tpu.memory_space<hbm>> -> memref<10240xf32, #tpu.memory_space<hbm>>
      %dma_start3A_140 = tpu.memref_slice %arg6[%mul3A_75] : memref<163840xf32, #tpu.memory_space<hbm>> -> memref<10240xf32, #tpu.memory_space<hbm>>
      tpu.enqueue_dma source(%dma_start3A_140 : memref<10240xf32, #tpu.memory_space<hbm>>) target(%arg15 : memref<10240xf32, #tpu.memory_space<vmem>>) target_semaphore(%run_scoped3A : memref<!tpu.dma_semaphore, #tpu.memory_space<semaphore_mem>>)
      %dma_wait3A = tpu.memref_slice %arg6[%mul3A_75] : memref<163840xf32, #tpu.memory_space<hbm>> -> memref<10240xf32, #tpu.memory_space<hbm>>
      %dma_wait3A_141 = tpu.memref_slice %arg6[%mul3A_75] : memref<163840xf32, #tpu.memory_space<hbm>> -> memref<10240xf32, #tpu.memory_space<hbm>>
      tpu.wait_dma2 semaphore(%run_scoped3A : memref<!tpu.dma_semaphore, #tpu.memory_space<semaphore_mem>>) src(%dma_wait3A_141 : memref<10240xf32, #tpu.memory_space<hbm>>) dst(%arg15 : memref<10240xf32, #tpu.memory_space<vmem>>)
      tpu.yield
    }) : () -> ()
    %mul3A_76 = arith.constant 2 : i32
    %mul3A_77 = arith.muli %mul3A_76, %add3A_71 : i32
    %add3A_78 = arith.constant 1 : i32
    %add3A_79 = arith.addi %mul3A_77, %add3A_78 : i32
    %mul3A_80 = arith.constant 10240 : i32
    %mul3A_81 = arith.muli %add3A_79, %mul3A_80 : i32
    "tpu.region"() ({
      %run_scoped3A = tpu.sem_alloc : memref<!tpu.dma_semaphore, #tpu.memory_space<semaphore_mem>>
      %dma_start3A = tpu.memref_slice %arg6[%mul3A_81] : memref<163840xf32, #tpu.memory_space<hbm>> -> memref<10240xf32, #tpu.memory_space<hbm>>
      %dma_start3A_140 = tpu.memref_slice %arg6[%mul3A_81] : memref<163840xf32, #tpu.memory_space<hbm>> -> memref<10240xf32, #tpu.memory_space<hbm>>
      tpu.enqueue_dma source(%dma_start3A_140 : memref<10240xf32, #tpu.memory_space<hbm>>) target(%arg16 : memref<10240xf32, #tpu.memory_space<vmem>>) target_semaphore(%run_scoped3A : memref<!tpu.dma_semaphore, #tpu.memory_space<semaphore_mem>>)
      %dma_wait3A = tpu.memref_slice %arg6[%mul3A_81] : memref<163840xf32, #tpu.memory_space<hbm>> -> memref<10240xf32, #tpu.memory_space<hbm>>
      %dma_wait3A_141 = tpu.memref_slice %arg6[%mul3A_81] : memref<163840xf32, #tpu.memory_space<hbm>> -> memref<10240xf32, #tpu.memory_space<hbm>>
      tpu.wait_dma2 semaphore(%run_scoped3A : memref<!tpu.dma_semaphore, #tpu.memory_space<semaphore_mem>>) src(%dma_wait3A_141 : memref<10240xf32, #tpu.memory_space<hbm>>) dst(%arg16 : memref<10240xf32, #tpu.memory_space<vmem>>)
      tpu.yield
    }) : () -> ()
    %scan3A_82 = arith.constant 0 : i32
    %scan3A_83 = arith.constant 128 : i32
    %scan3A_84 = arith.addi %scan3A_82, %scan3A_83 : i32
    %scan3A_85 = arith.constant 1 : i32
    scf.for %scan3A_140 = %scan3A_82 to %scan3A_84 step %scan3A_85  : i32 {
      %mul3A_141 = arith.constant 1 : i32
      %mul3A_142 = arith.muli %scan3A_140, %mul3A_141 : i32
      %add3A_143 = arith.constant 0 : i32
      %add3A_144 = arith.addi %add3A_143, %mul3A_142 : i32
      %broadcast_in_dim3A = arith.constant 0.000000e+00 : f32
      %broadcast_in_dim3A_145 = vector.broadcast %broadcast_in_dim3A : f32 to vector<16xf32>
      %swap3A = arith.constant 0 : i32
      %swap3A_146 = tpu.memref_slice %arg14[%add3A_144, %swap3A] : memref<128x128xf32, #tpu.memory_space<vmem>> -> memref<1x128xf32, #tpu.memory_space<vmem>>
      %swap3A_147 = tpu.memref_squeeze %swap3A_146 : memref<1x128xf32, #tpu.memory_space<vmem>> -> memref<128xf32, #tpu.memory_space<vmem>>
      %swap3A_148 = arith.constant 0 : index
      %swap3A_149 = tpu.vector_load %swap3A_147[%swap3A_148] {strides = array<i32>} : memref<128xf32, #tpu.memory_space<vmem>>, vector<16xf32>,
      tpu.vector_store %swap3A_147[%swap3A_148], %broadcast_in_dim3A_145 {strides = array<i32>} : memref<128xf32, #tpu.memory_space<vmem>>, vector<16xf32>,
      %broadcast_in_dim3A_150 = arith.constant 0.000000e+00 : f32
      %broadcast_in_dim3A_151 = vector.broadcast %broadcast_in_dim3A_150 : f32 to vector<16xf32>
      %swap3A_152 = arith.constant 0 : i32
      %swap3A_153 = tpu.memref_slice %arg14[%add3A_144, %swap3A_152] : memref<128x128xf32, #tpu.memory_space<vmem>> -> memref<1x128xf32, #tpu.memory_space<vmem>>
      %swap3A_154 = tpu.memref_squeeze %swap3A_153 : memref<1x128xf32, #tpu.memory_space<vmem>> -> memref<128xf32, #tpu.memory_space<vmem>>
      %swap3A_155 = arith.constant 16 : index
      %swap3A_156 = tpu.vector_load %swap3A_154[%swap3A_155] {strides = array<i32>} : memref<128xf32, #tpu.memory_space<vmem>>, vector<16xf32>,
      tpu.vector_store %swap3A_154[%swap3A_155], %broadcast_in_dim3A_151 {strides = array<i32>} : memref<128xf32, #tpu.memory_space<vmem>>, vector<16xf32>,
      %broadcast_in_dim3A_157 = arith.constant 0.000000e+00 : f32
      %broadcast_in_dim3A_158 = vector.broadcast %broadcast_in_dim3A_157 : f32 to vector<16xf32>
      %swap3A_159 = arith.constant 0 : i32
      %swap3A_160 = tpu.memref_slice %arg14[%add3A_144, %swap3A_159] : memref<128x128xf32, #tpu.memory_space<vmem>> -> memref<1x128xf32, #tpu.memory_space<vmem>>
      %swap3A_161 = tpu.memref_squeeze %swap3A_160 : memref<1x128xf32, #tpu.memory_space<vmem>> -> memref<128xf32, #tpu.memory_space<vmem>>
      %swap3A_162 = arith.constant 32 : index
      %swap3A_163 = tpu.vector_load %swap3A_161[%swap3A_162] {strides = array<i32>} : memref<128xf32, #tpu.memory_space<vmem>>, vector<16xf32>,
      tpu.vector_store %swap3A_161[%swap3A_162], %broadcast_in_dim3A_158 {strides = array<i32>} : memref<128xf32, #tpu.memory_space<vmem>>, vector<16xf32>,
      %broadcast_in_dim3A_164 = arith.constant 0.000000e+00 : f32
      %broadcast_in_dim3A_165 = vector.broadcast %broadcast_in_dim3A_164 : f32 to vector<16xf32>
      %swap3A_166 = arith.constant 0 : i32
      %swap3A_167 = tpu.memref_slice %arg14[%add3A_144, %swap3A_166] : memref<128x128xf32, #tpu.memory_space<vmem>> -> memref<1x128xf32, #tpu.memory_space<vmem>>
      %swap3A_168 = tpu.memref_squeeze %swap3A_167 : memref<1x128xf32, #tpu.memory_space<vmem>> -> memref<128xf32, #tpu.memory_space<vmem>>
      %swap3A_169 = arith.constant 48 : index
      %swap3A_170 = tpu.vector_load %swap3A_168[%swap3A_169] {strides = array<i32>} : memref<128xf32, #tpu.memory_space<vmem>>, vector<16xf32>,
      tpu.vector_store %swap3A_168[%swap3A_169], %broadcast_in_dim3A_165 {strides = array<i32>} : memref<128xf32, #tpu.memory_space<vmem>>, vector<16xf32>,
      %broadcast_in_dim3A_171 = arith.constant 0.000000e+00 : f32
      %broadcast_in_dim3A_172 = vector.broadcast %broadcast_in_dim3A_171 : f32 to vector<16xf32>
      %swap3A_173 = arith.constant 0 : i32
      %swap3A_174 = tpu.memref_slice %arg14[%add3A_144, %swap3A_173] : memref<128x128xf32, #tpu.memory_space<vmem>> -> memref<1x128xf32, #tpu.memory_space<vmem>>
      %swap3A_175 = tpu.memref_squeeze %swap3A_174 : memref<1x128xf32, #tpu.memory_space<vmem>> -> memref<128xf32, #tpu.memory_space<vmem>>
      %swap3A_176 = arith.constant 64 : index
      %swap3A_177 = tpu.vector_load %swap3A_175[%swap3A_176] {strides = array<i32>} : memref<128xf32, #tpu.memory_space<vmem>>, vector<16xf32>,
      tpu.vector_store %swap3A_175[%swap3A_176], %broadcast_in_dim3A_172 {strides = array<i32>} : memref<128xf32, #tpu.memory_space<vmem>>, vector<16xf32>,
      %broadcast_in_dim3A_178 = arith.constant 0.000000e+00 : f32
      %broadcast_in_dim3A_179 = vector.broadcast %broadcast_in_dim3A_178 : f32 to vector<16xf32>
      %swap3A_180 = arith.constant 0 : i32
      %swap3A_181 = tpu.memref_slice %arg14[%add3A_144, %swap3A_180] : memref<128x128xf32, #tpu.memory_space<vmem>> -> memref<1x128xf32, #tpu.memory_space<vmem>>
      %swap3A_182 = tpu.memref_squeeze %swap3A_181 : memref<1x128xf32, #tpu.memory_space<vmem>> -> memref<128xf32, #tpu.memory_space<vmem>>
      %swap3A_183 = arith.constant 80 : index
      %swap3A_184 = tpu.vector_load %swap3A_182[%swap3A_183] {strides = array<i32>} : memref<128xf32, #tpu.memory_space<vmem>>, vector<16xf32>,
      tpu.vector_store %swap3A_182[%swap3A_183], %broadcast_in_dim3A_179 {strides = array<i32>} : memref<128xf32, #tpu.memory_space<vmem>>, vector<16xf32>,
      %broadcast_in_dim3A_185 = arith.constant 0.000000e+00 : f32
      %broadcast_in_dim3A_186 = vector.broadcast %broadcast_in_dim3A_185 : f32 to vector<16xf32>
      %swap3A_187 = arith.constant 0 : i32
      %swap3A_188 = tpu.memref_slice %arg14[%add3A_144, %swap3A_187] : memref<128x128xf32, #tpu.memory_space<vmem>> -> memref<1x128xf32, #tpu.memory_space<vmem>>
      %swap3A_189 = tpu.memref_squeeze %swap3A_188 : memref<1x128xf32, #tpu.memory_space<vmem>> -> memref<128xf32, #tpu.memory_space<vmem>>
      %swap3A_190 = arith.constant 96 : index
      %swap3A_191 = tpu.vector_load %swap3A_189[%swap3A_190] {strides = array<i32>} : memref<128xf32, #tpu.memory_space<vmem>>, vector<16xf32>,
      tpu.vector_store %swap3A_189[%swap3A_190], %broadcast_in_dim3A_186 {strides = array<i32>} : memref<128xf32, #tpu.memory_space<vmem>>, vector<16xf32>,
      %broadcast_in_dim3A_192 = arith.constant 0.000000e+00 : f32
      %broadcast_in_dim3A_193 = vector.broadcast %broadcast_in_dim3A_192 : f32 to vector<16xf32>
      %swap3A_194 = arith.constant 0 : i32
      %swap3A_195 = tpu.memref_slice %arg14[%add3A_144, %swap3A_194] : memref<128x128xf32, #tpu.memory_space<vmem>> -> memref<1x128xf32, #tpu.memory_space<vmem>>
      %swap3A_196 = tpu.memref_squeeze %swap3A_195 : memref<1x128xf32, #tpu.memory_space<vmem>> -> memref<128xf32, #tpu.memory_space<vmem>>
      %swap3A_197 = arith.constant 112 : index
      %swap3A_198 = tpu.vector_load %swap3A_196[%swap3A_197] {strides = array<i32>} : memref<128xf32, #tpu.memory_space<vmem>>, vector<16xf32>,
      tpu.vector_store %swap3A_196[%swap3A_197], %broadcast_in_dim3A_193 {strides = array<i32>} : memref<128xf32, #tpu.memory_space<vmem>>, vector<16xf32>,
    }
    %scan3A_86 = arith.constant 128 : i32
    %scan3A_87 = arith.constant 0 : i32
    %scan3A_88 = arith.constant 5 : i32
    %scan3A_89 = arith.addi %scan3A_87, %scan3A_88 : i32
    %scan3A_90 = arith.constant 1 : i32
    scf.for %scan3A_140 = %scan3A_87 to %scan3A_89 step %scan3A_90  : i32 {
      %mul3A_141 = arith.constant 128 : i32
      %mul3A_142 = arith.muli %scan3A_140, %mul3A_141 : i32
      %add3A_143 = arith.constant 0 : i32
      %add3A_144 = arith.addi %add3A_143, %mul3A_142 : i32
      %add3A_145 = arith.addi %mul3A_0, %add3A_144 : i32
      "tpu.region"() ({
        %run_scoped3A = tpu.sem_alloc : memref<!tpu.dma_semaphore, #tpu.memory_space<semaphore_mem>>
        %dma_start3A = arith.constant 0 : i32
        %dma_start3A_146 = tpu.memref_slice %arg17[%add3A_145, %dma_start3A] : memref<10240x128xf32, #tpu.memory_space<vmem_shared>> -> memref<128x128xf32, #tpu.memory_space<vmem_shared>>
        %dma_start3A_147 = arith.constant 0 : i32
        %dma_start3A_148 = tpu.memref_slice %arg17[%add3A_145, %dma_start3A_147] : memref<10240x128xf32, #tpu.memory_space<vmem_shared>> -> memref<128x128xf32, #tpu.memory_space<vmem_shared>>
        tpu.enqueue_dma source(%arg14 : memref<128x128xf32, #tpu.memory_space<vmem>>) target(%dma_start3A_148 : memref<128x128xf32, #tpu.memory_space<vmem_shared>>) target_semaphore(%run_scoped3A : memref<!tpu.dma_semaphore, #tpu.memory_space<semaphore_mem>>)
        %dma_wait3A = arith.constant 0 : i32
        %dma_wait3A_149 = tpu.memref_slice %arg17[%add3A_145, %dma_wait3A] : memref<10240x128xf32, #tpu.memory_space<vmem_shared>> -> memref<128x128xf32, #tpu.memory_space<vmem_shared>>
        %dma_wait3A_150 = arith.constant 0 : i32
        %dma_wait3A_151 = tpu.memref_slice %arg17[%add3A_145, %dma_wait3A_150] : memref<10240x128xf32, #tpu.memory_space<vmem_shared>> -> memref<128x128xf32, #tpu.memory_space<vmem_shared>>
        tpu.wait_dma2 semaphore(%run_scoped3A : memref<!tpu.dma_semaphore, #tpu.memory_space<semaphore_mem>>) src(%arg14 : memref<128x128xf32, #tpu.memory_space<vmem>>) dst(%dma_wait3A_151 : memref<128x128xf32, #tpu.memory_space<vmem_shared>>)
        tpu.yield
      }) : () -> ()
    }
    %scan3A_91 = arith.constant 5 : i32
    %barrier3A_92 = arith.constant 0 : index
    tpu.barrier barrier_id(%barrier3A_92)
    %scan3A_93 = arith.constant 0 : i32
    %scan3A_94 = arith.constant 44 : i32
    %scan3A_95 = arith.addi %scan3A_93, %scan3A_94 : i32
    %scan3A_96 = arith.constant 1 : i32
    scf.for %scan3A_140 = %scan3A_93 to %scan3A_95 step %scan3A_96  : i32 {
      %mul3A_141 = arith.constant 1 : i32
      %mul3A_142 = arith.muli %scan3A_140, %mul3A_141 : i32
      %add3A_143 = arith.constant 0 : i32
      %add3A_144 = arith.addi %add3A_143, %mul3A_142 : i32
      %mul3A_145 = arith.constant 128 : i32
      %mul3A_146 = arith.muli %add3A_144, %mul3A_145 : i32
      %add3A_147 = arith.addi %mul3A_2, %mul3A_146 : i32
      "tpu.region"() ({
        %run_scoped3A = tpu.sem_alloc : memref<!tpu.dma_semaphore, #tpu.memory_space<semaphore_mem>>
        %dma_start3A_182 = tpu.memref_slice %arg3[%add3A_147] : memref<90112xi32, #tpu.memory_space<hbm>> -> memref<128xi32, #tpu.memory_space<hbm>>
        %dma_start3A_183 = tpu.memref_slice %arg3[%add3A_147] : memref<90112xi32, #tpu.memory_space<hbm>> -> memref<128xi32, #tpu.memory_space<hbm>>
        tpu.enqueue_dma source(%dma_start3A_183 : memref<128xi32, #tpu.memory_space<hbm>>) target(%arg8 : memref<128xi32, #tpu.memory_space<vmem>>) target_semaphore(%run_scoped3A : memref<!tpu.dma_semaphore, #tpu.memory_space<semaphore_mem>>)
        %dma_wait3A_184 = tpu.memref_slice %arg3[%add3A_147] : memref<90112xi32, #tpu.memory_space<hbm>> -> memref<128xi32, #tpu.memory_space<hbm>>
        %dma_wait3A_185 = tpu.memref_slice %arg3[%add3A_147] : memref<90112xi32, #tpu.memory_space<hbm>> -> memref<128xi32, #tpu.memory_space<hbm>>
        tpu.wait_dma2 semaphore(%run_scoped3A : memref<!tpu.dma_semaphore, #tpu.memory_space<semaphore_mem>>) src(%dma_wait3A_185 : memref<128xi32, #tpu.memory_space<hbm>>) dst(%arg8 : memref<128xi32, #tpu.memory_space<vmem>>)
        tpu.yield
      }) : () -> ()
      "tpu.region"() ({
        %run_scoped3A = tpu.sem_alloc : memref<!tpu.dma_semaphore, #tpu.memory_space<semaphore_mem>>
        %dma_start3A_182 = tpu.memref_slice %arg4[%add3A_147] : memref<90112xi32, #tpu.memory_space<hbm>> -> memref<128xi32, #tpu.memory_space<hbm>>
        %dma_start3A_183 = tpu.memref_slice %arg4[%add3A_147] : memref<90112xi32, #tpu.memory_space<hbm>> -> memref<128xi32, #tpu.memory_space<hbm>>
        tpu.enqueue_dma source(%dma_start3A_183 : memref<128xi32, #tpu.memory_space<hbm>>) target(%arg9 : memref<128xi32, #tpu.memory_space<vmem>>) target_semaphore(%run_scoped3A : memref<!tpu.dma_semaphore, #tpu.memory_space<semaphore_mem>>)
        %dma_wait3A_184 = tpu.memref_slice %arg4[%add3A_147] : memref<90112xi32, #tpu.memory_space<hbm>> -> memref<128xi32, #tpu.memory_space<hbm>>
        %dma_wait3A_185 = tpu.memref_slice %arg4[%add3A_147] : memref<90112xi32, #tpu.memory_space<hbm>> -> memref<128xi32, #tpu.memory_space<hbm>>
        tpu.wait_dma2 semaphore(%run_scoped3A : memref<!tpu.dma_semaphore, #tpu.memory_space<semaphore_mem>>) src(%dma_wait3A_185 : memref<128xi32, #tpu.memory_space<hbm>>) dst(%arg9 : memref<128xi32, #tpu.memory_space<vmem>>)
        tpu.yield
      }) : () -> ()
      %mul3A_148 = arith.constant 2 : i32
      %mul3A_149 = arith.muli %mul3A_148, %add3A_71 : i32
      %mul3A_150 = arith.constant 90112 : i32
      %mul3A_151 = arith.muli %mul3A_149, %mul3A_150 : i32
      %add3A_152 = arith.addi %mul3A_151, %add3A_147 : i32
      "tpu.region"() ({
        %run_scoped3A = tpu.sem_alloc : memref<!tpu.dma_semaphore, #tpu.memory_space<semaphore_mem>>
        %dma_start3A_182 = tpu.memref_slice %arg5[%add3A_152] : memref<1441792xf32, #tpu.memory_space<hbm>> -> memref<128xf32, #tpu.memory_space<hbm>>
        %dma_start3A_183 = tpu.memref_slice %arg5[%add3A_152] : memref<1441792xf32, #tpu.memory_space<hbm>> -> memref<128xf32, #tpu.memory_space<hbm>>
        tpu.enqueue_dma source(%dma_start3A_183 : memref<128xf32, #tpu.memory_space<hbm>>) target(%arg10 : memref<128xf32, #tpu.memory_space<vmem>>) target_semaphore(%run_scoped3A : memref<!tpu.dma_semaphore, #tpu.memory_space<semaphore_mem>>)
        %dma_wait3A_184 = tpu.memref_slice %arg5[%add3A_152] : memref<1441792xf32, #tpu.memory_space<hbm>> -> memref<128xf32, #tpu.memory_space<hbm>>
        %dma_wait3A_185 = tpu.memref_slice %arg5[%add3A_152] : memref<1441792xf32, #tpu.memory_space<hbm>> -> memref<128xf32, #tpu.memory_space<hbm>>
        tpu.wait_dma2 semaphore(%run_scoped3A : memref<!tpu.dma_semaphore, #tpu.memory_space<semaphore_mem>>) src(%dma_wait3A_185 : memref<128xf32, #tpu.memory_space<hbm>>) dst(%arg10 : memref<128xf32, #tpu.memory_space<vmem>>)
        tpu.yield
      }) : () -> ()
      %mul3A_153 = arith.constant 2 : i32
      %mul3A_154 = arith.muli %mul3A_153, %add3A_71 : i32
      %add3A_155 = arith.constant 1 : i32
      %add3A_156 = arith.addi %mul3A_154, %add3A_155 : i32
      %mul3A_157 = arith.constant 90112 : i32
      %mul3A_158 = arith.muli %add3A_156, %mul3A_157 : i32
      %add3A_159 = arith.addi %mul3A_158, %add3A_147 : i32
      "tpu.region"() ({
        %run_scoped3A = tpu.sem_alloc : memref<!tpu.dma_semaphore, #tpu.memory_space<semaphore_mem>>
        %dma_start3A_182 = tpu.memref_slice %arg5[%add3A_159] : memref<1441792xf32, #tpu.memory_space<hbm>> -> memref<128xf32, #tpu.memory_space<hbm>>
        %dma_start3A_183 = tpu.memref_slice %arg5[%add3A_159] : memref<1441792xf32, #tpu.memory_space<hbm>> -> memref<128xf32, #tpu.memory_space<hbm>>
        tpu.enqueue_dma source(%dma_start3A_183 : memref<128xf32, #tpu.memory_space<hbm>>) target(%arg11 : memref<128xf32, #tpu.memory_space<vmem>>) target_semaphore(%run_scoped3A : memref<!tpu.dma_semaphore, #tpu.memory_space<semaphore_mem>>)
        %dma_wait3A_184 = tpu.memref_slice %arg5[%add3A_159] : memref<1441792xf32, #tpu.memory_space<hbm>> -> memref<128xf32, #tpu.memory_space<hbm>>
        %dma_wait3A_185 = tpu.memref_slice %arg5[%add3A_159] : memref<1441792xf32, #tpu.memory_space<hbm>> -> memref<128xf32, #tpu.memory_space<hbm>>
        tpu.wait_dma2 semaphore(%run_scoped3A : memref<!tpu.dma_semaphore, #tpu.memory_space<semaphore_mem>>) src(%dma_wait3A_185 : memref<128xf32, #tpu.memory_space<hbm>>) dst(%arg11 : memref<128xf32, #tpu.memory_space<vmem>>)
        tpu.yield
      }) : () -> ()
      %dma_start3A = arith.constant 0 : i32
      %dma_start3A_160 = arith.constant 0 : i32
      %dma_start3A_161 = tpu.memref_slice %arg2[%add3A_71, %dma_start3A, %dma_start3A_160] : memref<8x10000x128xf32, #tpu.memory_space<hbm>> -> memref<1x10000x128xf32, #tpu.memory_space<hbm>>
      %dma_start3A_162 = tpu.memref_squeeze %dma_start3A_161 : memref<1x10000x128xf32, #tpu.memory_space<hbm>> -> memref<10000x128xf32, #tpu.memory_space<hbm>>
      %dma_start3A_163 = arith.constant 0 : i32
      %dma_start3A_164 = arith.constant 0 : i32
      %dma_start3A_165 = tpu.memref_slice %dma_start3A_162[%dma_start3A_163, %dma_start3A_164] : memref<10000x128xf32, #tpu.memory_space<hbm>> -> memref<10000x128xf32, #tpu.memory_space<hbm>>
      tpu.enqueue_indirect_dma source(%dma_start3A_165 : memref<10000x128xf32, #tpu.memory_space<hbm>>) target(%arg14 : memref<128x128xf32, #tpu.memory_space<vmem>>) offsets(%arg8 : memref<128xi32, #tpu.memory_space<vmem>>) semaphore(%arg18 : memref<!tpu.dma_semaphore, #tpu.memory_space<semaphore_mem>>)
      %dma_wait3A = arith.constant 0 : i32
      %dma_wait3A_166 = arith.constant 0 : i32
      %dma_wait3A_167 = tpu.memref_slice %arg2[%add3A_71, %dma_wait3A, %dma_wait3A_166] : memref<8x10000x128xf32, #tpu.memory_space<hbm>> -> memref<1x10000x128xf32, #tpu.memory_space<hbm>>
      %dma_wait3A_168 = tpu.memref_squeeze %dma_wait3A_167 : memref<1x10000x128xf32, #tpu.memory_space<hbm>> -> memref<10000x128xf32, #tpu.memory_space<hbm>>
      %dma_wait3A_169 = arith.constant 0 : i32
      %dma_wait3A_170 = arith.constant 0 : i32
      %dma_wait3A_171 = tpu.memref_slice %dma_wait3A_168[%dma_wait3A_169, %dma_wait3A_170] : memref<10000x128xf32, #tpu.memory_space<hbm>> -> memref<10000x128xf32, #tpu.memory_space<hbm>>
      tpu.wait_indirect_dma semaphore(%arg18 : memref<!tpu.dma_semaphore, #tpu.memory_space<semaphore_mem>>) src(%dma_wait3A_171 : memref<10000x128xf32, #tpu.memory_space<hbm>>) dst(%arg14 : memref<128x128xf32, #tpu.memory_space<vmem>>)
      %scan3A_172 = arith.constant 0 : i32
      %scan3A_173 = arith.constant 8 : i32
      %scan3A_174 = arith.addi %scan3A_172, %scan3A_173 : i32
      %scan3A_175 = arith.constant 1 : i32
      scf.for %scan3A_182 = %scan3A_172 to %scan3A_174 step %scan3A_175  : i32 {
        %mul3A_183 = arith.constant 16 : i32
        %mul3A_184 = arith.muli %scan3A_182, %mul3A_183 : i32
        %add3A_185 = arith.constant 0 : i32
        %add3A_186 = arith.addi %add3A_185, %mul3A_184 : i32
        %get3A = arith.index_cast %add3A_186 : i32 to index
        %get3A_187 = tpu.vector_load %arg9[%get3A] {strides = array<i32>} : memref<128xi32, #tpu.memory_space<vmem>>, vector<16xi32>,
        %gather3A = tpu.vector_load_idx %arg15[%get3A_187] : memref<10240xf32, #tpu.memory_space<vmem>>[vector<16xi32>], vector<16xf32>,
        %gather3A_188 = tpu.vector_load_idx %arg16[%get3A_187] : memref<10240xf32, #tpu.memory_space<vmem>>[vector<16xi32>], vector<16xf32>,
        %get3A_189 = arith.index_cast %add3A_186 : i32 to index
        %get3A_190 = tpu.vector_load %arg10[%get3A_189] {strides = array<i32>} : memref<128xf32, #tpu.memory_space<vmem>>, vector<16xf32>,
        %add3A_191 = arith.constant 1.000000e-16 : f32
        %add3A_192 = vector.broadcast %add3A_191 : f32 to vector<16xf32>
        %add3A_193 = arith.addf %gather3A, %add3A_192 : vector<16xf32>
        %div3A = arith.divf %get3A_190, %add3A_193 : vector<16xf32>
        %swap3A = arith.index_cast %add3A_186 : i32 to index
        %swap3A_194 = tpu.vector_load %arg12[%swap3A] {strides = array<i32>} : memref<128xf32, #tpu.memory_space<vmem>>, vector<16xf32>,
        tpu.vector_store %arg12[%swap3A], %div3A {strides = array<i32>} : memref<128xf32, #tpu.memory_space<vmem>>, vector<16xf32>,
        %get3A_195 = arith.index_cast %add3A_186 : i32 to index
        %get3A_196 = tpu.vector_load %arg11[%get3A_195] {strides = array<i32>} : memref<128xf32, #tpu.memory_space<vmem>>, vector<16xf32>,
        %add3A_197 = arith.constant 1.000000e-16 : f32
        %add3A_198 = vector.broadcast %add3A_197 : f32 to vector<16xf32>
        %add3A_199 = arith.addf %gather3A_188, %add3A_198 : vector<16xf32>
        %div3A_200 = arith.divf %get3A_196, %add3A_199 : vector<16xf32>
        %swap3A_201 = arith.index_cast %add3A_186 : i32 to index
        %swap3A_202 = tpu.vector_load %arg13[%swap3A_201] {strides = array<i32>} : memref<128xf32, #tpu.memory_space<vmem>>, vector<16xf32>,
        tpu.vector_store %arg13[%swap3A_201], %div3A_200 {strides = array<i32>} : memref<128xf32, #tpu.memory_space<vmem>>, vector<16xf32>,
      }
      %scan3A_176 = arith.constant 8 : i32
      %scan3A_177 = arith.constant 0 : i32
      %scan3A_178 = arith.constant 128 : i32
      %scan3A_179 = arith.addi %scan3A_177, %scan3A_178 : i32
      %scan3A_180 = arith.constant 1 : i32
      scf.for %scan3A_182 = %scan3A_177 to %scan3A_179 step %scan3A_180  : i32 {
        %mul3A_183 = arith.constant 1 : i32
        %mul3A_184 = arith.muli %scan3A_182, %mul3A_183 : i32
        %add3A_185 = arith.constant 0 : i32
        %add3A_186 = arith.addi %add3A_185, %mul3A_184 : i32
        %broadcast_in_dim3A = vector.broadcast %add3A_186 : i32 to vector<16xi32>
        %gather3A = tpu.vector_load_idx %arg12[%broadcast_in_dim3A] : memref<128xf32, #tpu.memory_space<vmem>>[vector<16xi32>], vector<16xf32>,
        %gather3A_187 = tpu.vector_load_idx %arg13[%broadcast_in_dim3A] : memref<128xf32, #tpu.memory_space<vmem>>[vector<16xi32>], vector<16xf32>,
        %get3A = arith.constant 0 : i32
        %get3A_188 = tpu.memref_slice %arg14[%add3A_186, %get3A] : memref<128x128xf32, #tpu.memory_space<vmem>> -> memref<1x128xf32, #tpu.memory_space<vmem>>
        %get3A_189 = tpu.memref_squeeze %get3A_188 : memref<1x128xf32, #tpu.memory_space<vmem>> -> memref<128xf32, #tpu.memory_space<vmem>>
        %get3A_190 = arith.constant 0 : index
        %get3A_191 = tpu.vector_load %get3A_189[%get3A_190] {strides = array<i32>} : memref<128xf32, #tpu.memory_space<vmem>>, vector<16xf32>,
        %mul3A_192 = arith.mulf %get3A_191, %gather3A : vector<16xf32>
        %swap3A = arith.constant 0 : i32
        %swap3A_193 = tpu.memref_slice %arg14[%add3A_186, %swap3A] : memref<128x128xf32, #tpu.memory_space<vmem>> -> memref<1x128xf32, #tpu.memory_space<vmem>>
        %swap3A_194 = tpu.memref_squeeze %swap3A_193 : memref<1x128xf32, #tpu.memory_space<vmem>> -> memref<128xf32, #tpu.memory_space<vmem>>
        %swap3A_195 = arith.constant 0 : index
        %swap3A_196 = tpu.vector_load %swap3A_194[%swap3A_195] {strides = array<i32>} : memref<128xf32, #tpu.memory_space<vmem>>, vector<16xf32>,
        tpu.vector_store %swap3A_194[%swap3A_195], %mul3A_192 {strides = array<i32>} : memref<128xf32, #tpu.memory_space<vmem>>, vector<16xf32>,
        %get3A_197 = arith.constant 0 : i32
        %get3A_198 = tpu.memref_slice %arg14[%add3A_186, %get3A_197] : memref<128x128xf32, #tpu.memory_space<vmem>> -> memref<1x128xf32, #tpu.memory_space<vmem>>
        %get3A_199 = tpu.memref_squeeze %get3A_198 : memref<1x128xf32, #tpu.memory_space<vmem>> -> memref<128xf32, #tpu.memory_space<vmem>>
        %get3A_200 = arith.constant 16 : index
        %get3A_201 = tpu.vector_load %get3A_199[%get3A_200] {strides = array<i32>} : memref<128xf32, #tpu.memory_space<vmem>>, vector<16xf32>,
        %mul3A_202 = arith.mulf %get3A_201, %gather3A : vector<16xf32>
        %swap3A_203 = arith.constant 0 : i32
        %swap3A_204 = tpu.memref_slice %arg14[%add3A_186, %swap3A_203] : memref<128x128xf32, #tpu.memory_space<vmem>> -> memref<1x128xf32, #tpu.memory_space<vmem>>
        %swap3A_205 = tpu.memref_squeeze %swap3A_204 : memref<1x128xf32, #tpu.memory_space<vmem>> -> memref<128xf32, #tpu.memory_space<vmem>>
        %swap3A_206 = arith.constant 16 : index
        %swap3A_207 = tpu.vector_load %swap3A_205[%swap3A_206] {strides = array<i32>} : memref<128xf32, #tpu.memory_space<vmem>>, vector<16xf32>,
        tpu.vector_store %swap3A_205[%swap3A_206], %mul3A_202 {strides = array<i32>} : memref<128xf32, #tpu.memory_space<vmem>>, vector<16xf32>,
        %get3A_208 = arith.constant 0 : i32
        %get3A_209 = tpu.memref_slice %arg14[%add3A_186, %get3A_208] : memref<128x128xf32, #tpu.memory_space<vmem>> -> memref<1x128xf32, #tpu.memory_space<vmem>>
        %get3A_210 = tpu.memref_squeeze %get3A_209 : memref<1x128xf32, #tpu.memory_space<vmem>> -> memref<128xf32, #tpu.memory_space<vmem>>
        %get3A_211 = arith.constant 32 : index
        %get3A_212 = tpu.vector_load %get3A_210[%get3A_211] {strides = array<i32>} : memref<128xf32, #tpu.memory_space<vmem>>, vector<16xf32>,
        %mul3A_213 = arith.mulf %get3A_212, %gather3A : vector<16xf32>
        %swap3A_214 = arith.constant 0 : i32
        %swap3A_215 = tpu.memref_slice %arg14[%add3A_186, %swap3A_214] : memref<128x128xf32, #tpu.memory_space<vmem>> -> memref<1x128xf32, #tpu.memory_space<vmem>>
        %swap3A_216 = tpu.memref_squeeze %swap3A_215 : memref<1x128xf32, #tpu.memory_space<vmem>> -> memref<128xf32, #tpu.memory_space<vmem>>
        %swap3A_217 = arith.constant 32 : index
        %swap3A_218 = tpu.vector_load %swap3A_216[%swap3A_217] {strides = array<i32>} : memref<128xf32, #tpu.memory_space<vmem>>, vector<16xf32>,
        tpu.vector_store %swap3A_216[%swap3A_217], %mul3A_213 {strides = array<i32>} : memref<128xf32, #tpu.memory_space<vmem>>, vector<16xf32>,
        %get3A_219 = arith.constant 0 : i32
        %get3A_220 = tpu.memref_slice %arg14[%add3A_186, %get3A_219] : memref<128x128xf32, #tpu.memory_space<vmem>> -> memref<1x128xf32, #tpu.memory_space<vmem>>
        %get3A_221 = tpu.memref_squeeze %get3A_220 : memref<1x128xf32, #tpu.memory_space<vmem>> -> memref<128xf32, #tpu.memory_space<vmem>>
        %get3A_222 = arith.constant 48 : index
        %get3A_223 = tpu.vector_load %get3A_221[%get3A_222] {strides = array<i32>} : memref<128xf32, #tpu.memory_space<vmem>>, vector<16xf32>,
        %mul3A_224 = arith.mulf %get3A_223, %gather3A : vector<16xf32>
        %swap3A_225 = arith.constant 0 : i32
        %swap3A_226 = tpu.memref_slice %arg14[%add3A_186, %swap3A_225] : memref<128x128xf32, #tpu.memory_space<vmem>> -> memref<1x128xf32, #tpu.memory_space<vmem>>
        %swap3A_227 = tpu.memref_squeeze %swap3A_226 : memref<1x128xf32, #tpu.memory_space<vmem>> -> memref<128xf32, #tpu.memory_space<vmem>>
        %swap3A_228 = arith.constant 48 : index
        %swap3A_229 = tpu.vector_load %swap3A_227[%swap3A_228] {strides = array<i32>} : memref<128xf32, #tpu.memory_space<vmem>>, vector<16xf32>,
        tpu.vector_store %swap3A_227[%swap3A_228], %mul3A_224 {strides = array<i32>} : memref<128xf32, #tpu.memory_space<vmem>>, vector<16xf32>,
        %get3A_230 = arith.constant 0 : i32
        %get3A_231 = tpu.memref_slice %arg14[%add3A_186, %get3A_230] : memref<128x128xf32, #tpu.memory_space<vmem>> -> memref<1x128xf32, #tpu.memory_space<vmem>>
        %get3A_232 = tpu.memref_squeeze %get3A_231 : memref<1x128xf32, #tpu.memory_space<vmem>> -> memref<128xf32, #tpu.memory_space<vmem>>
        %get3A_233 = arith.constant 64 : index
        %get3A_234 = tpu.vector_load %get3A_232[%get3A_233] {strides = array<i32>} : memref<128xf32, #tpu.memory_space<vmem>>, vector<16xf32>,
        %mul3A_235 = arith.mulf %get3A_234, %gather3A_187 : vector<16xf32>
        %swap3A_236 = arith.constant 0 : i32
        %swap3A_237 = tpu.memref_slice %arg14[%add3A_186, %swap3A_236] : memref<128x128xf32, #tpu.memory_space<vmem>> -> memref<1x128xf32, #tpu.memory_space<vmem>>
        %swap3A_238 = tpu.memref_squeeze %swap3A_237 : memref<1x128xf32, #tpu.memory_space<vmem>> -> memref<128xf32, #tpu.memory_space<vmem>>
        %swap3A_239 = arith.constant 64 : index
        %swap3A_240 = tpu.vector_load %swap3A_238[%swap3A_239] {strides = array<i32>} : memref<128xf32, #tpu.memory_space<vmem>>, vector<16xf32>,
        tpu.vector_store %swap3A_238[%swap3A_239], %mul3A_235 {strides = array<i32>} : memref<128xf32, #tpu.memory_space<vmem>>, vector<16xf32>,
        %get3A_241 = arith.constant 0 : i32
        %get3A_242 = tpu.memref_slice %arg14[%add3A_186, %get3A_241] : memref<128x128xf32, #tpu.memory_space<vmem>> -> memref<1x128xf32, #tpu.memory_space<vmem>>
        %get3A_243 = tpu.memref_squeeze %get3A_242 : memref<1x128xf32, #tpu.memory_space<vmem>> -> memref<128xf32, #tpu.memory_space<vmem>>
        %get3A_244 = arith.constant 80 : index
        %get3A_245 = tpu.vector_load %get3A_243[%get3A_244] {strides = array<i32>} : memref<128xf32, #tpu.memory_space<vmem>>, vector<16xf32>,
        %mul3A_246 = arith.mulf %get3A_245, %gather3A_187 : vector<16xf32>
        %swap3A_247 = arith.constant 0 : i32
        %swap3A_248 = tpu.memref_slice %arg14[%add3A_186, %swap3A_247] : memref<128x128xf32, #tpu.memory_space<vmem>> -> memref<1x128xf32, #tpu.memory_space<vmem>>
        %swap3A_249 = tpu.memref_squeeze %swap3A_248 : memref<1x128xf32, #tpu.memory_space<vmem>> -> memref<128xf32, #tpu.memory_space<vmem>>
        %swap3A_250 = arith.constant 80 : index
        %swap3A_251 = tpu.vector_load %swap3A_249[%swap3A_250] {strides = array<i32>} : memref<128xf32, #tpu.memory_space<vmem>>, vector<16xf32>,
        tpu.vector_store %swap3A_249[%swap3A_250], %mul3A_246 {strides = array<i32>} : memref<128xf32, #tpu.memory_space<vmem>>, vector<16xf32>,
        %get3A_252 = arith.constant 0 : i32
        %get3A_253 = tpu.memref_slice %arg14[%add3A_186, %get3A_252] : memref<128x128xf32, #tpu.memory_space<vmem>> -> memref<1x128xf32, #tpu.memory_space<vmem>>
        %get3A_254 = tpu.memref_squeeze %get3A_253 : memref<1x128xf32, #tpu.memory_space<vmem>> -> memref<128xf32, #tpu.memory_space<vmem>>
        %get3A_255 = arith.constant 96 : index
        %get3A_256 = tpu.vector_load %get3A_254[%get3A_255] {strides = array<i32>} : memref<128xf32, #tpu.memory_space<vmem>>, vector<16xf32>,
        %mul3A_257 = arith.mulf %get3A_256, %gather3A_187 : vector<16xf32>
        %swap3A_258 = arith.constant 0 : i32
        %swap3A_259 = tpu.memref_slice %arg14[%add3A_186, %swap3A_258] : memref<128x128xf32, #tpu.memory_space<vmem>> -> memref<1x128xf32, #tpu.memory_space<vmem>>
        %swap3A_260 = tpu.memref_squeeze %swap3A_259 : memref<1x128xf32, #tpu.memory_space<vmem>> -> memref<128xf32, #tpu.memory_space<vmem>>
        %swap3A_261 = arith.constant 96 : index
        %swap3A_262 = tpu.vector_load %swap3A_260[%swap3A_261] {strides = array<i32>} : memref<128xf32, #tpu.memory_space<vmem>>, vector<16xf32>,
        tpu.vector_store %swap3A_260[%swap3A_261], %mul3A_257 {strides = array<i32>} : memref<128xf32, #tpu.memory_space<vmem>>, vector<16xf32>,
        %get3A_263 = arith.constant 0 : i32
        %get3A_264 = tpu.memref_slice %arg14[%add3A_186, %get3A_263] : memref<128x128xf32, #tpu.memory_space<vmem>> -> memref<1x128xf32, #tpu.memory_space<vmem>>
        %get3A_265 = tpu.memref_squeeze %get3A_264 : memref<1x128xf32, #tpu.memory_space<vmem>> -> memref<128xf32, #tpu.memory_space<vmem>>
        %get3A_266 = arith.constant 112 : index
        %get3A_267 = tpu.vector_load %get3A_265[%get3A_266] {strides = array<i32>} : memref<128xf32, #tpu.memory_space<vmem>>, vector<16xf32>,
        %mul3A_268 = arith.mulf %get3A_267, %gather3A_187 : vector<16xf32>
        %swap3A_269 = arith.constant 0 : i32
        %swap3A_270 = tpu.memref_slice %arg14[%add3A_186, %swap3A_269] : memref<128x128xf32, #tpu.memory_space<vmem>> -> memref<1x128xf32, #tpu.memory_space<vmem>>
        %swap3A_271 = tpu.memref_squeeze %swap3A_270 : memref<1x128xf32, #tpu.memory_space<vmem>> -> memref<128xf32, #tpu.memory_space<vmem>>
        %swap3A_272 = arith.constant 112 : index
        %swap3A_273 = tpu.vector_load %swap3A_271[%swap3A_272] {strides = array<i32>} : memref<128xf32, #tpu.memory_space<vmem>>, vector<16xf32>,
        tpu.vector_store %swap3A_271[%swap3A_272], %mul3A_268 {strides = array<i32>} : memref<128xf32, #tpu.memory_space<vmem>>, vector<16xf32>,
      }
      %scan3A_181 = arith.constant 128 : i32
      "tpu.region"() ({
        %run_scoped3A = tpu.sem_alloc : memref<!tpu.dma_semaphore, #tpu.memory_space<semaphore_mem>>
        %dma_start3A_182 = arith.constant 0 : i32
        %dma_start3A_183 = arith.constant 0 : i32
        %dma_start3A_184 = tpu.memref_slice %arg17[%dma_start3A_182, %dma_start3A_183] : memref<10240x128xf32, #tpu.memory_space<vmem_shared>> -> memref<10240x128xf32, #tpu.memory_space<vmem_shared>>
        tpu.enqueue_indirect_dma source(%arg14 : memref<128x128xf32, #tpu.memory_space<vmem>>) target(%dma_start3A_184 : memref<10240x128xf32, #tpu.memory_space<vmem_shared>>) offsets(%arg9 : memref<128xi32, #tpu.memory_space<vmem>>) semaphore(%run_scoped3A : memref<!tpu.dma_semaphore, #tpu.memory_space<semaphore_mem>>) {add = true}
        %dma_wait3A_185 = arith.constant 0 : i32
        %dma_wait3A_186 = arith.constant 0 : i32
        %dma_wait3A_187 = tpu.memref_slice %arg17[%dma_wait3A_185, %dma_wait3A_186] : memref<10240x128xf32, #tpu.memory_space<vmem_shared>> -> memref<10240x128xf32, #tpu.memory_space<vmem_shared>>
        tpu.wait_indirect_dma semaphore(%run_scoped3A : memref<!tpu.dma_semaphore, #tpu.memory_space<semaphore_mem>>) src(%arg14 : memref<128x128xf32, #tpu.memory_space<vmem>>) dst(%dma_wait3A_187 : memref<10240x128xf32, #tpu.memory_space<vmem_shared>>)
        tpu.yield
      }) : () -> ()
    }
    %scan3A_97 = arith.constant 44 : i32
    %barrier3A_98 = arith.constant 0 : index
    tpu.barrier barrier_id(%barrier3A_98)
    %scan3A_99 = arith.constant 0 : i32
    %scan3A_100 = arith.constant 5 : i32
    %scan3A_101 = arith.addi %scan3A_99, %scan3A_100 : i32
    %scan3A_102 = arith.constant 1 : i32
    scf.for %scan3A_140 = %scan3A_99 to %scan3A_101 step %scan3A_102  : i32 {
      %mul3A_141 = arith.constant 128 : i32
      %mul3A_142 = arith.muli %scan3A_140, %mul3A_141 : i32
      %add3A_143 = arith.constant 0 : i32
      %add3A_144 = arith.addi %add3A_143, %mul3A_142 : i32
      %add3A_145 = arith.addi %mul3A_0, %add3A_144 : i32
      "tpu.region"() ({
        %run_scoped3A = tpu.sem_alloc : memref<!tpu.dma_semaphore, #tpu.memory_space<semaphore_mem>>
        %dma_start3A = arith.constant 0 : i32
        %dma_start3A_147 = tpu.memref_slice %arg17[%add3A_145, %dma_start3A] : memref<10240x128xf32, #tpu.memory_space<vmem_shared>> -> memref<128x128xf32, #tpu.memory_space<vmem_shared>>
        %dma_start3A_148 = arith.constant 0 : i32
        %dma_start3A_149 = tpu.memref_slice %arg17[%add3A_145, %dma_start3A_148] : memref<10240x128xf32, #tpu.memory_space<vmem_shared>> -> memref<128x128xf32, #tpu.memory_space<vmem_shared>>
        tpu.enqueue_dma source(%dma_start3A_149 : memref<128x128xf32, #tpu.memory_space<vmem_shared>>) target(%arg14 : memref<128x128xf32, #tpu.memory_space<vmem>>) target_semaphore(%run_scoped3A : memref<!tpu.dma_semaphore, #tpu.memory_space<semaphore_mem>>)
        %dma_wait3A = arith.constant 0 : i32
        %dma_wait3A_150 = tpu.memref_slice %arg17[%add3A_145, %dma_wait3A] : memref<10240x128xf32, #tpu.memory_space<vmem_shared>> -> memref<128x128xf32, #tpu.memory_space<vmem_shared>>
        %dma_wait3A_151 = arith.constant 0 : i32
        %dma_wait3A_152 = tpu.memref_slice %arg17[%add3A_145, %dma_wait3A_151] : memref<10240x128xf32, #tpu.memory_space<vmem_shared>> -> memref<128x128xf32, #tpu.memory_space<vmem_shared>>
        tpu.wait_dma2 semaphore(%run_scoped3A : memref<!tpu.dma_semaphore, #tpu.memory_space<semaphore_mem>>) src(%dma_wait3A_152 : memref<128x128xf32, #tpu.memory_space<vmem_shared>>) dst(%arg14 : memref<128x128xf32, #tpu.memory_space<vmem>>)
        tpu.yield
      }) : () -> ()
      %add3A_146 = arith.addi %mul3A_0, %add3A_144 : i32
      "tpu.region"() ({
        %run_scoped3A = tpu.sem_alloc : memref<!tpu.dma_semaphore, #tpu.memory_space<semaphore_mem>>
        %dma_start3A = arith.constant 0 : i32
        %dma_start3A_147 = tpu.memref_slice %arg7[%add3A_71, %add3A_146, %dma_start3A] : memref<8x10240x128xf32, #tpu.memory_space<hbm>> -> memref<1x128x128xf32, #tpu.memory_space<hbm>>
        %dma_start3A_148 = tpu.memref_squeeze %dma_start3A_147 : memref<1x128x128xf32, #tpu.memory_space<hbm>> -> memref<128x128xf32, #tpu.memory_space<hbm>>
        %dma_start3A_149 = arith.constant 0 : i32
        %dma_start3A_150 = tpu.memref_slice %arg7[%add3A_71, %add3A_146, %dma_start3A_149] : memref<8x10240x128xf32, #tpu.memory_space<hbm>> -> memref<1x128x128xf32, #tpu.memory_space<hbm>>
        %dma_start3A_151 = tpu.memref_squeeze %dma_start3A_150 : memref<1x128x128xf32, #tpu.memory_space<hbm>> -> memref<128x128xf32, #tpu.memory_space<hbm>>
        tpu.enqueue_dma source(%arg14 : memref<128x128xf32, #tpu.memory_space<vmem>>) target(%dma_start3A_151 : memref<128x128xf32, #tpu.memory_space<hbm>>) target_semaphore(%run_scoped3A : memref<!tpu.dma_semaphore, #tpu.memory_space<semaphore_mem>>)
        %dma_wait3A = arith.constant 0 : i32
        %dma_wait3A_152 = tpu.memref_slice %arg7[%add3A_71, %add3A_146, %dma_wait3A] : memref<8x10240x128xf32, #tpu.memory_space<hbm>> -> memref<1x128x128xf32, #tpu.memory_space<hbm>>
        %dma_wait3A_153 = tpu.memref_squeeze %dma_wait3A_152 : memref<1x128x128xf32, #tpu.memory_space<hbm>> -> memref<128x128xf32, #tpu.memory_space<hbm>>
        %dma_wait3A_154 = arith.constant 0 : i32
        %dma_wait3A_155 = tpu.memref_slice %arg7[%add3A_71, %add3A_146, %dma_wait3A_154] : memref<8x10240x128xf32, #tpu.memory_space<hbm>> -> memref<1x128x128xf32, #tpu.memory_space<hbm>>
        %dma_wait3A_156 = tpu.memref_squeeze %dma_wait3A_155 : memref<1x128x128xf32, #tpu.memory_space<hbm>> -> memref<128x128xf32, #tpu.memory_space<hbm>>
        tpu.wait_dma2 semaphore(%run_scoped3A : memref<!tpu.dma_semaphore, #tpu.memory_space<semaphore_mem>>) src(%arg14 : memref<128x128xf32, #tpu.memory_space<vmem>>) dst(%dma_wait3A_156 : memref<128x128xf32, #tpu.memory_space<hbm>>)
        tpu.yield
      }) : () -> ()
    }
    %scan3A_103 = arith.constant 5 : i32
    %barrier3A_104 = arith.constant 0 : index
    tpu.barrier barrier_id(%barrier3A_104)
    %add3A_105 = arith.constant 6 : i32
    %add3A_106 = arith.addi %add3A_105, %arg0 : i32
    %mul3A_107 = arith.constant 2 : i32
    %mul3A_108 = arith.muli %mul3A_107, %add3A_106 : i32
    %mul3A_109 = arith.constant 10240 : i32
    %mul3A_110 = arith.muli %mul3A_108, %mul3A_109 : i32
    "tpu.region"() ({
      %run_scoped3A = tpu.sem_alloc : memref<!tpu.dma_semaphore, #tpu.memory_space<semaphore_mem>>
      %dma_start3A = tpu.memref_slice %arg6[%mul3A_110] : memref<163840xf32, #tpu.memory_space<hbm>> -> memref<10240xf32, #tpu.memory_space<hbm>>
      %dma_start3A_140 = tpu.memref_slice %arg6[%mul3A_110] : memref<163840xf32, #tpu.memory_space<hbm>> -> memref<10240xf32, #tpu.memory_space<hbm>>
      tpu.enqueue_dma source(%dma_start3A_140 : memref<10240xf32, #tpu.memory_space<hbm>>) target(%arg15 : memref<10240xf32, #tpu.memory_space<vmem>>) target_semaphore(%run_scoped3A : memref<!tpu.dma_semaphore, #tpu.memory_space<semaphore_mem>>)
      %dma_wait3A = tpu.memref_slice %arg6[%mul3A_110] : memref<163840xf32, #tpu.memory_space<hbm>> -> memref<10240xf32, #tpu.memory_space<hbm>>
      %dma_wait3A_141 = tpu.memref_slice %arg6[%mul3A_110] : memref<163840xf32, #tpu.memory_space<hbm>> -> memref<10240xf32, #tpu.memory_space<hbm>>
      tpu.wait_dma2 semaphore(%run_scoped3A : memref<!tpu.dma_semaphore, #tpu.memory_space<semaphore_mem>>) src(%dma_wait3A_141 : memref<10240xf32, #tpu.memory_space<hbm>>) dst(%arg15 : memref<10240xf32, #tpu.memory_space<vmem>>)
      tpu.yield
    }) : () -> ()
    %mul3A_111 = arith.constant 2 : i32
    %mul3A_112 = arith.muli %mul3A_111, %add3A_106 : i32
    %add3A_113 = arith.constant 1 : i32
    %add3A_114 = arith.addi %mul3A_112, %add3A_113 : i32
    %mul3A_115 = arith.constant 10240 : i32
    %mul3A_116 = arith.muli %add3A_114, %mul3A_115 : i32
    "tpu.region"() ({
      %run_scoped3A = tpu.sem_alloc : memref<!tpu.dma_semaphore, #tpu.memory_space<semaphore_mem>>
      %dma_start3A = tpu.memref_slice %arg6[%mul3A_116] : memref<163840xf32, #tpu.memory_space<hbm>> -> memref<10240xf32, #tpu.memory_space<hbm>>
      %dma_start3A_140 = tpu.memref_slice %arg6[%mul3A_116] : memref<163840xf32, #tpu.memory_space<hbm>> -> memref<10240xf32, #tpu.memory_space<hbm>>
      tpu.enqueue_dma source(%dma_start3A_140 : memref<10240xf32, #tpu.memory_space<hbm>>) target(%arg16 : memref<10240xf32, #tpu.memory_space<vmem>>) target_semaphore(%run_scoped3A : memref<!tpu.dma_semaphore, #tpu.memory_space<semaphore_mem>>)
      %dma_wait3A = tpu.memref_slice %arg6[%mul3A_116] : memref<163840xf32, #tpu.memory_space<hbm>> -> memref<10240xf32, #tpu.memory_space<hbm>>
      %dma_wait3A_141 = tpu.memref_slice %arg6[%mul3A_116] : memref<163840xf32, #tpu.memory_space<hbm>> -> memref<10240xf32, #tpu.memory_space<hbm>>
      tpu.wait_dma2 semaphore(%run_scoped3A : memref<!tpu.dma_semaphore, #tpu.memory_space<semaphore_mem>>) src(%dma_wait3A_141 : memref<10240xf32, #tpu.memory_space<hbm>>) dst(%arg16 : memref<10240xf32, #tpu.memory_space<vmem>>)
      tpu.yield
    }) : () -> ()
    %scan3A_117 = arith.constant 0 : i32
    %scan3A_118 = arith.constant 128 : i32
    %scan3A_119 = arith.addi %scan3A_117, %scan3A_118 : i32
    %scan3A_120 = arith.constant 1 : i32
    scf.for %scan3A_140 = %scan3A_117 to %scan3A_119 step %scan3A_120  : i32 {
      %mul3A_141 = arith.constant 1 : i32
      %mul3A_142 = arith.muli %scan3A_140, %mul3A_141 : i32
      %add3A_143 = arith.constant 0 : i32
      %add3A_144 = arith.addi %add3A_143, %mul3A_142 : i32
      %broadcast_in_dim3A = arith.constant 0.000000e+00 : f32
      %broadcast_in_dim3A_145 = vector.broadcast %broadcast_in_dim3A : f32 to vector<16xf32>
      %swap3A = arith.constant 0 : i32
      %swap3A_146 = tpu.memref_slice %arg14[%add3A_144, %swap3A] : memref<128x128xf32, #tpu.memory_space<vmem>> -> memref<1x128xf32, #tpu.memory_space<vmem>>
      %swap3A_147 = tpu.memref_squeeze %swap3A_146 : memref<1x128xf32, #tpu.memory_space<vmem>> -> memref<128xf32, #tpu.memory_space<vmem>>
      %swap3A_148 = arith.constant 0 : index
      %swap3A_149 = tpu.vector_load %swap3A_147[%swap3A_148] {strides = array<i32>} : memref<128xf32, #tpu.memory_space<vmem>>, vector<16xf32>,
      tpu.vector_store %swap3A_147[%swap3A_148], %broadcast_in_dim3A_145 {strides = array<i32>} : memref<128xf32, #tpu.memory_space<vmem>>, vector<16xf32>,
      %broadcast_in_dim3A_150 = arith.constant 0.000000e+00 : f32
      %broadcast_in_dim3A_151 = vector.broadcast %broadcast_in_dim3A_150 : f32 to vector<16xf32>
      %swap3A_152 = arith.constant 0 : i32
      %swap3A_153 = tpu.memref_slice %arg14[%add3A_144, %swap3A_152] : memref<128x128xf32, #tpu.memory_space<vmem>> -> memref<1x128xf32, #tpu.memory_space<vmem>>
      %swap3A_154 = tpu.memref_squeeze %swap3A_153 : memref<1x128xf32, #tpu.memory_space<vmem>> -> memref<128xf32, #tpu.memory_space<vmem>>
      %swap3A_155 = arith.constant 16 : index
      %swap3A_156 = tpu.vector_load %swap3A_154[%swap3A_155] {strides = array<i32>} : memref<128xf32, #tpu.memory_space<vmem>>, vector<16xf32>,
      tpu.vector_store %swap3A_154[%swap3A_155], %broadcast_in_dim3A_151 {strides = array<i32>} : memref<128xf32, #tpu.memory_space<vmem>>, vector<16xf32>,
      %broadcast_in_dim3A_157 = arith.constant 0.000000e+00 : f32
      %broadcast_in_dim3A_158 = vector.broadcast %broadcast_in_dim3A_157 : f32 to vector<16xf32>
      %swap3A_159 = arith.constant 0 : i32
      %swap3A_160 = tpu.memref_slice %arg14[%add3A_144, %swap3A_159] : memref<128x128xf32, #tpu.memory_space<vmem>> -> memref<1x128xf32, #tpu.memory_space<vmem>>
      %swap3A_161 = tpu.memref_squeeze %swap3A_160 : memref<1x128xf32, #tpu.memory_space<vmem>> -> memref<128xf32, #tpu.memory_space<vmem>>
      %swap3A_162 = arith.constant 32 : index
      %swap3A_163 = tpu.vector_load %swap3A_161[%swap3A_162] {strides = array<i32>} : memref<128xf32, #tpu.memory_space<vmem>>, vector<16xf32>,
      tpu.vector_store %swap3A_161[%swap3A_162], %broadcast_in_dim3A_158 {strides = array<i32>} : memref<128xf32, #tpu.memory_space<vmem>>, vector<16xf32>,
      %broadcast_in_dim3A_164 = arith.constant 0.000000e+00 : f32
      %broadcast_in_dim3A_165 = vector.broadcast %broadcast_in_dim3A_164 : f32 to vector<16xf32>
      %swap3A_166 = arith.constant 0 : i32
      %swap3A_167 = tpu.memref_slice %arg14[%add3A_144, %swap3A_166] : memref<128x128xf32, #tpu.memory_space<vmem>> -> memref<1x128xf32, #tpu.memory_space<vmem>>
      %swap3A_168 = tpu.memref_squeeze %swap3A_167 : memref<1x128xf32, #tpu.memory_space<vmem>> -> memref<128xf32, #tpu.memory_space<vmem>>
      %swap3A_169 = arith.constant 48 : index
      %swap3A_170 = tpu.vector_load %swap3A_168[%swap3A_169] {strides = array<i32>} : memref<128xf32, #tpu.memory_space<vmem>>, vector<16xf32>,
      tpu.vector_store %swap3A_168[%swap3A_169], %broadcast_in_dim3A_165 {strides = array<i32>} : memref<128xf32, #tpu.memory_space<vmem>>, vector<16xf32>,
      %broadcast_in_dim3A_171 = arith.constant 0.000000e+00 : f32
      %broadcast_in_dim3A_172 = vector.broadcast %broadcast_in_dim3A_171 : f32 to vector<16xf32>
      %swap3A_173 = arith.constant 0 : i32
      %swap3A_174 = tpu.memref_slice %arg14[%add3A_144, %swap3A_173] : memref<128x128xf32, #tpu.memory_space<vmem>> -> memref<1x128xf32, #tpu.memory_space<vmem>>
      %swap3A_175 = tpu.memref_squeeze %swap3A_174 : memref<1x128xf32, #tpu.memory_space<vmem>> -> memref<128xf32, #tpu.memory_space<vmem>>
      %swap3A_176 = arith.constant 64 : index
      %swap3A_177 = tpu.vector_load %swap3A_175[%swap3A_176] {strides = array<i32>} : memref<128xf32, #tpu.memory_space<vmem>>, vector<16xf32>,
      tpu.vector_store %swap3A_175[%swap3A_176], %broadcast_in_dim3A_172 {strides = array<i32>} : memref<128xf32, #tpu.memory_space<vmem>>, vector<16xf32>,
      %broadcast_in_dim3A_178 = arith.constant 0.000000e+00 : f32
      %broadcast_in_dim3A_179 = vector.broadcast %broadcast_in_dim3A_178 : f32 to vector<16xf32>
      %swap3A_180 = arith.constant 0 : i32
      %swap3A_181 = tpu.memref_slice %arg14[%add3A_144, %swap3A_180] : memref<128x128xf32, #tpu.memory_space<vmem>> -> memref<1x128xf32, #tpu.memory_space<vmem>>
      %swap3A_182 = tpu.memref_squeeze %swap3A_181 : memref<1x128xf32, #tpu.memory_space<vmem>> -> memref<128xf32, #tpu.memory_space<vmem>>
      %swap3A_183 = arith.constant 80 : index
      %swap3A_184 = tpu.vector_load %swap3A_182[%swap3A_183] {strides = array<i32>} : memref<128xf32, #tpu.memory_space<vmem>>, vector<16xf32>,
      tpu.vector_store %swap3A_182[%swap3A_183], %broadcast_in_dim3A_179 {strides = array<i32>} : memref<128xf32, #tpu.memory_space<vmem>>, vector<16xf32>,
      %broadcast_in_dim3A_185 = arith.constant 0.000000e+00 : f32
      %broadcast_in_dim3A_186 = vector.broadcast %broadcast_in_dim3A_185 : f32 to vector<16xf32>
      %swap3A_187 = arith.constant 0 : i32
      %swap3A_188 = tpu.memref_slice %arg14[%add3A_144, %swap3A_187] : memref<128x128xf32, #tpu.memory_space<vmem>> -> memref<1x128xf32, #tpu.memory_space<vmem>>
      %swap3A_189 = tpu.memref_squeeze %swap3A_188 : memref<1x128xf32, #tpu.memory_space<vmem>> -> memref<128xf32, #tpu.memory_space<vmem>>
      %swap3A_190 = arith.constant 96 : index
      %swap3A_191 = tpu.vector_load %swap3A_189[%swap3A_190] {strides = array<i32>} : memref<128xf32, #tpu.memory_space<vmem>>, vector<16xf32>,
      tpu.vector_store %swap3A_189[%swap3A_190], %broadcast_in_dim3A_186 {strides = array<i32>} : memref<128xf32, #tpu.memory_space<vmem>>, vector<16xf32>,
      %broadcast_in_dim3A_192 = arith.constant 0.000000e+00 : f32
      %broadcast_in_dim3A_193 = vector.broadcast %broadcast_in_dim3A_192 : f32 to vector<16xf32>
      %swap3A_194 = arith.constant 0 : i32
      %swap3A_195 = tpu.memref_slice %arg14[%add3A_144, %swap3A_194] : memref<128x128xf32, #tpu.memory_space<vmem>> -> memref<1x128xf32, #tpu.memory_space<vmem>>
      %swap3A_196 = tpu.memref_squeeze %swap3A_195 : memref<1x128xf32, #tpu.memory_space<vmem>> -> memref<128xf32, #tpu.memory_space<vmem>>
      %swap3A_197 = arith.constant 112 : index
      %swap3A_198 = tpu.vector_load %swap3A_196[%swap3A_197] {strides = array<i32>} : memref<128xf32, #tpu.memory_space<vmem>>, vector<16xf32>,
      tpu.vector_store %swap3A_196[%swap3A_197], %broadcast_in_dim3A_193 {strides = array<i32>} : memref<128xf32, #tpu.memory_space<vmem>>, vector<16xf32>,
    }
    %scan3A_121 = arith.constant 128 : i32
    %scan3A_122 = arith.constant 0 : i32
    %scan3A_123 = arith.constant 5 : i32
    %scan3A_124 = arith.addi %scan3A_122, %scan3A_123 : i32
    %scan3A_125 = arith.constant 1 : i32
    scf.for %scan3A_140 = %scan3A_122 to %scan3A_124 step %scan3A_125  : i32 {
      %mul3A_141 = arith.constant 128 : i32
      %mul3A_142 = arith.muli %scan3A_140, %mul3A_141 : i32
      %add3A_143 = arith.constant 0 : i32
      %add3A_144 = arith.addi %add3A_143, %mul3A_142 : i32
      %add3A_145 = arith.addi %mul3A_0, %add3A_144 : i32
      "tpu.region"() ({
        %run_scoped3A = tpu.sem_alloc : memref<!tpu.dma_semaphore, #tpu.memory_space<semaphore_mem>>
        %dma_start3A = arith.constant 0 : i32
        %dma_start3A_146 = tpu.memref_slice %arg17[%add3A_145, %dma_start3A] : memref<10240x128xf32, #tpu.memory_space<vmem_shared>> -> memref<128x128xf32, #tpu.memory_space<vmem_shared>>
        %dma_start3A_147 = arith.constant 0 : i32
        %dma_start3A_148 = tpu.memref_slice %arg17[%add3A_145, %dma_start3A_147] : memref<10240x128xf32, #tpu.memory_space<vmem_shared>> -> memref<128x128xf32, #tpu.memory_space<vmem_shared>>
        tpu.enqueue_dma source(%arg14 : memref<128x128xf32, #tpu.memory_space<vmem>>) target(%dma_start3A_148 : memref<128x128xf32, #tpu.memory_space<vmem_shared>>) target_semaphore(%run_scoped3A : memref<!tpu.dma_semaphore, #tpu.memory_space<semaphore_mem>>)
        %dma_wait3A = arith.constant 0 : i32
        %dma_wait3A_149 = tpu.memref_slice %arg17[%add3A_145, %dma_wait3A] : memref<10240x128xf32, #tpu.memory_space<vmem_shared>> -> memref<128x128xf32, #tpu.memory_space<vmem_shared>>
        %dma_wait3A_150 = arith.constant 0 : i32
        %dma_wait3A_151 = tpu.memref_slice %arg17[%add3A_145, %dma_wait3A_150] : memref<10240x128xf32, #tpu.memory_space<vmem_shared>> -> memref<128x128xf32, #tpu.memory_space<vmem_shared>>
        tpu.wait_dma2 semaphore(%run_scoped3A : memref<!tpu.dma_semaphore, #tpu.memory_space<semaphore_mem>>) src(%arg14 : memref<128x128xf32, #tpu.memory_space<vmem>>) dst(%dma_wait3A_151 : memref<128x128xf32, #tpu.memory_space<vmem_shared>>)
        tpu.yield
      }) : () -> ()
    }
    %scan3A_126 = arith.constant 5 : i32
    %barrier3A_127 = arith.constant 0 : index
    tpu.barrier barrier_id(%barrier3A_127)
    %scan3A_128 = arith.constant 0 : i32
    %scan3A_129 = arith.constant 44 : i32
    %scan3A_130 = arith.addi %scan3A_128, %scan3A_129 : i32
    %scan3A_131 = arith.constant 1 : i32
    scf.for %scan3A_140 = %scan3A_128 to %scan3A_130 step %scan3A_131  : i32 {
      %mul3A_141 = arith.constant 1 : i32
      %mul3A_142 = arith.muli %scan3A_140, %mul3A_141 : i32
      %add3A_143 = arith.constant 0 : i32
      %add3A_144 = arith.addi %add3A_143, %mul3A_142 : i32
      %mul3A_145 = arith.constant 128 : i32
      %mul3A_146 = arith.muli %add3A_144, %mul3A_145 : i32
      %add3A_147 = arith.addi %mul3A_2, %mul3A_146 : i32
      "tpu.region"() ({
        %run_scoped3A = tpu.sem_alloc : memref<!tpu.dma_semaphore, #tpu.memory_space<semaphore_mem>>
        %dma_start3A_182 = tpu.memref_slice %arg3[%add3A_147] : memref<90112xi32, #tpu.memory_space<hbm>> -> memref<128xi32, #tpu.memory_space<hbm>>
        %dma_start3A_183 = tpu.memref_slice %arg3[%add3A_147] : memref<90112xi32, #tpu.memory_space<hbm>> -> memref<128xi32, #tpu.memory_space<hbm>>
        tpu.enqueue_dma source(%dma_start3A_183 : memref<128xi32, #tpu.memory_space<hbm>>) target(%arg8 : memref<128xi32, #tpu.memory_space<vmem>>) target_semaphore(%run_scoped3A : memref<!tpu.dma_semaphore, #tpu.memory_space<semaphore_mem>>)
        %dma_wait3A_184 = tpu.memref_slice %arg3[%add3A_147] : memref<90112xi32, #tpu.memory_space<hbm>> -> memref<128xi32, #tpu.memory_space<hbm>>
        %dma_wait3A_185 = tpu.memref_slice %arg3[%add3A_147] : memref<90112xi32, #tpu.memory_space<hbm>> -> memref<128xi32, #tpu.memory_space<hbm>>
        tpu.wait_dma2 semaphore(%run_scoped3A : memref<!tpu.dma_semaphore, #tpu.memory_space<semaphore_mem>>) src(%dma_wait3A_185 : memref<128xi32, #tpu.memory_space<hbm>>) dst(%arg8 : memref<128xi32, #tpu.memory_space<vmem>>)
        tpu.yield
      }) : () -> ()
      "tpu.region"() ({
        %run_scoped3A = tpu.sem_alloc : memref<!tpu.dma_semaphore, #tpu.memory_space<semaphore_mem>>
        %dma_start3A_182 = tpu.memref_slice %arg4[%add3A_147] : memref<90112xi32, #tpu.memory_space<hbm>> -> memref<128xi32, #tpu.memory_space<hbm>>
        %dma_start3A_183 = tpu.memref_slice %arg4[%add3A_147] : memref<90112xi32, #tpu.memory_space<hbm>> -> memref<128xi32, #tpu.memory_space<hbm>>
        tpu.enqueue_dma source(%dma_start3A_183 : memref<128xi32, #tpu.memory_space<hbm>>) target(%arg9 : memref<128xi32, #tpu.memory_space<vmem>>) target_semaphore(%run_scoped3A : memref<!tpu.dma_semaphore, #tpu.memory_space<semaphore_mem>>)
        %dma_wait3A_184 = tpu.memref_slice %arg4[%add3A_147] : memref<90112xi32, #tpu.memory_space<hbm>> -> memref<128xi32, #tpu.memory_space<hbm>>
        %dma_wait3A_185 = tpu.memref_slice %arg4[%add3A_147] : memref<90112xi32, #tpu.memory_space<hbm>> -> memref<128xi32, #tpu.memory_space<hbm>>
        tpu.wait_dma2 semaphore(%run_scoped3A : memref<!tpu.dma_semaphore, #tpu.memory_space<semaphore_mem>>) src(%dma_wait3A_185 : memref<128xi32, #tpu.memory_space<hbm>>) dst(%arg9 : memref<128xi32, #tpu.memory_space<vmem>>)
        tpu.yield
      }) : () -> ()
      %mul3A_148 = arith.constant 2 : i32
      %mul3A_149 = arith.muli %mul3A_148, %add3A_106 : i32
      %mul3A_150 = arith.constant 90112 : i32
      %mul3A_151 = arith.muli %mul3A_149, %mul3A_150 : i32
      %add3A_152 = arith.addi %mul3A_151, %add3A_147 : i32
      "tpu.region"() ({
        %run_scoped3A = tpu.sem_alloc : memref<!tpu.dma_semaphore, #tpu.memory_space<semaphore_mem>>
        %dma_start3A_182 = tpu.memref_slice %arg5[%add3A_152] : memref<1441792xf32, #tpu.memory_space<hbm>> -> memref<128xf32, #tpu.memory_space<hbm>>
        %dma_start3A_183 = tpu.memref_slice %arg5[%add3A_152] : memref<1441792xf32, #tpu.memory_space<hbm>> -> memref<128xf32, #tpu.memory_space<hbm>>
        tpu.enqueue_dma source(%dma_start3A_183 : memref<128xf32, #tpu.memory_space<hbm>>) target(%arg10 : memref<128xf32, #tpu.memory_space<vmem>>) target_semaphore(%run_scoped3A : memref<!tpu.dma_semaphore, #tpu.memory_space<semaphore_mem>>)
        %dma_wait3A_184 = tpu.memref_slice %arg5[%add3A_152] : memref<1441792xf32, #tpu.memory_space<hbm>> -> memref<128xf32, #tpu.memory_space<hbm>>
        %dma_wait3A_185 = tpu.memref_slice %arg5[%add3A_152] : memref<1441792xf32, #tpu.memory_space<hbm>> -> memref<128xf32, #tpu.memory_space<hbm>>
        tpu.wait_dma2 semaphore(%run_scoped3A : memref<!tpu.dma_semaphore, #tpu.memory_space<semaphore_mem>>) src(%dma_wait3A_185 : memref<128xf32, #tpu.memory_space<hbm>>) dst(%arg10 : memref<128xf32, #tpu.memory_space<vmem>>)
        tpu.yield
      }) : () -> ()
      %mul3A_153 = arith.constant 2 : i32
      %mul3A_154 = arith.muli %mul3A_153, %add3A_106 : i32
      %add3A_155 = arith.constant 1 : i32
      %add3A_156 = arith.addi %mul3A_154, %add3A_155 : i32
      %mul3A_157 = arith.constant 90112 : i32
      %mul3A_158 = arith.muli %add3A_156, %mul3A_157 : i32
      %add3A_159 = arith.addi %mul3A_158, %add3A_147 : i32
      "tpu.region"() ({
        %run_scoped3A = tpu.sem_alloc : memref<!tpu.dma_semaphore, #tpu.memory_space<semaphore_mem>>
        %dma_start3A_182 = tpu.memref_slice %arg5[%add3A_159] : memref<1441792xf32, #tpu.memory_space<hbm>> -> memref<128xf32, #tpu.memory_space<hbm>>
        %dma_start3A_183 = tpu.memref_slice %arg5[%add3A_159] : memref<1441792xf32, #tpu.memory_space<hbm>> -> memref<128xf32, #tpu.memory_space<hbm>>
        tpu.enqueue_dma source(%dma_start3A_183 : memref<128xf32, #tpu.memory_space<hbm>>) target(%arg11 : memref<128xf32, #tpu.memory_space<vmem>>) target_semaphore(%run_scoped3A : memref<!tpu.dma_semaphore, #tpu.memory_space<semaphore_mem>>)
        %dma_wait3A_184 = tpu.memref_slice %arg5[%add3A_159] : memref<1441792xf32, #tpu.memory_space<hbm>> -> memref<128xf32, #tpu.memory_space<hbm>>
        %dma_wait3A_185 = tpu.memref_slice %arg5[%add3A_159] : memref<1441792xf32, #tpu.memory_space<hbm>> -> memref<128xf32, #tpu.memory_space<hbm>>
        tpu.wait_dma2 semaphore(%run_scoped3A : memref<!tpu.dma_semaphore, #tpu.memory_space<semaphore_mem>>) src(%dma_wait3A_185 : memref<128xf32, #tpu.memory_space<hbm>>) dst(%arg11 : memref<128xf32, #tpu.memory_space<vmem>>)
        tpu.yield
      }) : () -> ()
      %dma_start3A = arith.constant 0 : i32
      %dma_start3A_160 = arith.constant 0 : i32
      %dma_start3A_161 = tpu.memref_slice %arg2[%add3A_106, %dma_start3A, %dma_start3A_160] : memref<8x10000x128xf32, #tpu.memory_space<hbm>> -> memref<1x10000x128xf32, #tpu.memory_space<hbm>>
      %dma_start3A_162 = tpu.memref_squeeze %dma_start3A_161 : memref<1x10000x128xf32, #tpu.memory_space<hbm>> -> memref<10000x128xf32, #tpu.memory_space<hbm>>
      %dma_start3A_163 = arith.constant 0 : i32
      %dma_start3A_164 = arith.constant 0 : i32
      %dma_start3A_165 = tpu.memref_slice %dma_start3A_162[%dma_start3A_163, %dma_start3A_164] : memref<10000x128xf32, #tpu.memory_space<hbm>> -> memref<10000x128xf32, #tpu.memory_space<hbm>>
      tpu.enqueue_indirect_dma source(%dma_start3A_165 : memref<10000x128xf32, #tpu.memory_space<hbm>>) target(%arg14 : memref<128x128xf32, #tpu.memory_space<vmem>>) offsets(%arg8 : memref<128xi32, #tpu.memory_space<vmem>>) semaphore(%arg18 : memref<!tpu.dma_semaphore, #tpu.memory_space<semaphore_mem>>)
      %dma_wait3A = arith.constant 0 : i32
      %dma_wait3A_166 = arith.constant 0 : i32
      %dma_wait3A_167 = tpu.memref_slice %arg2[%add3A_106, %dma_wait3A, %dma_wait3A_166] : memref<8x10000x128xf32, #tpu.memory_space<hbm>> -> memref<1x10000x128xf32, #tpu.memory_space<hbm>>
      %dma_wait3A_168 = tpu.memref_squeeze %dma_wait3A_167 : memref<1x10000x128xf32, #tpu.memory_space<hbm>> -> memref<10000x128xf32, #tpu.memory_space<hbm>>
      %dma_wait3A_169 = arith.constant 0 : i32
      %dma_wait3A_170 = arith.constant 0 : i32
      %dma_wait3A_171 = tpu.memref_slice %dma_wait3A_168[%dma_wait3A_169, %dma_wait3A_170] : memref<10000x128xf32, #tpu.memory_space<hbm>> -> memref<10000x128xf32, #tpu.memory_space<hbm>>
      tpu.wait_indirect_dma semaphore(%arg18 : memref<!tpu.dma_semaphore, #tpu.memory_space<semaphore_mem>>) src(%dma_wait3A_171 : memref<10000x128xf32, #tpu.memory_space<hbm>>) dst(%arg14 : memref<128x128xf32, #tpu.memory_space<vmem>>)
      %scan3A_172 = arith.constant 0 : i32
      %scan3A_173 = arith.constant 8 : i32
      %scan3A_174 = arith.addi %scan3A_172, %scan3A_173 : i32
      %scan3A_175 = arith.constant 1 : i32
      scf.for %scan3A_182 = %scan3A_172 to %scan3A_174 step %scan3A_175  : i32 {
        %mul3A_183 = arith.constant 16 : i32
        %mul3A_184 = arith.muli %scan3A_182, %mul3A_183 : i32
        %add3A_185 = arith.constant 0 : i32
        %add3A_186 = arith.addi %add3A_185, %mul3A_184 : i32
        %get3A = arith.index_cast %add3A_186 : i32 to index
        %get3A_187 = tpu.vector_load %arg9[%get3A] {strides = array<i32>} : memref<128xi32, #tpu.memory_space<vmem>>, vector<16xi32>,
        %gather3A = tpu.vector_load_idx %arg15[%get3A_187] : memref<10240xf32, #tpu.memory_space<vmem>>[vector<16xi32>], vector<16xf32>,
        %gather3A_188 = tpu.vector_load_idx %arg16[%get3A_187] : memref<10240xf32, #tpu.memory_space<vmem>>[vector<16xi32>], vector<16xf32>,
        %get3A_189 = arith.index_cast %add3A_186 : i32 to index
        %get3A_190 = tpu.vector_load %arg10[%get3A_189] {strides = array<i32>} : memref<128xf32, #tpu.memory_space<vmem>>, vector<16xf32>,
        %add3A_191 = arith.constant 1.000000e-16 : f32
        %add3A_192 = vector.broadcast %add3A_191 : f32 to vector<16xf32>
        %add3A_193 = arith.addf %gather3A, %add3A_192 : vector<16xf32>
        %div3A = arith.divf %get3A_190, %add3A_193 : vector<16xf32>
        %swap3A = arith.index_cast %add3A_186 : i32 to index
        %swap3A_194 = tpu.vector_load %arg12[%swap3A] {strides = array<i32>} : memref<128xf32, #tpu.memory_space<vmem>>, vector<16xf32>,
        tpu.vector_store %arg12[%swap3A], %div3A {strides = array<i32>} : memref<128xf32, #tpu.memory_space<vmem>>, vector<16xf32>,
        %get3A_195 = arith.index_cast %add3A_186 : i32 to index
        %get3A_196 = tpu.vector_load %arg11[%get3A_195] {strides = array<i32>} : memref<128xf32, #tpu.memory_space<vmem>>, vector<16xf32>,
        %add3A_197 = arith.constant 1.000000e-16 : f32
        %add3A_198 = vector.broadcast %add3A_197 : f32 to vector<16xf32>
        %add3A_199 = arith.addf %gather3A_188, %add3A_198 : vector<16xf32>
        %div3A_200 = arith.divf %get3A_196, %add3A_199 : vector<16xf32>
        %swap3A_201 = arith.index_cast %add3A_186 : i32 to index
        %swap3A_202 = tpu.vector_load %arg13[%swap3A_201] {strides = array<i32>} : memref<128xf32, #tpu.memory_space<vmem>>, vector<16xf32>,
        tpu.vector_store %arg13[%swap3A_201], %div3A_200 {strides = array<i32>} : memref<128xf32, #tpu.memory_space<vmem>>, vector<16xf32>,
      }
      %scan3A_176 = arith.constant 8 : i32
      %scan3A_177 = arith.constant 0 : i32
      %scan3A_178 = arith.constant 128 : i32
      %scan3A_179 = arith.addi %scan3A_177, %scan3A_178 : i32
      %scan3A_180 = arith.constant 1 : i32
      scf.for %scan3A_182 = %scan3A_177 to %scan3A_179 step %scan3A_180  : i32 {
        %mul3A_183 = arith.constant 1 : i32
        %mul3A_184 = arith.muli %scan3A_182, %mul3A_183 : i32
        %add3A_185 = arith.constant 0 : i32
        %add3A_186 = arith.addi %add3A_185, %mul3A_184 : i32
        %broadcast_in_dim3A = vector.broadcast %add3A_186 : i32 to vector<16xi32>
        %gather3A = tpu.vector_load_idx %arg12[%broadcast_in_dim3A] : memref<128xf32, #tpu.memory_space<vmem>>[vector<16xi32>], vector<16xf32>,
        %gather3A_187 = tpu.vector_load_idx %arg13[%broadcast_in_dim3A] : memref<128xf32, #tpu.memory_space<vmem>>[vector<16xi32>], vector<16xf32>,
        %get3A = arith.constant 0 : i32
        %get3A_188 = tpu.memref_slice %arg14[%add3A_186, %get3A] : memref<128x128xf32, #tpu.memory_space<vmem>> -> memref<1x128xf32, #tpu.memory_space<vmem>>
        %get3A_189 = tpu.memref_squeeze %get3A_188 : memref<1x128xf32, #tpu.memory_space<vmem>> -> memref<128xf32, #tpu.memory_space<vmem>>
        %get3A_190 = arith.constant 0 : index
        %get3A_191 = tpu.vector_load %get3A_189[%get3A_190] {strides = array<i32>} : memref<128xf32, #tpu.memory_space<vmem>>, vector<16xf32>,
        %mul3A_192 = arith.mulf %get3A_191, %gather3A : vector<16xf32>
        %swap3A = arith.constant 0 : i32
        %swap3A_193 = tpu.memref_slice %arg14[%add3A_186, %swap3A] : memref<128x128xf32, #tpu.memory_space<vmem>> -> memref<1x128xf32, #tpu.memory_space<vmem>>
        %swap3A_194 = tpu.memref_squeeze %swap3A_193 : memref<1x128xf32, #tpu.memory_space<vmem>> -> memref<128xf32, #tpu.memory_space<vmem>>
        %swap3A_195 = arith.constant 0 : index
        %swap3A_196 = tpu.vector_load %swap3A_194[%swap3A_195] {strides = array<i32>} : memref<128xf32, #tpu.memory_space<vmem>>, vector<16xf32>,
        tpu.vector_store %swap3A_194[%swap3A_195], %mul3A_192 {strides = array<i32>} : memref<128xf32, #tpu.memory_space<vmem>>, vector<16xf32>,
        %get3A_197 = arith.constant 0 : i32
        %get3A_198 = tpu.memref_slice %arg14[%add3A_186, %get3A_197] : memref<128x128xf32, #tpu.memory_space<vmem>> -> memref<1x128xf32, #tpu.memory_space<vmem>>
        %get3A_199 = tpu.memref_squeeze %get3A_198 : memref<1x128xf32, #tpu.memory_space<vmem>> -> memref<128xf32, #tpu.memory_space<vmem>>
        %get3A_200 = arith.constant 16 : index
        %get3A_201 = tpu.vector_load %get3A_199[%get3A_200] {strides = array<i32>} : memref<128xf32, #tpu.memory_space<vmem>>, vector<16xf32>,
        %mul3A_202 = arith.mulf %get3A_201, %gather3A : vector<16xf32>
        %swap3A_203 = arith.constant 0 : i32
        %swap3A_204 = tpu.memref_slice %arg14[%add3A_186, %swap3A_203] : memref<128x128xf32, #tpu.memory_space<vmem>> -> memref<1x128xf32, #tpu.memory_space<vmem>>
        %swap3A_205 = tpu.memref_squeeze %swap3A_204 : memref<1x128xf32, #tpu.memory_space<vmem>> -> memref<128xf32, #tpu.memory_space<vmem>>
        %swap3A_206 = arith.constant 16 : index
        %swap3A_207 = tpu.vector_load %swap3A_205[%swap3A_206] {strides = array<i32>} : memref<128xf32, #tpu.memory_space<vmem>>, vector<16xf32>,
        tpu.vector_store %swap3A_205[%swap3A_206], %mul3A_202 {strides = array<i32>} : memref<128xf32, #tpu.memory_space<vmem>>, vector<16xf32>,
        %get3A_208 = arith.constant 0 : i32
        %get3A_209 = tpu.memref_slice %arg14[%add3A_186, %get3A_208] : memref<128x128xf32, #tpu.memory_space<vmem>> -> memref<1x128xf32, #tpu.memory_space<vmem>>
        %get3A_210 = tpu.memref_squeeze %get3A_209 : memref<1x128xf32, #tpu.memory_space<vmem>> -> memref<128xf32, #tpu.memory_space<vmem>>
        %get3A_211 = arith.constant 32 : index
        %get3A_212 = tpu.vector_load %get3A_210[%get3A_211] {strides = array<i32>} : memref<128xf32, #tpu.memory_space<vmem>>, vector<16xf32>,
        %mul3A_213 = arith.mulf %get3A_212, %gather3A : vector<16xf32>
        %swap3A_214 = arith.constant 0 : i32
        %swap3A_215 = tpu.memref_slice %arg14[%add3A_186, %swap3A_214] : memref<128x128xf32, #tpu.memory_space<vmem>> -> memref<1x128xf32, #tpu.memory_space<vmem>>
        %swap3A_216 = tpu.memref_squeeze %swap3A_215 : memref<1x128xf32, #tpu.memory_space<vmem>> -> memref<128xf32, #tpu.memory_space<vmem>>
        %swap3A_217 = arith.constant 32 : index
        %swap3A_218 = tpu.vector_load %swap3A_216[%swap3A_217] {strides = array<i32>} : memref<128xf32, #tpu.memory_space<vmem>>, vector<16xf32>,
        tpu.vector_store %swap3A_216[%swap3A_217], %mul3A_213 {strides = array<i32>} : memref<128xf32, #tpu.memory_space<vmem>>, vector<16xf32>,
        %get3A_219 = arith.constant 0 : i32
        %get3A_220 = tpu.memref_slice %arg14[%add3A_186, %get3A_219] : memref<128x128xf32, #tpu.memory_space<vmem>> -> memref<1x128xf32, #tpu.memory_space<vmem>>
        %get3A_221 = tpu.memref_squeeze %get3A_220 : memref<1x128xf32, #tpu.memory_space<vmem>> -> memref<128xf32, #tpu.memory_space<vmem>>
        %get3A_222 = arith.constant 48 : index
        %get3A_223 = tpu.vector_load %get3A_221[%get3A_222] {strides = array<i32>} : memref<128xf32, #tpu.memory_space<vmem>>, vector<16xf32>,
        %mul3A_224 = arith.mulf %get3A_223, %gather3A : vector<16xf32>
        %swap3A_225 = arith.constant 0 : i32
        %swap3A_226 = tpu.memref_slice %arg14[%add3A_186, %swap3A_225] : memref<128x128xf32, #tpu.memory_space<vmem>> -> memref<1x128xf32, #tpu.memory_space<vmem>>
        %swap3A_227 = tpu.memref_squeeze %swap3A_226 : memref<1x128xf32, #tpu.memory_space<vmem>> -> memref<128xf32, #tpu.memory_space<vmem>>
        %swap3A_228 = arith.constant 48 : index
        %swap3A_229 = tpu.vector_load %swap3A_227[%swap3A_228] {strides = array<i32>} : memref<128xf32, #tpu.memory_space<vmem>>, vector<16xf32>,
        tpu.vector_store %swap3A_227[%swap3A_228], %mul3A_224 {strides = array<i32>} : memref<128xf32, #tpu.memory_space<vmem>>, vector<16xf32>,
        %get3A_230 = arith.constant 0 : i32
        %get3A_231 = tpu.memref_slice %arg14[%add3A_186, %get3A_230] : memref<128x128xf32, #tpu.memory_space<vmem>> -> memref<1x128xf32, #tpu.memory_space<vmem>>
        %get3A_232 = tpu.memref_squeeze %get3A_231 : memref<1x128xf32, #tpu.memory_space<vmem>> -> memref<128xf32, #tpu.memory_space<vmem>>
        %get3A_233 = arith.constant 64 : index
        %get3A_234 = tpu.vector_load %get3A_232[%get3A_233] {strides = array<i32>} : memref<128xf32, #tpu.memory_space<vmem>>, vector<16xf32>,
        %mul3A_235 = arith.mulf %get3A_234, %gather3A_187 : vector<16xf32>
        %swap3A_236 = arith.constant 0 : i32
        %swap3A_237 = tpu.memref_slice %arg14[%add3A_186, %swap3A_236] : memref<128x128xf32, #tpu.memory_space<vmem>> -> memref<1x128xf32, #tpu.memory_space<vmem>>
        %swap3A_238 = tpu.memref_squeeze %swap3A_237 : memref<1x128xf32, #tpu.memory_space<vmem>> -> memref<128xf32, #tpu.memory_space<vmem>>
        %swap3A_239 = arith.constant 64 : index
        %swap3A_240 = tpu.vector_load %swap3A_238[%swap3A_239] {strides = array<i32>} : memref<128xf32, #tpu.memory_space<vmem>>, vector<16xf32>,
        tpu.vector_store %swap3A_238[%swap3A_239], %mul3A_235 {strides = array<i32>} : memref<128xf32, #tpu.memory_space<vmem>>, vector<16xf32>,
        %get3A_241 = arith.constant 0 : i32
        %get3A_242 = tpu.memref_slice %arg14[%add3A_186, %get3A_241] : memref<128x128xf32, #tpu.memory_space<vmem>> -> memref<1x128xf32, #tpu.memory_space<vmem>>
        %get3A_243 = tpu.memref_squeeze %get3A_242 : memref<1x128xf32, #tpu.memory_space<vmem>> -> memref<128xf32, #tpu.memory_space<vmem>>
        %get3A_244 = arith.constant 80 : index
        %get3A_245 = tpu.vector_load %get3A_243[%get3A_244] {strides = array<i32>} : memref<128xf32, #tpu.memory_space<vmem>>, vector<16xf32>,
        %mul3A_246 = arith.mulf %get3A_245, %gather3A_187 : vector<16xf32>
        %swap3A_247 = arith.constant 0 : i32
        %swap3A_248 = tpu.memref_slice %arg14[%add3A_186, %swap3A_247] : memref<128x128xf32, #tpu.memory_space<vmem>> -> memref<1x128xf32, #tpu.memory_space<vmem>>
        %swap3A_249 = tpu.memref_squeeze %swap3A_248 : memref<1x128xf32, #tpu.memory_space<vmem>> -> memref<128xf32, #tpu.memory_space<vmem>>
        %swap3A_250 = arith.constant 80 : index
        %swap3A_251 = tpu.vector_load %swap3A_249[%swap3A_250] {strides = array<i32>} : memref<128xf32, #tpu.memory_space<vmem>>, vector<16xf32>,
        tpu.vector_store %swap3A_249[%swap3A_250], %mul3A_246 {strides = array<i32>} : memref<128xf32, #tpu.memory_space<vmem>>, vector<16xf32>,
        %get3A_252 = arith.constant 0 : i32
        %get3A_253 = tpu.memref_slice %arg14[%add3A_186, %get3A_252] : memref<128x128xf32, #tpu.memory_space<vmem>> -> memref<1x128xf32, #tpu.memory_space<vmem>>
        %get3A_254 = tpu.memref_squeeze %get3A_253 : memref<1x128xf32, #tpu.memory_space<vmem>> -> memref<128xf32, #tpu.memory_space<vmem>>
        %get3A_255 = arith.constant 96 : index
        %get3A_256 = tpu.vector_load %get3A_254[%get3A_255] {strides = array<i32>} : memref<128xf32, #tpu.memory_space<vmem>>, vector<16xf32>,
        %mul3A_257 = arith.mulf %get3A_256, %gather3A_187 : vector<16xf32>
        %swap3A_258 = arith.constant 0 : i32
        %swap3A_259 = tpu.memref_slice %arg14[%add3A_186, %swap3A_258] : memref<128x128xf32, #tpu.memory_space<vmem>> -> memref<1x128xf32, #tpu.memory_space<vmem>>
        %swap3A_260 = tpu.memref_squeeze %swap3A_259 : memref<1x128xf32, #tpu.memory_space<vmem>> -> memref<128xf32, #tpu.memory_space<vmem>>
        %swap3A_261 = arith.constant 96 : index
        %swap3A_262 = tpu.vector_load %swap3A_260[%swap3A_261] {strides = array<i32>} : memref<128xf32, #tpu.memory_space<vmem>>, vector<16xf32>,
        tpu.vector_store %swap3A_260[%swap3A_261], %mul3A_257 {strides = array<i32>} : memref<128xf32, #tpu.memory_space<vmem>>, vector<16xf32>,
        %get3A_263 = arith.constant 0 : i32
        %get3A_264 = tpu.memref_slice %arg14[%add3A_186, %get3A_263] : memref<128x128xf32, #tpu.memory_space<vmem>> -> memref<1x128xf32, #tpu.memory_space<vmem>>
        %get3A_265 = tpu.memref_squeeze %get3A_264 : memref<1x128xf32, #tpu.memory_space<vmem>> -> memref<128xf32, #tpu.memory_space<vmem>>
        %get3A_266 = arith.constant 112 : index
        %get3A_267 = tpu.vector_load %get3A_265[%get3A_266] {strides = array<i32>} : memref<128xf32, #tpu.memory_space<vmem>>, vector<16xf32>,
        %mul3A_268 = arith.mulf %get3A_267, %gather3A_187 : vector<16xf32>
        %swap3A_269 = arith.constant 0 : i32
        %swap3A_270 = tpu.memref_slice %arg14[%add3A_186, %swap3A_269] : memref<128x128xf32, #tpu.memory_space<vmem>> -> memref<1x128xf32, #tpu.memory_space<vmem>>
        %swap3A_271 = tpu.memref_squeeze %swap3A_270 : memref<1x128xf32, #tpu.memory_space<vmem>> -> memref<128xf32, #tpu.memory_space<vmem>>
        %swap3A_272 = arith.constant 112 : index
        %swap3A_273 = tpu.vector_load %swap3A_271[%swap3A_272] {strides = array<i32>} : memref<128xf32, #tpu.memory_space<vmem>>, vector<16xf32>,
        tpu.vector_store %swap3A_271[%swap3A_272], %mul3A_268 {strides = array<i32>} : memref<128xf32, #tpu.memory_space<vmem>>, vector<16xf32>,
      }
      %scan3A_181 = arith.constant 128 : i32
      "tpu.region"() ({
        %run_scoped3A = tpu.sem_alloc : memref<!tpu.dma_semaphore, #tpu.memory_space<semaphore_mem>>
        %dma_start3A_182 = arith.constant 0 : i32
        %dma_start3A_183 = arith.constant 0 : i32
        %dma_start3A_184 = tpu.memref_slice %arg17[%dma_start3A_182, %dma_start3A_183] : memref<10240x128xf32, #tpu.memory_space<vmem_shared>> -> memref<10240x128xf32, #tpu.memory_space<vmem_shared>>
        tpu.enqueue_indirect_dma source(%arg14 : memref<128x128xf32, #tpu.memory_space<vmem>>) target(%dma_start3A_184 : memref<10240x128xf32, #tpu.memory_space<vmem_shared>>) offsets(%arg9 : memref<128xi32, #tpu.memory_space<vmem>>) semaphore(%run_scoped3A : memref<!tpu.dma_semaphore, #tpu.memory_space<semaphore_mem>>) {add = true}
        %dma_wait3A_185 = arith.constant 0 : i32
        %dma_wait3A_186 = arith.constant 0 : i32
        %dma_wait3A_187 = tpu.memref_slice %arg17[%dma_wait3A_185, %dma_wait3A_186] : memref<10240x128xf32, #tpu.memory_space<vmem_shared>> -> memref<10240x128xf32, #tpu.memory_space<vmem_shared>>
        tpu.wait_indirect_dma semaphore(%run_scoped3A : memref<!tpu.dma_semaphore, #tpu.memory_space<semaphore_mem>>) src(%arg14 : memref<128x128xf32, #tpu.memory_space<vmem>>) dst(%dma_wait3A_187 : memref<10240x128xf32, #tpu.memory_space<vmem_shared>>)
        tpu.yield
      }) : () -> ()
    }
    %scan3A_132 = arith.constant 44 : i32
    %barrier3A_133 = arith.constant 0 : index
    tpu.barrier barrier_id(%barrier3A_133)
    %scan3A_134 = arith.constant 0 : i32
    %scan3A_135 = arith.constant 5 : i32
    %scan3A_136 = arith.addi %scan3A_134, %scan3A_135 : i32
    %scan3A_137 = arith.constant 1 : i32
    scf.for %scan3A_140 = %scan3A_134 to %scan3A_136 step %scan3A_137  : i32 {
      %mul3A_141 = arith.constant 128 : i32
      %mul3A_142 = arith.muli %scan3A_140, %mul3A_141 : i32
      %add3A_143 = arith.constant 0 : i32
      %add3A_144 = arith.addi %add3A_143, %mul3A_142 : i32
      %add3A_145 = arith.addi %mul3A_0, %add3A_144 : i32
      "tpu.region"() ({
        %run_scoped3A = tpu.sem_alloc : memref<!tpu.dma_semaphore, #tpu.memory_space<semaphore_mem>>
        %dma_start3A = arith.constant 0 : i32
        %dma_start3A_147 = tpu.memref_slice %arg17[%add3A_145, %dma_start3A] : memref<10240x128xf32, #tpu.memory_space<vmem_shared>> -> memref<128x128xf32, #tpu.memory_space<vmem_shared>>
        %dma_start3A_148 = arith.constant 0 : i32
        %dma_start3A_149 = tpu.memref_slice %arg17[%add3A_145, %dma_start3A_148] : memref<10240x128xf32, #tpu.memory_space<vmem_shared>> -> memref<128x128xf32, #tpu.memory_space<vmem_shared>>
        tpu.enqueue_dma source(%dma_start3A_149 : memref<128x128xf32, #tpu.memory_space<vmem_shared>>) target(%arg14 : memref<128x128xf32, #tpu.memory_space<vmem>>) target_semaphore(%run_scoped3A : memref<!tpu.dma_semaphore, #tpu.memory_space<semaphore_mem>>)
        %dma_wait3A = arith.constant 0 : i32
        %dma_wait3A_150 = tpu.memref_slice %arg17[%add3A_145, %dma_wait3A] : memref<10240x128xf32, #tpu.memory_space<vmem_shared>> -> memref<128x128xf32, #tpu.memory_space<vmem_shared>>
        %dma_wait3A_151 = arith.constant 0 : i32
        %dma_wait3A_152 = tpu.memref_slice %arg17[%add3A_145, %dma_wait3A_151] : memref<10240x128xf32, #tpu.memory_space<vmem_shared>> -> memref<128x128xf32, #tpu.memory_space<vmem_shared>>
        tpu.wait_dma2 semaphore(%run_scoped3A : memref<!tpu.dma_semaphore, #tpu.memory_space<semaphore_mem>>) src(%dma_wait3A_152 : memref<128x128xf32, #tpu.memory_space<vmem_shared>>) dst(%arg14 : memref<128x128xf32, #tpu.memory_space<vmem>>)
        tpu.yield
      }) : () -> ()
      %add3A_146 = arith.addi %mul3A_0, %add3A_144 : i32
      "tpu.region"() ({
        %run_scoped3A = tpu.sem_alloc : memref<!tpu.dma_semaphore, #tpu.memory_space<semaphore_mem>>
        %dma_start3A = arith.constant 0 : i32
        %dma_start3A_147 = tpu.memref_slice %arg7[%add3A_106, %add3A_146, %dma_start3A] : memref<8x10240x128xf32, #tpu.memory_space<hbm>> -> memref<1x128x128xf32, #tpu.memory_space<hbm>>
        %dma_start3A_148 = tpu.memref_squeeze %dma_start3A_147 : memref<1x128x128xf32, #tpu.memory_space<hbm>> -> memref<128x128xf32, #tpu.memory_space<hbm>>
        %dma_start3A_149 = arith.constant 0 : i32
        %dma_start3A_150 = tpu.memref_slice %arg7[%add3A_106, %add3A_146, %dma_start3A_149] : memref<8x10240x128xf32, #tpu.memory_space<hbm>> -> memref<1x128x128xf32, #tpu.memory_space<hbm>>
        %dma_start3A_151 = tpu.memref_squeeze %dma_start3A_150 : memref<1x128x128xf32, #tpu.memory_space<hbm>> -> memref<128x128xf32, #tpu.memory_space<hbm>>
        tpu.enqueue_dma source(%arg14 : memref<128x128xf32, #tpu.memory_space<vmem>>) target(%dma_start3A_151 : memref<128x128xf32, #tpu.memory_space<hbm>>) target_semaphore(%run_scoped3A : memref<!tpu.dma_semaphore, #tpu.memory_space<semaphore_mem>>)
        %dma_wait3A = arith.constant 0 : i32
        %dma_wait3A_152 = tpu.memref_slice %arg7[%add3A_106, %add3A_146, %dma_wait3A] : memref<8x10240x128xf32, #tpu.memory_space<hbm>> -> memref<1x128x128xf32, #tpu.memory_space<hbm>>
        %dma_wait3A_153 = tpu.memref_squeeze %dma_wait3A_152 : memref<1x128x128xf32, #tpu.memory_space<hbm>> -> memref<128x128xf32, #tpu.memory_space<hbm>>
        %dma_wait3A_154 = arith.constant 0 : i32
        %dma_wait3A_155 = tpu.memref_slice %arg7[%add3A_106, %add3A_146, %dma_wait3A_154] : memref<8x10240x128xf32, #tpu.memory_space<hbm>> -> memref<1x128x128xf32, #tpu.memory_space<hbm>>
        %dma_wait3A_156 = tpu.memref_squeeze %dma_wait3A_155 : memref<1x128x128xf32, #tpu.memory_space<hbm>> -> memref<128x128xf32, #tpu.memory_space<hbm>>
        tpu.wait_dma2 semaphore(%run_scoped3A : memref<!tpu.dma_semaphore, #tpu.memory_space<semaphore_mem>>) src(%arg14 : memref<128x128xf32, #tpu.memory_space<vmem>>) dst(%dma_wait3A_156 : memref<128x128xf32, #tpu.memory_space<hbm>>)
        tpu.yield
      }) : () -> ()
    }
    %scan3A_138 = arith.constant 5 : i32
    %barrier3A_139 = arith.constant 0 : index
    tpu.barrier barrier_id(%barrier3A_139)
    return
  }
}

#map = affine_map<(d0, d1) -> (0)>
module attributes {stable_mosaic.version = 14 : i64} {
  func.func @kfn(%arg0: i32, %arg1: i32, %arg2: memref<163840xf32, #tpu.memory_space<hbm>>, %arg3: memref<163840xf32, #tpu.memory_space<hbm>>, %arg4: memref<256xf32, #tpu.memory_space<hbm>>, %arg5: memref<90112xi32, #tpu.memory_space<hbm>>, %arg6: memref<90112xi32, #tpu.memory_space<hbm>>, %arg7: memref<1441792xf32, #tpu.memory_space<hbm>>, %arg8: memref<327680xf32, #tpu.memory_space<hbm>>, %arg9: memref<10240xf32, #tpu.memory_space<vmem>>, %arg10: memref<10240xf32, #tpu.memory_space<vmem>>, %arg11: memref<10240xf32, #tpu.memory_space<vmem>>, %arg12: memref<16xf32, #tpu.memory_space<vmem>>, %arg13: memref<2816xi32, #tpu.memory_space<vmem>>, %arg14: memref<2816xi32, #tpu.memory_space<vmem>>, %arg15: memref<2816xf32, #tpu.memory_space<vmem>>) attributes {dimension_semantics = [#tpu.dimension_semantics<core_parallel>, #tpu.dimension_semantics<subcore_parallel>], iteration_bounds = array<i64: 2, 16>, scalar_prefetch = 0 : i64, scratch_operands = 7 : i64, tpu.core_type = #tpu.core_type<sc_vector_subcore>, window_params = [{transform_indices = #map}, {transform_indices = #map}, {transform_indices = #map}, {transform_indices = #map}, {transform_indices = #map}, {transform_indices = #map}, {transform_indices = #map}]} {
    %mul3A = arith.constant 10240 : i32
    %mul3A_0 = arith.muli %arg1, %mul3A : i32
    "tpu.region"() ({
      %run_scoped3A = tpu.sem_alloc : memref<!tpu.dma_semaphore, #tpu.memory_space<semaphore_mem>>
      %dma_start3A = tpu.memref_slice %arg2[%mul3A_0] : memref<163840xf32, #tpu.memory_space<hbm>> -> memref<10240xf32, #tpu.memory_space<hbm>>
      %dma_start3A_21 = tpu.memref_slice %arg2[%mul3A_0] : memref<163840xf32, #tpu.memory_space<hbm>> -> memref<10240xf32, #tpu.memory_space<hbm>>
      tpu.enqueue_dma source(%dma_start3A_21 : memref<10240xf32, #tpu.memory_space<hbm>>) target(%arg9 : memref<10240xf32, #tpu.memory_space<vmem>>) target_semaphore(%run_scoped3A : memref<!tpu.dma_semaphore, #tpu.memory_space<semaphore_mem>>)
      %dma_wait3A = tpu.memref_slice %arg2[%mul3A_0] : memref<163840xf32, #tpu.memory_space<hbm>> -> memref<10240xf32, #tpu.memory_space<hbm>>
      %dma_wait3A_22 = tpu.memref_slice %arg2[%mul3A_0] : memref<163840xf32, #tpu.memory_space<hbm>> -> memref<10240xf32, #tpu.memory_space<hbm>>
      tpu.wait_dma2 semaphore(%run_scoped3A : memref<!tpu.dma_semaphore, #tpu.memory_space<semaphore_mem>>) src(%dma_wait3A_22 : memref<10240xf32, #tpu.memory_space<hbm>>) dst(%arg9 : memref<10240xf32, #tpu.memory_space<vmem>>)
      tpu.yield
    }) : () -> ()
    %mul3A_1 = arith.constant 10240 : i32
    %mul3A_2 = arith.muli %arg1, %mul3A_1 : i32
    "tpu.region"() ({
      %run_scoped3A = tpu.sem_alloc : memref<!tpu.dma_semaphore, #tpu.memory_space<semaphore_mem>>
      %dma_start3A = tpu.memref_slice %arg3[%mul3A_2] : memref<163840xf32, #tpu.memory_space<hbm>> -> memref<10240xf32, #tpu.memory_space<hbm>>
      %dma_start3A_21 = tpu.memref_slice %arg3[%mul3A_2] : memref<163840xf32, #tpu.memory_space<hbm>> -> memref<10240xf32, #tpu.memory_space<hbm>>
      tpu.enqueue_dma source(%dma_start3A_21 : memref<10240xf32, #tpu.memory_space<hbm>>) target(%arg10 : memref<10240xf32, #tpu.memory_space<vmem>>) target_semaphore(%run_scoped3A : memref<!tpu.dma_semaphore, #tpu.memory_space<semaphore_mem>>)
      %dma_wait3A = tpu.memref_slice %arg3[%mul3A_2] : memref<163840xf32, #tpu.memory_space<hbm>> -> memref<10240xf32, #tpu.memory_space<hbm>>
      %dma_wait3A_22 = tpu.memref_slice %arg3[%mul3A_2] : memref<163840xf32, #tpu.memory_space<hbm>> -> memref<10240xf32, #tpu.memory_space<hbm>>
      tpu.wait_dma2 semaphore(%run_scoped3A : memref<!tpu.dma_semaphore, #tpu.memory_space<semaphore_mem>>) src(%dma_wait3A_22 : memref<10240xf32, #tpu.memory_space<hbm>>) dst(%arg10 : memref<10240xf32, #tpu.memory_space<vmem>>)
      tpu.yield
    }) : () -> ()
    %mul3A_3 = arith.constant 16 : i32
    %mul3A_4 = arith.muli %arg1, %mul3A_3 : i32
    "tpu.region"() ({
      %run_scoped3A = tpu.sem_alloc : memref<!tpu.dma_semaphore, #tpu.memory_space<semaphore_mem>>
      %dma_start3A = tpu.memref_slice %arg4[%mul3A_4] : memref<256xf32, #tpu.memory_space<hbm>> -> memref<16xf32, #tpu.memory_space<hbm>>
      %dma_start3A_21 = tpu.memref_slice %arg4[%mul3A_4] : memref<256xf32, #tpu.memory_space<hbm>> -> memref<16xf32, #tpu.memory_space<hbm>>
      tpu.enqueue_dma source(%dma_start3A_21 : memref<16xf32, #tpu.memory_space<hbm>>) target(%arg12 : memref<16xf32, #tpu.memory_space<vmem>>) target_semaphore(%run_scoped3A : memref<!tpu.dma_semaphore, #tpu.memory_space<semaphore_mem>>)
      %dma_wait3A = tpu.memref_slice %arg4[%mul3A_4] : memref<256xf32, #tpu.memory_space<hbm>> -> memref<16xf32, #tpu.memory_space<hbm>>
      %dma_wait3A_22 = tpu.memref_slice %arg4[%mul3A_4] : memref<256xf32, #tpu.memory_space<hbm>> -> memref<16xf32, #tpu.memory_space<hbm>>
      tpu.wait_dma2 semaphore(%run_scoped3A : memref<!tpu.dma_semaphore, #tpu.memory_space<semaphore_mem>>) src(%dma_wait3A_22 : memref<16xf32, #tpu.memory_space<hbm>>) dst(%arg12 : memref<16xf32, #tpu.memory_space<vmem>>)
      tpu.yield
    }) : () -> ()
    %get3A = arith.constant 0 : index
    %get3A_5 = tpu.vector_load %arg12[%get3A] {strides = array<i32>} : memref<16xf32, #tpu.memory_space<vmem>>, vector<16xf32>,
    %scan3A = arith.constant 0 : i32
    %scan3A_6 = arith.constant 640 : i32
    %scan3A_7 = arith.addi %scan3A, %scan3A_6 : i32
    %scan3A_8 = arith.constant 1 : i32
    scf.for %scan3A_21 = %scan3A to %scan3A_7 step %scan3A_8  : i32 {
      %mul3A_22 = arith.constant 16 : i32
      %mul3A_23 = arith.muli %scan3A_21, %mul3A_22 : i32
      %add3A_24 = arith.constant 0 : i32
      %add3A_25 = arith.addi %add3A_24, %mul3A_23 : i32
      %broadcast_in_dim3A = arith.constant 0.000000e+00 : f32
      %broadcast_in_dim3A_26 = vector.broadcast %broadcast_in_dim3A : f32 to vector<16xf32>
      %swap3A = arith.index_cast %add3A_25 : i32 to index
      %swap3A_27 = tpu.vector_load %arg11[%swap3A] {strides = array<i32>} : memref<10240xf32, #tpu.memory_space<vmem>>, vector<16xf32>,
      tpu.vector_store %arg11[%swap3A], %broadcast_in_dim3A_26 {strides = array<i32>} : memref<10240xf32, #tpu.memory_space<vmem>>, vector<16xf32>,
    }
    %scan3A_9 = arith.constant 640 : i32
    %mul3A_10 = arith.constant 45056 : i32
    %mul3A_11 = arith.muli %arg0, %mul3A_10 : i32
    %scan3A_12 = arith.constant 0 : i32
    %scan3A_13 = arith.constant 16 : i32
    %scan3A_14 = arith.addi %scan3A_12, %scan3A_13 : i32
    %scan3A_15 = arith.constant 1 : i32
    scf.for %scan3A_21 = %scan3A_12 to %scan3A_14 step %scan3A_15  : i32 {
      %mul3A_22 = arith.constant 2816 : i32
      %mul3A_23 = arith.muli %scan3A_21, %mul3A_22 : i32
      %add3A_24 = arith.constant 0 : i32
      %add3A_25 = arith.addi %add3A_24, %mul3A_23 : i32
      %add3A_26 = arith.addi %mul3A_11, %add3A_25 : i32
      "tpu.region"() ({
        %run_scoped3A = tpu.sem_alloc : memref<!tpu.dma_semaphore, #tpu.memory_space<semaphore_mem>>
        %dma_start3A = tpu.memref_slice %arg5[%add3A_26] : memref<90112xi32, #tpu.memory_space<hbm>> -> memref<2816xi32, #tpu.memory_space<hbm>>
        %dma_start3A_37 = tpu.memref_slice %arg5[%add3A_26] : memref<90112xi32, #tpu.memory_space<hbm>> -> memref<2816xi32, #tpu.memory_space<hbm>>
        tpu.enqueue_dma source(%dma_start3A_37 : memref<2816xi32, #tpu.memory_space<hbm>>) target(%arg13 : memref<2816xi32, #tpu.memory_space<vmem>>) target_semaphore(%run_scoped3A : memref<!tpu.dma_semaphore, #tpu.memory_space<semaphore_mem>>)
        %dma_wait3A = tpu.memref_slice %arg5[%add3A_26] : memref<90112xi32, #tpu.memory_space<hbm>> -> memref<2816xi32, #tpu.memory_space<hbm>>
        %dma_wait3A_38 = tpu.memref_slice %arg5[%add3A_26] : memref<90112xi32, #tpu.memory_space<hbm>> -> memref<2816xi32, #tpu.memory_space<hbm>>
        tpu.wait_dma2 semaphore(%run_scoped3A : memref<!tpu.dma_semaphore, #tpu.memory_space<semaphore_mem>>) src(%dma_wait3A_38 : memref<2816xi32, #tpu.memory_space<hbm>>) dst(%arg13 : memref<2816xi32, #tpu.memory_space<vmem>>)
        tpu.yield
      }) : () -> ()
      %add3A_27 = arith.addi %mul3A_11, %add3A_25 : i32
      "tpu.region"() ({
        %run_scoped3A = tpu.sem_alloc : memref<!tpu.dma_semaphore, #tpu.memory_space<semaphore_mem>>
        %dma_start3A = tpu.memref_slice %arg6[%add3A_27] : memref<90112xi32, #tpu.memory_space<hbm>> -> memref<2816xi32, #tpu.memory_space<hbm>>
        %dma_start3A_37 = tpu.memref_slice %arg6[%add3A_27] : memref<90112xi32, #tpu.memory_space<hbm>> -> memref<2816xi32, #tpu.memory_space<hbm>>
        tpu.enqueue_dma source(%dma_start3A_37 : memref<2816xi32, #tpu.memory_space<hbm>>) target(%arg14 : memref<2816xi32, #tpu.memory_space<vmem>>) target_semaphore(%run_scoped3A : memref<!tpu.dma_semaphore, #tpu.memory_space<semaphore_mem>>)
        %dma_wait3A = tpu.memref_slice %arg6[%add3A_27] : memref<90112xi32, #tpu.memory_space<hbm>> -> memref<2816xi32, #tpu.memory_space<hbm>>
        %dma_wait3A_38 = tpu.memref_slice %arg6[%add3A_27] : memref<90112xi32, #tpu.memory_space<hbm>> -> memref<2816xi32, #tpu.memory_space<hbm>>
        tpu.wait_dma2 semaphore(%run_scoped3A : memref<!tpu.dma_semaphore, #tpu.memory_space<semaphore_mem>>) src(%dma_wait3A_38 : memref<2816xi32, #tpu.memory_space<hbm>>) dst(%arg14 : memref<2816xi32, #tpu.memory_space<vmem>>)
        tpu.yield
      }) : () -> ()
      %scan3A_28 = arith.constant 0 : i32
      %scan3A_29 = arith.constant 176 : i32
      %scan3A_30 = arith.addi %scan3A_28, %scan3A_29 : i32
      %scan3A_31 = arith.constant 1 : i32
      scf.for %scan3A_37 = %scan3A_28 to %scan3A_30 step %scan3A_31  : i32 {
        %mul3A_38 = arith.constant 16 : i32
        %mul3A_39 = arith.muli %scan3A_37, %mul3A_38 : i32
        %add3A_40 = arith.constant 0 : i32
        %add3A_41 = arith.addi %add3A_40, %mul3A_39 : i32
        %get3A_42 = arith.index_cast %add3A_41 : i32 to index
        %get3A_43 = tpu.vector_load %arg13[%get3A_42] {strides = array<i32>} : memref<2816xi32, #tpu.memory_space<vmem>>, vector<16xi32>,
        %get3A_44 = arith.index_cast %add3A_41 : i32 to index
        %get3A_45 = tpu.vector_load %arg14[%get3A_44] {strides = array<i32>} : memref<2816xi32, #tpu.memory_space<vmem>>, vector<16xi32>,
        %gather3A = tpu.vector_load_idx %arg9[%get3A_43] : memref<10240xf32, #tpu.memory_space<vmem>>[vector<16xi32>], vector<16xf32>,
        %gather3A_46 = tpu.vector_load_idx %arg10[%get3A_45] : memref<10240xf32, #tpu.memory_space<vmem>>[vector<16xi32>], vector<16xf32>,
        %add3A_47 = arith.addf %gather3A, %gather3A_46 : vector<16xf32>
        %ge3A = arith.constant 0.000000e+00 : f32
        %ge3A_48 = vector.broadcast %ge3A : f32 to vector<16xf32>
        %ge3A_49 = arith.cmpf oge, %add3A_47, %ge3A_48 : vector<16xf32>
        %mul3A_50 = arith.constant 2.000000e-01 : f32
        %mul3A_51 = vector.broadcast %mul3A_50 : f32 to vector<16xf32>
        %mul3A_52 = arith.mulf %mul3A_51, %add3A_47 : vector<16xf32>
        %select_n3A = arith.select %ge3A_49, %add3A_47, %mul3A_52 : vector<16xi1>, vector<16xf32>
        %sub3A = arith.subf %select_n3A, %get3A_5 : vector<16xf32>
        %exp3A = math.exp %sub3A : vector<16xf32>
        %swap3A = arith.index_cast %add3A_41 : i32 to index
        %swap3A_53 = tpu.vector_load %arg15[%swap3A] {strides = array<i32>} : memref<2816xf32, #tpu.memory_space<vmem>>, vector<16xf32>,
        tpu.vector_store %arg15[%swap3A], %exp3A {strides = array<i32>} : memref<2816xf32, #tpu.memory_space<vmem>>, vector<16xf32>,
        tpu.vector_store_idx %arg11[%get3A_45], %exp3A {add = true} : memref<10240xf32, #tpu.memory_space<vmem>>[vector<16xi32>], vector<16xf32>,
      }
      %scan3A_32 = arith.constant 176 : i32
      %mul3A_33 = arith.constant 90112 : i32
      %mul3A_34 = arith.muli %arg1, %mul3A_33 : i32
      %add3A_35 = arith.addi %mul3A_34, %mul3A_11 : i32
      %add3A_36 = arith.addi %add3A_35, %add3A_25 : i32
      "tpu.region"() ({
        %run_scoped3A = tpu.sem_alloc : memref<!tpu.dma_semaphore, #tpu.memory_space<semaphore_mem>>
        %dma_start3A = tpu.memref_slice %arg7[%add3A_36] : memref<1441792xf32, #tpu.memory_space<hbm>> -> memref<2816xf32, #tpu.memory_space<hbm>>
        %dma_start3A_37 = tpu.memref_slice %arg7[%add3A_36] : memref<1441792xf32, #tpu.memory_space<hbm>> -> memref<2816xf32, #tpu.memory_space<hbm>>
        tpu.enqueue_dma source(%arg15 : memref<2816xf32, #tpu.memory_space<vmem>>) target(%dma_start3A_37 : memref<2816xf32, #tpu.memory_space<hbm>>) target_semaphore(%run_scoped3A : memref<!tpu.dma_semaphore, #tpu.memory_space<semaphore_mem>>)
        %dma_wait3A = tpu.memref_slice %arg7[%add3A_36] : memref<1441792xf32, #tpu.memory_space<hbm>> -> memref<2816xf32, #tpu.memory_space<hbm>>
        %dma_wait3A_38 = tpu.memref_slice %arg7[%add3A_36] : memref<1441792xf32, #tpu.memory_space<hbm>> -> memref<2816xf32, #tpu.memory_space<hbm>>
        tpu.wait_dma2 semaphore(%run_scoped3A : memref<!tpu.dma_semaphore, #tpu.memory_space<semaphore_mem>>) src(%arg15 : memref<2816xf32, #tpu.memory_space<vmem>>) dst(%dma_wait3A_38 : memref<2816xf32, #tpu.memory_space<hbm>>)
        tpu.yield
      }) : () -> ()
    }
    %scan3A_16 = arith.constant 16 : i32
    %mul3A_17 = arith.constant 16 : i32
    %mul3A_18 = arith.muli %arg0, %mul3A_17 : i32
    %add3A = arith.addi %mul3A_18, %arg1 : i32
    %mul3A_19 = arith.constant 10240 : i32
    %mul3A_20 = arith.muli %add3A, %mul3A_19 : i32
    "tpu.region"() ({
      %run_scoped3A = tpu.sem_alloc : memref<!tpu.dma_semaphore, #tpu.memory_space<semaphore_mem>>
      %dma_start3A = tpu.memref_slice %arg8[%mul3A_20] : memref<327680xf32, #tpu.memory_space<hbm>> -> memref<10240xf32, #tpu.memory_space<hbm>>
      %dma_start3A_21 = tpu.memref_slice %arg8[%mul3A_20] : memref<327680xf32, #tpu.memory_space<hbm>> -> memref<10240xf32, #tpu.memory_space<hbm>>
      tpu.enqueue_dma source(%arg11 : memref<10240xf32, #tpu.memory_space<vmem>>) target(%dma_start3A_21 : memref<10240xf32, #tpu.memory_space<hbm>>) target_semaphore(%run_scoped3A : memref<!tpu.dma_semaphore, #tpu.memory_space<semaphore_mem>>)
      %dma_wait3A = tpu.memref_slice %arg8[%mul3A_20] : memref<327680xf32, #tpu.memory_space<hbm>> -> memref<10240xf32, #tpu.memory_space<hbm>>
      %dma_wait3A_22 = tpu.memref_slice %arg8[%mul3A_20] : memref<327680xf32, #tpu.memory_space<hbm>> -> memref<10240xf32, #tpu.memory_space<hbm>>
      tpu.wait_dma2 semaphore(%run_scoped3A : memref<!tpu.dma_semaphore, #tpu.memory_space<semaphore_mem>>) src(%arg11 : memref<10240xf32, #tpu.memory_space<vmem>>) dst(%dma_wait3A_22 : memref<10240xf32, #tpu.memory_space<hbm>>)
      tpu.yield
    }) : () -> ()
    return
  }
}

module attributes {stable_mosaic.version = 14 : i64} {
  func.func @_stage1_body(%arg0: i32, %arg1: memref<400x1024xf32, #tpu.memory_space<vmem>>, %arg2: memref<1024x1024xf32, #tpu.memory_space<vmem>>, %arg3: memref<1024x32xf32, #tpu.memory_space<vmem>>, %arg4: memref<8x400x128xf32, #tpu.memory_space<vmem>>, %arg5: memref<400x32xf32, #tpu.memory_space<vmem>>, %arg6: memref<1x32xf32, #tpu.memory_space<vmem>>, %arg7: memref<1x32xf32, #tpu.memory_space<vmem>>) attributes {dimension_semantics = [#tpu.dimension_semantics<arbitrary>], iteration_bounds = array<i64: 25>, scalar_prefetch = 0 : i64, scratch_operands = 1 : i64, tpu.core_type = #tpu.core_type<tc>, window_params = [{transform_indices = @transform_0, window_bounds = array<i64: 400, 1024>}, {pipeline_mode = #tpu.pipeline_mode<synchronous>, transform_indices = @transform_1, window_bounds = array<i64: 1024, 1024>}, {pipeline_mode = #tpu.pipeline_mode<synchronous>, transform_indices = @transform_2, window_bounds = array<i64: 1024, 32>}, {transform_indices = @transform_3, window_bounds = array<i64: 8, 400, 128>}, {transform_indices = @transform_4, window_bounds = array<i64: 400, 32>}, {pipeline_mode = #tpu.pipeline_mode<synchronous>, transform_indices = @transform_5, window_bounds = array<i64: 1, 32>}]} {
    %get3A = arith.constant 0 : index
    %get3A_0 = arith.constant 0 : index
    %get3A_1 = vector.load %arg1[%get3A, %get3A_0] : memref<400x1024xf32, #tpu.memory_space<vmem>>, vector<400x1024xf32>
    %get3A_2 = arith.constant 0 : index
    %get3A_3 = arith.constant 0 : index
    %get3A_4 = vector.load %arg2[%get3A_2, %get3A_3] : memref<1024x1024xf32, #tpu.memory_space<vmem>>, vector<1024x1024xf32>
    %dot_general3A = arith.constant dense<0.000000e+00> : vector<400x1024xf32>
    %dot_general3A_5 = tpu.matmul %get3A_1, %get3A_4, %dot_general3A {dimension_numbers = #tpu.dot_dimension_numbers<[1], [0], [0], [1], [0, 0, 1, 1], [], []>, transpose_lhs_hint = false} : vector<400x1024xf32>, vector<1024x1024xf32>, vector<400x1024xf32> -> vector<400x1024xf32>
    %slice3A = vector.extract_strided_slice %dot_general3A_5 {offsets = [0, 0], sizes = [400, 128], strides = [1, 1]} : vector<400x1024xf32> to vector<400x128xf32>
    %swap3A = arith.constant 0 : index
    %swap3A_6 = arith.constant 0 : index
    %swap3A_7 = arith.constant 0 : index
    %swap3A_8 = vector.load %arg4[%swap3A, %swap3A_6, %swap3A_7] : memref<8x400x128xf32, #tpu.memory_space<vmem>>, vector<1x400x128xf32>
    %swap3A_9 = vector.shape_cast %swap3A_8 : vector<1x400x128xf32> to vector<400x128xf32>
    %swap3A_10 = vector.shape_cast %slice3A : vector<400x128xf32> to vector<1x400x128xf32>
    tpu.vector_store %arg4[%swap3A, %swap3A_6, %swap3A_7], %swap3A_10 {strides = array<i32>} : memref<8x400x128xf32, #tpu.memory_space<vmem>>, vector<1x400x128xf32>,
    %slice3A_11 = vector.extract_strided_slice %dot_general3A_5 {offsets = [0, 128], sizes = [400, 128], strides = [1, 1]} : vector<400x1024xf32> to vector<400x128xf32>
    %swap3A_12 = arith.constant 1 : index
    %swap3A_13 = arith.constant 0 : index
    %swap3A_14 = arith.constant 0 : index
    %swap3A_15 = vector.load %arg4[%swap3A_12, %swap3A_13, %swap3A_14] : memref<8x400x128xf32, #tpu.memory_space<vmem>>, vector<1x400x128xf32>
    %swap3A_16 = vector.shape_cast %swap3A_15 : vector<1x400x128xf32> to vector<400x128xf32>
    %swap3A_17 = vector.shape_cast %slice3A_11 : vector<400x128xf32> to vector<1x400x128xf32>
    tpu.vector_store %arg4[%swap3A_12, %swap3A_13, %swap3A_14], %swap3A_17 {strides = array<i32>} : memref<8x400x128xf32, #tpu.memory_space<vmem>>, vector<1x400x128xf32>,
    %slice3A_18 = vector.extract_strided_slice %dot_general3A_5 {offsets = [0, 256], sizes = [400, 128], strides = [1, 1]} : vector<400x1024xf32> to vector<400x128xf32>
    %swap3A_19 = arith.constant 2 : index
    %swap3A_20 = arith.constant 0 : index
    %swap3A_21 = arith.constant 0 : index
    %swap3A_22 = vector.load %arg4[%swap3A_19, %swap3A_20, %swap3A_21] : memref<8x400x128xf32, #tpu.memory_space<vmem>>, vector<1x400x128xf32>
    %swap3A_23 = vector.shape_cast %swap3A_22 : vector<1x400x128xf32> to vector<400x128xf32>
    %swap3A_24 = vector.shape_cast %slice3A_18 : vector<400x128xf32> to vector<1x400x128xf32>
    tpu.vector_store %arg4[%swap3A_19, %swap3A_20, %swap3A_21], %swap3A_24 {strides = array<i32>} : memref<8x400x128xf32, #tpu.memory_space<vmem>>, vector<1x400x128xf32>,
    %slice3A_25 = vector.extract_strided_slice %dot_general3A_5 {offsets = [0, 384], sizes = [400, 128], strides = [1, 1]} : vector<400x1024xf32> to vector<400x128xf32>
    %swap3A_26 = arith.constant 3 : index
    %swap3A_27 = arith.constant 0 : index
    %swap3A_28 = arith.constant 0 : index
    %swap3A_29 = vector.load %arg4[%swap3A_26, %swap3A_27, %swap3A_28] : memref<8x400x128xf32, #tpu.memory_space<vmem>>, vector<1x400x128xf32>
    %swap3A_30 = vector.shape_cast %swap3A_29 : vector<1x400x128xf32> to vector<400x128xf32>
    %swap3A_31 = vector.shape_cast %slice3A_25 : vector<400x128xf32> to vector<1x400x128xf32>
    tpu.vector_store %arg4[%swap3A_26, %swap3A_27, %swap3A_28], %swap3A_31 {strides = array<i32>} : memref<8x400x128xf32, #tpu.memory_space<vmem>>, vector<1x400x128xf32>,
    %slice3A_32 = vector.extract_strided_slice %dot_general3A_5 {offsets = [0, 512], sizes = [400, 128], strides = [1, 1]} : vector<400x1024xf32> to vector<400x128xf32>
    %swap3A_33 = arith.constant 4 : index
    %swap3A_34 = arith.constant 0 : index
    %swap3A_35 = arith.constant 0 : index
    %swap3A_36 = vector.load %arg4[%swap3A_33, %swap3A_34, %swap3A_35] : memref<8x400x128xf32, #tpu.memory_space<vmem>>, vector<1x400x128xf32>
    %swap3A_37 = vector.shape_cast %swap3A_36 : vector<1x400x128xf32> to vector<400x128xf32>
    %swap3A_38 = vector.shape_cast %slice3A_32 : vector<400x128xf32> to vector<1x400x128xf32>
    tpu.vector_store %arg4[%swap3A_33, %swap3A_34, %swap3A_35], %swap3A_38 {strides = array<i32>} : memref<8x400x128xf32, #tpu.memory_space<vmem>>, vector<1x400x128xf32>,
    %slice3A_39 = vector.extract_strided_slice %dot_general3A_5 {offsets = [0, 640], sizes = [400, 128], strides = [1, 1]} : vector<400x1024xf32> to vector<400x128xf32>
    %swap3A_40 = arith.constant 5 : index
    %swap3A_41 = arith.constant 0 : index
    %swap3A_42 = arith.constant 0 : index
    %swap3A_43 = vector.load %arg4[%swap3A_40, %swap3A_41, %swap3A_42] : memref<8x400x128xf32, #tpu.memory_space<vmem>>, vector<1x400x128xf32>
    %swap3A_44 = vector.shape_cast %swap3A_43 : vector<1x400x128xf32> to vector<400x128xf32>
    %swap3A_45 = vector.shape_cast %slice3A_39 : vector<400x128xf32> to vector<1x400x128xf32>
    tpu.vector_store %arg4[%swap3A_40, %swap3A_41, %swap3A_42], %swap3A_45 {strides = array<i32>} : memref<8x400x128xf32, #tpu.memory_space<vmem>>, vector<1x400x128xf32>,
    %slice3A_46 = vector.extract_strided_slice %dot_general3A_5 {offsets = [0, 768], sizes = [400, 128], strides = [1, 1]} : vector<400x1024xf32> to vector<400x128xf32>
    %swap3A_47 = arith.constant 6 : index
    %swap3A_48 = arith.constant 0 : index
    %swap3A_49 = arith.constant 0 : index
    %swap3A_50 = vector.load %arg4[%swap3A_47, %swap3A_48, %swap3A_49] : memref<8x400x128xf32, #tpu.memory_space<vmem>>, vector<1x400x128xf32>
    %swap3A_51 = vector.shape_cast %swap3A_50 : vector<1x400x128xf32> to vector<400x128xf32>
    %swap3A_52 = vector.shape_cast %slice3A_46 : vector<400x128xf32> to vector<1x400x128xf32>
    tpu.vector_store %arg4[%swap3A_47, %swap3A_48, %swap3A_49], %swap3A_52 {strides = array<i32>} : memref<8x400x128xf32, #tpu.memory_space<vmem>>, vector<1x400x128xf32>,
    %slice3A_53 = vector.extract_strided_slice %dot_general3A_5 {offsets = [0, 896], sizes = [400, 128], strides = [1, 1]} : vector<400x1024xf32> to vector<400x128xf32>
    %swap3A_54 = arith.constant 7 : index
    %swap3A_55 = arith.constant 0 : index
    %swap3A_56 = arith.constant 0 : index
    %swap3A_57 = vector.load %arg4[%swap3A_54, %swap3A_55, %swap3A_56] : memref<8x400x128xf32, #tpu.memory_space<vmem>>, vector<1x400x128xf32>
    %swap3A_58 = vector.shape_cast %swap3A_57 : vector<1x400x128xf32> to vector<400x128xf32>
    %swap3A_59 = vector.shape_cast %slice3A_53 : vector<400x128xf32> to vector<1x400x128xf32>
    tpu.vector_store %arg4[%swap3A_54, %swap3A_55, %swap3A_56], %swap3A_59 {strides = array<i32>} : memref<8x400x128xf32, #tpu.memory_space<vmem>>, vector<1x400x128xf32>,
    %get3A_60 = arith.constant 0 : index
    %get3A_61 = arith.constant 0 : index
    %get3A_62 = vector.load %arg3[%get3A_60, %get3A_61] : memref<1024x32xf32, #tpu.memory_space<vmem>>, vector<1024x32xf32>
    %dot_general3A_63 = arith.constant dense<0.000000e+00> : vector<400x32xf32>
    %dot_general3A_64 = tpu.matmul %dot_general3A_5, %get3A_62, %dot_general3A_63 {dimension_numbers = #tpu.dot_dimension_numbers<[1], [0], [0], [1], [0, 0, 1, 1], [], []>, transpose_lhs_hint = false} : vector<400x1024xf32>, vector<1024x32xf32>, vector<400x32xf32> -> vector<400x32xf32>
    %swap3A_65 = arith.constant 0 : index
    %swap3A_66 = arith.constant 0 : index
    %swap3A_67 = vector.load %arg5[%swap3A_65, %swap3A_66] : memref<400x32xf32, #tpu.memory_space<vmem>>, vector<400x32xf32>
    tpu.vector_store %arg5[%swap3A_65, %swap3A_66], %dot_general3A_64 {strides = array<i32>} : memref<400x32xf32, #tpu.memory_space<vmem>>, vector<400x32xf32>,
    %reduce_max3A = arith.constant dense<0xFF800000> : vector<32xf32>
    %reduce_max3A_68 = vector.multi_reduction <maximumf>, %dot_general3A_64, %reduce_max3A [0] : vector<400x32xf32> to vector<32xf32>
    %broadcast_in_dim3A = vector.shape_cast %reduce_max3A_68 : vector<32xf32> to vector<1x32xf32>
    %eq3A = arith.constant 0 : i32
    %eq3A_69 = arith.cmpi eq, %arg0, %eq3A : i32
    %convert_element_type3A = arith.extui %eq3A_69 : i1 to i32
    %cond3A = arith.constant 0 : i32
    %cond3A_70 = arith.cmpi ne, %convert_element_type3A, %cond3A : i32
    scf.if %cond3A_70 {
      %swap3A_80 = arith.constant 0 : index
      %swap3A_81 = arith.constant 0 : index
      %swap3A_82 = vector.load %arg7[%swap3A_80, %swap3A_81] : memref<1x32xf32, #tpu.memory_space<vmem>>, vector<1x32xf32>
      tpu.vector_store %arg7[%swap3A_80, %swap3A_81], %broadcast_in_dim3A {strides = array<i32>} : memref<1x32xf32, #tpu.memory_space<vmem>>, vector<1x32xf32>,
    } else {
    }
    %gt3A = arith.constant 0 : i32
    %gt3A_71 = arith.cmpi sgt, %arg0, %gt3A : i32
    %convert_element_type3A_72 = arith.extui %gt3A_71 : i1 to i32
    %cond3A_73 = arith.constant 0 : i32
    %cond3A_74 = arith.cmpi ne, %convert_element_type3A_72, %cond3A_73 : i32
    scf.if %cond3A_74 {
      %get3A_80 = arith.constant 0 : index
      %get3A_81 = arith.constant 0 : index
      %get3A_82 = vector.load %arg7[%get3A_80, %get3A_81] : memref<1x32xf32, #tpu.memory_space<vmem>>, vector<1x32xf32>
      %max3A = arith.maximumf %get3A_82, %broadcast_in_dim3A : vector<1x32xf32>
      %swap3A_83 = arith.constant 0 : index
      %swap3A_84 = arith.constant 0 : index
      %swap3A_85 = vector.load %arg7[%swap3A_83, %swap3A_84] : memref<1x32xf32, #tpu.memory_space<vmem>>, vector<1x32xf32>
      tpu.vector_store %arg7[%swap3A_83, %swap3A_84], %max3A {strides = array<i32>} : memref<1x32xf32, #tpu.memory_space<vmem>>, vector<1x32xf32>,
    } else {
    }
    %eq3A_75 = arith.constant 24 : i32
    %eq3A_76 = arith.cmpi eq, %arg0, %eq3A_75 : i32
    %convert_element_type3A_77 = arith.extui %eq3A_76 : i1 to i32
    %cond3A_78 = arith.constant 0 : i32
    %cond3A_79 = arith.cmpi ne, %convert_element_type3A_77, %cond3A_78 : i32
    scf.if %cond3A_79 {
      %get3A_80 = arith.constant 0 : index
      %get3A_81 = arith.constant 0 : index
      %get3A_82 = vector.load %arg7[%get3A_80, %get3A_81] : memref<1x32xf32, #tpu.memory_space<vmem>>, vector<1x32xf32>
      %swap3A_83 = arith.constant 0 : index
      %swap3A_84 = arith.constant 0 : index
      %swap3A_85 = vector.load %arg6[%swap3A_83, %swap3A_84] : memref<1x32xf32, #tpu.memory_space<vmem>>, vector<1x32xf32>
      tpu.vector_store %arg6[%swap3A_83, %swap3A_84], %get3A_82 {strides = array<i32>} : memref<1x32xf32, #tpu.memory_space<vmem>>, vector<1x32xf32>,
    } else {
    }
    return
  }
  func.func @transform_0(%arg0: i32) -> (i32, i32) {
    %c0_i32 = arith.constant 0 : i32
    %c0_i32_0 = arith.constant 0 : i32
    return %arg0, %c0_i32 : i32, i32
  }
  func.func @transform_1(%arg0: i32) -> (i32, i32) {
    %c0_i32 = arith.constant 0 : i32
    %c0_i32_0 = arith.constant 0 : i32
    %c0_i32_1 = arith.constant 0 : i32
    return %c0_i32, %c0_i32_0 : i32, i32
  }
  func.func @transform_2(%arg0: i32) -> (i32, i32) {
    %c0_i32 = arith.constant 0 : i32
    %c0_i32_0 = arith.constant 0 : i32
    %c0_i32_1 = arith.constant 0 : i32
    return %c0_i32, %c0_i32_0 : i32, i32
  }
  func.func @transform_3(%arg0: i32) -> (i32, i32, i32) {
    %c0_i32 = arith.constant 0 : i32
    %c0_i32_0 = arith.constant 0 : i32
    %c0_i32_1 = arith.constant 0 : i32
    return %c0_i32, %arg0, %c0_i32_0 : i32, i32, i32
  }
  func.func @transform_4(%arg0: i32) -> (i32, i32) {
    %c0_i32 = arith.constant 0 : i32
    %c0_i32_0 = arith.constant 0 : i32
    return %arg0, %c0_i32 : i32, i32
  }
  func.func @transform_5(%arg0: i32) -> (i32, i32) {
    %c0_i32 = arith.constant 0 : i32
    %c0_i32_0 = arith.constant 0 : i32
    %c0_i32_1 = arith.constant 0 : i32
    return %c0_i32, %c0_i32_0 : i32, i32
  }
}

module attributes {stable_mosaic.version = 14 : i64} {
  func.func @_den_combine_body(%arg0: i32, %arg1: memref<2x128x128xf32, #tpu.memory_space<vmem>>, %arg2: memref<128x128xf32, #tpu.memory_space<vmem>>) attributes {dimension_semantics = [#tpu.dimension_semantics<arbitrary>], iteration_bounds = array<i64: 10>, scalar_prefetch = 0 : i64, scratch_operands = 0 : i64, tpu.core_type = #tpu.core_type<tc>, window_params = [{transform_indices = @transform_0, window_bounds = array<i64: 2, 128, 128>}, {transform_indices = @transform_1, window_bounds = array<i64: 128, 128>}]} {
    %get3A = arith.constant 0 : index
    %get3A_0 = arith.constant 0 : index
    %get3A_1 = arith.constant 0 : index
    %get3A_2 = vector.load %arg1[%get3A, %get3A_0, %get3A_1] : memref<2x128x128xf32, #tpu.memory_space<vmem>>, vector<1x128x128xf32>
    %get3A_3 = vector.shape_cast %get3A_2 : vector<1x128x128xf32> to vector<128x128xf32>
    %get3A_4 = arith.constant 1 : index
    %get3A_5 = arith.constant 0 : index
    %get3A_6 = arith.constant 0 : index
    %get3A_7 = vector.load %arg1[%get3A_4, %get3A_5, %get3A_6] : memref<2x128x128xf32, #tpu.memory_space<vmem>>, vector<1x128x128xf32>
    %get3A_8 = vector.shape_cast %get3A_7 : vector<1x128x128xf32> to vector<128x128xf32>
    %add3A = arith.addf %get3A_3, %get3A_8 : vector<128x128xf32>
    %swap3A = arith.constant 0 : index
    %swap3A_9 = arith.constant 0 : index
    %swap3A_10 = vector.load %arg2[%swap3A, %swap3A_9] : memref<128x128xf32, #tpu.memory_space<vmem>>, vector<128x128xf32>
    tpu.vector_store %arg2[%swap3A, %swap3A_9], %add3A {strides = array<i32>} : memref<128x128xf32, #tpu.memory_space<vmem>>, vector<128x128xf32>,
    return
  }
  func.func @transform_0(%arg0: i32) -> (i32, i32, i32) {
    %c0_i32 = arith.constant 0 : i32
    %c0_i32_0 = arith.constant 0 : i32
    %c0_i32_1 = arith.constant 0 : i32
    return %c0_i32, %arg0, %c0_i32_0 : i32, i32, i32
  }
  func.func @transform_1(%arg0: i32) -> (i32, i32) {
    %c0_i32 = arith.constant 0 : i32
    %c0_i32_0 = arith.constant 0 : i32
    return %arg0, %c0_i32 : i32, i32
  }
}

module attributes {stable_mosaic.version = 14 : i64} {
  func.func @_stage3a_body(%arg0: i32, %arg1: memref<400x1024xf32, #tpu.memory_space<vmem>>, %arg2: memref<8x400x128xf32, #tpu.memory_space<vmem>>, %arg3: memref<8x128xf32, #tpu.memory_space<vmem>>, %arg4: memref<8x128xf32, #tpu.memory_space<vmem>>, %arg5: memref<8x128xf32, #tpu.memory_space<vmem>>, %arg6: memref<8x128xf32, #tpu.memory_space<vmem>>, %arg7: memref<8x128xf32, #tpu.memory_space<vmem>>) attributes {dimension_semantics = [#tpu.dimension_semantics<arbitrary>], iteration_bounds = array<i64: 25>, scalar_prefetch = 0 : i64, scratch_operands = 2 : i64, tpu.core_type = #tpu.core_type<tc>, window_params = [{transform_indices = @transform_0, window_bounds = array<i64: 400, 1024>}, {transform_indices = @transform_1, window_bounds = array<i64: 8, 400, 128>}, {pipeline_mode = #tpu.pipeline_mode<synchronous>, transform_indices = @transform_2, window_bounds = array<i64: 8, 128>}, {pipeline_mode = #tpu.pipeline_mode<synchronous>, transform_indices = @transform_3, window_bounds = array<i64: 8, 128>}, {pipeline_mode = #tpu.pipeline_mode<synchronous>, transform_indices = @transform_4, window_bounds = array<i64: 8, 128>}]} {
    %get3A = arith.constant 0 : index
    %get3A_0 = arith.constant 0 : index
    %get3A_1 = vector.load %arg1[%get3A, %get3A_0] : memref<400x1024xf32, #tpu.memory_space<vmem>>, vector<400x128xf32>
    %get3A_2 = arith.constant 0 : index
    %get3A_3 = arith.constant 0 : index
    %get3A_4 = arith.constant 0 : index
    %get3A_5 = vector.load %arg2[%get3A_2, %get3A_3, %get3A_4] : memref<8x400x128xf32, #tpu.memory_space<vmem>>, vector<1x400x128xf32>
    %get3A_6 = vector.shape_cast %get3A_5 : vector<1x400x128xf32> to vector<400x128xf32>
    %add3A = arith.addf %get3A_1, %get3A_6 : vector<400x128xf32>
    %get3A_7 = arith.constant 0 : index
    %get3A_8 = arith.constant 0 : index
    %get3A_9 = vector.load %arg3[%get3A_7, %get3A_8] : memref<8x128xf32, #tpu.memory_space<vmem>>, vector<1x128xf32>
    %get3A_10 = vector.shape_cast %get3A_9 : vector<1x128xf32> to vector<128xf32>
    %broadcast_in_dim3A = vector.shape_cast %get3A_10 : vector<128xf32> to vector<1x128xf32>
    %add3A_11 = vector.broadcast %broadcast_in_dim3A : vector<1x128xf32> to vector<400x128xf32>
    %add3A_12 = arith.addf %add3A, %add3A_11 : vector<400x128xf32>
    %reduce_sum3A = arith.constant dense<0.000000e+00> : vector<128xf32>
    %reduce_sum3A_13 = vector.multi_reduction <add>, %add3A_12, %reduce_sum3A [0] : vector<400x128xf32> to vector<128xf32>
    %broadcast_in_dim3A_14 = vector.shape_cast %reduce_sum3A_13 : vector<128xf32> to vector<1x128xf32>
    %mul3A = arith.mulf %add3A_12, %add3A_12 : vector<400x128xf32>
    %reduce_sum3A_15 = arith.constant dense<0.000000e+00> : vector<128xf32>
    %reduce_sum3A_16 = vector.multi_reduction <add>, %mul3A, %reduce_sum3A_15 [0] : vector<400x128xf32> to vector<128xf32>
    %broadcast_in_dim3A_17 = vector.shape_cast %reduce_sum3A_16 : vector<128xf32> to vector<1x128xf32>
    %get3A_18 = arith.constant 0 : index
    %get3A_19 = arith.constant 128 : index
    %get3A_20 = vector.load %arg1[%get3A_18, %get3A_19] : memref<400x1024xf32, #tpu.memory_space<vmem>>, vector<400x128xf32>
    %get3A_21 = arith.constant 1 : index
    %get3A_22 = arith.constant 0 : index
    %get3A_23 = arith.constant 0 : index
    %get3A_24 = vector.load %arg2[%get3A_21, %get3A_22, %get3A_23] : memref<8x400x128xf32, #tpu.memory_space<vmem>>, vector<1x400x128xf32>
    %get3A_25 = vector.shape_cast %get3A_24 : vector<1x400x128xf32> to vector<400x128xf32>
    %add3A_26 = arith.addf %get3A_20, %get3A_25 : vector<400x128xf32>
    %get3A_27 = arith.constant 1 : index
    %get3A_28 = arith.constant 0 : index
    %get3A_29 = vector.load %arg3[%get3A_27, %get3A_28] : memref<8x128xf32, #tpu.memory_space<vmem>>, vector<1x128xf32>
    %get3A_30 = vector.shape_cast %get3A_29 : vector<1x128xf32> to vector<128xf32>
    %broadcast_in_dim3A_31 = vector.shape_cast %get3A_30 : vector<128xf32> to vector<1x128xf32>
    %add3A_32 = vector.broadcast %broadcast_in_dim3A_31 : vector<1x128xf32> to vector<400x128xf32>
    %add3A_33 = arith.addf %add3A_26, %add3A_32 : vector<400x128xf32>
    %reduce_sum3A_34 = arith.constant dense<0.000000e+00> : vector<128xf32>
    %reduce_sum3A_35 = vector.multi_reduction <add>, %add3A_33, %reduce_sum3A_34 [0] : vector<400x128xf32> to vector<128xf32>
    %broadcast_in_dim3A_36 = vector.shape_cast %reduce_sum3A_35 : vector<128xf32> to vector<1x128xf32>
    %mul3A_37 = arith.mulf %add3A_33, %add3A_33 : vector<400x128xf32>
    %reduce_sum3A_38 = arith.constant dense<0.000000e+00> : vector<128xf32>
    %reduce_sum3A_39 = vector.multi_reduction <add>, %mul3A_37, %reduce_sum3A_38 [0] : vector<400x128xf32> to vector<128xf32>
    %broadcast_in_dim3A_40 = vector.shape_cast %reduce_sum3A_39 : vector<128xf32> to vector<1x128xf32>
    %get3A_41 = arith.constant 0 : index
    %get3A_42 = arith.constant 256 : index
    %get3A_43 = vector.load %arg1[%get3A_41, %get3A_42] : memref<400x1024xf32, #tpu.memory_space<vmem>>, vector<400x128xf32>
    %get3A_44 = arith.constant 2 : index
    %get3A_45 = arith.constant 0 : index
    %get3A_46 = arith.constant 0 : index
    %get3A_47 = vector.load %arg2[%get3A_44, %get3A_45, %get3A_46] : memref<8x400x128xf32, #tpu.memory_space<vmem>>, vector<1x400x128xf32>
    %get3A_48 = vector.shape_cast %get3A_47 : vector<1x400x128xf32> to vector<400x128xf32>
    %add3A_49 = arith.addf %get3A_43, %get3A_48 : vector<400x128xf32>
    %get3A_50 = arith.constant 2 : index
    %get3A_51 = arith.constant 0 : index
    %get3A_52 = vector.load %arg3[%get3A_50, %get3A_51] : memref<8x128xf32, #tpu.memory_space<vmem>>, vector<1x128xf32>
    %get3A_53 = vector.shape_cast %get3A_52 : vector<1x128xf32> to vector<128xf32>
    %broadcast_in_dim3A_54 = vector.shape_cast %get3A_53 : vector<128xf32> to vector<1x128xf32>
    %add3A_55 = vector.broadcast %broadcast_in_dim3A_54 : vector<1x128xf32> to vector<400x128xf32>
    %add3A_56 = arith.addf %add3A_49, %add3A_55 : vector<400x128xf32>
    %reduce_sum3A_57 = arith.constant dense<0.000000e+00> : vector<128xf32>
    %reduce_sum3A_58 = vector.multi_reduction <add>, %add3A_56, %reduce_sum3A_57 [0] : vector<400x128xf32> to vector<128xf32>
    %broadcast_in_dim3A_59 = vector.shape_cast %reduce_sum3A_58 : vector<128xf32> to vector<1x128xf32>
    %mul3A_60 = arith.mulf %add3A_56, %add3A_56 : vector<400x128xf32>
    %reduce_sum3A_61 = arith.constant dense<0.000000e+00> : vector<128xf32>
    %reduce_sum3A_62 = vector.multi_reduction <add>, %mul3A_60, %reduce_sum3A_61 [0] : vector<400x128xf32> to vector<128xf32>
    %broadcast_in_dim3A_63 = vector.shape_cast %reduce_sum3A_62 : vector<128xf32> to vector<1x128xf32>
    %get3A_64 = arith.constant 0 : index
    %get3A_65 = arith.constant 384 : index
    %get3A_66 = vector.load %arg1[%get3A_64, %get3A_65] : memref<400x1024xf32, #tpu.memory_space<vmem>>, vector<400x128xf32>
    %get3A_67 = arith.constant 3 : index
    %get3A_68 = arith.constant 0 : index
    %get3A_69 = arith.constant 0 : index
    %get3A_70 = vector.load %arg2[%get3A_67, %get3A_68, %get3A_69] : memref<8x400x128xf32, #tpu.memory_space<vmem>>, vector<1x400x128xf32>
    %get3A_71 = vector.shape_cast %get3A_70 : vector<1x400x128xf32> to vector<400x128xf32>
    %add3A_72 = arith.addf %get3A_66, %get3A_71 : vector<400x128xf32>
    %get3A_73 = arith.constant 3 : index
    %get3A_74 = arith.constant 0 : index
    %get3A_75 = vector.load %arg3[%get3A_73, %get3A_74] : memref<8x128xf32, #tpu.memory_space<vmem>>, vector<1x128xf32>
    %get3A_76 = vector.shape_cast %get3A_75 : vector<1x128xf32> to vector<128xf32>
    %broadcast_in_dim3A_77 = vector.shape_cast %get3A_76 : vector<128xf32> to vector<1x128xf32>
    %add3A_78 = vector.broadcast %broadcast_in_dim3A_77 : vector<1x128xf32> to vector<400x128xf32>
    %add3A_79 = arith.addf %add3A_72, %add3A_78 : vector<400x128xf32>
    %reduce_sum3A_80 = arith.constant dense<0.000000e+00> : vector<128xf32>
    %reduce_sum3A_81 = vector.multi_reduction <add>, %add3A_79, %reduce_sum3A_80 [0] : vector<400x128xf32> to vector<128xf32>
    %broadcast_in_dim3A_82 = vector.shape_cast %reduce_sum3A_81 : vector<128xf32> to vector<1x128xf32>
    %mul3A_83 = arith.mulf %add3A_79, %add3A_79 : vector<400x128xf32>
    %reduce_sum3A_84 = arith.constant dense<0.000000e+00> : vector<128xf32>
    %reduce_sum3A_85 = vector.multi_reduction <add>, %mul3A_83, %reduce_sum3A_84 [0] : vector<400x128xf32> to vector<128xf32>
    %broadcast_in_dim3A_86 = vector.shape_cast %reduce_sum3A_85 : vector<128xf32> to vector<1x128xf32>
    %get3A_87 = arith.constant 0 : index
    %get3A_88 = arith.constant 512 : index
    %get3A_89 = vector.load %arg1[%get3A_87, %get3A_88] : memref<400x1024xf32, #tpu.memory_space<vmem>>, vector<400x128xf32>
    %get3A_90 = arith.constant 4 : index
    %get3A_91 = arith.constant 0 : index
    %get3A_92 = arith.constant 0 : index
    %get3A_93 = vector.load %arg2[%get3A_90, %get3A_91, %get3A_92] : memref<8x400x128xf32, #tpu.memory_space<vmem>>, vector<1x400x128xf32>
    %get3A_94 = vector.shape_cast %get3A_93 : vector<1x400x128xf32> to vector<400x128xf32>
    %add3A_95 = arith.addf %get3A_89, %get3A_94 : vector<400x128xf32>
    %get3A_96 = arith.constant 4 : index
    %get3A_97 = arith.constant 0 : index
    %get3A_98 = vector.load %arg3[%get3A_96, %get3A_97] : memref<8x128xf32, #tpu.memory_space<vmem>>, vector<1x128xf32>
    %get3A_99 = vector.shape_cast %get3A_98 : vector<1x128xf32> to vector<128xf32>
    %broadcast_in_dim3A_100 = vector.shape_cast %get3A_99 : vector<128xf32> to vector<1x128xf32>
    %add3A_101 = vector.broadcast %broadcast_in_dim3A_100 : vector<1x128xf32> to vector<400x128xf32>
    %add3A_102 = arith.addf %add3A_95, %add3A_101 : vector<400x128xf32>
    %reduce_sum3A_103 = arith.constant dense<0.000000e+00> : vector<128xf32>
    %reduce_sum3A_104 = vector.multi_reduction <add>, %add3A_102, %reduce_sum3A_103 [0] : vector<400x128xf32> to vector<128xf32>
    %broadcast_in_dim3A_105 = vector.shape_cast %reduce_sum3A_104 : vector<128xf32> to vector<1x128xf32>
    %mul3A_106 = arith.mulf %add3A_102, %add3A_102 : vector<400x128xf32>
    %reduce_sum3A_107 = arith.constant dense<0.000000e+00> : vector<128xf32>
    %reduce_sum3A_108 = vector.multi_reduction <add>, %mul3A_106, %reduce_sum3A_107 [0] : vector<400x128xf32> to vector<128xf32>
    %broadcast_in_dim3A_109 = vector.shape_cast %reduce_sum3A_108 : vector<128xf32> to vector<1x128xf32>
    %get3A_110 = arith.constant 0 : index
    %get3A_111 = arith.constant 640 : index
    %get3A_112 = vector.load %arg1[%get3A_110, %get3A_111] : memref<400x1024xf32, #tpu.memory_space<vmem>>, vector<400x128xf32>
    %get3A_113 = arith.constant 5 : index
    %get3A_114 = arith.constant 0 : index
    %get3A_115 = arith.constant 0 : index
    %get3A_116 = vector.load %arg2[%get3A_113, %get3A_114, %get3A_115] : memref<8x400x128xf32, #tpu.memory_space<vmem>>, vector<1x400x128xf32>
    %get3A_117 = vector.shape_cast %get3A_116 : vector<1x400x128xf32> to vector<400x128xf32>
    %add3A_118 = arith.addf %get3A_112, %get3A_117 : vector<400x128xf32>
    %get3A_119 = arith.constant 5 : index
    %get3A_120 = arith.constant 0 : index
    %get3A_121 = vector.load %arg3[%get3A_119, %get3A_120] : memref<8x128xf32, #tpu.memory_space<vmem>>, vector<1x128xf32>
    %get3A_122 = vector.shape_cast %get3A_121 : vector<1x128xf32> to vector<128xf32>
    %broadcast_in_dim3A_123 = vector.shape_cast %get3A_122 : vector<128xf32> to vector<1x128xf32>
    %add3A_124 = vector.broadcast %broadcast_in_dim3A_123 : vector<1x128xf32> to vector<400x128xf32>
    %add3A_125 = arith.addf %add3A_118, %add3A_124 : vector<400x128xf32>
    %reduce_sum3A_126 = arith.constant dense<0.000000e+00> : vector<128xf32>
    %reduce_sum3A_127 = vector.multi_reduction <add>, %add3A_125, %reduce_sum3A_126 [0] : vector<400x128xf32> to vector<128xf32>
    %broadcast_in_dim3A_128 = vector.shape_cast %reduce_sum3A_127 : vector<128xf32> to vector<1x128xf32>
    %mul3A_129 = arith.mulf %add3A_125, %add3A_125 : vector<400x128xf32>
    %reduce_sum3A_130 = arith.constant dense<0.000000e+00> : vector<128xf32>
    %reduce_sum3A_131 = vector.multi_reduction <add>, %mul3A_129, %reduce_sum3A_130 [0] : vector<400x128xf32> to vector<128xf32>
    %broadcast_in_dim3A_132 = vector.shape_cast %reduce_sum3A_131 : vector<128xf32> to vector<1x128xf32>
    %get3A_133 = arith.constant 0 : index
    %get3A_134 = arith.constant 768 : index
    %get3A_135 = vector.load %arg1[%get3A_133, %get3A_134] : memref<400x1024xf32, #tpu.memory_space<vmem>>, vector<400x128xf32>
    %get3A_136 = arith.constant 6 : index
    %get3A_137 = arith.constant 0 : index
    %get3A_138 = arith.constant 0 : index
    %get3A_139 = vector.load %arg2[%get3A_136, %get3A_137, %get3A_138] : memref<8x400x128xf32, #tpu.memory_space<vmem>>, vector<1x400x128xf32>
    %get3A_140 = vector.shape_cast %get3A_139 : vector<1x400x128xf32> to vector<400x128xf32>
    %add3A_141 = arith.addf %get3A_135, %get3A_140 : vector<400x128xf32>
    %get3A_142 = arith.constant 6 : index
    %get3A_143 = arith.constant 0 : index
    %get3A_144 = vector.load %arg3[%get3A_142, %get3A_143] : memref<8x128xf32, #tpu.memory_space<vmem>>, vector<1x128xf32>
    %get3A_145 = vector.shape_cast %get3A_144 : vector<1x128xf32> to vector<128xf32>
    %broadcast_in_dim3A_146 = vector.shape_cast %get3A_145 : vector<128xf32> to vector<1x128xf32>
    %add3A_147 = vector.broadcast %broadcast_in_dim3A_146 : vector<1x128xf32> to vector<400x128xf32>
    %add3A_148 = arith.addf %add3A_141, %add3A_147 : vector<400x128xf32>
    %reduce_sum3A_149 = arith.constant dense<0.000000e+00> : vector<128xf32>
    %reduce_sum3A_150 = vector.multi_reduction <add>, %add3A_148, %reduce_sum3A_149 [0] : vector<400x128xf32> to vector<128xf32>
    %broadcast_in_dim3A_151 = vector.shape_cast %reduce_sum3A_150 : vector<128xf32> to vector<1x128xf32>
    %mul3A_152 = arith.mulf %add3A_148, %add3A_148 : vector<400x128xf32>
    %reduce_sum3A_153 = arith.constant dense<0.000000e+00> : vector<128xf32>
    %reduce_sum3A_154 = vector.multi_reduction <add>, %mul3A_152, %reduce_sum3A_153 [0] : vector<400x128xf32> to vector<128xf32>
    %broadcast_in_dim3A_155 = vector.shape_cast %reduce_sum3A_154 : vector<128xf32> to vector<1x128xf32>
    %get3A_156 = arith.constant 0 : index
    %get3A_157 = arith.constant 896 : index
    %get3A_158 = vector.load %arg1[%get3A_156, %get3A_157] : memref<400x1024xf32, #tpu.memory_space<vmem>>, vector<400x128xf32>
    %get3A_159 = arith.constant 7 : index
    %get3A_160 = arith.constant 0 : index
    %get3A_161 = arith.constant 0 : index
    %get3A_162 = vector.load %arg2[%get3A_159, %get3A_160, %get3A_161] : memref<8x400x128xf32, #tpu.memory_space<vmem>>, vector<1x400x128xf32>
    %get3A_163 = vector.shape_cast %get3A_162 : vector<1x400x128xf32> to vector<400x128xf32>
    %add3A_164 = arith.addf %get3A_158, %get3A_163 : vector<400x128xf32>
    %get3A_165 = arith.constant 7 : index
    %get3A_166 = arith.constant 0 : index
    %get3A_167 = vector.load %arg3[%get3A_165, %get3A_166] : memref<8x128xf32, #tpu.memory_space<vmem>>, vector<1x128xf32>
    %get3A_168 = vector.shape_cast %get3A_167 : vector<1x128xf32> to vector<128xf32>
    %broadcast_in_dim3A_169 = vector.shape_cast %get3A_168 : vector<128xf32> to vector<1x128xf32>
    %add3A_170 = vector.broadcast %broadcast_in_dim3A_169 : vector<1x128xf32> to vector<400x128xf32>
    %add3A_171 = arith.addf %add3A_164, %add3A_170 : vector<400x128xf32>
    %reduce_sum3A_172 = arith.constant dense<0.000000e+00> : vector<128xf32>
    %reduce_sum3A_173 = vector.multi_reduction <add>, %add3A_171, %reduce_sum3A_172 [0] : vector<400x128xf32> to vector<128xf32>
    %broadcast_in_dim3A_174 = vector.shape_cast %reduce_sum3A_173 : vector<128xf32> to vector<1x128xf32>
    %mul3A_175 = arith.mulf %add3A_171, %add3A_171 : vector<400x128xf32>
    %reduce_sum3A_176 = arith.constant dense<0.000000e+00> : vector<128xf32>
    %reduce_sum3A_177 = vector.multi_reduction <add>, %mul3A_175, %reduce_sum3A_176 [0] : vector<400x128xf32> to vector<128xf32>
    %broadcast_in_dim3A_178 = vector.shape_cast %reduce_sum3A_177 : vector<128xf32> to vector<1x128xf32>
    %concatenate3A = tpu.concatenate %broadcast_in_dim3A_14, %broadcast_in_dim3A_36, %broadcast_in_dim3A_59, %broadcast_in_dim3A_82, %broadcast_in_dim3A_105, %broadcast_in_dim3A_128, %broadcast_in_dim3A_151, %broadcast_in_dim3A_174 in 0 : vector<1x128xf32>, vector<1x128xf32>, vector<1x128xf32>, vector<1x128xf32>, vector<1x128xf32>, vector<1x128xf32>, vector<1x128xf32>, vector<1x128xf32> -> vector<8x128xf32>
    %concatenate3A_179 = tpu.concatenate %broadcast_in_dim3A_17, %broadcast_in_dim3A_40, %broadcast_in_dim3A_63, %broadcast_in_dim3A_86, %broadcast_in_dim3A_109, %broadcast_in_dim3A_132, %broadcast_in_dim3A_155, %broadcast_in_dim3A_178 in 0 : vector<1x128xf32>, vector<1x128xf32>, vector<1x128xf32>, vector<1x128xf32>, vector<1x128xf32>, vector<1x128xf32>, vector<1x128xf32>, vector<1x128xf32> -> vector<8x128xf32>
    %eq3A = arith.constant 0 : i32
    %eq3A_180 = arith.cmpi eq, %arg0, %eq3A : i32
    %convert_element_type3A = arith.extui %eq3A_180 : i1 to i32
    %cond3A = arith.constant 0 : i32
    %cond3A_181 = arith.cmpi ne, %convert_element_type3A, %cond3A : i32
    scf.if %cond3A_181 {
      %swap3A = arith.constant 0 : index
      %swap3A_191 = arith.constant 0 : index
      %swap3A_192 = vector.load %arg6[%swap3A, %swap3A_191] : memref<8x128xf32, #tpu.memory_space<vmem>>, vector<8x128xf32>
      tpu.vector_store %arg6[%swap3A, %swap3A_191], %concatenate3A {strides = array<i32>} : memref<8x128xf32, #tpu.memory_space<vmem>>, vector<8x128xf32>,
      %swap3A_193 = arith.constant 0 : index
      %swap3A_194 = arith.constant 0 : index
      %swap3A_195 = vector.load %arg7[%swap3A_193, %swap3A_194] : memref<8x128xf32, #tpu.memory_space<vmem>>, vector<8x128xf32>
      tpu.vector_store %arg7[%swap3A_193, %swap3A_194], %concatenate3A_179 {strides = array<i32>} : memref<8x128xf32, #tpu.memory_space<vmem>>, vector<8x128xf32>,
    } else {
    }
    %gt3A = arith.constant 0 : i32
    %gt3A_182 = arith.cmpi sgt, %arg0, %gt3A : i32
    %convert_element_type3A_183 = arith.extui %gt3A_182 : i1 to i32
    %cond3A_184 = arith.constant 0 : i32
    %cond3A_185 = arith.cmpi ne, %convert_element_type3A_183, %cond3A_184 : i32
    scf.if %cond3A_185 {
      %get3A_191 = arith.constant 0 : index
      %get3A_192 = arith.constant 0 : index
      %get3A_193 = vector.load %arg6[%get3A_191, %get3A_192] : memref<8x128xf32, #tpu.memory_space<vmem>>, vector<8x128xf32>
      %add3A_194 = arith.addf %get3A_193, %concatenate3A : vector<8x128xf32>
      %swap3A = arith.constant 0 : index
      %swap3A_195 = arith.constant 0 : index
      %swap3A_196 = vector.load %arg6[%swap3A, %swap3A_195] : memref<8x128xf32, #tpu.memory_space<vmem>>, vector<8x128xf32>
      tpu.vector_store %arg6[%swap3A, %swap3A_195], %add3A_194 {strides = array<i32>} : memref<8x128xf32, #tpu.memory_space<vmem>>, vector<8x128xf32>,
      %get3A_197 = arith.constant 0 : index
      %get3A_198 = arith.constant 0 : index
      %get3A_199 = vector.load %arg7[%get3A_197, %get3A_198] : memref<8x128xf32, #tpu.memory_space<vmem>>, vector<8x128xf32>
      %add3A_200 = arith.addf %get3A_199, %concatenate3A_179 : vector<8x128xf32>
      %swap3A_201 = arith.constant 0 : index
      %swap3A_202 = arith.constant 0 : index
      %swap3A_203 = vector.load %arg7[%swap3A_201, %swap3A_202] : memref<8x128xf32, #tpu.memory_space<vmem>>, vector<8x128xf32>
      tpu.vector_store %arg7[%swap3A_201, %swap3A_202], %add3A_200 {strides = array<i32>} : memref<8x128xf32, #tpu.memory_space<vmem>>, vector<8x128xf32>,
    } else {
    }
    %eq3A_186 = arith.constant 24 : i32
    %eq3A_187 = arith.cmpi eq, %arg0, %eq3A_186 : i32
    %convert_element_type3A_188 = arith.extui %eq3A_187 : i1 to i32
    %cond3A_189 = arith.constant 0 : i32
    %cond3A_190 = arith.cmpi ne, %convert_element_type3A_188, %cond3A_189 : i32
    scf.if %cond3A_190 {
      %get3A_191 = arith.constant 0 : index
      %get3A_192 = arith.constant 0 : index
      %get3A_193 = vector.load %arg6[%get3A_191, %get3A_192] : memref<8x128xf32, #tpu.memory_space<vmem>>, vector<8x128xf32>
      %swap3A = arith.constant 0 : index
      %swap3A_194 = arith.constant 0 : index
      %swap3A_195 = vector.load %arg4[%swap3A, %swap3A_194] : memref<8x128xf32, #tpu.memory_space<vmem>>, vector<8x128xf32>
      tpu.vector_store %arg4[%swap3A, %swap3A_194], %get3A_193 {strides = array<i32>} : memref<8x128xf32, #tpu.memory_space<vmem>>, vector<8x128xf32>,
      %get3A_196 = arith.constant 0 : index
      %get3A_197 = arith.constant 0 : index
      %get3A_198 = vector.load %arg7[%get3A_196, %get3A_197] : memref<8x128xf32, #tpu.memory_space<vmem>>, vector<8x128xf32>
      %swap3A_199 = arith.constant 0 : index
      %swap3A_200 = arith.constant 0 : index
      %swap3A_201 = vector.load %arg5[%swap3A_199, %swap3A_200] : memref<8x128xf32, #tpu.memory_space<vmem>>, vector<8x128xf32>
      tpu.vector_store %arg5[%swap3A_199, %swap3A_200], %get3A_198 {strides = array<i32>} : memref<8x128xf32, #tpu.memory_space<vmem>>, vector<8x128xf32>,
    } else {
    }
    return
  }
  func.func @transform_0(%arg0: i32) -> (i32, i32) {
    %c0_i32 = arith.constant 0 : i32
    %c0_i32_0 = arith.constant 0 : i32
    return %arg0, %c0_i32 : i32, i32
  }
  func.func @transform_1(%arg0: i32) -> (i32, i32, i32) {
    %c0_i32 = arith.constant 0 : i32
    %c0_i32_0 = arith.constant 0 : i32
    %c0_i32_1 = arith.constant 0 : i32
    return %c0_i32, %arg0, %c0_i32_0 : i32, i32, i32
  }
  func.func @transform_2(%arg0: i32) -> (i32, i32) {
    %c0_i32 = arith.constant 0 : i32
    %c0_i32_0 = arith.constant 0 : i32
    %c0_i32_1 = arith.constant 0 : i32
    return %c0_i32, %c0_i32_0 : i32, i32
  }
  func.func @transform_3(%arg0: i32) -> (i32, i32) {
    %c0_i32 = arith.constant 0 : i32
    %c0_i32_0 = arith.constant 0 : i32
    %c0_i32_1 = arith.constant 0 : i32
    return %c0_i32, %c0_i32_0 : i32, i32
  }
  func.func @transform_4(%arg0: i32) -> (i32, i32) {
    %c0_i32 = arith.constant 0 : i32
    %c0_i32_0 = arith.constant 0 : i32
    %c0_i32_1 = arith.constant 0 : i32
    return %c0_i32, %c0_i32_0 : i32, i32
  }
}

module attributes {stable_mosaic.version = 14 : i64} {
  func.func @_stage3b_body(%arg0: i32, %arg1: i32, %arg2: memref<400x128xf32, #tpu.memory_space<vmem>>, %arg3: memref<1x400x128xf32, #tpu.memory_space<vmem>>, %arg4: memref<8x128xf32, #tpu.memory_space<vmem>>, %arg5: memref<8x128xf32, #tpu.memory_space<vmem>>, %arg6: memref<8x128xf32, #tpu.memory_space<vmem>>, %arg7: memref<8x128xf32, #tpu.memory_space<vmem>>, %arg8: memref<8x128xf32, #tpu.memory_space<vmem>>, %arg9: memref<400x128xf32, #tpu.memory_space<vmem>>) attributes {dimension_semantics = [#tpu.dimension_semantics<arbitrary>, #tpu.dimension_semantics<arbitrary>], iteration_bounds = array<i64: 8, 25>, scalar_prefetch = 0 : i64, scratch_operands = 0 : i64, tpu.core_type = #tpu.core_type<tc>, window_params = [{transform_indices = @transform_0, window_bounds = array<i64: 400, 128>}, {transform_indices = @transform_1, window_bounds = array<i64: 1, 400, 128>}, {pipeline_mode = #tpu.pipeline_mode<synchronous>, transform_indices = @transform_2, window_bounds = array<i64: 8, 128>}, {pipeline_mode = #tpu.pipeline_mode<synchronous>, transform_indices = @transform_3, window_bounds = array<i64: 8, 128>}, {pipeline_mode = #tpu.pipeline_mode<synchronous>, transform_indices = @transform_4, window_bounds = array<i64: 8, 128>}, {pipeline_mode = #tpu.pipeline_mode<synchronous>, transform_indices = @transform_5, window_bounds = array<i64: 8, 128>}, {pipeline_mode = #tpu.pipeline_mode<synchronous>, transform_indices = @transform_6, window_bounds = array<i64: 8, 128>}, {transform_indices = @transform_7, window_bounds = array<i64: 400, 128>}]} {
    %get3A = arith.index_cast %arg0 : i32 to index
    %get3A_0 = arith.constant 0 : index
    %get3A_1 = vector.load %arg7[%get3A, %get3A_0] : memref<8x128xf32, #tpu.memory_space<vmem>>, vector<1x128xf32>
    %mul3A = arith.constant 9.99999974E-5 : f32
    %mul3A_2 = vector.broadcast %mul3A : f32 to vector<1x128xf32>
    %mul3A_3 = arith.mulf %get3A_1, %mul3A_2 : vector<1x128xf32>
    %get3A_4 = arith.index_cast %arg0 : i32 to index
    %get3A_5 = arith.constant 0 : index
    %get3A_6 = vector.load %arg8[%get3A_4, %get3A_5] : memref<8x128xf32, #tpu.memory_space<vmem>>, vector<1x128xf32>
    %mul3A_7 = arith.constant 9.99999974E-5 : f32
    %mul3A_8 = vector.broadcast %mul3A_7 : f32 to vector<1x128xf32>
    %mul3A_9 = arith.mulf %get3A_6, %mul3A_8 : vector<1x128xf32>
    %mul3A_10 = arith.mulf %mul3A_3, %mul3A_3 : vector<1x128xf32>
    %sub3A = arith.subf %mul3A_9, %mul3A_10 : vector<1x128xf32>
    %get3A_11 = arith.index_cast %arg0 : i32 to index
    %get3A_12 = arith.constant 0 : index
    %get3A_13 = vector.load %arg5[%get3A_11, %get3A_12] : memref<8x128xf32, #tpu.memory_space<vmem>>, vector<1x128xf32>
    %add3A = arith.constant 9.99999974E-6 : f32
    %add3A_14 = vector.broadcast %add3A : f32 to vector<1x128xf32>
    %add3A_15 = arith.addf %sub3A, %add3A_14 : vector<1x128xf32>
    %rsqrt3A = math.rsqrt %add3A_15 : vector<1x128xf32>
    %mul3A_16 = arith.mulf %get3A_13, %rsqrt3A : vector<1x128xf32>
    %get3A_17 = arith.index_cast %arg0 : i32 to index
    %get3A_18 = arith.constant 0 : index
    %get3A_19 = vector.load %arg6[%get3A_17, %get3A_18] : memref<8x128xf32, #tpu.memory_space<vmem>>, vector<1x128xf32>
    %mul3A_20 = arith.mulf %mul3A_3, %mul3A_16 : vector<1x128xf32>
    %sub3A_21 = arith.subf %get3A_19, %mul3A_20 : vector<1x128xf32>
    %get3A_22 = arith.constant 0 : index
    %get3A_23 = arith.constant 0 : index
    %get3A_24 = vector.load %arg2[%get3A_22, %get3A_23] : memref<400x128xf32, #tpu.memory_space<vmem>>, vector<400x128xf32>
    %get3A_25 = arith.constant 0 : index
    %get3A_26 = arith.constant 0 : index
    %get3A_27 = arith.constant 0 : index
    %get3A_28 = vector.load %arg3[%get3A_25, %get3A_26, %get3A_27] : memref<1x400x128xf32, #tpu.memory_space<vmem>>, vector<1x400x128xf32>
    %get3A_29 = vector.shape_cast %get3A_28 : vector<1x400x128xf32> to vector<400x128xf32>
    %add3A_30 = arith.addf %get3A_24, %get3A_29 : vector<400x128xf32>
    %get3A_31 = arith.index_cast %arg0 : i32 to index
    %get3A_32 = arith.constant 0 : index
    %get3A_33 = vector.load %arg4[%get3A_31, %get3A_32] : memref<8x128xf32, #tpu.memory_space<vmem>>, vector<1x128xf32>
    %add3A_34 = vector.broadcast %get3A_33 : vector<1x128xf32> to vector<400x128xf32>
    %add3A_35 = arith.addf %add3A_30, %add3A_34 : vector<400x128xf32>
    %mul3A_36 = vector.broadcast %mul3A_16 : vector<1x128xf32> to vector<400x128xf32>
    %mul3A_37 = arith.mulf %add3A_35, %mul3A_36 : vector<400x128xf32>
    %add3A_38 = vector.broadcast %sub3A_21 : vector<1x128xf32> to vector<400x128xf32>
    %add3A_39 = arith.addf %mul3A_37, %add3A_38 : vector<400x128xf32>
    %max3A = arith.constant 0.000000e+00 : f32
    %max3A_40 = vector.broadcast %max3A : f32 to vector<400x128xf32>
    %max3A_41 = arith.maximumf %add3A_39, %max3A_40 : vector<400x128xf32>
    %swap3A = arith.constant 0 : index
    %swap3A_42 = arith.constant 0 : index
    %swap3A_43 = vector.load %arg9[%swap3A, %swap3A_42] : memref<400x128xf32, #tpu.memory_space<vmem>>, vector<400x128xf32>
    tpu.vector_store %arg9[%swap3A, %swap3A_42], %max3A_41 {strides = array<i32>} : memref<400x128xf32, #tpu.memory_space<vmem>>, vector<400x128xf32>,
    return
  }
  func.func @transform_0(%arg0: i32, %arg1: i32) -> (i32, i32) {
    %c0_i32 = arith.constant 0 : i32
    return %arg1, %arg0 : i32, i32
  }
  func.func @transform_1(%arg0: i32, %arg1: i32) -> (i32, i32, i32) {
    %c0_i32 = arith.constant 0 : i32
    %c0_i32_0 = arith.constant 0 : i32
    return %arg0, %arg1, %c0_i32 : i32, i32, i32
  }
  func.func @transform_2(%arg0: i32, %arg1: i32) -> (i32, i32) {
    %c0_i32 = arith.constant 0 : i32
    %c0_i32_0 = arith.constant 0 : i32
    %c0_i32_1 = arith.constant 0 : i32
    return %c0_i32, %c0_i32_0 : i32, i32
  }
  func.func @transform_3(%arg0: i32, %arg1: i32) -> (i32, i32) {
    %c0_i32 = arith.constant 0 : i32
    %c0_i32_0 = arith.constant 0 : i32
    %c0_i32_1 = arith.constant 0 : i32
    return %c0_i32, %c0_i32_0 : i32, i32
  }
  func.func @transform_4(%arg0: i32, %arg1: i32) -> (i32, i32) {
    %c0_i32 = arith.constant 0 : i32
    %c0_i32_0 = arith.constant 0 : i32
    %c0_i32_1 = arith.constant 0 : i32
    return %c0_i32, %c0_i32_0 : i32, i32
  }
  func.func @transform_5(%arg0: i32, %arg1: i32) -> (i32, i32) {
    %c0_i32 = arith.constant 0 : i32
    %c0_i32_0 = arith.constant 0 : i32
    %c0_i32_1 = arith.constant 0 : i32
    return %c0_i32, %c0_i32_0 : i32, i32
  }
  func.func @transform_6(%arg0: i32, %arg1: i32) -> (i32, i32) {
    %c0_i32 = arith.constant 0 : i32
    %c0_i32_0 = arith.constant 0 : i32
    %c0_i32_1 = arith.constant 0 : i32
    return %c0_i32, %c0_i32_0 : i32, i32
  }
  func.func @transform_7(%arg0: i32, %arg1: i32) -> (i32, i32) {
    %c0_i32 = arith.constant 0 : i32
    return %arg1, %arg0 : i32, i32
  }
}

</mosaic_0001>

<sc_bundles>
// kernel: kernel.11.cloned.1.call-start
scs
__scs_entry_jumppad:
0x0: {  	(pc) =	sbr.rel $0x88, $3  }
0x1: {  	(tag) =	ssettag $0x0;
	lr =	simm.s32 $0x1  }
0x2: {  	[smem:$0x3F98] =	sst lr;
	_ =	strace $0xD0000000  }
0x3: {  	_ = 	snop  }
0x4: {  	_ = 	snop  }
0x5: {  	_ = 	snop  }
0x6: {  	_ = 	snop  }
0x7: {  	_ = 	snop  }
__scs_overlays_trampoline_lowered:
0x8: {  	[smem:$0x3FA7] =	sst s0  }
0x9: {  	[smem:$0x3FA8] =	sst s1  }
0xa: {  	[smem:$0x3FA9] =	sst s2  }
0xb: {  	[smem:$0x3FAA] =	sst s3  }
0xc: {  	[smem:$0x3FAB] =	sst s4  }
0xd: {  	[smem:$0x3FAC] =	sst s5  }
0xe: {  	[smem:$0x3FAD] =	sst s6  }
0xf: {  	[smem:$0x3FAE] =	sst s7  }
0x10: {  	[smem:$0x3FAF] =	sst s8  }
0x11: {  	[smem:$0x3FB0] =	sst s9;
	s0 =	simm.s32 @!p0 $0x0  }
0x12: {  	s1 =	sld [smem:$0x3F96];
	s0 =	simm.s32 @p0 $0x1  }
0x13: {  	[smem:$0x3FB1] =	sst s0;
	s0 =	simm.s32 @!p1 $0x0  }
0x14: {  	s2 =	sld [smem:$0x3F95];
	s0 =	simm.s32 @p1 $0x1  }
0x15: {  	[smem:$0x3FB2] =	sst s0;
	s0 =	simm.s32 @!p2 $0x0  }
0x16: {  	s3 =	sld [smem:$0x3FDB];
	s0 =	simm.s32 @p2 $0x1  }
0x17: {  	s4 =	simm.s32 $0x1BF5;
	[smem:$0x3FB4] =	sst s0  }
0x18: {  	s0 =	sld [smem:$0x3F97];
	_ =	swait.ge [sflag:s4], $0x0  }
0x19: {  	s7 =	sld [smem:$0x3F98]  }
0x1a: {  	s8 =	sadd.s32 $0xFFFFE003, lr  }
0x1b: {  	s9 =	sadd.s32 $0xFFFFFEF7, lr;
	s5 =	simm.s32 $0xFFFFFFFF;
	p2 =	slt.u32 s8, $0xFFFFF086  }
0x1c: {  	p1 =	slt.u32 s9, $0xF7A;
	s5 =	simm.s32 @!p2 $0x0  }
0x1d: {  	s5 =	simm.s32 @p1 $0x1;
	p0 =	seq.s32 s7, s2  }
0x1e: {  	s7 =	smul.u32 @!p0 $0xF7A, s2;
	p2 =	seq.s32 @!p0 s5, $0x0  }
0x1f: {  	s9 =	smul.u32 $0xF7A, s1;
	s8 =	simm.s32 @!p0 $0x1BF5;
	p2 =	por !p2, p0  }
0x20: {  	[sflag:s8] =	ssyncset.s32 @!p0 $0xFFFFF086;
	s6 =	sadd.s32 @!p0 s3, s7;
	s7 =	simm.s32 @!p0 $0x108  }
0x21: {  	s3 =	sadd.s32 s3, s9;
	s6 =	sadd.s32 @!p0 $0x88, s6;
	s7 =	simm.s32 @p2 $0x1082  }
0x22: {  	[simem:s7], [sflag:s8] =	dma.local @!p0 [hbm:s6], $0xF7A  }
0x23: {  	s9 =	sor.u32 $0xD0000000, s2;
	s6 =	simm.s32 $0x108;
	_ =	swait.ge @!p0 [sflag:s8], $0x0  }
0x24: {  	s3 =	sadd.s32 $0x88, s3;
	s6 =	simm.s32 @!p1 $0x1082;
	[sflag:s4] =	ssyncset.s32 $0xFFFFF086  }
0x25: {  	[simem:s6], [sflag:s4] =	dma.local [hbm:s3], $0xF7A  }
0x26: {  	[smem:$0x3F98] =	sst s1;
	(tag) =	ssettag s2;
	_ =	strace s9  }
0x27: {  	s1 =	sld [smem:$0x3FA8]  }
0x28: {  	s2 =	sld [smem:$0x3FA9]  }
0x29: {  	s4 =	sld [smem:$0x3FAB]  }
0x2a: {  	p0 =	seq.s32 s5, $0x0;
	s5 =	sld [smem:$0x3FAC]  }
0x2b: {  	s6 =	sld [smem:$0x3FAD]  }
0x2c: {  	s7 =	sld [smem:$0x3FAE]  }
0x2d: {  	s3 =	simm.s32 $0x108;
	s8 =	sld [smem:$0x3FAF]  }
0x2e: {  	s3 =	simm.s32 @!p0 $0x1082;
	s9 =	sld [smem:$0x3FB0]  }
0x2f: {  	lr =	sadd.s32 s0, s3;
	s0 =	sld [smem:$0x3FA7]  }
0x30: {  	s3 =	sld [smem:$0x3FAA]  }
0x31: {  	[smem:$0x3FB3] =	sst s10  }
0x32: {  	s10 =	sld [smem:$0x3FB1];
	_ =	sdelay $0x3  }
0x33: {  	p0 =	seq.s32 s10, $0x1;
	s10 =	sld [smem:$0x3FB3];
	_ =	sdelay $0x3  }
0x34: {  	[smem:$0x3FB3] =	sst s10  }
0x35: {  	s10 =	sld [smem:$0x3FB2];
	_ =	sdelay $0x3  }
0x36: {  	p1 =	seq.s32 s10, $0x1;
	s10 =	sld [smem:$0x3FB3];
	_ =	sdelay $0x3  }
0x37: {  	[smem:$0x3FB3] =	sst s10  }
0x38: {  	s10 =	sld [smem:$0x3FB4]  }
0x39: {  	_ = 	snop;
	(pc) =	sbr.ind lr, $3  }
0x3a: {  	_ = 	snop  }
0x3b: {  	_ = 	snop  }
0x3c: {  	p2 =	seq.s32 s10, $0x1;
	s10 =	sld [smem:$0x3FB3]  }
0x3d: {  	_ =	shalt  }
0x3e: {  	_ =	shalt  }
0x3f: {  	_ =	shalt  }
0x40: {  	_ =	shalt  }
0x41: {  	_ =	shalt  }
0x42: {  	_ =	shalt  }
0x43: {  	_ =	shalt  }
0x44: {  	_ =	shalt  }
0x45: {  	_ =	shalt  }
0x46: {  	_ =	shalt  }
0x47: {  	_ =	shalt  }
0x48: {  	_ =	shalt  }
0x49: {  	_ =	shalt  }
0x4a: {  	_ =	shalt  }
0x4b: {  	_ =	shalt  }
0x4c: {  	_ =	shalt  }
0x4d: {  	_ =	shalt  }
0x4e: {  	_ =	shalt  }
0x4f: {  	_ =	shalt  }
0x50: {  	_ =	shalt  }
0x51: {  	_ =	shalt  }
0x52: {  	_ =	shalt  }
0x53: {  	_ =	shalt  }
0x54: {  	_ =	shalt  }
0x55: {  	_ =	shalt  }
0x56: {  	_ =	shalt  }
0x57: {  	_ =	shalt  }
0x58: {  	_ =	shalt  }
0x59: {  	_ =	shalt  }
0x5a: {  	_ =	shalt  }
0x5b: {  	_ =	shalt  }
0x5c: {  	_ =	shalt  }
0x5d: {  	_ =	shalt  }
0x5e: {  	_ =	shalt  }
0x5f: {  	_ =	shalt  }
0x60: {  	_ =	shalt  }
0x61: {  	_ =	shalt  }
0x62: {  	_ =	shalt  }
0x63: {  	_ =	shalt  }
0x64: {  	_ =	shalt  }
0x65: {  	_ =	shalt  }
0x66: {  	_ =	shalt  }
0x67: {  	_ =	shalt  }
0x68: {  	_ =	shalt  }
0x69: {  	_ =	shalt  }
0x6a: {  	_ =	shalt  }
0x6b: {  	_ =	shalt  }
0x6c: {  	_ =	shalt  }
0x6d: {  	_ =	shalt  }
0x6e: {  	_ =	shalt  }
0x6f: {  	_ =	shalt  }
0x70: {  	_ =	shalt  }
0x71: {  	_ =	shalt  }
0x72: {  	_ =	shalt  }
0x73: {  	_ =	shalt  }
0x74: {  	_ =	shalt  }
0x75: {  	_ =	shalt  }
0x76: {  	_ =	shalt  }
0x77: {  	_ =	shalt  }
0x78: {  	_ =	shalt  }
0x79: {  	_ =	shalt  }
0x7a: {  	_ =	shalt  }
0x7b: {  	_ =	shalt  }
0x7c: {  	_ =	shalt  }
0x7d: {  	_ =	shalt  }
0x7e: {  	_ =	shalt  }
0x7f: {  	_ =	shalt  }
0x80: {  	_ =	shalt  }
0x81: {  	_ =	shalt  }
0x82: {  	_ =	shalt  }
0x83: {  	_ =	shalt  }
0x84: {  	_ =	shalt  }
0x85: {  	_ =	shalt  }
0x86: {  	_ =	shalt  }
0x87: {  	_ =	shalt  }
.Lfunc_end0:
.L_simem_size_0:
called_computation.1_lowered:
.L_overlay_start_0:
0x88: {  	s2 =	sld [smem:$0x3FD9]  }
0x89: {  	s3 =	sld [smem:$0x3FFE];
	_ =	sdelay $0x1  }
0x8a: {  	s1 =	srdreg.scid  }
0x8b: {  	s0 =	sand.u32 $0x1, s1  }
0x8c: {  	s17 =	sshll.u32 s0, $0xA;
	s2 =	sadd.s32 s3, s2  }
0x8d: {  	s2 =	sadd.s32 s2, s17  }
0x8e: {  	[smem:$0x3FBF] =	sst s2  }
0x8f: {  	_ = 	snop  }
0x90: {  	s2 =	sld [smem:$0x3FD0];
	(tm) =	ssettm $0x1  }
0x91: {  	s18 =	sld [smem:$0x3FFB];
	_ =	sdelay $0x3  }
0x92: {  	_ =	strace s18  }
0x93: {  	s3 =	sld [smem:$0x3FFC];
	_ =	sdelay $0x3  }
0x94: {  	_ =	strace s3  }
0x95: {  	s3 =	sld [smem:$0x3FFD];
	_ =	sdelay $0x3  }
0x96: {  	_ =	strace s3  }
0x97: {  	_ =	strace $0x8FFFFFFF  }
0x98: {  	s19 =	sld [smem:$0x3FDB];
	_ =	sdelay $0x1  }
0x99: {  	s4 =	simm.s32 $_scs_section_size  }
0x9a: {  	s5 =	simm.s32 $_size__tile_overlayer_lowered;
	s6 =	simm.s32 $_tile_overlayer_lowered  }
0x9b: {  	s22 =	simm.s32 $0x1BFF;
	s21 =	sshll.u32 s6, $0x1;
	s3 =	sadd.s32 s4, s19  }
0x9c: {  	s7 =	simm.s32 $0x0;
	s20 =	sshll.u32 s5, $0x1;
	s5 =	sadd.s32 s21, s3  }
0x9d: {  	[timem:s7], [sflag:s22] =	dma.local [hbm:s5], s20  }
0x9e: {  	_ =	swait.ge [sflag:s22], s20  }
0x9f: {  	s4 =	ssub.s32 $0x0, s20;
	[sflag:s22] =	ssyncset.done $0x0  }
0xa0: {  	[sflag:s22] =	ssyncadd.s32 s4;
	_ =	sdelay $0x1  }
0xa1: {  	s23 =	simm.s32 $0x1B8B  }
0xa2: {  	_ =	swait.ge [sflag:s23], $0x1  }
0xa3: {  	[sflag:s23] =	ssyncset.done $0x0  }
0xa4: {  	s25 =	simm.s32 $0x1B8E;
	s24 =	sld [smem:$0x3FFE];
	[sflag:s23] =	ssyncadd.s32 $0xFFFFFFFF  }
0xa5: {  	s26 =	simm.s32 $execute0_lowered;
	[smem:$0x3FD2] =	sst s25  }
0xa6: {  	s5 =	sshll.u32 s26, $0x1;
	_ =	strace $0x80000049;
	[dreg:$0x1] =	wrdreg $0xFFFFFFFF  }
0xa7: {  	s28 =	simm.s32 $_size_execute0_lowered;
	s3 =	sadd.s32 s3, s5;
	[dreg:$0x0] =	wrdreg $0x0  }
0xa8: {  	s5 =	sshll.u32 s28, $0x1;
	[dreg:$0x2] =	wrdreg s3  }
0xa9: {  	[dreg:$0x3] =	wrdreg s5  }
0xaa: {  	[dreg:$0x4] =	wrdreg $0xC0  }
0xab: {  	_ =	task [dreg:s7], $0x5FFFF  }
0xac: {  	[dreg:$0x1] =	wrdreg $0xFFFFFFFF  }
0xad: {  	[dreg:$0x0] =	wrdreg $0x60  }
0xae: {  	[dreg:$0x2] =	wrdreg s2  }
0xaf: {  	[dreg:$0x3] =	wrdreg s24  }
0xb0: {  	[dreg:$0x4] =	wrdreg $0x93000  }
0xb1: {  	[dreg:$0x5] =	wrdreg $0x9  }
0xb2: {  	_ =	task.clear_ibuf [dreg:s7], $0x6FFFF;
	_ =	strace $0x90000049  }
0xb3: {  	s29 =	simm.s32 $0x9;
	_ =	strace $0x8000004B  }
0xb4: {  	_ =	swait.ge [sflag:s29], $0x1  }
0xb5: {  	[sflag:s29] =	ssyncadd.s32 $0xFFFFFFFF  }
0xb6: {  	_ =	strace $0x9000004B  }
0xb7: {  	_ =	sfence  }
0xb8: {  	s30 =	sld [smem:$0x0];
	_ =	sdelay $0x2  }
0xb9: {  	s31 =	sshll.u32 s1, $0xD;
	s1 =	sshrl.u32 s1, $0x2  }
0xba: {  	s3 =	sand.u32 $0x4000, s31;
	s1 =	sadd.s32 s1, s30  }
0xbb: {  	s0 =	sor.u32 s3, s0;
	s1 =	sshll.u32 s1, $0x11  }
0xbc: {  	s0 =	sor.u32 s1, s0  }
0xbd: {  	s0 =	sadd.s32 $0x8F2B, s0  }
0xbe: {  	[sflag:s0] =	ssyncadd.remote.s32 $0x1  }
0xbf: {  	_ =	sfence.sel $0xFFFF  }
0xc0: {  	[dreg:$0x0] =	wrdreg $0xFFFFFFFF;
	(pc) =	sbr.abs _section_cstart, $3  }
0xc1: {  	[dreg:$0x1] =	wrdreg $0xFFFFFFFF  }
0xc2: {  	_ =	task.clear_ibuf [dreg:s7], $0x2FFFF;
	_ =	strace $0x9FFFFFFF  }
0xc3: {  	(tm) =	ssettm $0x7FFFFFFF  }
tec
execute0_lowered:
.L_overlay_start_1:
0x0: {  	(tag) =	ssettag $0x1  }
0x1: {  	s0 =	srdreg.scid  }
0x2: {  	s0 =	sand.u32 $0x1, s0  }
0x3: {  	s5 =	smul.u32 $0xA00, s0  }
0x4: {  	s2 =	smul.u32 $0x2C000, s0  }
0x5: {  	s7 =	smul.u32 $0x27100, s0  }
0x6: {  	s1 =	sshllo.u32 s0, $0x1;
	s11 =	smul.u32 $0x140000, s0  }
0x7: {  	s10 =	rddreg [dreg:$0x0];
	s6 =	smul.u32 $0x500, s1  }
0x8: {  	s23 =	stileid.u32;
	s12 =	sor.u32 $0x2, s0;
	s1 =	smul.u32 $0x16000, s1  }
0x9: {  	s28 =	simm.s32 $0x180;
	s29 =	simm.s32 $0x1;
	s13 =	smul.u32 $0xA00, s12  }
0xa: {  	s8 =	ssub.s32 $0x2, s0;
	s3 =	sshllo.u32 s12, $0x1;
	s16 =	smul.u32 $0x27100, s12  }
0xb: {  	s9 =	sshrl.u32 s8, $0x1;
	[dreg:$0x4] =	wrdreg s2;
	s15 =	smul.u32 $0x500, s3  }
0xc: {  	s4 =	smul.u32 $0x16000, s3;
	s3 =	ssub.s32 s8, s9;
	s8 =	sor.u32 $0x4, s0  }
0xd: {  	s2 =	rddreg [dreg:$0x1];
	s9 =	sor.u32 $0x6, s0;
	s17 =	smul.u32 $0xA00, s8  }
0xe: {  	s30 =	simm.s32 $0x200;
	[dreg:$0x5] =	wrdreg s1;
	s0 =	smul.u32 $0xA00, s9  }
0xf: {  	s1 =	simm.s32 $0x0;
	s14 =	sadd.s32 $0x11A00, s2;
	s19 =	smul.u32 $0x27100, s9  }
0x10: {  	s5 =	sadd.s32 s14, s5;
	s6 =	sadd.s32 s14, s6;
	[smem:$0x7FF] =	sst s1  }
0x11: {  	s13 =	sadd.s32 s14, s13;
	[dreg:$0x6] =	wrdreg s5;
	s5 =	sshllo.u32 s8, $0x1  }
0x12: {  	s22 =	sadd.s32 s14, s15;
	[dreg:$0x7] =	wrdreg s6;
	s6 =	sshllo.u32 s9, $0x1  }
0x13: {  	[dreg:$0x8] =	wrdreg s13;
	s25 =	sadd.s32 s14, s17;
	s17 =	smul.u32 $0x27100, s8  }
0x14: {  	s7 =	sadd.s32 s10, s7;
	[dreg:$0x9] =	wrdreg s22;
	s18 =	smul.u32 $0x500, s5  }
0x15: {  	s0 =	sadd.s32 s14, s0;
	s24 =	smul.u32 $0x500, s6;
	[dreg:$0xa] =	wrdreg s25  }
0x16: {  	[dreg:$0xc] =	wrdreg s0;
	s0 =	smul.u32 $0x140000, s12;
	s15 =	sadd.s32 s10, s17  }
0x17: {  	s17 =	smul.u32 $0x2C000, s12;
	s26 =	sadd.s32 s14, s18;
	s18 =	sadd.s32 s14, s24  }
0x18: {  	s13 =	sadd.s32 $0x47A00, s2;
	[dreg:$0xd] =	wrdreg s18;
	s18 =	smul.u32 $0x14000, s23  }
0x19: {  	s14 =	sadd.s32 s10, s16;
	s16 =	sadd.s32 s10, s19;
	[dreg:$0xb] =	wrdreg s26  }
0x1a: {  	s20 =	sadd.s32 s11, s18;
	s10 =	sadd.s32 $0x4000, s18;
	s25 =	sadd.s32 $0xC000, s18  }
0x1b: {  	s26 =	sadd.s32 $0x10000, s18;
	s24 =	sadd.s32 s0, s18;
	s12 =	sshrl.u32 s20, $0x3  }
0x1c: {  	s19 =	sadd.s32 s11, s10;
	s20 =	sadd.s32 s11, s25;
	s12 =	sadd.s32 s13, s12  }
0x1d: {  	s19 =	sshrl.u32 s19, $0x3;
	[dreg:$0xe] =	wrdreg s12;
	s12 =	sadd.s32 $0x8000, s18  }
0x1e: {  	s22 =	sshrl.u32 s20, $0x3;
	s19 =	sadd.s32 s13, s19;
	s21 =	sadd.s32 s11, s12  }
0x1f: {  	[dreg:$0xf] =	wrdreg s19;
	s11 =	sadd.s32 s11, s26;
	s19 =	sshrl.u32 s21, $0x3  }
0x20: {  	s20 =	sshrl.u32 s24, $0x3;
	s11 =	sshrl.u32 s11, $0x3;
	s19 =	sadd.s32 s13, s19  }
0x21: {  	s24 =	sadd.s32 s0, s12;
	s11 =	sadd.s32 s13, s11;
	[dreg:$0x10] =	wrdreg s19  }
0x22: {  	s21 =	sadd.s32 s0, s10;
	s19 =	sadd.s32 s13, s22;
	[dreg:$0x12] =	wrdreg s11  }
0x23: {  	s11 =	sadd.s32 s13, s20;
	s22 =	sshrl.u32 s21, $0x3;
	s20 =	sshrl.u32 s24, $0x3  }
0x24: {  	s21 =	sadd.s32 s0, s25;
	s0 =	sadd.s32 s0, s26;
	[dreg:$0x11] =	wrdreg s19  }
0x25: {  	[dreg:$0x13] =	wrdreg s11;
	s11 =	sadd.s32 s13, s22;
	s19 =	smul.u32 $0x140000, s8  }
0x26: {  	s0 =	sshrl.u32 s0, $0x3;
	[dreg:$0x14] =	wrdreg s11;
	s11 =	sadd.s32 s13, s20  }
0x27: {  	s3 =	smax.u32 s3, $0x1;
	s0 =	sadd.s32 s13, s0;
	[dreg:$0x15] =	wrdreg s11  }
0x28: {  	s11 =	sshrl.u32 s21, $0x3;
	s22 =	sadd.s32 s19, s18;
	[dreg:$0x17] =	wrdreg s0  }
0x29: {  	s20 =	sadd.s32 s19, s12;
	s11 =	sadd.s32 s13, s11;
	s24 =	sshrl.u32 s22, $0x3  }
0x2a: {  	[dreg:$0x16] =	wrdreg s11;
	s0 =	sadd.s32 s13, s24;
	s11 =	sadd.s32 s19, s10  }
0x2b: {  	s22 =	sadd.s32 s19, s25;
	[dreg:$0x18] =	wrdreg s0;
	s0 =	sshrl.u32 s11, $0x3  }
0x2c: {  	s24 =	sadd.s32 s19, s26;
	s11 =	sshrl.u32 s20, $0x3;
	s0 =	sadd.s32 s13, s0  }
0x2d: {  	s20 =	smul.u32 $0x140000, s9;
	s21 =	sadd.s32 s13, s11;
	[dreg:$0x19] =	wrdreg s0  }
0x2e: {  	s11 =	sshrl.u32 s24, $0x3;
	[dreg:$0x1a] =	wrdreg s21;
	s0 =	sshrl.u32 s22, $0x3  }
0x2f: {  	s18 =	sadd.s32 s20, s18;
	s21 =	sadd.s32 s20, s10;
	s22 =	sadd.s32 s20, s12  }
0x30: {  	s24 =	sadd.s32 s20, s25;
	s0 =	sadd.s32 s13, s0;
	s18 =	sshrl.u32 s18, $0x3  }
0x31: {  	[dreg:$0x1b] =	wrdreg s0;
	s0 =	sadd.s32 s13, s11;
	s19 =	sadd.s32 s13, s18  }
0x32: {  	s11 =	sshrl.u32 s22, $0x3;
	s18 =	sshrl.u32 s24, $0x3;
	[dreg:$0x1c] =	wrdreg s0  }
0x33: {  	[dreg:$0x1d] =	wrdreg s19;
	s0 =	sshrl.u32 s21, $0x3;
	s19 =	sadd.s32 s13, s18  }
0x34: {  	s22 =	smul.u32 $0x50000, s23;
	s0 =	sadd.s32 s13, s0;
	[smem:$0x7F2] =	sst s19  }
0x35: {  	s21 =	sadd.s32 s20, s26;
	[dreg:$0x1e] =	wrdreg s0;
	s0 =	sadd.s32 s13, s11  }
0x36: {  	s18 =	smul.u32 $0x16000, s5;
	[dreg:$0x1f] =	wrdreg s0;
	s0 =	sshrl.u32 s21, $0x3  }
0x37: {  	s24 =	sshrl.u32 s22, $0x2;
	s11 =	rddreg [dreg:$0x2];
	s0 =	sadd.s32 s13, s0  }
0x38: {  	s5 =	sadd.s32 s10, s11;
	s13 =	smul.u32 $0x2C000, s8;
	[smem:$0x7F3] =	sst s0  }
0x39: {  	s8 =	sadd.s32 s24, s11;
	_ =	strace $0x8000004A;
	[smem:$0x7F4] =	sst s3  }
0x3a: {  	s24 =	smul.u32 $0x16000, s6;
	s6 =	sadd.s32 s12, s11;
	[smem:$0x7F5] =	sst s5  }
0x3b: {  	s19 =	smul.u32 $0x2C000, s9;
	s9 =	sadd.s32 s25, s11;
	[smem:$0x7F6] =	sst s6  }
0x3c: {  	s31 =	smul.u32 $0x1600, s23;
	s10 =	sadd.s32 s26, s11;
	[smem:$0x7F7] =	sst s9  }
0x3d: {  	s20 =	sadd.s32 $0xEE00, s2;
	s12 =	sadd.s32 $0x4000, s8;
	[smem:$0x7F8] =	sst s10  }
0x3e: {  	s22 =	sadd.s32 $0x1BA00, s2;
	s23 =	sadd.s32 $0x8000, s8;
	[smem:$0x7F9] =	sst s12  }
0x3f: {  	s21 =	sadd.s32 $0xC200, s2;
	s25 =	sadd.s32 $0xC000, s8;
	[smem:$0x7FA] =	sst s23  }
0x40: {  	s2 =	simm.s32 $0x80;
	s26 =	sadd.s32 $0x10000, s8;
	[smem:$0x7FB] =	sst s25  }
0x41: {  	[smem:$0x7FC] =	sst s26;
	s9 =	simm.s32 $0x4300;
	s10 =	simm.s32 $0x2  }
0x42: {  	s12 =	simm.s32 $0x6B00;
	s25 =	simm.s32 $0x300;
	s26 =	simm.s32 $0x100  }
0x43: {  	v0 =	vimm.f32 $0.0e+00;
	s3 =	simm.s32 $0x280;
	s5 =	simm.s32 $0x0;
	[smem:$0x7FD] =	sst s8  }
.LBB2_1:
0x44: {  	[smem:$0x7F1] =	sst s5  }
0x45: {  	s0 =	rddreg [dreg:$0x6]  }
0x46: {  	[tilespmem:s9], [sflag:$0x2] =	stream.linear.gather [hbm4b:s0+s1], $0x2800, $0x38;
	[tilespmem:$0x1D300] =	vst v63  }
0x47: {  	_ =	swait.ge [sflag:s10], $0x2800  }
0x48: {  	[sflag:s10] =	ssyncset.done $0x0  }
0x49: {  	s23 =	rddreg [dreg:$0x7];
	[sflag:s10] =	ssyncadd.s32 $0xFFFFD800  }
0x4a: {  	[tilespmem:s12], [sflag:$0x2] =	stream.linear.gather [hbm4b:s23+s1], $0x2800, $0x38;
	[tilespmem:$0x1D300] =	vst v63  }
0x4b: {  	_ =	swait.ge [sflag:s10], $0x2800  }
0x4c: {  	[sflag:s10] =	ssyncset.done $0x0  }
0x4d: {  	s5 =	simm.s32 $0x200;
	s0 =	simm.s32 $0x0;
	[sflag:s10] =	ssyncadd.s32 $0xFFFFD800  }
.LBB2_2:
0x4e: {  	p0 =	sne.s32 s5, $0xFE00;
	[tilespmem:s0+$0x370] =	vst v0  }
0x4f: {  	[tilespmem:s0+$0x300] =	vst v0  }
0x50: {  	[tilespmem:s0+$0x310] =	vst v0  }
.Ltmp0:
0x51: {  	[tilespmem:s0+$0x320] =	vst v0;
	(pc) =	sbr.rel @p0 .LBB2_2-.Ltmp0, $4  }
0x52: {  	[tilespmem:s0+$0x330] =	vst v0  }
0x53: {  	[tilespmem:s0+$0x340] =	vst v0  }
0x54: {  	[tilespmem:s0+$0x350] =	vst v0  }
0x55: {  	[tilespmem:s0+$0x360] =	vst v0;
	s0 =	sshra.s32 s5, $0x2;
	s5 =	sadd.s32 $0x200, s5  }
0x56: {  	[tilespmem:s0+$0x370] =	vst v0  }
0x57: {  	[tilespmem:s0+$0x300] =	vst v0  }
0x58: {  	[tilespmem:s0+$0x310] =	vst v0  }
0x59: {  	[tilespmem:s0+$0x320] =	vst v0  }
0x5a: {  	[tilespmem:s0+$0x330] =	vst v0  }
0x5b: {  	[tilespmem:s0+$0x340] =	vst v0  }
0x5c: {  	[tilespmem:s0+$0x350] =	vst v0  }
0x5d: {  	[tilespmem:s0+$0x360] =	vst v0  }
0x5e: {  	[spmem:s8] =	stream.linear.scatter [tilespmem:s25], [sflag:$0x2], $0x4000, $0x38;
	[tilespmem:$0x1D300] =	vst v63  }
0x5f: {  	_ =	swait.ge [sflag:s10], $0x4000  }
0x60: {  	s5 =	sld [smem:$0x7F9]  }
0x61: {  	[sflag:s10] =	ssyncset.done $0x0  }
0x62: {  	[sflag:s10] =	ssyncadd.s32 $0xFFFFC000  }
0x63: {  	[spmem:s5] =	stream.linear.scatter [tilespmem:s25], [sflag:$0x2], $0x4000, $0x38;
	[tilespmem:$0x1D300] =	vst v63  }
0x64: {  	_ =	swait.ge [sflag:s10], $0x4000  }
0x65: {  	s6 =	sld [smem:$0x7FA]  }
0x66: {  	[sflag:s10] =	ssyncset.done $0x0  }
0x67: {  	[sflag:s10] =	ssyncadd.s32 $0xFFFFC000  }
0x68: {  	[spmem:s6] =	stream.linear.scatter [tilespmem:s25], [sflag:$0x2], $0x4000, $0x38;
	[tilespmem:$0x1D300] =	vst v63  }
0x69: {  	_ =	swait.ge [sflag:s10], $0x4000  }
0x6a: {  	s8 =	sld [smem:$0x7FB]  }
0x6b: {  	[sflag:s10] =	ssyncset.done $0x0  }
0x6c: {  	[sflag:s10] =	ssyncadd.s32 $0xFFFFC000  }
0x6d: {  	[spmem:s8] =	stream.linear.scatter [tilespmem:s25], [sflag:$0x2], $0x4000, $0x38;
	[tilespmem:$0x1D300] =	vst v63  }
0x6e: {  	_ =	swait.ge [sflag:s10], $0x4000  }
0x6f: {  	s23 =	sld [smem:$0x7FC]  }
0x70: {  	[sflag:s10] =	ssyncset.done $0x0  }
0x71: {  	[sflag:s10] =	ssyncadd.s32 $0xFFFFC000  }
0x72: {  	[spmem:s23] =	stream.linear.scatter [tilespmem:s25], [sflag:$0x2], $0x4000, $0x38;
	[tilespmem:$0x1D300] =	vst v63  }
0x73: {  	_ =	swait.ge [sflag:s10], $0x4000  }
0x74: {  	[sflag:s10] =	ssyncset.done $0x0  }
0x75: {  	[sflag:s10] =	ssyncadd.s32 $0xFFFFC000  }
0x76: {  	s6 =	simm.s32 $0x0;
	s8 =	simm.s32 $0x0;
	[bflag:$0x0] =	sbarrier.arrive $0xFFFF  }
.LBB2_4:
0x77: {  	s0 =	sshll.u32 s8, $0x7  }
0x78: {  	s0 =	sadd.s32 s31, s0  }
0x79: {  	s5 =	sshrl.u32 s0, $0x3  }
0x7a: {  	s23 =	sadd.s32 s20, s5  }
0x7b: {  	[tilespmem:s6], [sflag:$0x2] =	stream.linear.gather [hbm4b:s23+s6], $0x80, $0x38;
	[tilespmem:$0x1D300] =	vst v63  }
0x7c: {  	_ =	swait.ge [sflag:s10], $0x80  }
0x7d: {  	[sflag:s10] =	ssyncset.done $0x0  }
0x7e: {  	s5 =	sadd.s32 s21, s5;
	[sflag:s10] =	ssyncadd.s32 $0xFFFFFF80  }
0x7f: {  	[tilespmem:s2], [sflag:$0x2] =	stream.linear.gather [hbm4b:s5+s6], $0x80, $0x38;
	[tilespmem:$0x1D300] =	vst v63  }
0x80: {  	_ =	swait.ge [sflag:s10], $0x80  }
0x81: {  	s1 =	rddreg [dreg:$0x4]  }
0x82: {  	s1 =	sadd.s32 s1, s0  }
0x83: {  	[sflag:s10] =	ssyncset.done $0x0;
	s5 =	sshrl.u32 s1, $0x3  }
0x84: {  	[sflag:s10] =	ssyncadd.s32 $0xFFFFFF80;
	s5 =	sadd.s32 s22, s5  }
0x85: {  	[tilespmem:s26], [sflag:$0x2] =	stream.linear.gather [hbm4b:s5+s6], $0x80, $0x38;
	[tilespmem:$0x1D300] =	vst v63  }
0x86: {  	_ =	swait.ge [sflag:s10], $0x80  }
0x87: {  	s23 =	rddreg [dreg:$0x5]  }
0x88: {  	s0 =	sadd.s32 s23, s0  }
0x89: {  	[sflag:s10] =	ssyncset.done $0x0;
	s0 =	sshrl.u32 s0, $0x3  }
0x8a: {  	[sflag:s10] =	ssyncadd.s32 $0xFFFFFF80;
	s0 =	sadd.s32 s22, s0  }
0x8b: {  	[tilespmem:s28], [sflag:$0x2] =	stream.linear.gather [hbm4b:s0+s6], $0x80, $0x38;
	[tilespmem:$0x1D300] =	vst v63  }
0x8c: {  	_ =	swait.ge [sflag:s10], $0x80  }
0x8d: {  	[sflag:s10] =	ssyncset.done $0x0  }
0x8e: {  	[sflag:s10] =	ssyncadd.s32 $0xFFFFFF80  }
0x8f: {  	[tilespmem:s25], [sflag:$0x1] =	stream.indirect.gather [hbm4b:s7+s2], $0x80, s6, s2, $0xb8;
	[tilespmem:$0x1D300] =	vst v63  }
0x90: {  	_ =	swait.ge [sflag:s29], $0x4000  }
0x91: {  	[sflag:s29] =	ssyncset.done $0x0  }
0x92: {  	[sflag:s29] =	ssyncadd.s32 $0xFFFFC000  }
0x93: {  	v1 =	vld [tilespmem:$0x80];
	_ =	sdelay $0x7  }
0x94: {  	v2 =	vld.idx.msk [tilespmem:v1+s9+$0x0], $0xffff  }
0x95: {  	v1 =	vld.idx.msk [tilespmem:v1+s12+$0x0], $0xffff;
	_ =	sdelay $0x3  }
0x96: {  	v2 =	vadd.f32 $1.000000020e-16, v2  }
0x97: {  	v1 =	vadd.f32 $1.000000020e-16, v1  }
0x98: {  	(erf) = vrcp.f32 v2  }
0x99: {  	(erf) = vrcp.f32 v1;
	_ =	sdelay $0x2  }
0x9a: {  	v3 =	vld [tilespmem:$0x90]  }
0x9b: {  	v1 =	vld [tilespmem:$0x100]  }
0x9c: {  	v2 =	vld [tilespmem:$0x180];
	_ =	sdelay $0x2  }
0x9d: {  	v4 =	vpop (erf)  }
0x9e: {  	v1 =	vmul.f32 v4, v1;
	v4 =	vpop (erf)  }
0x9f: {  	v2 =	vmul.f32 v2, v4  }
0xa0: {  	[tilespmem:$0x200] =	vst v1  }
0xa1: {  	[tilespmem:$0x280] =	vst v2  }
0xa2: {  	v1 =	vld.idx.msk [tilespmem:v3+s9+$0x0], $0xffff  }
0xa3: {  	v2 =	vld.idx.msk [tilespmem:v3+s12+$0x0], $0xffff;
	_ =	sdelay $0x3  }
0xa4: {  	v1 =	vadd.f32 $1.000000020e-16, v1  }
0xa5: {  	v2 =	vadd.f32 $1.000000020e-16, v2  }
0xa6: {  	(erf) = vrcp.f32 v1  }
0xa7: {  	(erf) = vrcp.f32 v2;
	_ =	sdelay $0x2  }
0xa8: {  	v3 =	vld [tilespmem:$0xA0]  }
0xa9: {  	v1 =	vld [tilespmem:$0x110]  }
0xaa: {  	v2 =	vld [tilespmem:$0x190];
	_ =	sdelay $0x2  }
0xab: {  	v4 =	vpop (erf)  }
0xac: {  	v1 =	vmul.f32 v4, v1;
	v4 =	vpop (erf)  }
0xad: {  	v2 =	vmul.f32 v2, v4  }
0xae: {  	[tilespmem:$0x210] =	vst v1  }
0xaf: {  	[tilespmem:$0x290] =	vst v2  }
0xb0: {  	v1 =	vld.idx.msk [tilespmem:v3+s9+$0x0], $0xffff  }
0xb1: {  	v2 =	vld.idx.msk [tilespmem:v3+s12+$0x0], $0xffff;
	_ =	sdelay $0x3  }
0xb2: {  	v1 =	vadd.f32 $1.000000020e-16, v1  }
0xb3: {  	v2 =	vadd.f32 $1.000000020e-16, v2  }
0xb4: {  	(erf) = vrcp.f32 v1  }
0xb5: {  	(erf) = vrcp.f32 v2;
	_ =	sdelay $0x2  }
0xb6: {  	v3 =	vld [tilespmem:$0xB0]  }
0xb7: {  	v1 =	vld [tilespmem:$0x120]  }
0xb8: {  	v2 =	vld [tilespmem:$0x1A0];
	_ =	sdelay $0x2  }
0xb9: {  	v4 =	vpop (erf)  }
0xba: {  	v1 =	vmul.f32 v4, v1;
	v4 =	vpop (erf)  }
0xbb: {  	v2 =	vmul.f32 v2, v4  }
0xbc: {  	[tilespmem:$0x220] =	vst v1  }
0xbd: {  	[tilespmem:$0x2A0] =	vst v2  }
0xbe: {  	v1 =	vld.idx.msk [tilespmem:v3+s9+$0x0], $0xffff  }
0xbf: {  	v2 =	vld.idx.msk [tilespmem:v3+s12+$0x0], $0xffff;
	_ =	sdelay $0x3  }
0xc0: {  	v1 =	vadd.f32 $1.000000020e-16, v1  }
0xc1: {  	v2 =	vadd.f32 $1.000000020e-16, v2  }
0xc2: {  	(erf) = vrcp.f32 v1  }
0xc3: {  	(erf) = vrcp.f32 v2;
	_ =	sdelay $0x2  }
0xc4: {  	v3 =	vld [tilespmem:$0xC0]  }
0xc5: {  	v1 =	vld [tilespmem:$0x130]  }
0xc6: {  	v2 =	vld [tilespmem:$0x1B0];
	_ =	sdelay $0x2  }
0xc7: {  	v4 =	vpop (erf)  }
0xc8: {  	v1 =	vmul.f32 v4, v1;
	v4 =	vpop (erf)  }
0xc9: {  	v2 =	vmul.f32 v2, v4  }
0xca: {  	[tilespmem:$0x230] =	vst v1  }
0xcb: {  	[tilespmem:$0x2B0] =	vst v2  }
0xcc: {  	v1 =	vld.idx.msk [tilespmem:v3+s9+$0x0], $0xffff  }
0xcd: {  	v2 =	vld.idx.msk [tilespmem:v3+s12+$0x0], $0xffff;
	_ =	sdelay $0x3  }
0xce: {  	v1 =	vadd.f32 $1.000000020e-16, v1  }
0xcf: {  	v2 =	vadd.f32 $1.000000020e-16, v2  }
0xd0: {  	(erf) = vrcp.f32 v1  }
0xd1: {  	(erf) = vrcp.f32 v2;
	_ =	sdelay $0x2  }
0xd2: {  	v3 =	vld [tilespmem:$0xD0]  }
0xd3: {  	v1 =	vld [tilespmem:$0x140]  }
0xd4: {  	v2 =	vld [tilespmem:$0x1C0];
	_ =	sdelay $0x2  }
0xd5: {  	v4 =	vpop (erf)  }
0xd6: {  	v1 =	vmul.f32 v4, v1;
	v4 =	vpop (erf)  }
0xd7: {  	v2 =	vmul.f32 v2, v4  }
0xd8: {  	[tilespmem:$0x240] =	vst v1  }
0xd9: {  	[tilespmem:$0x2C0] =	vst v2  }
0xda: {  	v1 =	vld.idx.msk [tilespmem:v3+s9+$0x0], $0xffff  }
0xdb: {  	v2 =	vld.idx.msk [tilespmem:v3+s12+$0x0], $0xffff;
	_ =	sdelay $0x3  }
0xdc: {  	v1 =	vadd.f32 $1.000000020e-16, v1  }
0xdd: {  	v2 =	vadd.f32 $1.000000020e-16, v2  }
0xde: {  	(erf) = vrcp.f32 v1  }
0xdf: {  	(erf) = vrcp.f32 v2;
	_ =	sdelay $0x2  }
0xe0: {  	v3 =	vld [tilespmem:$0xE0]  }
0xe1: {  	v1 =	vld [tilespmem:$0x150]  }
0xe2: {  	v2 =	vld [tilespmem:$0x1D0];
	_ =	sdelay $0x2  }
0xe3: {  	v4 =	vpop (erf)  }
0xe4: {  	v1 =	vmul.f32 v4, v1;
	v4 =	vpop (erf)  }
0xe5: {  	v2 =	vmul.f32 v2, v4  }
0xe6: {  	[tilespmem:$0x250] =	vst v1  }
0xe7: {  	[tilespmem:$0x2D0] =	vst v2  }
0xe8: {  	v1 =	vld.idx.msk [tilespmem:v3+s9+$0x0], $0xffff  }
0xe9: {  	v2 =	vld.idx.msk [tilespmem:v3+s12+$0x0], $0xffff;
	_ =	sdelay $0x3  }
0xea: {  	v1 =	vadd.f32 $1.000000020e-16, v1  }
0xeb: {  	v2 =	vadd.f32 $1.000000020e-16, v2  }
0xec: {  	(erf) = vrcp.f32 v1  }
0xed: {  	(erf) = vrcp.f32 v2;
	_ =	sdelay $0x2  }
0xee: {  	v3 =	vld [tilespmem:$0xF0]  }
0xef: {  	v1 =	vld [tilespmem:$0x160]  }
0xf0: {  	v2 =	vld [tilespmem:$0x1E0];
	_ =	sdelay $0x2  }
0xf1: {  	v4 =	vpop (erf)  }
0xf2: {  	v1 =	vmul.f32 v4, v1;
	v4 =	vpop (erf)  }
0xf3: {  	v2 =	vmul.f32 v2, v4  }
0xf4: {  	[tilespmem:$0x260] =	vst v1  }
0xf5: {  	[tilespmem:$0x2E0] =	vst v2  }
0xf6: {  	v1 =	vld.idx.msk [tilespmem:v3+s9+$0x0], $0xffff  }
0xf7: {  	v2 =	vld.idx.msk [tilespmem:v3+s12+$0x0], $0xffff;
	_ =	sdelay $0x3  }
0xf8: {  	v1 =	vadd.f32 $1.000000020e-16, v1  }
0xf9: {  	v2 =	vadd.f32 $1.000000020e-16, v2  }
0xfa: {  	(erf) = vrcp.f32 v1  }
0xfb: {  	(erf) = vrcp.f32 v2;
	_ =	sdelay $0x3  }
0xfc: {  	v1 =	vld [tilespmem:$0x170]  }
0xfd: {  	v2 =	vld [tilespmem:$0x1F0];
	_ =	sdelay $0x2  }
0xfe: {  	v3 =	vpop (erf)  }
0xff: {  	v1 =	vmul.f32 v3, v1;
	v3 =	vpop (erf)  }
0x100: {  	v2 =	vmul.f32 v2, v3  }
0x101: {  	[tilespmem:$0x270] =	vst v1  }
0x102: {  	s5 =	simm.s32 $0x340;
	v1 =	vmov s6;
	[tilespmem:$0x2F0] =	vst v2  }
0x103: {  	v8 =	vld [tilespmem:s5+$0xFFFFFFF0]  }
0x104: {  	v6 =	vld [tilespmem:s5+$0xFFFFFFC0]  }
0x105: {  	v7 =	vld [tilespmem:s5+$0xFFFFFFD0]  }
0x106: {  	v11 =	vld [tilespmem:s5+$0x0]  }
0x107: {  	v4 =	vld.idx.msk [tilespmem:v1+s30+$0x0], $0xffff  }
0x108: {  	v3 =	vld [tilespmem:s5+$0xFFFFFFE0]  }
0x109: {  	v2 =	vld.idx.msk [tilespmem:v1+s3+$0x0], $0xffff  }
0x10a: {  	v5 =	vld [tilespmem:s5+$0x20]  }
0x10b: {  	v1 =	vld [tilespmem:s5+$0x30]  }
0x10c: {  	v10 =	vmul.f32 v6, v4;
	v6 =	vld [tilespmem:s5+$0x10]  }
0x10d: {  	v7 =	vmul.f32 v7, v4  }
0x10e: {  	s23 =	simm.s32 $0x1;
	s0 =	simm.s32 $0x340;
	v9 =	vmul.f32 v8, v4;
	v8 =	vmul.f32 v11, v2  }
.LBB2_5:
0x10f: {  	p0 =	sne.s32 s23, $0x7F  }
0x110: {  	[tilespmem:s5+$0xFFFFFFC0] =	vst v10;
	v3 =	vmul.f32 v3, v4;
	v4 =	vmul.f32 v5, v2;
	s0 =	sadd.s32 $0x80, s0;
	s1 =	smov.u32 s23;
	s23 =	sadd.s32 $0x1, s23  }
0x111: {  	v1 =	vmul.f32 v1, v2;
	[tilespmem:s5+$0xFFFFFFF0] =	vst v9;
	v5 =	vmul.f32 v6, v2  }
0x112: {  	[tilespmem:s5+$0xFFFFFFD0] =	vst v7  }
0x113: {  	v2 =	vmov s1;
	v9 =	vld [tilespmem:s0+$0xFFFFFFF0];
	[tilespmem:s5+$0x0] =	vst v8  }
0x114: {  	v7 =	vld [tilespmem:s0+$0xFFFFFFC0];
	[tilespmem:s5+$0xFFFFFFE0] =	vst v3  }
0x115: {  	v3 =	vld [tilespmem:s0+$0xFFFFFFE0];
	[tilespmem:s5+$0x30] =	vst v1  }
0x116: {  	v1 =	vld [tilespmem:s0+$0x30];
	[tilespmem:s5+$0x10] =	vst v5  }
0x117: {  	v8 =	vld [tilespmem:s0+$0xFFFFFFD0];
	[tilespmem:s5+$0x20] =	vst v4;
	s5 =	smov.u32 s0  }
0x118: {  	v4 =	vld.idx.msk [tilespmem:v2+s30+$0x0], $0xffff  }
0x119: {  	v2 =	vld.idx.msk [tilespmem:v2+s3+$0x0], $0xffff  }
0x11a: {  	v11 =	vld [tilespmem:s0+$0x0]  }
.Ltmp1:
0x11b: {  	v5 =	vld [tilespmem:s0+$0x20];
	(pc) =	sbr.rel @p0 .LBB2_5-.Ltmp1, $3  }
0x11c: {  	v6 =	vld [tilespmem:s0+$0x10];
	_ =	sdelay $0x1  }
0x11d: {  	v10 =	vmul.f32 v7, v4;
	v7 =	vmul.f32 v8, v4  }
0x11e: {  	v9 =	vmul.f32 v9, v4;
	v8 =	vmul.f32 v11, v2  }
0x11f: {  	[tilespmem:s5+$0xFFFFFFC0] =	vst v10  }
0x120: {  	[tilespmem:s5+$0xFFFFFFD0] =	vst v7  }
0x121: {  	v3 =	vmul.f32 v3, v4;
	[tilespmem:s5+$0xFFFFFFF0] =	vst v9  }
0x122: {  	v1 =	vmul.f32 v1, v2;
	[tilespmem:s5+$0x0] =	vst v8  }
0x123: {  	v63 =	vmul.f32 v6, v2;
	[tilespmem:s5+$0xFFFFFFE0] =	vst v3  }
0x124: {  	s8 =	sadd.s32 $0x1, s8;
	v2 =	vmul.f32 v5, v2;
	[tilespmem:s5+$0x30] =	vst v1  }
0x125: {  	p0 =	sne.s32 s8, $0x2C;
	[tilespmem:s5+$0x10] =	vst v63  }
.Ltmp2:
0x126: {  	[tilespmem:s5+$0x20] =	vst v2;
	(pc) =	sbr.rel @p0 .LBB2_4-.Ltmp2, $4  }
0x127: {  	[spmem:s11] =	stream.indirect.scatter.add.f32 [tilespmem:s25], [sflag:$0x2], $0x80, s2, s2, $0xb8;
	[tilespmem:$0x1D300] =	vst v63  }
0x128: {  	_ =	swait.ge [sflag:s10], $0x4000  }
0x129: {  	[sflag:s10] =	ssyncset.done $0x0  }
0x12a: {  	[sflag:s10] =	ssyncadd.s32 $0xFFFFC000  }
0x12b: {  	[bflag:$0x0] =	sbarrier.arrive $0xFFFF  }
0x12c: {  	s6 =	sld [smem:$0x7FD];
	_ =	sdelay $0x2  }
0x12d: {  	[tilespmem:s25], [sflag:$0x2] =	stream.linear.gather [spmem:s6], $0x4000, $0x38;
	[tilespmem:$0x1D300] =	vst v63  }
0x12e: {  	_ =	swait.ge [sflag:s10], $0x4000  }
0x12f: {  	[sflag:s10] =	ssyncset.done $0x0  }
0x130: {  	s0 =	simm.s32 $0x0;
	s1 =	rddreg [dreg:$0xe];
	[sflag:s10] =	ssyncadd.s32 $0xFFFFC000  }
0x131: {  	[hbm4b:s1+s0] =	stream.linear.scatter [tilespmem:s25], [sflag:$0x2], $0x4000, $0x38;
	[tilespmem:$0x1D300] =	vst v63  }
0x132: {  	_ =	swait.ge [sflag:s10], $0x4000  }
0x133: {  	s23 =	sld [smem:$0x7F5]  }
0x134: {  	[sflag:s10] =	ssyncset.done $0x0  }
0x135: {  	[sflag:s10] =	ssyncadd.s32 $0xFFFFC000  }
0x136: {  	[tilespmem:s25], [sflag:$0x2] =	stream.linear.gather [spmem:s23], $0x4000, $0x38;
	[tilespmem:$0x1D300] =	vst v63  }
0x137: {  	_ =	swait.ge [sflag:s10], $0x4000  }
0x138: {  	[sflag:s10] =	ssyncset.done $0x0  }
0x139: {  	s5 =	rddreg [dreg:$0xf];
	[sflag:s10] =	ssyncadd.s32 $0xFFFFC000  }
0x13a: {  	[hbm4b:s5+s0] =	stream.linear.scatter [tilespmem:s25], [sflag:$0x2], $0x4000, $0x38;
	[tilespmem:$0x1D300] =	vst v63  }
0x13b: {  	_ =	swait.ge [sflag:s10], $0x4000  }
0x13c: {  	s8 =	sld [smem:$0x7F6]  }
0x13d: {  	[sflag:s10] =	ssyncset.done $0x0  }
0x13e: {  	[sflag:s10] =	ssyncadd.s32 $0xFFFFC000  }
0x13f: {  	[tilespmem:s25], [sflag:$0x2] =	stream.linear.gather [spmem:s8], $0x4000, $0x38;
	[tilespmem:$0x1D300] =	vst v63  }
0x140: {  	_ =	swait.ge [sflag:s10], $0x4000  }
0x141: {  	[sflag:s10] =	ssyncset.done $0x0  }
0x142: {  	s23 =	rddreg [dreg:$0x10];
	[sflag:s10] =	ssyncadd.s32 $0xFFFFC000  }
0x143: {  	[hbm4b:s23+s0] =	stream.linear.scatter [tilespmem:s25], [sflag:$0x2], $0x4000, $0x38;
	[tilespmem:$0x1D300] =	vst v63  }
0x144: {  	_ =	swait.ge [sflag:s10], $0x4000  }
0x145: {  	s5 =	sld [smem:$0x7F7]  }
0x146: {  	[sflag:s10] =	ssyncset.done $0x0  }
0x147: {  	[sflag:s10] =	ssyncadd.s32 $0xFFFFC000  }
0x148: {  	[tilespmem:s25], [sflag:$0x2] =	stream.linear.gather [spmem:s5], $0x4000, $0x38;
	[tilespmem:$0x1D300] =	vst v63  }
0x149: {  	_ =	swait.ge [sflag:s10], $0x4000  }
0x14a: {  	[sflag:s10] =	ssyncset.done $0x0  }
0x14b: {  	s8 =	rddreg [dreg:$0x11];
	[sflag:s10] =	ssyncadd.s32 $0xFFFFC000  }
0x14c: {  	[hbm4b:s8+s0] =	stream.linear.scatter [tilespmem:s25], [sflag:$0x2], $0x4000, $0x38;
	[tilespmem:$0x1D300] =	vst v63  }
0x14d: {  	_ =	swait.ge [sflag:s10], $0x4000  }
0x14e: {  	s23 =	sld [smem:$0x7F8]  }
0x14f: {  	[sflag:s10] =	ssyncset.done $0x0  }
0x150: {  	[sflag:s10] =	ssyncadd.s32 $0xFFFFC000  }
0x151: {  	[tilespmem:s25], [sflag:$0x2] =	stream.linear.gather [spmem:s23], $0x4000, $0x38;
	[tilespmem:$0x1D300] =	vst v63  }
0x152: {  	_ =	swait.ge [sflag:s10], $0x4000  }
0x153: {  	[sflag:s10] =	ssyncset.done $0x0  }
0x154: {  	s5 =	rddreg [dreg:$0x12];
	[sflag:s10] =	ssyncadd.s32 $0xFFFFC000  }
0x155: {  	[hbm4b:s5+s0] =	stream.linear.scatter [tilespmem:s25], [sflag:$0x2], $0x4000, $0x38;
	[tilespmem:$0x1D300] =	vst v63  }
0x156: {  	_ =	swait.ge [sflag:s10], $0x4000  }
0x157: {  	[sflag:s10] =	ssyncset.done $0x0  }
0x158: {  	[sflag:s10] =	ssyncadd.s32 $0xFFFFC000  }
0x159: {  	[bflag:$0x0] =	sbarrier.arrive $0xFFFF  }
0x15a: {  	s8 =	rddreg [dreg:$0x8]  }
0x15b: {  	[tilespmem:s9], [sflag:$0x2] =	stream.linear.gather [hbm4b:s8+s0], $0x2800, $0x38;
	[tilespmem:$0x1D300] =	vst v63  }
0x15c: {  	_ =	swait.ge [sflag:s10], $0x2800  }
0x15d: {  	[sflag:s10] =	ssyncset.done $0x0  }
0x15e: {  	s23 =	rddreg [dreg:$0x9];
	[sflag:s10] =	ssyncadd.s32 $0xFFFFD800  }
0x15f: {  	[tilespmem:s12], [sflag:$0x2] =	stream.linear.gather [hbm4b:s23+s0], $0x2800, $0x38;
	[tilespmem:$0x1D300] =	vst v63  }
0x160: {  	_ =	swait.ge [sflag:s10], $0x2800  }
0x161: {  	[sflag:s10] =	ssyncset.done $0x0  }
0x162: {  	s5 =	simm.s32 $0x200;
	s0 =	simm.s32 $0x0;
	[sflag:s10] =	ssyncadd.s32 $0xFFFFD800  }
.LBB2_8:
0x163: {  	p0 =	sne.s32 s5, $0xFE00;
	[tilespmem:s0+$0x370] =	vst v0  }
0x164: {  	[tilespmem:s0+$0x300] =	vst v0  }
0x165: {  	[tilespmem:s0+$0x310] =	vst v0  }
.Ltmp3:
0x166: {  	[tilespmem:s0+$0x320] =	vst v0;
	(pc) =	sbr.rel @p0 .LBB2_8-.Ltmp3, $4  }
0x167: {  	[tilespmem:s0+$0x330] =	vst v0  }
0x168: {  	[tilespmem:s0+$0x340] =	vst v0  }
0x169: {  	[tilespmem:s0+$0x350] =	vst v0  }
0x16a: {  	[tilespmem:s0+$0x360] =	vst v0;
	s0 =	sshra.s32 s5, $0x2;
	s5 =	sadd.s32 $0x200, s5  }
0x16b: {  	[tilespmem:s0+$0x370] =	vst v0  }
0x16c: {  	[tilespmem:s0+$0x300] =	vst v0  }
0x16d: {  	[tilespmem:s0+$0x310] =	vst v0  }
0x16e: {  	[tilespmem:s0+$0x320] =	vst v0  }
0x16f: {  	[tilespmem:s0+$0x330] =	vst v0  }
0x170: {  	[tilespmem:s0+$0x340] =	vst v0  }
0x171: {  	[tilespmem:s0+$0x350] =	vst v0  }
0x172: {  	[tilespmem:s0+$0x360] =	vst v0  }
0x173: {  	[spmem:s6] =	stream.linear.scatter [tilespmem:s25], [sflag:$0x2], $0x4000, $0x38;
	[tilespmem:$0x1D300] =	vst v63  }
0x174: {  	_ =	swait.ge [sflag:s10], $0x4000  }
0x175: {  	s5 =	sld [smem:$0x7F9]  }
0x176: {  	[sflag:s10] =	ssyncset.done $0x0  }
0x177: {  	[sflag:s10] =	ssyncadd.s32 $0xFFFFC000  }
0x178: {  	[spmem:s5] =	stream.linear.scatter [tilespmem:s25], [sflag:$0x2], $0x4000, $0x38;
	[tilespmem:$0x1D300] =	vst v63  }
0x179: {  	_ =	swait.ge [sflag:s10], $0x4000  }
0x17a: {  	s6 =	sld [smem:$0x7FA]  }
0x17b: {  	[sflag:s10] =	ssyncset.done $0x0  }
0x17c: {  	[sflag:s10] =	ssyncadd.s32 $0xFFFFC000  }
0x17d: {  	[spmem:s6] =	stream.linear.scatter [tilespmem:s25], [sflag:$0x2], $0x4000, $0x38;
	[tilespmem:$0x1D300] =	vst v63  }
0x17e: {  	_ =	swait.ge [sflag:s10], $0x4000  }
0x17f: {  	s8 =	sld [smem:$0x7FB]  }
0x180: {  	[sflag:s10] =	ssyncset.done $0x0  }
0x181: {  	[sflag:s10] =	ssyncadd.s32 $0xFFFFC000  }
0x182: {  	[spmem:s8] =	stream.linear.scatter [tilespmem:s25], [sflag:$0x2], $0x4000, $0x38;
	[tilespmem:$0x1D300] =	vst v63  }
0x183: {  	_ =	swait.ge [sflag:s10], $0x4000  }
0x184: {  	s23 =	sld [smem:$0x7FC]  }
0x185: {  	[sflag:s10] =	ssyncset.done $0x0  }
0x186: {  	[sflag:s10] =	ssyncadd.s32 $0xFFFFC000  }
0x187: {  	[spmem:s23] =	stream.linear.scatter [tilespmem:s25], [sflag:$0x2], $0x4000, $0x38;
	[tilespmem:$0x1D300] =	vst v63  }
0x188: {  	_ =	swait.ge [sflag:s10], $0x4000  }
0x189: {  	[sflag:s10] =	ssyncset.done $0x0  }
0x18a: {  	[sflag:s10] =	ssyncadd.s32 $0xFFFFC000  }
0x18b: {  	s6 =	simm.s32 $0x0;
	s8 =	simm.s32 $0x0;
	[bflag:$0x0] =	sbarrier.arrive $0xFFFF  }
.LBB2_10:
0x18c: {  	s0 =	sshll.u32 s8, $0x7  }
0x18d: {  	s0 =	sadd.s32 s31, s0  }
0x18e: {  	s1 =	sshrl.u32 s0, $0x3  }
0x18f: {  	s5 =	sadd.s32 s20, s1  }
0x190: {  	[tilespmem:s6], [sflag:$0x2] =	stream.linear.gather [hbm4b:s5+s6], $0x80, $0x38;
	[tilespmem:$0x1D300] =	vst v63  }
0x191: {  	_ =	swait.ge [sflag:s10], $0x80  }
0x192: {  	[sflag:s10] =	ssyncset.done $0x0  }
0x193: {  	s1 =	sadd.s32 s21, s1;
	[sflag:s10] =	ssyncadd.s32 $0xFFFFFF80  }
0x194: {  	[tilespmem:s2], [sflag:$0x2] =	stream.linear.gather [hbm4b:s1+s6], $0x80, $0x38;
	[tilespmem:$0x1D300] =	vst v63  }
0x195: {  	s23 =	sadd.s32 s17, s0;
	_ =	swait.ge [sflag:s10], $0x80  }
0x196: {  	s1 =	sshrl.u32 s23, $0x3;
	[sflag:s10] =	ssyncset.done $0x0  }
0x197: {  	s1 =	sadd.s32 s22, s1;
	[sflag:s10] =	ssyncadd.s32 $0xFFFFFF80  }
0x198: {  	[tilespmem:s26], [sflag:$0x2] =	stream.linear.gather [hbm4b:s1+s6], $0x80, $0x38;
	[tilespmem:$0x1D300] =	vst v63  }
0x199: {  	s0 =	sadd.s32 s4, s0;
	_ =	swait.ge [sflag:s10], $0x80  }
0x19a: {  	s0 =	sshrl.u32 s0, $0x3;
	[sflag:s10] =	ssyncset.done $0x0  }
0x19b: {  	s0 =	sadd.s32 s22, s0;
	[sflag:s10] =	ssyncadd.s32 $0xFFFFFF80  }
0x19c: {  	[tilespmem:s28], [sflag:$0x2] =	stream.linear.gather [hbm4b:s0+s6], $0x80, $0x38;
	[tilespmem:$0x1D300] =	vst v63  }
0x19d: {  	_ =	swait.ge [sflag:s10], $0x80  }
0x19e: {  	[sflag:s10] =	ssyncset.done $0x0  }
0x19f: {  	[sflag:s10] =	ssyncadd.s32 $0xFFFFFF80  }
0x1a0: {  	[tilespmem:s25], [sflag:$0x1] =	stream.indirect.gather [hbm4b:s14+s2], $0x80, s6, s2, $0xb8;
	[tilespmem:$0x1D300] =	vst v63  }
0x1a1: {  	_ =	swait.ge [sflag:s29], $0x4000  }
0x1a2: {  	[sflag:s29] =	ssyncset.done $0x0  }
0x1a3: {  	[sflag:s29] =	ssyncadd.s32 $0xFFFFC000  }
0x1a4: {  	v1 =	vld [tilespmem:$0x80];
	_ =	sdelay $0x7  }
0x1a5: {  	v2 =	vld.idx.msk [tilespmem:v1+s9+$0x0], $0xffff  }
0x1a6: {  	v1 =	vld.idx.msk [tilespmem:v1+s12+$0x0], $0xffff;
	_ =	sdelay $0x3  }
0x1a7: {  	v2 =	vadd.f32 $1.000000020e-16, v2  }
0x1a8: {  	v1 =	vadd.f32 $1.000000020e-16, v1  }
0x1a9: {  	(erf) = vrcp.f32 v2  }
0x1aa: {  	(erf) = vrcp.f32 v1;
	_ =	sdelay $0x2  }
0x1ab: {  	v3 =	vld [tilespmem:$0x90]  }
0x1ac: {  	v1 =	vld [tilespmem:$0x100]  }
0x1ad: {  	v2 =	vld [tilespmem:$0x180];
	_ =	sdelay $0x2  }
0x1ae: {  	v4 =	vpop (erf)  }
0x1af: {  	v1 =	vmul.f32 v4, v1;
	v4 =	vpop (erf)  }
0x1b0: {  	v2 =	vmul.f32 v2, v4  }
0x1b1: {  	[tilespmem:$0x200] =	vst v1  }
0x1b2: {  	[tilespmem:$0x280] =	vst v2  }
0x1b3: {  	v1 =	vld.idx.msk [tilespmem:v3+s9+$0x0], $0xffff  }
0x1b4: {  	v2 =	vld.idx.msk [tilespmem:v3+s12+$0x0], $0xffff;
	_ =	sdelay $0x3  }
0x1b5: {  	v1 =	vadd.f32 $1.000000020e-16, v1  }
0x1b6: {  	v2 =	vadd.f32 $1.000000020e-16, v2  }
0x1b7: {  	(erf) = vrcp.f32 v1  }
0x1b8: {  	(erf) = vrcp.f32 v2;
	_ =	sdelay $0x2  }
0x1b9: {  	v3 =	vld [tilespmem:$0xA0]  }
0x1ba: {  	v1 =	vld [tilespmem:$0x110]  }
0x1bb: {  	v2 =	vld [tilespmem:$0x190];
	_ =	sdelay $0x2  }
0x1bc: {  	v4 =	vpop (erf)  }
0x1bd: {  	v1 =	vmul.f32 v4, v1;
	v4 =	vpop (erf)  }
0x1be: {  	v2 =	vmul.f32 v2, v4  }
0x1bf: {  	[tilespmem:$0x210] =	vst v1  }
0x1c0: {  	[tilespmem:$0x290] =	vst v2  }
0x1c1: {  	v1 =	vld.idx.msk [tilespmem:v3+s9+$0x0], $0xffff  }
0x1c2: {  	v2 =	vld.idx.msk [tilespmem:v3+s12+$0x0], $0xffff;
	_ =	sdelay $0x3  }
0x1c3: {  	v1 =	vadd.f32 $1.000000020e-16, v1  }
0x1c4: {  	v2 =	vadd.f32 $1.000000020e-16, v2  }
0x1c5: {  	(erf) = vrcp.f32 v1  }
0x1c6: {  	(erf) = vrcp.f32 v2;
	_ =	sdelay $0x2  }
0x1c7: {  	v3 =	vld [tilespmem:$0xB0]  }
0x1c8: {  	v1 =	vld [tilespmem:$0x120]  }
0x1c9: {  	v2 =	vld [tilespmem:$0x1A0];
	_ =	sdelay $0x2  }
0x1ca: {  	v4 =	vpop (erf)  }
0x1cb: {  	v1 =	vmul.f32 v4, v1;
	v4 =	vpop (erf)  }
0x1cc: {  	v2 =	vmul.f32 v2, v4  }
0x1cd: {  	[tilespmem:$0x220] =	vst v1  }
0x1ce: {  	[tilespmem:$0x2A0] =	vst v2  }
0x1cf: {  	v1 =	vld.idx.msk [tilespmem:v3+s9+$0x0], $0xffff  }
0x1d0: {  	v2 =	vld.idx.msk [tilespmem:v3+s12+$0x0], $0xffff;
	_ =	sdelay $0x3  }
0x1d1: {  	v1 =	vadd.f32 $1.000000020e-16, v1  }
0x1d2: {  	v2 =	vadd.f32 $1.000000020e-16, v2  }
0x1d3: {  	(erf) = vrcp.f32 v1  }
0x1d4: {  	(erf) = vrcp.f32 v2;
	_ =	sdelay $0x2  }
0x1d5: {  	v3 =	vld [tilespmem:$0xC0]  }
0x1d6: {  	v1 =	vld [tilespmem:$0x130]  }
0x1d7: {  	v2 =	vld [tilespmem:$0x1B0];
	_ =	sdelay $0x2  }
0x1d8: {  	v4 =	vpop (erf)  }
0x1d9: {  	v1 =	vmul.f32 v4, v1;
	v4 =	vpop (erf)  }
0x1da: {  	v2 =	vmul.f32 v2, v4  }
0x1db: {  	[tilespmem:$0x230] =	vst v1  }
0x1dc: {  	[tilespmem:$0x2B0] =	vst v2  }
0x1dd: {  	v1 =	vld.idx.msk [tilespmem:v3+s9+$0x0], $0xffff  }
0x1de: {  	v2 =	vld.idx.msk [tilespmem:v3+s12+$0x0], $0xffff;
	_ =	sdelay $0x3  }
0x1df: {  	v1 =	vadd.f32 $1.000000020e-16, v1  }
0x1e0: {  	v2 =	vadd.f32 $1.000000020e-16, v2  }
0x1e1: {  	(erf) = vrcp.f32 v1  }
0x1e2: {  	(erf) = vrcp.f32 v2;
	_ =	sdelay $0x2  }
0x1e3: {  	v3 =	vld [tilespmem:$0xD0]  }
0x1e4: {  	v1 =	vld [tilespmem:$0x140]  }
0x1e5: {  	v2 =	vld [tilespmem:$0x1C0];
	_ =	sdelay $0x2  }
0x1e6: {  	v4 =	vpop (erf)  }
0x1e7: {  	v1 =	vmul.f32 v4, v1;
	v4 =	vpop (erf)  }
0x1e8: {  	v2 =	vmul.f32 v2, v4  }
0x1e9: {  	[tilespmem:$0x240] =	vst v1  }
0x1ea: {  	[tilespmem:$0x2C0] =	vst v2  }
0x1eb: {  	v1 =	vld.idx.msk [tilespmem:v3+s9+$0x0], $0xffff  }
0x1ec: {  	v2 =	vld.idx.msk [tilespmem:v3+s12+$0x0], $0xffff;
	_ =	sdelay $0x3  }
0x1ed: {  	v1 =	vadd.f32 $1.000000020e-16, v1  }
0x1ee: {  	v2 =	vadd.f32 $1.000000020e-16, v2  }
0x1ef: {  	(erf) = vrcp.f32 v1  }
0x1f0: {  	(erf) = vrcp.f32 v2;
	_ =	sdelay $0x2  }
0x1f1: {  	v3 =	vld [tilespmem:$0xE0]  }
0x1f2: {  	v1 =	vld [tilespmem:$0x150]  }
0x1f3: {  	v2 =	vld [tilespmem:$0x1D0];
	_ =	sdelay $0x2  }
0x1f4: {  	v4 =	vpop (erf)  }
0x1f5: {  	v1 =	vmul.f32 v4, v1;
	v4 =	vpop (erf)  }
0x1f6: {  	v2 =	vmul.f32 v2, v4  }
0x1f7: {  	[tilespmem:$0x250] =	vst v1  }
0x1f8: {  	[tilespmem:$0x2D0] =	vst v2  }
0x1f9: {  	v1 =	vld.idx.msk [tilespmem:v3+s9+$0x0], $0xffff  }
0x1fa: {  	v2 =	vld.idx.msk [tilespmem:v3+s12+$0x0], $0xffff;
	_ =	sdelay $0x3  }
0x1fb: {  	v1 =	vadd.f32 $1.000000020e-16, v1  }
0x1fc: {  	v2 =	vadd.f32 $1.000000020e-16, v2  }
0x1fd: {  	(erf) = vrcp.f32 v1  }
0x1fe: {  	(erf) = vrcp.f32 v2;
	_ =	sdelay $0x2  }
0x1ff: {  	v3 =	vld [tilespmem:$0xF0]  }
0x200: {  	v1 =	vld [tilespmem:$0x160]  }
0x201: {  	v2 =	vld [tilespmem:$0x1E0];
	_ =	sdelay $0x2  }
0x202: {  	v4 =	vpop (erf)  }
0x203: {  	v1 =	vmul.f32 v4, v1;
	v4 =	vpop (erf)  }
0x204: {  	v2 =	vmul.f32 v2, v4  }
0x205: {  	[tilespmem:$0x260] =	vst v1  }
0x206: {  	[tilespmem:$0x2E0] =	vst v2  }
0x207: {  	v1 =	vld.idx.msk [tilespmem:v3+s9+$0x0], $0xffff  }
0x208: {  	v2 =	vld.idx.msk [tilespmem:v3+s12+$0x0], $0xffff;
	_ =	sdelay $0x3  }
0x209: {  	v1 =	vadd.f32 $1.000000020e-16, v1  }
0x20a: {  	v2 =	vadd.f32 $1.000000020e-16, v2  }
0x20b: {  	(erf) = vrcp.f32 v1  }
0x20c: {  	(erf) = vrcp.f32 v2;
	_ =	sdelay $0x3  }
0x20d: {  	v1 =	vld [tilespmem:$0x170]  }
0x20e: {  	v2 =	vld [tilespmem:$0x1F0];
	_ =	sdelay $0x2  }
0x20f: {  	v3 =	vpop (erf)  }
0x210: {  	v1 =	vmul.f32 v3, v1;
	v3 =	vpop (erf)  }
0x211: {  	v2 =	vmul.f32 v2, v3  }
0x212: {  	[tilespmem:$0x270] =	vst v1  }
0x213: {  	s5 =	simm.s32 $0x340;
	v1 =	vmov s6;
	[tilespmem:$0x2F0] =	vst v2  }
0x214: {  	v8 =	vld [tilespmem:s5+$0xFFFFFFF0]  }
0x215: {  	v6 =	vld [tilespmem:s5+$0xFFFFFFC0]  }
0x216: {  	v7 =	vld [tilespmem:s5+$0xFFFFFFD0]  }
0x217: {  	v11 =	vld [tilespmem:s5+$0x0]  }
0x218: {  	v4 =	vld.idx.msk [tilespmem:v1+s30+$0x0], $0xffff  }
0x219: {  	v3 =	vld [tilespmem:s5+$0xFFFFFFE0]  }
0x21a: {  	v2 =	vld.idx.msk [tilespmem:v1+s3+$0x0], $0xffff  }
0x21b: {  	v5 =	vld [tilespmem:s5+$0x20]  }
0x21c: {  	v1 =	vld [tilespmem:s5+$0x30]  }
0x21d: {  	v10 =	vmul.f32 v6, v4;
	v6 =	vld [tilespmem:s5+$0x10]  }
0x21e: {  	v7 =	vmul.f32 v7, v4  }
0x21f: {  	s23 =	simm.s32 $0x1;
	s0 =	simm.s32 $0x340;
	v9 =	vmul.f32 v8, v4;
	v8 =	vmul.f32 v11, v2  }
.LBB2_11:
0x220: {  	p0 =	sne.s32 s23, $0x7F  }
0x221: {  	[tilespmem:s5+$0xFFFFFFC0] =	vst v10;
	v3 =	vmul.f32 v3, v4;
	v4 =	vmul.f32 v5, v2;
	s0 =	sadd.s32 $0x80, s0;
	s1 =	smov.u32 s23;
	s23 =	sadd.s32 $0x1, s23  }
0x222: {  	v1 =	vmul.f32 v1, v2;
	[tilespmem:s5+$0xFFFFFFF0] =	vst v9;
	v5 =	vmul.f32 v6, v2  }
0x223: {  	[tilespmem:s5+$0xFFFFFFD0] =	vst v7  }
0x224: {  	v2 =	vmov s1;
	v9 =	vld [tilespmem:s0+$0xFFFFFFF0];
	[tilespmem:s5+$0x0] =	vst v8  }
0x225: {  	v7 =	vld [tilespmem:s0+$0xFFFFFFC0];
	[tilespmem:s5+$0xFFFFFFE0] =	vst v3  }
0x226: {  	v3 =	vld [tilespmem:s0+$0xFFFFFFE0];
	[tilespmem:s5+$0x30] =	vst v1  }
0x227: {  	v1 =	vld [tilespmem:s0+$0x30];
	[tilespmem:s5+$0x10] =	vst v5  }
0x228: {  	v8 =	vld [tilespmem:s0+$0xFFFFFFD0];
	[tilespmem:s5+$0x20] =	vst v4;
	s5 =	smov.u32 s0  }
0x229: {  	v4 =	vld.idx.msk [tilespmem:v2+s30+$0x0], $0xffff  }
0x22a: {  	v2 =	vld.idx.msk [tilespmem:v2+s3+$0x0], $0xffff  }
0x22b: {  	v11 =	vld [tilespmem:s0+$0x0]  }
.Ltmp4:
0x22c: {  	v5 =	vld [tilespmem:s0+$0x20];
	(pc) =	sbr.rel @p0 .LBB2_11-.Ltmp4, $3  }
0x22d: {  	v6 =	vld [tilespmem:s0+$0x10];
	_ =	sdelay $0x1  }
0x22e: {  	v10 =	vmul.f32 v7, v4;
	v7 =	vmul.f32 v8, v4  }
0x22f: {  	v9 =	vmul.f32 v9, v4;
	v8 =	vmul.f32 v11, v2  }
0x230: {  	[tilespmem:s5+$0xFFFFFFC0] =	vst v10  }
0x231: {  	[tilespmem:s5+$0xFFFFFFD0] =	vst v7  }
0x232: {  	v3 =	vmul.f32 v3, v4;
	[tilespmem:s5+$0xFFFFFFF0] =	vst v9  }
0x233: {  	v1 =	vmul.f32 v1, v2;
	[tilespmem:s5+$0x0] =	vst v8  }
0x234: {  	v63 =	vmul.f32 v6, v2;
	[tilespmem:s5+$0xFFFFFFE0] =	vst v3  }
0x235: {  	s8 =	sadd.s32 $0x1, s8;
	v2 =	vmul.f32 v5, v2;
	[tilespmem:s5+$0x30] =	vst v1  }
0x236: {  	p0 =	sne.s32 s8, $0x2C;
	[tilespmem:s5+$0x10] =	vst v63  }
.Ltmp5:
0x237: {  	[tilespmem:s5+$0x20] =	vst v2;
	(pc) =	sbr.rel @p0 .LBB2_10-.Ltmp5, $4  }
0x238: {  	[spmem:s11] =	stream.indirect.scatter.add.f32 [tilespmem:s25], [sflag:$0x2], $0x80, s2, s2, $0xb8;
	[tilespmem:$0x1D300] =	vst v63  }
0x239: {  	_ =	swait.ge [sflag:s10], $0x4000  }
0x23a: {  	[sflag:s10] =	ssyncset.done $0x0  }
0x23b: {  	[sflag:s10] =	ssyncadd.s32 $0xFFFFC000  }
0x23c: {  	[bflag:$0x0] =	sbarrier.arrive $0xFFFF  }
0x23d: {  	s6 =	sld [smem:$0x7FD];
	_ =	sdelay $0x2  }
0x23e: {  	[tilespmem:s25], [sflag:$0x2] =	stream.linear.gather [spmem:s6], $0x4000, $0x38;
	[tilespmem:$0x1D300] =	vst v63  }
0x23f: {  	_ =	swait.ge [sflag:s10], $0x4000  }
0x240: {  	[sflag:s10] =	ssyncset.done $0x0  }
0x241: {  	s0 =	simm.s32 $0x0;
	s1 =	rddreg [dreg:$0x13];
	[sflag:s10] =	ssyncadd.s32 $0xFFFFC000  }
0x242: {  	[hbm4b:s1+s0] =	stream.linear.scatter [tilespmem:s25], [sflag:$0x2], $0x4000, $0x38;
	[tilespmem:$0x1D300] =	vst v63  }
0x243: {  	_ =	swait.ge [sflag:s10], $0x4000  }
0x244: {  	s23 =	sld [smem:$0x7F5]  }
0x245: {  	[sflag:s10] =	ssyncset.done $0x0  }
0x246: {  	[sflag:s10] =	ssyncadd.s32 $0xFFFFC000  }
0x247: {  	[tilespmem:s25], [sflag:$0x2] =	stream.linear.gather [spmem:s23], $0x4000, $0x38;
	[tilespmem:$0x1D300] =	vst v63  }
0x248: {  	_ =	swait.ge [sflag:s10], $0x4000  }
0x249: {  	[sflag:s10] =	ssyncset.done $0x0  }
0x24a: {  	s5 =	rddreg [dreg:$0x14];
	[sflag:s10] =	ssyncadd.s32 $0xFFFFC000  }
0x24b: {  	[hbm4b:s5+s0] =	stream.linear.scatter [tilespmem:s25], [sflag:$0x2], $0x4000, $0x38;
	[tilespmem:$0x1D300] =	vst v63  }
0x24c: {  	_ =	swait.ge [sflag:s10], $0x4000  }
0x24d: {  	s8 =	sld [smem:$0x7F6]  }
0x24e: {  	[sflag:s10] =	ssyncset.done $0x0  }
0x24f: {  	[sflag:s10] =	ssyncadd.s32 $0xFFFFC000  }
0x250: {  	[tilespmem:s25], [sflag:$0x2] =	stream.linear.gather [spmem:s8], $0x4000, $0x38;
	[tilespmem:$0x1D300] =	vst v63  }
0x251: {  	_ =	swait.ge [sflag:s10], $0x4000  }
0x252: {  	[sflag:s10] =	ssyncset.done $0x0  }
0x253: {  	s23 =	rddreg [dreg:$0x15];
	[sflag:s10] =	ssyncadd.s32 $0xFFFFC000  }
0x254: {  	[hbm4b:s23+s0] =	stream.linear.scatter [tilespmem:s25], [sflag:$0x2], $0x4000, $0x38;
	[tilespmem:$0x1D300] =	vst v63  }
0x255: {  	_ =	swait.ge [sflag:s10], $0x4000  }
0x256: {  	s5 =	sld [smem:$0x7F7]  }
0x257: {  	[sflag:s10] =	ssyncset.done $0x0  }
0x258: {  	[sflag:s10] =	ssyncadd.s32 $0xFFFFC000  }
0x259: {  	[tilespmem:s25], [sflag:$0x2] =	stream.linear.gather [spmem:s5], $0x4000, $0x38;
	[tilespmem:$0x1D300] =	vst v63  }
0x25a: {  	_ =	swait.ge [sflag:s10], $0x4000  }
0x25b: {  	[sflag:s10] =	ssyncset.done $0x0  }
0x25c: {  	s8 =	rddreg [dreg:$0x16];
	[sflag:s10] =	ssyncadd.s32 $0xFFFFC000  }
0x25d: {  	[hbm4b:s8+s0] =	stream.linear.scatter [tilespmem:s25], [sflag:$0x2], $0x4000, $0x38;
	[tilespmem:$0x1D300] =	vst v63  }
0x25e: {  	_ =	swait.ge [sflag:s10], $0x4000  }
0x25f: {  	s23 =	sld [smem:$0x7F8]  }
0x260: {  	[sflag:s10] =	ssyncset.done $0x0  }
0x261: {  	[sflag:s10] =	ssyncadd.s32 $0xFFFFC000  }
0x262: {  	[tilespmem:s25], [sflag:$0x2] =	stream.linear.gather [spmem:s23], $0x4000, $0x38;
	[tilespmem:$0x1D300] =	vst v63  }
0x263: {  	_ =	swait.ge [sflag:s10], $0x4000  }
0x264: {  	[sflag:s10] =	ssyncset.done $0x0  }
0x265: {  	s5 =	rddreg [dreg:$0x17];
	[sflag:s10] =	ssyncadd.s32 $0xFFFFC000  }
0x266: {  	[hbm4b:s5+s0] =	stream.linear.scatter [tilespmem:s25], [sflag:$0x2], $0x4000, $0x38;
	[tilespmem:$0x1D300] =	vst v63  }
0x267: {  	_ =	swait.ge [sflag:s10], $0x4000  }
0x268: {  	[sflag:s10] =	ssyncset.done $0x0  }
0x269: {  	[sflag:s10] =	ssyncadd.s32 $0xFFFFC000  }
0x26a: {  	[bflag:$0x0] =	sbarrier.arrive $0xFFFF  }
0x26b: {  	s8 =	rddreg [dreg:$0xa]  }
0x26c: {  	[tilespmem:s9], [sflag:$0x2] =	stream.linear.gather [hbm4b:s8+s0], $0x2800, $0x38;
	[tilespmem:$0x1D300] =	vst v63  }
0x26d: {  	_ =	swait.ge [sflag:s10], $0x2800  }
0x26e: {  	[sflag:s10] =	ssyncset.done $0x0  }
0x26f: {  	s23 =	rddreg [dreg:$0xb];
	[sflag:s10] =	ssyncadd.s32 $0xFFFFD800  }
0x270: {  	[tilespmem:s12], [sflag:$0x2] =	stream.linear.gather [hbm4b:s23+s0], $0x2800, $0x38;
	[tilespmem:$0x1D300] =	vst v63  }
0x271: {  	_ =	swait.ge [sflag:s10], $0x2800  }
0x272: {  	[sflag:s10] =	ssyncset.done $0x0  }
0x273: {  	s5 =	simm.s32 $0x200;
	s0 =	simm.s32 $0x0;
	[sflag:s10] =	ssyncadd.s32 $0xFFFFD800  }
.LBB2_14:
0x274: {  	p0 =	sne.s32 s5, $0xFE00;
	[tilespmem:s0+$0x370] =	vst v0  }
0x275: {  	[tilespmem:s0+$0x300] =	vst v0  }
0x276: {  	[tilespmem:s0+$0x310] =	vst v0  }
.Ltmp6:
0x277: {  	[tilespmem:s0+$0x320] =	vst v0;
	(pc) =	sbr.rel @p0 .LBB2_14-.Ltmp6, $4  }
0x278: {  	[tilespmem:s0+$0x330] =	vst v0  }
0x279: {  	[tilespmem:s0+$0x340] =	vst v0  }
0x27a: {  	[tilespmem:s0+$0x350] =	vst v0  }
0x27b: {  	[tilespmem:s0+$0x360] =	vst v0;
	s0 =	sshra.s32 s5, $0x2;
	s5 =	sadd.s32 $0x200, s5  }
0x27c: {  	[tilespmem:s0+$0x370] =	vst v0  }
0x27d: {  	[tilespmem:s0+$0x300] =	vst v0  }
0x27e: {  	[tilespmem:s0+$0x310] =	vst v0  }
0x27f: {  	[tilespmem:s0+$0x320] =	vst v0  }
0x280: {  	[tilespmem:s0+$0x330] =	vst v0  }
0x281: {  	[tilespmem:s0+$0x340] =	vst v0  }
0x282: {  	[tilespmem:s0+$0x350] =	vst v0  }
0x283: {  	[tilespmem:s0+$0x360] =	vst v0  }
0x284: {  	[spmem:s6] =	stream.linear.scatter [tilespmem:s25], [sflag:$0x2], $0x4000, $0x38;
	[tilespmem:$0x1D300] =	vst v63  }
0x285: {  	_ =	swait.ge [sflag:s10], $0x4000  }
0x286: {  	s5 =	sld [smem:$0x7F9]  }
0x287: {  	[sflag:s10] =	ssyncset.done $0x0  }
0x288: {  	[sflag:s10] =	ssyncadd.s32 $0xFFFFC000  }
0x289: {  	[spmem:s5] =	stream.linear.scatter [tilespmem:s25], [sflag:$0x2], $0x4000, $0x38;
	[tilespmem:$0x1D300] =	vst v63  }
0x28a: {  	_ =	swait.ge [sflag:s10], $0x4000  }
0x28b: {  	s6 =	sld [smem:$0x7FA]  }
0x28c: {  	[sflag:s10] =	ssyncset.done $0x0  }
0x28d: {  	[sflag:s10] =	ssyncadd.s32 $0xFFFFC000  }
0x28e: {  	[spmem:s6] =	stream.linear.scatter [tilespmem:s25], [sflag:$0x2], $0x4000, $0x38;
	[tilespmem:$0x1D300] =	vst v63  }
0x28f: {  	_ =	swait.ge [sflag:s10], $0x4000  }
0x290: {  	s8 =	sld [smem:$0x7FB]  }
0x291: {  	[sflag:s10] =	ssyncset.done $0x0  }
0x292: {  	[sflag:s10] =	ssyncadd.s32 $0xFFFFC000  }
0x293: {  	[spmem:s8] =	stream.linear.scatter [tilespmem:s25], [sflag:$0x2], $0x4000, $0x38;
	[tilespmem:$0x1D300] =	vst v63  }
0x294: {  	_ =	swait.ge [sflag:s10], $0x4000  }
0x295: {  	s23 =	sld [smem:$0x7FC]  }
0x296: {  	[sflag:s10] =	ssyncset.done $0x0  }
0x297: {  	[sflag:s10] =	ssyncadd.s32 $0xFFFFC000  }
0x298: {  	[spmem:s23] =	stream.linear.scatter [tilespmem:s25], [sflag:$0x2], $0x4000, $0x38;
	[tilespmem:$0x1D300] =	vst v63  }
0x299: {  	_ =	swait.ge [sflag:s10], $0x4000  }
0x29a: {  	[sflag:s10] =	ssyncset.done $0x0  }
0x29b: {  	[sflag:s10] =	ssyncadd.s32 $0xFFFFC000  }
0x29c: {  	s6 =	simm.s32 $0x0;
	s8 =	simm.s32 $0x0;
	[bflag:$0x0] =	sbarrier.arrive $0xFFFF  }
.LBB2_16:
0x29d: {  	s0 =	sshll.u32 s8, $0x7  }
0x29e: {  	s0 =	sadd.s32 s31, s0  }
0x29f: {  	s1 =	sshrl.u32 s0, $0x3  }
0x2a0: {  	s5 =	sadd.s32 s20, s1  }
0x2a1: {  	[tilespmem:s6], [sflag:$0x2] =	stream.linear.gather [hbm4b:s5+s6], $0x80, $0x38;
	[tilespmem:$0x1D300] =	vst v63  }
0x2a2: {  	_ =	swait.ge [sflag:s10], $0x80  }
0x2a3: {  	[sflag:s10] =	ssyncset.done $0x0  }
0x2a4: {  	s1 =	sadd.s32 s21, s1;
	[sflag:s10] =	ssyncadd.s32 $0xFFFFFF80  }
0x2a5: {  	[tilespmem:s2], [sflag:$0x2] =	stream.linear.gather [hbm4b:s1+s6], $0x80, $0x38;
	[tilespmem:$0x1D300] =	vst v63  }
0x2a6: {  	s23 =	sadd.s32 s13, s0;
	_ =	swait.ge [sflag:s10], $0x80  }
0x2a7: {  	s1 =	sshrl.u32 s23, $0x3;
	[sflag:s10] =	ssyncset.done $0x0  }
0x2a8: {  	s1 =	sadd.s32 s22, s1;
	[sflag:s10] =	ssyncadd.s32 $0xFFFFFF80  }
0x2a9: {  	[tilespmem:s26], [sflag:$0x2] =	stream.linear.gather [hbm4b:s1+s6], $0x80, $0x38;
	[tilespmem:$0x1D300] =	vst v63  }
0x2aa: {  	s0 =	sadd.s32 s18, s0;
	_ =	swait.ge [sflag:s10], $0x80  }
0x2ab: {  	s0 =	sshrl.u32 s0, $0x3;
	[sflag:s10] =	ssyncset.done $0x0  }
0x2ac: {  	s0 =	sadd.s32 s22, s0;
	[sflag:s10] =	ssyncadd.s32 $0xFFFFFF80  }
0x2ad: {  	[tilespmem:s28], [sflag:$0x2] =	stream.linear.gather [hbm4b:s0+s6], $0x80, $0x38;
	[tilespmem:$0x1D300] =	vst v63  }
0x2ae: {  	_ =	swait.ge [sflag:s10], $0x80  }
0x2af: {  	[sflag:s10] =	ssyncset.done $0x0  }
0x2b0: {  	[sflag:s10] =	ssyncadd.s32 $0xFFFFFF80  }
0x2b1: {  	[tilespmem:s25], [sflag:$0x1] =	stream.indirect.gather [hbm4b:s15+s2], $0x80, s6, s2, $0xb8;
	[tilespmem:$0x1D300] =	vst v63  }
0x2b2: {  	_ =	swait.ge [sflag:s29], $0x4000  }
0x2b3: {  	[sflag:s29] =	ssyncset.done $0x0  }
0x2b4: {  	[sflag:s29] =	ssyncadd.s32 $0xFFFFC000  }
0x2b5: {  	v1 =	vld [tilespmem:$0x80];
	_ =	sdelay $0x7  }
0x2b6: {  	v2 =	vld.idx.msk [tilespmem:v1+s9+$0x0], $0xffff  }
0x2b7: {  	v1 =	vld.idx.msk [tilespmem:v1+s12+$0x0], $0xffff;
	_ =	sdelay $0x3  }
0x2b8: {  	v2 =	vadd.f32 $1.000000020e-16, v2  }
0x2b9: {  	v1 =	vadd.f32 $1.000000020e-16, v1  }
0x2ba: {  	(erf) = vrcp.f32 v2  }
0x2bb: {  	(erf) = vrcp.f32 v1;
	_ =	sdelay $0x2  }
0x2bc: {  	v3 =	vld [tilespmem:$0x90]  }
0x2bd: {  	v1 =	vld [tilespmem:$0x100]  }
0x2be: {  	v2 =	vld [tilespmem:$0x180];
	_ =	sdelay $0x2  }
0x2bf: {  	v4 =	vpop (erf)  }
0x2c0: {  	v1 =	vmul.f32 v4, v1;
	v4 =	vpop (erf)  }
0x2c1: {  	v2 =	vmul.f32 v2, v4  }
0x2c2: {  	[tilespmem:$0x200] =	vst v1  }
0x2c3: {  	[tilespmem:$0x280] =	vst v2  }
0x2c4: {  	v1 =	vld.idx.msk [tilespmem:v3+s9+$0x0], $0xffff  }
0x2c5: {  	v2 =	vld.idx.msk [tilespmem:v3+s12+$0x0], $0xffff;
	_ =	sdelay $0x3  }
0x2c6: {  	v1 =	vadd.f32 $1.000000020e-16, v1  }
0x2c7: {  	v2 =	vadd.f32 $1.000000020e-16, v2  }
0x2c8: {  	(erf) = vrcp.f32 v1  }
0x2c9: {  	(erf) = vrcp.f32 v2;
	_ =	sdelay $0x2  }
0x2ca: {  	v3 =	vld [tilespmem:$0xA0]  }
0x2cb: {  	v1 =	vld [tilespmem:$0x110]  }
0x2cc: {  	v2 =	vld [tilespmem:$0x190];
	_ =	sdelay $0x2  }
0x2cd: {  	v4 =	vpop (erf)  }
0x2ce: {  	v1 =	vmul.f32 v4, v1;
	v4 =	vpop (erf)  }
0x2cf: {  	v2 =	vmul.f32 v2, v4  }
0x2d0: {  	[tilespmem:$0x210] =	vst v1  }
0x2d1: {  	[tilespmem:$0x290] =	vst v2  }
0x2d2: {  	v1 =	vld.idx.msk [tilespmem:v3+s9+$0x0], $0xffff  }
0x2d3: {  	v2 =	vld.idx.msk [tilespmem:v3+s12+$0x0], $0xffff;
	_ =	sdelay $0x3  }
0x2d4: {  	v1 =	vadd.f32 $1.000000020e-16, v1  }
0x2d5: {  	v2 =	vadd.f32 $1.000000020e-16, v2  }
0x2d6: {  	(erf) = vrcp.f32 v1  }
0x2d7: {  	(erf) = vrcp.f32 v2;
	_ =	sdelay $0x2  }
0x2d8: {  	v3 =	vld [tilespmem:$0xB0]  }
0x2d9: {  	v1 =	vld [tilespmem:$0x120]  }
0x2da: {  	v2 =	vld [tilespmem:$0x1A0];
	_ =	sdelay $0x2  }
0x2db: {  	v4 =	vpop (erf)  }
0x2dc: {  	v1 =	vmul.f32 v4, v1;
	v4 =	vpop (erf)  }
0x2dd: {  	v2 =	vmul.f32 v2, v4  }
0x2de: {  	[tilespmem:$0x220] =	vst v1  }
0x2df: {  	[tilespmem:$0x2A0] =	vst v2  }
0x2e0: {  	v1 =	vld.idx.msk [tilespmem:v3+s9+$0x0], $0xffff  }
0x2e1: {  	v2 =	vld.idx.msk [tilespmem:v3+s12+$0x0], $0xffff;
	_ =	sdelay $0x3  }
0x2e2: {  	v1 =	vadd.f32 $1.000000020e-16, v1  }
0x2e3: {  	v2 =	vadd.f32 $1.000000020e-16, v2  }
0x2e4: {  	(erf) = vrcp.f32 v1  }
0x2e5: {  	(erf) = vrcp.f32 v2;
	_ =	sdelay $0x2  }
0x2e6: {  	v3 =	vld [tilespmem:$0xC0]  }
0x2e7: {  	v1 =	vld [tilespmem:$0x130]  }
0x2e8: {  	v2 =	vld [tilespmem:$0x1B0];
	_ =	sdelay $0x2  }
0x2e9: {  	v4 =	vpop (erf)  }
0x2ea: {  	v1 =	vmul.f32 v4, v1;
	v4 =	vpop (erf)  }
0x2eb: {  	v2 =	vmul.f32 v2, v4  }
0x2ec: {  	[tilespmem:$0x230] =	vst v1  }
0x2ed: {  	[tilespmem:$0x2B0] =	vst v2  }
0x2ee: {  	v1 =	vld.idx.msk [tilespmem:v3+s9+$0x0], $0xffff  }
0x2ef: {  	v2 =	vld.idx.msk [tilespmem:v3+s12+$0x0], $0xffff;
	_ =	sdelay $0x3  }
0x2f0: {  	v1 =	vadd.f32 $1.000000020e-16, v1  }
0x2f1: {  	v2 =	vadd.f32 $1.000000020e-16, v2  }
0x2f2: {  	(erf) = vrcp.f32 v1  }
0x2f3: {  	(erf) = vrcp.f32 v2;
	_ =	sdelay $0x2  }
0x2f4: {  	v3 =	vld [tilespmem:$0xD0]  }
0x2f5: {  	v1 =	vld [tilespmem:$0x140]  }
0x2f6: {  	v2 =	vld [tilespmem:$0x1C0];
	_ =	sdelay $0x2  }
0x2f7: {  	v4 =	vpop (erf)  }
0x2f8: {  	v1 =	vmul.f32 v4, v1;
	v4 =	vpop (erf)  }
0x2f9: {  	v2 =	vmul.f32 v2, v4  }
0x2fa: {  	[tilespmem:$0x240] =	vst v1  }
0x2fb: {  	[tilespmem:$0x2C0] =	vst v2  }
0x2fc: {  	v1 =	vld.idx.msk [tilespmem:v3+s9+$0x0], $0xffff  }
0x2fd: {  	v2 =	vld.idx.msk [tilespmem:v3+s12+$0x0], $0xffff;
	_ =	sdelay $0x3  }
0x2fe: {  	v1 =	vadd.f32 $1.000000020e-16, v1  }
0x2ff: {  	v2 =	vadd.f32 $1.000000020e-16, v2  }
0x300: {  	(erf) = vrcp.f32 v1  }
0x301: {  	(erf) = vrcp.f32 v2;
	_ =	sdelay $0x2  }
0x302: {  	v3 =	vld [tilespmem:$0xE0]  }
0x303: {  	v1 =	vld [tilespmem:$0x150]  }
0x304: {  	v2 =	vld [tilespmem:$0x1D0];
	_ =	sdelay $0x2  }
0x305: {  	v4 =	vpop (erf)  }
0x306: {  	v1 =	vmul.f32 v4, v1;
	v4 =	vpop (erf)  }
0x307: {  	v2 =	vmul.f32 v2, v4  }
0x308: {  	[tilespmem:$0x250] =	vst v1  }
0x309: {  	[tilespmem:$0x2D0] =	vst v2  }
0x30a: {  	v1 =	vld.idx.msk [tilespmem:v3+s9+$0x0], $0xffff  }
0x30b: {  	v2 =	vld.idx.msk [tilespmem:v3+s12+$0x0], $0xffff;
	_ =	sdelay $0x3  }
0x30c: {  	v1 =	vadd.f32 $1.000000020e-16, v1  }
0x30d: {  	v2 =	vadd.f32 $1.000000020e-16, v2  }
0x30e: {  	(erf) = vrcp.f32 v1  }
0x30f: {  	(erf) = vrcp.f32 v2;
	_ =	sdelay $0x2  }
0x310: {  	v3 =	vld [tilespmem:$0xF0]  }
0x311: {  	v1 =	vld [tilespmem:$0x160]  }
0x312: {  	v2 =	vld [tilespmem:$0x1E0];
	_ =	sdelay $0x2  }
0x313: {  	v4 =	vpop (erf)  }
0x314: {  	v1 =	vmul.f32 v4, v1;
	v4 =	vpop (erf)  }
0x315: {  	v2 =	vmul.f32 v2, v4  }
0x316: {  	[tilespmem:$0x260] =	vst v1  }
0x317: {  	[tilespmem:$0x2E0] =	vst v2  }
0x318: {  	v1 =	vld.idx.msk [tilespmem:v3+s9+$0x0], $0xffff  }
0x319: {  	v2 =	vld.idx.msk [tilespmem:v3+s12+$0x0], $0xffff;
	_ =	sdelay $0x3  }
0x31a: {  	v1 =	vadd.f32 $1.000000020e-16, v1  }
0x31b: {  	v2 =	vadd.f32 $1.000000020e-16, v2  }
0x31c: {  	(erf) = vrcp.f32 v1  }
0x31d: {  	(erf) = vrcp.f32 v2;
	_ =	sdelay $0x3  }
0x31e: {  	v1 =	vld [tilespmem:$0x170]  }
0x31f: {  	v2 =	vld [tilespmem:$0x1F0];
	_ =	sdelay $0x2  }
0x320: {  	v3 =	vpop (erf)  }
0x321: {  	v1 =	vmul.f32 v3, v1;
	v3 =	vpop (erf)  }
0x322: {  	v2 =	vmul.f32 v2, v3  }
0x323: {  	[tilespmem:$0x270] =	vst v1  }
0x324: {  	s5 =	simm.s32 $0x340;
	v1 =	vmov s6;
	[tilespmem:$0x2F0] =	vst v2  }
0x325: {  	v8 =	vld [tilespmem:s5+$0xFFFFFFF0]  }
0x326: {  	v6 =	vld [tilespmem:s5+$0xFFFFFFC0]  }
0x327: {  	v7 =	vld [tilespmem:s5+$0xFFFFFFD0]  }
0x328: {  	v11 =	vld [tilespmem:s5+$0x0]  }
0x329: {  	v4 =	vld.idx.msk [tilespmem:v1+s30+$0x0], $0xffff  }
0x32a: {  	v3 =	vld [tilespmem:s5+$0xFFFFFFE0]  }
0x32b: {  	v2 =	vld.idx.msk [tilespmem:v1+s3+$0x0], $0xffff  }
0x32c: {  	v5 =	vld [tilespmem:s5+$0x20]  }
0x32d: {  	v1 =	vld [tilespmem:s5+$0x30]  }
0x32e: {  	v10 =	vmul.f32 v6, v4;
	v6 =	vld [tilespmem:s5+$0x10]  }
0x32f: {  	v7 =	vmul.f32 v7, v4  }
0x330: {  	s23 =	simm.s32 $0x1;
	s0 =	simm.s32 $0x340;
	v9 =	vmul.f32 v8, v4;
	v8 =	vmul.f32 v11, v2  }
.LBB2_17:
0x331: {  	p0 =	sne.s32 s23, $0x7F  }
0x332: {  	[tilespmem:s5+$0xFFFFFFC0] =	vst v10;
	v3 =	vmul.f32 v3, v4;
	v4 =	vmul.f32 v5, v2;
	s0 =	sadd.s32 $0x80, s0;
	s1 =	smov.u32 s23;
	s23 =	sadd.s32 $0x1, s23  }
0x333: {  	v1 =	vmul.f32 v1, v2;
	[tilespmem:s5+$0xFFFFFFF0] =	vst v9;
	v5 =	vmul.f32 v6, v2  }
0x334: {  	[tilespmem:s5+$0xFFFFFFD0] =	vst v7  }
0x335: {  	v2 =	vmov s1;
	v9 =	vld [tilespmem:s0+$0xFFFFFFF0];
	[tilespmem:s5+$0x0] =	vst v8  }
0x336: {  	v7 =	vld [tilespmem:s0+$0xFFFFFFC0];
	[tilespmem:s5+$0xFFFFFFE0] =	vst v3  }
0x337: {  	v3 =	vld [tilespmem:s0+$0xFFFFFFE0];
	[tilespmem:s5+$0x30] =	vst v1  }
0x338: {  	v1 =	vld [tilespmem:s0+$0x30];
	[tilespmem:s5+$0x10] =	vst v5  }
0x339: {  	v8 =	vld [tilespmem:s0+$0xFFFFFFD0];
	[tilespmem:s5+$0x20] =	vst v4;
	s5 =	smov.u32 s0  }
0x33a: {  	v4 =	vld.idx.msk [tilespmem:v2+s30+$0x0], $0xffff  }
0x33b: {  	v2 =	vld.idx.msk [tilespmem:v2+s3+$0x0], $0xffff  }
0x33c: {  	v11 =	vld [tilespmem:s0+$0x0]  }
.Ltmp7:
0x33d: {  	v5 =	vld [tilespmem:s0+$0x20];
	(pc) =	sbr.rel @p0 .LBB2_17-.Ltmp7, $3  }
0x33e: {  	v6 =	vld [tilespmem:s0+$0x10];
	_ =	sdelay $0x1  }
0x33f: {  	v10 =	vmul.f32 v7, v4;
	v7 =	vmul.f32 v8, v4  }
0x340: {  	v9 =	vmul.f32 v9, v4;
	v8 =	vmul.f32 v11, v2  }
0x341: {  	[tilespmem:s5+$0xFFFFFFC0] =	vst v10  }
0x342: {  	[tilespmem:s5+$0xFFFFFFD0] =	vst v7  }
0x343: {  	v3 =	vmul.f32 v3, v4;
	[tilespmem:s5+$0xFFFFFFF0] =	vst v9  }
0x344: {  	v1 =	vmul.f32 v1, v2;
	[tilespmem:s5+$0x0] =	vst v8  }
0x345: {  	v63 =	vmul.f32 v6, v2;
	[tilespmem:s5+$0xFFFFFFE0] =	vst v3  }
0x346: {  	s8 =	sadd.s32 $0x1, s8;
	v2 =	vmul.f32 v5, v2;
	[tilespmem:s5+$0x30] =	vst v1  }
0x347: {  	p0 =	sne.s32 s8, $0x2C;
	[tilespmem:s5+$0x10] =	vst v63  }
.Ltmp8:
0x348: {  	[tilespmem:s5+$0x20] =	vst v2;
	(pc) =	sbr.rel @p0 .LBB2_16-.Ltmp8, $4  }
0x349: {  	[spmem:s11] =	stream.indirect.scatter.add.f32 [tilespmem:s25], [sflag:$0x2], $0x80, s2, s2, $0xb8;
	[tilespmem:$0x1D300] =	vst v63  }
0x34a: {  	_ =	swait.ge [sflag:s10], $0x4000  }
0x34b: {  	[sflag:s10] =	ssyncset.done $0x0  }
0x34c: {  	[sflag:s10] =	ssyncadd.s32 $0xFFFFC000  }
0x34d: {  	[bflag:$0x0] =	sbarrier.arrive $0xFFFF  }
0x34e: {  	s6 =	sld [smem:$0x7FD];
	_ =	sdelay $0x2  }
0x34f: {  	[tilespmem:s25], [sflag:$0x2] =	stream.linear.gather [spmem:s6], $0x4000, $0x38;
	[tilespmem:$0x1D300] =	vst v63  }
0x350: {  	_ =	swait.ge [sflag:s10], $0x4000  }
0x351: {  	[sflag:s10] =	ssyncset.done $0x0  }
0x352: {  	s0 =	simm.s32 $0x0;
	s1 =	rddreg [dreg:$0x18];
	[sflag:s10] =	ssyncadd.s32 $0xFFFFC000  }
0x353: {  	[hbm4b:s1+s0] =	stream.linear.scatter [tilespmem:s25], [sflag:$0x2], $0x4000, $0x38;
	[tilespmem:$0x1D300] =	vst v63  }
0x354: {  	_ =	swait.ge [sflag:s10], $0x4000  }
0x355: {  	s23 =	sld [smem:$0x7F5]  }
0x356: {  	[sflag:s10] =	ssyncset.done $0x0  }
0x357: {  	[sflag:s10] =	ssyncadd.s32 $0xFFFFC000  }
0x358: {  	[tilespmem:s25], [sflag:$0x2] =	stream.linear.gather [spmem:s23], $0x4000, $0x38;
	[tilespmem:$0x1D300] =	vst v63  }
0x359: {  	_ =	swait.ge [sflag:s10], $0x4000  }
0x35a: {  	[sflag:s10] =	ssyncset.done $0x0  }
0x35b: {  	s5 =	rddreg [dreg:$0x19];
	[sflag:s10] =	ssyncadd.s32 $0xFFFFC000  }
0x35c: {  	[hbm4b:s5+s0] =	stream.linear.scatter [tilespmem:s25], [sflag:$0x2], $0x4000, $0x38;
	[tilespmem:$0x1D300] =	vst v63  }
0x35d: {  	_ =	swait.ge [sflag:s10], $0x4000  }
0x35e: {  	s8 =	sld [smem:$0x7F6]  }
0x35f: {  	[sflag:s10] =	ssyncset.done $0x0  }
0x360: {  	[sflag:s10] =	ssyncadd.s32 $0xFFFFC000  }
0x361: {  	[tilespmem:s25], [sflag:$0x2] =	stream.linear.gather [spmem:s8], $0x4000, $0x38;
	[tilespmem:$0x1D300] =	vst v63  }
0x362: {  	_ =	swait.ge [sflag:s10], $0x4000  }
0x363: {  	[sflag:s10] =	ssyncset.done $0x0  }
0x364: {  	s23 =	rddreg [dreg:$0x1a];
	[sflag:s10] =	ssyncadd.s32 $0xFFFFC000  }
0x365: {  	[hbm4b:s23+s0] =	stream.linear.scatter [tilespmem:s25], [sflag:$0x2], $0x4000, $0x38;
	[tilespmem:$0x1D300] =	vst v63  }
0x366: {  	_ =	swait.ge [sflag:s10], $0x4000  }
0x367: {  	s5 =	sld [smem:$0x7F7]  }
0x368: {  	[sflag:s10] =	ssyncset.done $0x0  }
0x369: {  	[sflag:s10] =	ssyncadd.s32 $0xFFFFC000  }
0x36a: {  	[tilespmem:s25], [sflag:$0x2] =	stream.linear.gather [spmem:s5], $0x4000, $0x38;
	[tilespmem:$0x1D300] =	vst v63  }
0x36b: {  	_ =	swait.ge [sflag:s10], $0x4000  }
0x36c: {  	[sflag:s10] =	ssyncset.done $0x0  }
0x36d: {  	s8 =	rddreg [dreg:$0x1b];
	[sflag:s10] =	ssyncadd.s32 $0xFFFFC000  }
0x36e: {  	[hbm4b:s8+s0] =	stream.linear.scatter [tilespmem:s25], [sflag:$0x2], $0x4000, $0x38;
	[tilespmem:$0x1D300] =	vst v63  }
0x36f: {  	_ =	swait.ge [sflag:s10], $0x4000  }
0x370: {  	s23 =	sld [smem:$0x7F8]  }
0x371: {  	[sflag:s10] =	ssyncset.done $0x0  }
0x372: {  	[sflag:s10] =	ssyncadd.s32 $0xFFFFC000  }
0x373: {  	[tilespmem:s25], [sflag:$0x2] =	stream.linear.gather [spmem:s23], $0x4000, $0x38;
	[tilespmem:$0x1D300] =	vst v63  }
0x374: {  	_ =	swait.ge [sflag:s10], $0x4000  }
0x375: {  	[sflag:s10] =	ssyncset.done $0x0  }
0x376: {  	s5 =	rddreg [dreg:$0x1c];
	[sflag:s10] =	ssyncadd.s32 $0xFFFFC000  }
0x377: {  	[hbm4b:s5+s0] =	stream.linear.scatter [tilespmem:s25], [sflag:$0x2], $0x4000, $0x38;
	[tilespmem:$0x1D300] =	vst v63  }
0x378: {  	_ =	swait.ge [sflag:s10], $0x4000  }
0x379: {  	[sflag:s10] =	ssyncset.done $0x0  }
0x37a: {  	[sflag:s10] =	ssyncadd.s32 $0xFFFFC000  }
0x37b: {  	[bflag:$0x0] =	sbarrier.arrive $0xFFFF  }
0x37c: {  	s8 =	rddreg [dreg:$0xc]  }
0x37d: {  	[tilespmem:s9], [sflag:$0x2] =	stream.linear.gather [hbm4b:s8+s0], $0x2800, $0x38;
	[tilespmem:$0x1D300] =	vst v63  }
0x37e: {  	_ =	swait.ge [sflag:s10], $0x2800  }
0x37f: {  	[sflag:s10] =	ssyncset.done $0x0  }
0x380: {  	s23 =	rddreg [dreg:$0xd];
	[sflag:s10] =	ssyncadd.s32 $0xFFFFD800  }
0x381: {  	[tilespmem:s12], [sflag:$0x2] =	stream.linear.gather [hbm4b:s23+s0], $0x2800, $0x38;
	[tilespmem:$0x1D300] =	vst v63  }
0x382: {  	_ =	swait.ge [sflag:s10], $0x2800  }
0x383: {  	[sflag:s10] =	ssyncset.done $0x0  }
0x384: {  	s5 =	simm.s32 $0x200;
	s0 =	simm.s32 $0x0;
	[sflag:s10] =	ssyncadd.s32 $0xFFFFD800  }
.LBB2_20:
0x385: {  	p0 =	sne.s32 s5, $0xFE00;
	[tilespmem:s0+$0x370] =	vst v0  }
0x386: {  	[tilespmem:s0+$0x300] =	vst v0  }
0x387: {  	[tilespmem:s0+$0x310] =	vst v0  }
.Ltmp9:
0x388: {  	[tilespmem:s0+$0x320] =	vst v0;
	(pc) =	sbr.rel @p0 .LBB2_20-.Ltmp9, $4  }
0x389: {  	[tilespmem:s0+$0x330] =	vst v0  }
0x38a: {  	[tilespmem:s0+$0x340] =	vst v0  }
0x38b: {  	[tilespmem:s0+$0x350] =	vst v0  }
0x38c: {  	[tilespmem:s0+$0x360] =	vst v0;
	s0 =	sshra.s32 s5, $0x2;
	s5 =	sadd.s32 $0x200, s5  }
0x38d: {  	[tilespmem:s0+$0x370] =	vst v0  }
0x38e: {  	[tilespmem:s0+$0x300] =	vst v0  }
0x38f: {  	[tilespmem:s0+$0x310] =	vst v0  }
0x390: {  	[tilespmem:s0+$0x320] =	vst v0  }
0x391: {  	[tilespmem:s0+$0x330] =	vst v0  }
0x392: {  	[tilespmem:s0+$0x340] =	vst v0  }
0x393: {  	[tilespmem:s0+$0x350] =	vst v0  }
0x394: {  	[tilespmem:s0+$0x360] =	vst v0  }
0x395: {  	[spmem:s6] =	stream.linear.scatter [tilespmem:s25], [sflag:$0x2], $0x4000, $0x38;
	[tilespmem:$0x1D300] =	vst v63  }
0x396: {  	_ =	swait.ge [sflag:s10], $0x4000  }
0x397: {  	s5 =	sld [smem:$0x7F9]  }
0x398: {  	[sflag:s10] =	ssyncset.done $0x0  }
0x399: {  	[sflag:s10] =	ssyncadd.s32 $0xFFFFC000  }
0x39a: {  	[spmem:s5] =	stream.linear.scatter [tilespmem:s25], [sflag:$0x2], $0x4000, $0x38;
	[tilespmem:$0x1D300] =	vst v63  }
0x39b: {  	_ =	swait.ge [sflag:s10], $0x4000  }
0x39c: {  	s6 =	sld [smem:$0x7FA]  }
0x39d: {  	[sflag:s10] =	ssyncset.done $0x0  }
0x39e: {  	[sflag:s10] =	ssyncadd.s32 $0xFFFFC000  }
0x39f: {  	[spmem:s6] =	stream.linear.scatter [tilespmem:s25], [sflag:$0x2], $0x4000, $0x38;
	[tilespmem:$0x1D300] =	vst v63  }
0x3a0: {  	_ =	swait.ge [sflag:s10], $0x4000  }
0x3a1: {  	s8 =	sld [smem:$0x7FB]  }
0x3a2: {  	[sflag:s10] =	ssyncset.done $0x0  }
0x3a3: {  	[sflag:s10] =	ssyncadd.s32 $0xFFFFC000  }
0x3a4: {  	[spmem:s8] =	stream.linear.scatter [tilespmem:s25], [sflag:$0x2], $0x4000, $0x38;
	[tilespmem:$0x1D300] =	vst v63  }
0x3a5: {  	_ =	swait.ge [sflag:s10], $0x4000  }
0x3a6: {  	s23 =	sld [smem:$0x7FC]  }
0x3a7: {  	[sflag:s10] =	ssyncset.done $0x0  }
0x3a8: {  	[sflag:s10] =	ssyncadd.s32 $0xFFFFC000  }
0x3a9: {  	[spmem:s23] =	stream.linear.scatter [tilespmem:s25], [sflag:$0x2], $0x4000, $0x38;
	[tilespmem:$0x1D300] =	vst v63  }
0x3aa: {  	_ =	swait.ge [sflag:s10], $0x4000  }
0x3ab: {  	[sflag:s10] =	ssyncset.done $0x0  }
0x3ac: {  	[sflag:s10] =	ssyncadd.s32 $0xFFFFC000  }
0x3ad: {  	s6 =	simm.s32 $0x0;
	s8 =	simm.s32 $0x0;
	[bflag:$0x0] =	sbarrier.arrive $0xFFFF  }
.LBB2_22:
0x3ae: {  	s0 =	sshll.u32 s8, $0x7  }
0x3af: {  	s0 =	sadd.s32 s31, s0  }
0x3b0: {  	s1 =	sshrl.u32 s0, $0x3  }
0x3b1: {  	s5 =	sadd.s32 s20, s1  }
0x3b2: {  	[tilespmem:s6], [sflag:$0x2] =	stream.linear.gather [hbm4b:s5+s6], $0x80, $0x38;
	[tilespmem:$0x1D300] =	vst v63  }
0x3b3: {  	_ =	swait.ge [sflag:s10], $0x80  }
0x3b4: {  	[sflag:s10] =	ssyncset.done $0x0  }
0x3b5: {  	s1 =	sadd.s32 s21, s1;
	[sflag:s10] =	ssyncadd.s32 $0xFFFFFF80  }
0x3b6: {  	[tilespmem:s2], [sflag:$0x2] =	stream.linear.gather [hbm4b:s1+s6], $0x80, $0x38;
	[tilespmem:$0x1D300] =	vst v63  }
0x3b7: {  	s23 =	sadd.s32 s19, s0;
	_ =	swait.ge [sflag:s10], $0x80  }
0x3b8: {  	s1 =	sshrl.u32 s23, $0x3;
	[sflag:s10] =	ssyncset.done $0x0  }
0x3b9: {  	s1 =	sadd.s32 s22, s1;
	[sflag:s10] =	ssyncadd.s32 $0xFFFFFF80  }
0x3ba: {  	[tilespmem:s26], [sflag:$0x2] =	stream.linear.gather [hbm4b:s1+s6], $0x80, $0x38;
	[tilespmem:$0x1D300] =	vst v63  }
0x3bb: {  	s0 =	sadd.s32 s24, s0;
	_ =	swait.ge [sflag:s10], $0x80  }
0x3bc: {  	s0 =	sshrl.u32 s0, $0x3;
	[sflag:s10] =	ssyncset.done $0x0  }
0x3bd: {  	s0 =	sadd.s32 s22, s0;
	[sflag:s10] =	ssyncadd.s32 $0xFFFFFF80  }
0x3be: {  	[tilespmem:s28], [sflag:$0x2] =	stream.linear.gather [hbm4b:s0+s6], $0x80, $0x38;
	[tilespmem:$0x1D300] =	vst v63  }
0x3bf: {  	_ =	swait.ge [sflag:s10], $0x80  }
0x3c0: {  	[sflag:s10] =	ssyncset.done $0x0  }
0x3c1: {  	[sflag:s10] =	ssyncadd.s32 $0xFFFFFF80  }
0x3c2: {  	[tilespmem:s25], [sflag:$0x1] =	stream.indirect.gather [hbm4b:s16+s2], $0x80, s6, s2, $0xb8;
	[tilespmem:$0x1D300] =	vst v63  }
0x3c3: {  	_ =	swait.ge [sflag:s29], $0x4000  }
0x3c4: {  	[sflag:s29] =	ssyncset.done $0x0  }
0x3c5: {  	[sflag:s29] =	ssyncadd.s32 $0xFFFFC000  }
0x3c6: {  	v1 =	vld [tilespmem:$0x80];
	_ =	sdelay $0x7  }
0x3c7: {  	v2 =	vld.idx.msk [tilespmem:v1+s9+$0x0], $0xffff  }
0x3c8: {  	v1 =	vld.idx.msk [tilespmem:v1+s12+$0x0], $0xffff;
	_ =	sdelay $0x3  }
0x3c9: {  	v2 =	vadd.f32 $1.000000020e-16, v2  }
0x3ca: {  	v1 =	vadd.f32 $1.000000020e-16, v1  }
0x3cb: {  	(erf) = vrcp.f32 v2  }
0x3cc: {  	(erf) = vrcp.f32 v1;
	_ =	sdelay $0x2  }
0x3cd: {  	v3 =	vld [tilespmem:$0x90]  }
0x3ce: {  	v1 =	vld [tilespmem:$0x100]  }
0x3cf: {  	v2 =	vld [tilespmem:$0x180];
	_ =	sdelay $0x2  }
0x3d0: {  	v4 =	vpop (erf)  }
0x3d1: {  	v1 =	vmul.f32 v4, v1;
	v4 =	vpop (erf)  }
0x3d2: {  	v2 =	vmul.f32 v2, v4  }
0x3d3: {  	[tilespmem:$0x200] =	vst v1  }
0x3d4: {  	[tilespmem:$0x280] =	vst v2  }
0x3d5: {  	v1 =	vld.idx.msk [tilespmem:v3+s9+$0x0], $0xffff  }
0x3d6: {  	v2 =	vld.idx.msk [tilespmem:v3+s12+$0x0], $0xffff;
	_ =	sdelay $0x3  }
0x3d7: {  	v1 =	vadd.f32 $1.000000020e-16, v1  }
0x3d8: {  	v2 =	vadd.f32 $1.000000020e-16, v2  }
0x3d9: {  	(erf) = vrcp.f32 v1  }
0x3da: {  	(erf) = vrcp.f32 v2;
	_ =	sdelay $0x2  }
0x3db: {  	v3 =	vld [tilespmem:$0xA0]  }
0x3dc: {  	v1 =	vld [tilespmem:$0x110]  }
0x3dd: {  	v2 =	vld [tilespmem:$0x190];
	_ =	sdelay $0x2  }
0x3de: {  	v4 =	vpop (erf)  }
0x3df: {  	v1 =	vmul.f32 v4, v1;
	v4 =	vpop (erf)  }
0x3e0: {  	v2 =	vmul.f32 v2, v4  }
0x3e1: {  	[tilespmem:$0x210] =	vst v1  }
0x3e2: {  	[tilespmem:$0x290] =	vst v2  }
0x3e3: {  	v1 =	vld.idx.msk [tilespmem:v3+s9+$0x0], $0xffff  }
0x3e4: {  	v2 =	vld.idx.msk [tilespmem:v3+s12+$0x0], $0xffff;
	_ =	sdelay $0x3  }
0x3e5: {  	v1 =	vadd.f32 $1.000000020e-16, v1  }
0x3e6: {  	v2 =	vadd.f32 $1.000000020e-16, v2  }
0x3e7: {  	(erf) = vrcp.f32 v1  }
0x3e8: {  	(erf) = vrcp.f32 v2;
	_ =	sdelay $0x2  }
0x3e9: {  	v3 =	vld [tilespmem:$0xB0]  }
0x3ea: {  	v1 =	vld [tilespmem:$0x120]  }
0x3eb: {  	v2 =	vld [tilespmem:$0x1A0];
	_ =	sdelay $0x2  }
0x3ec: {  	v4 =	vpop (erf)  }
0x3ed: {  	v1 =	vmul.f32 v4, v1;
	v4 =	vpop (erf)  }
0x3ee: {  	v2 =	vmul.f32 v2, v4  }
0x3ef: {  	[tilespmem:$0x220] =	vst v1  }
0x3f0: {  	[tilespmem:$0x2A0] =	vst v2  }
0x3f1: {  	v1 =	vld.idx.msk [tilespmem:v3+s9+$0x0], $0xffff  }
0x3f2: {  	v2 =	vld.idx.msk [tilespmem:v3+s12+$0x0], $0xffff;
	_ =	sdelay $0x3  }
0x3f3: {  	v1 =	vadd.f32 $1.000000020e-16, v1  }
0x3f4: {  	v2 =	vadd.f32 $1.000000020e-16, v2  }
0x3f5: {  	(erf) = vrcp.f32 v1  }
0x3f6: {  	(erf) = vrcp.f32 v2;
	_ =	sdelay $0x2  }
0x3f7: {  	v3 =	vld [tilespmem:$0xC0]  }
0x3f8: {  	v1 =	vld [tilespmem:$0x130]  }
0x3f9: {  	v2 =	vld [tilespmem:$0x1B0];
	_ =	sdelay $0x2  }
0x3fa: {  	v4 =	vpop (erf)  }
0x3fb: {  	v1 =	vmul.f32 v4, v1;
	v4 =	vpop (erf)  }
0x3fc: {  	v2 =	vmul.f32 v2, v4  }
0x3fd: {  	[tilespmem:$0x230] =	vst v1  }
0x3fe: {  	[tilespmem:$0x2B0] =	vst v2  }
0x3ff: {  	v1 =	vld.idx.msk [tilespmem:v3+s9+$0x0], $0xffff  }
0x400: {  	v2 =	vld.idx.msk [tilespmem:v3+s12+$0x0], $0xffff;
	_ =	sdelay $0x3  }
0x401: {  	v1 =	vadd.f32 $1.000000020e-16, v1  }
0x402: {  	v2 =	vadd.f32 $1.000000020e-16, v2  }
0x403: {  	(erf) = vrcp.f32 v1  }
0x404: {  	(erf) = vrcp.f32 v2;
	_ =	sdelay $0x2  }
0x405: {  	v3 =	vld [tilespmem:$0xD0]  }
0x406: {  	v1 =	vld [tilespmem:$0x140]  }
0x407: {  	v2 =	vld [tilespmem:$0x1C0];
	_ =	sdelay $0x2  }
0x408: {  	v4 =	vpop (erf)  }
0x409: {  	v1 =	vmul.f32 v4, v1;
	v4 =	vpop (erf)  }
0x40a: {  	v2 =	vmul.f32 v2, v4  }
0x40b: {  	[tilespmem:$0x240] =	vst v1  }
0x40c: {  	[tilespmem:$0x2C0] =	vst v2  }
0x40d: {  	v1 =	vld.idx.msk [tilespmem:v3+s9+$0x0], $0xffff  }
0x40e: {  	v2 =	vld.idx.msk [tilespmem:v3+s12+$0x0], $0xffff;
	_ =	sdelay $0x3  }
0x40f: {  	v1 =	vadd.f32 $1.000000020e-16, v1  }
0x410: {  	v2 =	vadd.f32 $1.000000020e-16, v2  }
0x411: {  	(erf) = vrcp.f32 v1  }
0x412: {  	(erf) = vrcp.f32 v2;
	_ =	sdelay $0x2  }
0x413: {  	v3 =	vld [tilespmem:$0xE0]  }
0x414: {  	v1 =	vld [tilespmem:$0x150]  }
0x415: {  	v2 =	vld [tilespmem:$0x1D0];
	_ =	sdelay $0x2  }
0x416: {  	v4 =	vpop (erf)  }
0x417: {  	v1 =	vmul.f32 v4, v1;
	v4 =	vpop (erf)  }
0x418: {  	v2 =	vmul.f32 v2, v4  }
0x419: {  	[tilespmem:$0x250] =	vst v1  }
0x41a: {  	[tilespmem:$0x2D0] =	vst v2  }
0x41b: {  	v1 =	vld.idx.msk [tilespmem:v3+s9+$0x0], $0xffff  }
0x41c: {  	v2 =	vld.idx.msk [tilespmem:v3+s12+$0x0], $0xffff;
	_ =	sdelay $0x3  }
0x41d: {  	v1 =	vadd.f32 $1.000000020e-16, v1  }
0x41e: {  	v2 =	vadd.f32 $1.000000020e-16, v2  }
0x41f: {  	(erf) = vrcp.f32 v1  }
0x420: {  	(erf) = vrcp.f32 v2;
	_ =	sdelay $0x2  }
0x421: {  	v3 =	vld [tilespmem:$0xF0]  }
0x422: {  	v1 =	vld [tilespmem:$0x160]  }
0x423: {  	v2 =	vld [tilespmem:$0x1E0];
	_ =	sdelay $0x2  }
0x424: {  	v4 =	vpop (erf)  }
0x425: {  	v1 =	vmul.f32 v4, v1;
	v4 =	vpop (erf)  }
0x426: {  	v2 =	vmul.f32 v2, v4  }
0x427: {  	[tilespmem:$0x260] =	vst v1  }
0x428: {  	[tilespmem:$0x2E0] =	vst v2  }
0x429: {  	v1 =	vld.idx.msk [tilespmem:v3+s9+$0x0], $0xffff  }
0x42a: {  	v2 =	vld.idx.msk [tilespmem:v3+s12+$0x0], $0xffff;
	_ =	sdelay $0x3  }
0x42b: {  	v1 =	vadd.f32 $1.000000020e-16, v1  }
0x42c: {  	v2 =	vadd.f32 $1.000000020e-16, v2  }
0x42d: {  	(erf) = vrcp.f32 v1  }
0x42e: {  	(erf) = vrcp.f32 v2;
	_ =	sdelay $0x3  }
0x42f: {  	v1 =	vld [tilespmem:$0x170]  }
0x430: {  	v2 =	vld [tilespmem:$0x1F0];
	_ =	sdelay $0x2  }
0x431: {  	v3 =	vpop (erf)  }
0x432: {  	v1 =	vmul.f32 v3, v1;
	v3 =	vpop (erf)  }
0x433: {  	v2 =	vmul.f32 v2, v3  }
0x434: {  	[tilespmem:$0x270] =	vst v1  }
0x435: {  	s5 =	simm.s32 $0x340;
	v1 =	vmov s6;
	[tilespmem:$0x2F0] =	vst v2  }
0x436: {  	v8 =	vld [tilespmem:s5+$0xFFFFFFF0]  }
0x437: {  	v6 =	vld [tilespmem:s5+$0xFFFFFFC0]  }
0x438: {  	v7 =	vld [tilespmem:s5+$0xFFFFFFD0]  }
0x439: {  	v11 =	vld [tilespmem:s5+$0x0]  }
0x43a: {  	v4 =	vld.idx.msk [tilespmem:v1+s30+$0x0], $0xffff  }
0x43b: {  	v3 =	vld [tilespmem:s5+$0xFFFFFFE0]  }
0x43c: {  	v2 =	vld.idx.msk [tilespmem:v1+s3+$0x0], $0xffff  }
0x43d: {  	v5 =	vld [tilespmem:s5+$0x20]  }
0x43e: {  	v1 =	vld [tilespmem:s5+$0x30]  }
0x43f: {  	v10 =	vmul.f32 v6, v4;
	v6 =	vld [tilespmem:s5+$0x10]  }
0x440: {  	v7 =	vmul.f32 v7, v4  }
0x441: {  	s23 =	simm.s32 $0x1;
	s0 =	simm.s32 $0x340;
	v9 =	vmul.f32 v8, v4;
	v8 =	vmul.f32 v11, v2  }
.LBB2_23:
0x442: {  	p0 =	sne.s32 s23, $0x7F  }
0x443: {  	[tilespmem:s5+$0xFFFFFFC0] =	vst v10;
	v3 =	vmul.f32 v3, v4;
	v4 =	vmul.f32 v5, v2;
	s0 =	sadd.s32 $0x80, s0;
	s1 =	smov.u32 s23;
	s23 =	sadd.s32 $0x1, s23  }
0x444: {  	v1 =	vmul.f32 v1, v2;
	[tilespmem:s5+$0xFFFFFFF0] =	vst v9;
	v5 =	vmul.f32 v6, v2  }
0x445: {  	[tilespmem:s5+$0xFFFFFFD0] =	vst v7  }
0x446: {  	v2 =	vmov s1;
	v9 =	vld [tilespmem:s0+$0xFFFFFFF0];
	[tilespmem:s5+$0x0] =	vst v8  }
0x447: {  	v7 =	vld [tilespmem:s0+$0xFFFFFFC0];
	[tilespmem:s5+$0xFFFFFFE0] =	vst v3  }
0x448: {  	v3 =	vld [tilespmem:s0+$0xFFFFFFE0];
	[tilespmem:s5+$0x30] =	vst v1  }
0x449: {  	v1 =	vld [tilespmem:s0+$0x30];
	[tilespmem:s5+$0x10] =	vst v5  }
0x44a: {  	v8 =	vld [tilespmem:s0+$0xFFFFFFD0];
	[tilespmem:s5+$0x20] =	vst v4;
	s5 =	smov.u32 s0  }
0x44b: {  	v4 =	vld.idx.msk [tilespmem:v2+s30+$0x0], $0xffff  }
0x44c: {  	v2 =	vld.idx.msk [tilespmem:v2+s3+$0x0], $0xffff  }
0x44d: {  	v11 =	vld [tilespmem:s0+$0x0]  }
.Ltmp10:
0x44e: {  	v5 =	vld [tilespmem:s0+$0x20];
	(pc) =	sbr.rel @p0 .LBB2_23-.Ltmp10, $3  }
0x44f: {  	v6 =	vld [tilespmem:s0+$0x10];
	_ =	sdelay $0x1  }
0x450: {  	v10 =	vmul.f32 v7, v4;
	v7 =	vmul.f32 v8, v4  }
0x451: {  	v9 =	vmul.f32 v9, v4;
	v8 =	vmul.f32 v11, v2  }
0x452: {  	[tilespmem:s5+$0xFFFFFFC0] =	vst v10  }
0x453: {  	[tilespmem:s5+$0xFFFFFFD0] =	vst v7  }
0x454: {  	v3 =	vmul.f32 v3, v4;
	[tilespmem:s5+$0xFFFFFFF0] =	vst v9  }
0x455: {  	v1 =	vmul.f32 v1, v2;
	[tilespmem:s5+$0x0] =	vst v8  }
0x456: {  	v63 =	vmul.f32 v6, v2;
	[tilespmem:s5+$0xFFFFFFE0] =	vst v3  }
0x457: {  	s8 =	sadd.s32 $0x1, s8;
	v2 =	vmul.f32 v5, v2;
	[tilespmem:s5+$0x30] =	vst v1  }
0x458: {  	p0 =	sne.s32 s8, $0x2C;
	[tilespmem:s5+$0x10] =	vst v63  }
.Ltmp11:
0x459: {  	[tilespmem:s5+$0x20] =	vst v2;
	(pc) =	sbr.rel @p0 .LBB2_22-.Ltmp11, $4  }
0x45a: {  	[spmem:s11] =	stream.indirect.scatter.add.f32 [tilespmem:s25], [sflag:$0x2], $0x80, s2, s2, $0xb8;
	[tilespmem:$0x1D300] =	vst v63  }
0x45b: {  	_ =	swait.ge [sflag:s10], $0x4000  }
0x45c: {  	[sflag:s10] =	ssyncset.done $0x0  }
0x45d: {  	[sflag:s10] =	ssyncadd.s32 $0xFFFFC000  }
0x45e: {  	[bflag:$0x0] =	sbarrier.arrive $0xFFFF  }
0x45f: {  	s8 =	sld [smem:$0x7FD];
	_ =	sdelay $0x2  }
0x460: {  	[tilespmem:s25], [sflag:$0x2] =	stream.linear.gather [spmem:s8], $0x4000, $0x38;
	[tilespmem:$0x1D300] =	vst v63  }
0x461: {  	_ =	swait.ge [sflag:s10], $0x4000  }
0x462: {  	[sflag:s10] =	ssyncset.done $0x0  }
0x463: {  	s1 =	simm.s32 $0x0;
	s0 =	rddreg [dreg:$0x1d];
	[sflag:s10] =	ssyncadd.s32 $0xFFFFC000  }
0x464: {  	[hbm4b:s0+s1] =	stream.linear.scatter [tilespmem:s25], [sflag:$0x2], $0x4000, $0x38;
	[tilespmem:$0x1D300] =	vst v63  }
0x465: {  	_ =	swait.ge [sflag:s10], $0x4000  }
0x466: {  	s5 =	sld [smem:$0x7F5]  }
0x467: {  	[sflag:s10] =	ssyncset.done $0x0  }
0x468: {  	[sflag:s10] =	ssyncadd.s32 $0xFFFFC000  }
0x469: {  	[tilespmem:s25], [sflag:$0x2] =	stream.linear.gather [spmem:s5], $0x4000, $0x38;
	[tilespmem:$0x1D300] =	vst v63  }
0x46a: {  	_ =	swait.ge [sflag:s10], $0x4000  }
0x46b: {  	[sflag:s10] =	ssyncset.done $0x0  }
0x46c: {  	s6 =	rddreg [dreg:$0x1e];
	[sflag:s10] =	ssyncadd.s32 $0xFFFFC000  }
0x46d: {  	[hbm4b:s6+s1] =	stream.linear.scatter [tilespmem:s25], [sflag:$0x2], $0x4000, $0x38;
	[tilespmem:$0x1D300] =	vst v63  }
0x46e: {  	_ =	swait.ge [sflag:s10], $0x4000  }
0x46f: {  	s23 =	sld [smem:$0x7F6]  }
0x470: {  	[sflag:s10] =	ssyncset.done $0x0  }
0x471: {  	[sflag:s10] =	ssyncadd.s32 $0xFFFFC000  }
0x472: {  	[tilespmem:s25], [sflag:$0x2] =	stream.linear.gather [spmem:s23], $0x4000, $0x38;
	[tilespmem:$0x1D300] =	vst v63  }
0x473: {  	_ =	swait.ge [sflag:s10], $0x4000  }
0x474: {  	[sflag:s10] =	ssyncset.done $0x0  }
0x475: {  	s5 =	rddreg [dreg:$0x1f];
	[sflag:s10] =	ssyncadd.s32 $0xFFFFC000  }
0x476: {  	[hbm4b:s5+s1] =	stream.linear.scatter [tilespmem:s25], [sflag:$0x2], $0x4000, $0x38;
	[tilespmem:$0x1D300] =	vst v63  }
0x477: {  	_ =	swait.ge [sflag:s10], $0x4000  }
0x478: {  	s6 =	sld [smem:$0x7F7]  }
0x479: {  	[sflag:s10] =	ssyncset.done $0x0  }
0x47a: {  	[sflag:s10] =	ssyncadd.s32 $0xFFFFC000  }
0x47b: {  	[tilespmem:s25], [sflag:$0x2] =	stream.linear.gather [spmem:s6], $0x4000, $0x38;
	[tilespmem:$0x1D300] =	vst v63  }
0x47c: {  	_ =	swait.ge [sflag:s10], $0x4000  }
0x47d: {  	s23 =	sld [smem:$0x7F2]  }
0x47e: {  	[sflag:s10] =	ssyncset.done $0x0  }
0x47f: {  	[sflag:s10] =	ssyncadd.s32 $0xFFFFC000  }
0x480: {  	[hbm4b:s23+s1] =	stream.linear.scatter [tilespmem:s25], [sflag:$0x2], $0x4000, $0x38;
	[tilespmem:$0x1D300] =	vst v63  }
0x481: {  	_ =	swait.ge [sflag:s10], $0x4000  }
0x482: {  	s5 =	sld [smem:$0x7F8]  }
0x483: {  	[sflag:s10] =	ssyncset.done $0x0  }
0x484: {  	[sflag:s10] =	ssyncadd.s32 $0xFFFFC000  }
0x485: {  	[tilespmem:s25], [sflag:$0x2] =	stream.linear.gather [spmem:s5], $0x4000, $0x38;
	[tilespmem:$0x1D300] =	vst v63  }
0x486: {  	_ =	swait.ge [sflag:s10], $0x4000  }
0x487: {  	s6 =	sld [smem:$0x7F3]  }
0x488: {  	[sflag:s10] =	ssyncset.done $0x0  }
0x489: {  	[sflag:s10] =	ssyncadd.s32 $0xFFFFC000  }
0x48a: {  	[hbm4b:s6+s1] =	stream.linear.scatter [tilespmem:s25], [sflag:$0x2], $0x4000, $0x38;
	[tilespmem:$0x1D300] =	vst v63  }
0x48b: {  	_ =	swait.ge [sflag:s10], $0x4000  }
0x48c: {  	s5 =	sld [smem:$0x7F1]  }
0x48d: {  	s23 =	sld [smem:$0x7F4];
	_ =	sdelay $0x1  }
0x48e: {  	s5 =	sadd.s32 $0x1, s5  }
0x48f: {  	p0 =	sne.s32 s5, s23  }
.Ltmp12:
0x490: {  	_ = 	snop;
	(pc) =	sbr.rel @p0 .LBB2_1-.Ltmp12, $3  }
0x491: {  	[sflag:s10] =	ssyncset.done $0x0  }
0x492: {  	[sflag:s10] =	ssyncadd.s32 $0xFFFFC000  }
0x493: {  	[bflag:$0x0] =	sbarrier.arrive $0xFFFF;
	_ =	sdelay $0x1  }
0x494: {  	_ =	sfence.sel $0x180000  }
0x495: {  	[bflag:$0x0] =	sbarrier.arrive $0xFFFF  }
0x496: {  	_ =	strace $0x9000004A  }
0x497: {  	s0 =	stileid.u32;
	[bflag:$0x2] =	sbarrier.arrive $0xFFFF  }
0x498: {  	p0 =	sne.s32 s0, $0x0;
	s0 =	rddreg [dreg:$0x3]  }
0x499: {  	s0 =	sadd.s32 @!p0 $0x100000, s0  }
0x49a: {  	[sflag:s0] =	ssyncadd.tile.s32 @!p0 $0x1;
	_ =	shalt  }
.Lfunc_end2:
_tile_overlayer_lowered:
.L_overlay_start_2:
0x49b: {  	(tag) =	ssettag $0x2  }
0x49c: {  	s0 =	rddreg [dreg:$0x0];
	s2 =	stileid.u32  }
0x49d: {  	s1 =	rddreg [dreg:$0x1];
	p0 =	sne.s32 s2, $0x0  }
0x49e: {  	s3 =	rddreg [dreg:$0x2];
	[bflag:$0x3] =	sbarrier.arrive $0xFFFF;
	s2 =	simm.s32 @!p0 $0x1C02  }
0x49f: {  	[timem:s3], [sflag:s2] =	dma.local @!p0 [hbm:s0], s1  }
0x4a0: {  	s0 =	simm.s32 @!p0 $0x2  }
0x4a1: {  	_ =	swait.ge @!p0 [sflag:s0], s1  }
0x4a2: {  	s1 =	ssub.s32 @!p0 $0x0, s1;
	[sflag:s0] =	ssyncset.done @!p0 $0x0  }
0x4a3: {  	[sflag:s0] =	ssyncadd.s32 @!p0 s1  }
0x4a4: {  	[bflag:$0x3] =	sbarrier.arrive $0xFFFF  }
0x4a5: {  	_ =	shalt  }

// kernel: kernel.8.cloned.1.call-start
scs
__scs_entry_jumppad:
0x0: {  	(pc) =	sbr.rel $0x88, $3  }
0x1: {  	(tag) =	ssettag $0x0;
	lr =	simm.s32 $0x1  }
0x2: {  	[smem:$0x3F98] =	sst lr;
	_ =	strace $0xD0000000  }
0x3: {  	_ = 	snop  }
0x4: {  	_ = 	snop  }
0x5: {  	_ = 	snop  }
0x6: {  	_ = 	snop  }
0x7: {  	_ = 	snop  }
__scs_overlays_trampoline_lowered:
0x8: {  	[smem:$0x3FA7] =	sst s0  }
0x9: {  	[smem:$0x3FA8] =	sst s1  }
0xa: {  	[smem:$0x3FA9] =	sst s2  }
0xb: {  	[smem:$0x3FAA] =	sst s3  }
0xc: {  	[smem:$0x3FAB] =	sst s4  }
0xd: {  	[smem:$0x3FAC] =	sst s5  }
0xe: {  	[smem:$0x3FAD] =	sst s6  }
0xf: {  	[smem:$0x3FAE] =	sst s7  }
0x10: {  	[smem:$0x3FAF] =	sst s8  }
0x11: {  	[smem:$0x3FB0] =	sst s9;
	s0 =	simm.s32 @!p0 $0x0  }
0x12: {  	s1 =	sld [smem:$0x3F96];
	s0 =	simm.s32 @p0 $0x1  }
0x13: {  	[smem:$0x3FB1] =	sst s0;
	s0 =	simm.s32 @!p1 $0x0  }
0x14: {  	s2 =	sld [smem:$0x3F95];
	s0 =	simm.s32 @p1 $0x1  }
0x15: {  	[smem:$0x3FB2] =	sst s0;
	s0 =	simm.s32 @!p2 $0x0  }
0x16: {  	s3 =	sld [smem:$0x3FDB];
	s0 =	simm.s32 @p2 $0x1  }
0x17: {  	s4 =	simm.s32 $0x1BF5;
	[smem:$0x3FB4] =	sst s0  }
0x18: {  	s0 =	sld [smem:$0x3F97];
	_ =	swait.ge [sflag:s4], $0x0  }
0x19: {  	s7 =	sld [smem:$0x3F98]  }
0x1a: {  	s8 =	sadd.s32 $0xFFFFE003, lr  }
0x1b: {  	s9 =	sadd.s32 $0xFFFFFEF7, lr;
	s5 =	simm.s32 $0xFFFFFFFF;
	p2 =	slt.u32 s8, $0xFFFFF086  }
0x1c: {  	p1 =	slt.u32 s9, $0xF7A;
	s5 =	simm.s32 @!p2 $0x0  }
0x1d: {  	s5 =	simm.s32 @p1 $0x1;
	p0 =	seq.s32 s7, s2  }
0x1e: {  	s7 =	smul.u32 @!p0 $0xF7A, s2;
	p2 =	seq.s32 @!p0 s5, $0x0  }
0x1f: {  	s9 =	smul.u32 $0xF7A, s1;
	s8 =	simm.s32 @!p0 $0x1BF5;
	p2 =	por !p2, p0  }
0x20: {  	[sflag:s8] =	ssyncset.s32 @!p0 $0xFFFFF086;
	s6 =	sadd.s32 @!p0 s3, s7;
	s7 =	simm.s32 @!p0 $0x108  }
0x21: {  	s3 =	sadd.s32 s3, s9;
	s6 =	sadd.s32 @!p0 $0x88, s6;
	s7 =	simm.s32 @p2 $0x1082  }
0x22: {  	[simem:s7], [sflag:s8] =	dma.local @!p0 [hbm:s6], $0xF7A  }
0x23: {  	s9 =	sor.u32 $0xD0000000, s2;
	s6 =	simm.s32 $0x108;
	_ =	swait.ge @!p0 [sflag:s8], $0x0  }
0x24: {  	s3 =	sadd.s32 $0x88, s3;
	s6 =	simm.s32 @!p1 $0x1082;
	[sflag:s4] =	ssyncset.s32 $0xFFFFF086  }
0x25: {  	[simem:s6], [sflag:s4] =	dma.local [hbm:s3], $0xF7A  }
0x26: {  	[smem:$0x3F98] =	sst s1;
	(tag) =	ssettag s2;
	_ =	strace s9  }
0x27: {  	s1 =	sld [smem:$0x3FA8]  }
0x28: {  	s2 =	sld [smem:$0x3FA9]  }
0x29: {  	s4 =	sld [smem:$0x3FAB]  }
0x2a: {  	p0 =	seq.s32 s5, $0x0;
	s5 =	sld [smem:$0x3FAC]  }
0x2b: {  	s6 =	sld [smem:$0x3FAD]  }
0x2c: {  	s7 =	sld [smem:$0x3FAE]  }
0x2d: {  	s3 =	simm.s32 $0x108;
	s8 =	sld [smem:$0x3FAF]  }
0x2e: {  	s3 =	simm.s32 @!p0 $0x1082;
	s9 =	sld [smem:$0x3FB0]  }
0x2f: {  	lr =	sadd.s32 s0, s3;
	s0 =	sld [smem:$0x3FA7]  }
0x30: {  	s3 =	sld [smem:$0x3FAA]  }
0x31: {  	[smem:$0x3FB3] =	sst s10  }
0x32: {  	s10 =	sld [smem:$0x3FB1];
	_ =	sdelay $0x3  }
0x33: {  	p0 =	seq.s32 s10, $0x1;
	s10 =	sld [smem:$0x3FB3];
	_ =	sdelay $0x3  }
0x34: {  	[smem:$0x3FB3] =	sst s10  }
0x35: {  	s10 =	sld [smem:$0x3FB2];
	_ =	sdelay $0x3  }
0x36: {  	p1 =	seq.s32 s10, $0x1;
	s10 =	sld [smem:$0x3FB3];
	_ =	sdelay $0x3  }
0x37: {  	[smem:$0x3FB3] =	sst s10  }
0x38: {  	s10 =	sld [smem:$0x3FB4]  }
0x39: {  	_ = 	snop;
	(pc) =	sbr.ind lr, $3  }
0x3a: {  	_ = 	snop  }
0x3b: {  	_ = 	snop  }
0x3c: {  	p2 =	seq.s32 s10, $0x1;
	s10 =	sld [smem:$0x3FB3]  }
0x3d: {  	_ =	shalt  }
0x3e: {  	_ =	shalt  }
0x3f: {  	_ =	shalt  }
0x40: {  	_ =	shalt  }
0x41: {  	_ =	shalt  }
0x42: {  	_ =	shalt  }
0x43: {  	_ =	shalt  }
0x44: {  	_ =	shalt  }
0x45: {  	_ =	shalt  }
0x46: {  	_ =	shalt  }
0x47: {  	_ =	shalt  }
0x48: {  	_ =	shalt  }
0x49: {  	_ =	shalt  }
0x4a: {  	_ =	shalt  }
0x4b: {  	_ =	shalt  }
0x4c: {  	_ =	shalt  }
0x4d: {  	_ =	shalt  }
0x4e: {  	_ =	shalt  }
0x4f: {  	_ =	shalt  }
0x50: {  	_ =	shalt  }
0x51: {  	_ =	shalt  }
0x52: {  	_ =	shalt  }
0x53: {  	_ =	shalt  }
0x54: {  	_ =	shalt  }
0x55: {  	_ =	shalt  }
0x56: {  	_ =	shalt  }
0x57: {  	_ =	shalt  }
0x58: {  	_ =	shalt  }
0x59: {  	_ =	shalt  }
0x5a: {  	_ =	shalt  }
0x5b: {  	_ =	shalt  }
0x5c: {  	_ =	shalt  }
0x5d: {  	_ =	shalt  }
0x5e: {  	_ =	shalt  }
0x5f: {  	_ =	shalt  }
0x60: {  	_ =	shalt  }
0x61: {  	_ =	shalt  }
0x62: {  	_ =	shalt  }
0x63: {  	_ =	shalt  }
0x64: {  	_ =	shalt  }
0x65: {  	_ =	shalt  }
0x66: {  	_ =	shalt  }
0x67: {  	_ =	shalt  }
0x68: {  	_ =	shalt  }
0x69: {  	_ =	shalt  }
0x6a: {  	_ =	shalt  }
0x6b: {  	_ =	shalt  }
0x6c: {  	_ =	shalt  }
0x6d: {  	_ =	shalt  }
0x6e: {  	_ =	shalt  }
0x6f: {  	_ =	shalt  }
0x70: {  	_ =	shalt  }
0x71: {  	_ =	shalt  }
0x72: {  	_ =	shalt  }
0x73: {  	_ =	shalt  }
0x74: {  	_ =	shalt  }
0x75: {  	_ =	shalt  }
0x76: {  	_ =	shalt  }
0x77: {  	_ =	shalt  }
0x78: {  	_ =	shalt  }
0x79: {  	_ =	shalt  }
0x7a: {  	_ =	shalt  }
0x7b: {  	_ =	shalt  }
0x7c: {  	_ =	shalt  }
0x7d: {  	_ =	shalt  }
0x7e: {  	_ =	shalt  }
0x7f: {  	_ =	shalt  }
0x80: {  	_ =	shalt  }
0x81: {  	_ =	shalt  }
0x82: {  	_ =	shalt  }
0x83: {  	_ =	shalt  }
0x84: {  	_ =	shalt  }
0x85: {  	_ =	shalt  }
0x86: {  	_ =	shalt  }
0x87: {  	_ =	shalt  }
.Lfunc_end0:
.L_simem_size_0:
called_computation_lowered:
.L_overlay_start_0:
0x88: {  	s2 =	sld [smem:$0x3FD9]  }
0x89: {  	s3 =	sld [smem:$0x3FFE];
	_ =	sdelay $0x1  }
0x8a: {  	s1 =	srdreg.scid  }
0x8b: {  	s0 =	sand.u32 $0x1, s1  }
0x8c: {  	s16 =	sshll.u32 s0, $0xA;
	s2 =	sadd.s32 s3, s2  }
0x8d: {  	s2 =	sadd.s32 s2, s16  }
0x8e: {  	[smem:$0x3FBF] =	sst s2  }
0x8f: {  	_ = 	snop  }
0x90: {  	(tm) =	ssettm $0x1  }
0x91: {  	s17 =	sld [smem:$0x3FFB];
	_ =	sdelay $0x3  }
0x92: {  	_ =	strace s17  }
0x93: {  	s2 =	sld [smem:$0x3FFC];
	_ =	sdelay $0x3  }
0x94: {  	_ =	strace s2  }
0x95: {  	s2 =	sld [smem:$0x3FFD];
	_ =	sdelay $0x3  }
0x96: {  	_ =	strace s2  }
0x97: {  	_ =	strace $0x8FFFFFFF  }
0x98: {  	s18 =	sld [smem:$0x3FDB];
	_ =	sdelay $0x1  }
0x99: {  	s19 =	simm.s32 $_scs_section_size  }
0x9a: {  	s4 =	simm.s32 $_size__tile_overlayer_lowered;
	s5 =	simm.s32 $_tile_overlayer_lowered  }
0x9b: {  	s22 =	simm.s32 $0x1BFF;
	s21 =	sshll.u32 s5, $0x1;
	s2 =	sadd.s32 s19, s18  }
0x9c: {  	s6 =	simm.s32 $0x0;
	s20 =	sshll.u32 s4, $0x1;
	s4 =	sadd.s32 s21, s2  }
0x9d: {  	[timem:s6], [sflag:s22] =	dma.local [hbm:s4], s20  }
0x9e: {  	_ =	swait.ge [sflag:s22], s20  }
0x9f: {  	s3 =	ssub.s32 $0x0, s20;
	[sflag:s22] =	ssyncset.done $0x0  }
0xa0: {  	[sflag:s22] =	ssyncadd.s32 s3;
	_ =	sdelay $0x1  }
0xa1: {  	s23 =	simm.s32 $0x1B8B  }
0xa2: {  	_ =	swait.ge [sflag:s23], $0x1  }
0xa3: {  	[sflag:s23] =	ssyncset.done $0x0  }
0xa4: {  	s25 =	simm.s32 $0x1B8E;
	s24 =	sld [smem:$0x3FFE];
	[sflag:s23] =	ssyncadd.s32 $0xFFFFFFFF  }
0xa5: {  	s26 =	simm.s32 $execute0_lowered;
	[smem:$0x3FD2] =	sst s25  }
0xa6: {  	s4 =	sshll.u32 s26, $0x1;
	_ =	strace $0x80000046;
	[dreg:$0x1] =	wrdreg $0xFFFFFFFF  }
0xa7: {  	s28 =	simm.s32 $_size_execute0_lowered;
	s2 =	sadd.s32 s2, s4;
	[dreg:$0x0] =	wrdreg $0x0  }
0xa8: {  	s4 =	sshll.u32 s28, $0x1;
	[dreg:$0x2] =	wrdreg s2  }
0xa9: {  	[dreg:$0x3] =	wrdreg s4  }
0xaa: {  	[dreg:$0x4] =	wrdreg $0xC0  }
0xab: {  	_ =	task [dreg:s6], $0x5FFFF  }
0xac: {  	[dreg:$0x1] =	wrdreg $0xFFFFFFFF  }
0xad: {  	[dreg:$0x0] =	wrdreg $0x60  }
0xae: {  	[dreg:$0x2] =	wrdreg s24  }
0xaf: {  	[dreg:$0x3] =	wrdreg $0x9  }
0xb0: {  	_ =	task.clear_ibuf [dreg:s6], $0x4FFFF;
	_ =	strace $0x90000046  }
0xb1: {  	s29 =	simm.s32 $0x9;
	_ =	strace $0x80000048  }
0xb2: {  	_ =	swait.ge [sflag:s29], $0x1  }
0xb3: {  	[sflag:s29] =	ssyncadd.s32 $0xFFFFFFFF  }
0xb4: {  	_ =	strace $0x90000048  }
0xb5: {  	_ =	sfence  }
0xb6: {  	s30 =	sld [smem:$0x0];
	_ =	sdelay $0x2  }
0xb7: {  	s31 =	sshll.u32 s1, $0xD;
	s1 =	sshrl.u32 s1, $0x2  }
0xb8: {  	s3 =	sand.u32 $0x4000, s31;
	s1 =	sadd.s32 s1, s30  }
0xb9: {  	s0 =	sor.u32 s3, s0;
	s1 =	sshll.u32 s1, $0x11  }
0xba: {  	s0 =	sor.u32 s1, s0  }
0xbb: {  	s0 =	sadd.s32 $0x8F2B, s0  }
0xbc: {  	[sflag:s0] =	ssyncadd.remote.s32 $0x1  }
0xbd: {  	_ =	sfence.sel $0xFFFF  }
0xbe: {  	[dreg:$0x0] =	wrdreg $0xFFFFFFFF;
	(pc) =	sbr.abs _section_cstart, $3  }
0xbf: {  	[dreg:$0x1] =	wrdreg $0xFFFFFFFF  }
0xc0: {  	_ =	task.clear_ibuf [dreg:s6], $0x2FFFF;
	_ =	strace $0x9FFFFFFF  }
0xc1: {  	(tm) =	ssettm $0x7FFFFFFF  }
tec
execute0_lowered:
.L_overlay_start_1:
0x0: {  	(tag) =	ssettag $0x1  }
0x1: {  	s7 =	rddreg [dreg:$0x0]  }
0x2: {  	s0 =	rddreg [dreg:$0x1]  }
0x3: {  	s2 =	simm.s32 $0x0;
	s1 =	stileid.u32;
	s3 =	srdreg.scid  }
0x4: {  	s14 =	simm.s32 $0x2800;
	s15 =	simm.s32 $0x7800;
	s16 =	simm.s32 $0x7880  }
0x5: {  	s17 =	simm.s32 $0x8380;
	s18 =	simm.s32 $0x5000;
	s19 =	simm.s32 $0x8E80  }
0x6: {  	s20 =	simm.s32 $0x0;
	[smem:$0x7FF] =	sst s2;
	s4 =	smul.u32 $0x500, s1  }
0x7: {  	s6 =	sand.u32 $0x1, s3;
	s29 =	sshll.u32 s1, $0x1;
	s3 =	sadd.s32 $0xEE00, s7  }
0x8: {  	s31 =	smul.u32 $0x16000, s1;
	_ =	strace $0x80000047;
	s5 =	sshll.u32 s6, $0x4  }
0x9: {  	s11 =	ssub.s32 $0x2, s6;
	s6 =	smul.u32 $0xB000, s6;
	s5 =	sor.u32 s1, s5  }
0xa: {  	s9 =	sadd.s32 s29, s7;
	s8 =	sadd.s32 s4, s7;
	s10 =	smul.u32 $0x500, s5  }
0xb: {  	s4 =	sadd.s32 $0xC200, s7;
	s30 =	sshrl.u32 s11, $0x1;
	s9 =	sadd.s32 $0x2000, s9  }
0xc: {  	s5 =	sadd.s32 $0x1BA00, s7;
	s13 =	ssub.s32 s11, s30;
	s12 =	sadd.s32 s10, s7  }
0xd: {  	s7 =	sadd.s32 $0x7200, s8;
	s8 =	sadd.s32 $0x2200, s8;
	s10 =	sadd.s32 s6, s31  }
0xe: {  	v0 =	vimm.f32 $0.0e+00;
	s11 =	sadd.s32 $0x11A00, s12;
	s12 =	smax.u32 s13, $0x1;
	s13 =	simm.s32 $0x1  }
.LBB2_1:
0xf: {  	[tilespmem:s2], [sflag:$0x1] =	stream.linear.gather [hbm4b:s7+s2], $0x2800, $0x38;
	[tilespmem:$0x9980] =	vst v63  }
0x10: {  	_ =	swait.ge [sflag:s13], $0x2800  }
0x11: {  	[sflag:s13] =	ssyncset.done $0x0  }
0x12: {  	[sflag:s13] =	ssyncadd.s32 $0xFFFFD800  }
0x13: {  	[tilespmem:s14], [sflag:$0x1] =	stream.linear.gather [hbm4b:s8+s2], $0x2800, $0x38;
	[tilespmem:$0x9980] =	vst v63  }
0x14: {  	_ =	swait.ge [sflag:s13], $0x2800  }
0x15: {  	[sflag:s13] =	ssyncset.done $0x0  }
0x16: {  	[sflag:s13] =	ssyncadd.s32 $0xFFFFD800  }
0x17: {  	[tilespmem:s15], [sflag:$0x1] =	stream.linear.gather [hbm4b:s9+s2], $0x10, $0x38;
	[tilespmem:$0x9980] =	vst v63  }
0x18: {  	_ =	swait.ge [sflag:s13], $0x10  }
0x19: {  	[sflag:s13] =	ssyncset.done $0x0  }
0x1a: {  	[sflag:s13] =	ssyncadd.s32 $0xFFFFFFF0  }
0x1b: {  	s21 =	simm.s32 $0x40;
	s22 =	simm.s32 $0x0;
	v1 =	vld [tilespmem:$0x7800]  }
.LBB2_2:
0x1c: {  	p0 =	sne.s32 s21, $0x9FC0;
	[tilespmem:s22+$0x5000] =	vst v0;
	s22 =	smov.u32 s21;
	s21 =	sadd.s32 $0x40, s21  }
.Ltmp0:
0x1d: {  	(pc) =	sbr.rel @p0 .LBB2_2-.Ltmp0, $2  }
0x1e: {  	_ =	sdelay $0x2  }
0x1f: {  	s22 =	sshra.s32 s22, $0x2  }
0x20: {  	[tilespmem:s22+$0x5000] =	vst v0;
	s21 =	simm.s32 $0x0;
	s22 =	simm.s32 $0x0  }
.LBB2_4:
0x21: {  	s23 =	smul.u32 $0xB00, s22;
	_ =	sdelay $0x1  }
0x22: {  	s24 =	sadd.s32 s6, s23  }
0x23: {  	s24 =	sshrl.u32 s24, $0x3  }
0x24: {  	s25 =	sadd.s32 s3, s24  }
0x25: {  	[tilespmem:s16], [sflag:$0x1] =	stream.linear.gather [hbm4b:s25+s21], $0xB00, $0x38;
	[tilespmem:$0x9980] =	vst v63  }
0x26: {  	_ =	swait.ge [sflag:s13], $0xB00  }
0x27: {  	[sflag:s13] =	ssyncset.done $0x0  }
0x28: {  	s24 =	sadd.s32 s4, s24;
	[sflag:s13] =	ssyncadd.s32 $0xFFFFF500  }
0x29: {  	[tilespmem:s17], [sflag:$0x1] =	stream.linear.gather [hbm4b:s24+s21], $0xB00, $0x38;
	[tilespmem:$0x9980] =	vst v63  }
0x2a: {  	_ =	swait.ge [sflag:s13], $0xB00  }
0x2b: {  	[sflag:s13] =	ssyncset.done $0x0  }
0x2c: {  	s24 =	simm.s32 $0x0;
	[sflag:s13] =	ssyncadd.s32 $0xFFFFF500  }
0x2d: {  	v2 =	vld [tilespmem:s24+$0x8380]  }
0x2e: {  	s25 =	simm.s32 $0x40;
	v3 =	vld [tilespmem:s24+$0x7880]  }
.LBB2_5:
0x2f: {  	p0 =	sne.s32 s25, $0x2BC0;
	_ =	sdelay $0x5  }
0x30: {  	v4 =	vld.idx.msk [tilespmem:v2+s14+$0x0], $0xffff  }
0x31: {  	v3 =	vld.idx.msk [tilespmem:v3+s2+$0x0], $0xffff;
	_ =	sdelay $0x5  }
0x32: {  	v3 =	vadd.f32 v4, v3;
	_ =	sdelay $0x1  }
0x33: {  	v4 =	vmul.f32 $2.000000030e-01, v3  }
0x34: {  	vm0 =	vge.f32 v3, $0.0e+00  }
0x35: {  	v3 =	vsel vm0, v3, v4  }
0x36: {  	v3 =	vsub.f32 v3, v1;
	_ =	sdelay $0x1  }
0x37: {  	v3 =	vmul.f32 $1.442695020e+00, v3;
	_ =	sdelay $0x1  }
0x38: {  	(erf) = vpow2.f32 v3;
	_ =	sdelay $0x8  }
.Ltmp1:
0x39: {  	v3 =	vpop (erf);
	(pc) =	sbr.rel @p0 .LBB2_5-.Ltmp1, $4  }
0x3a: {  	[tilespmem:s24+$0x8E80] =	vst v3  }
0x3b: {  	s24 =	sshra.s32 s25, $0x2;
	[tilespmem:v2+s18+$0x0] =	vst.idx.add.f32.msk $0xffff, v3  }
0x3c: {  	v2 =	vld [tilespmem:s24+$0x8380]  }
0x3d: {  	s25 =	sadd.s32 $0x40, s25;
	v3 =	vld [tilespmem:s24+$0x7880]  }
0x3e: {  	_ =	sdelay $0x6  }
0x3f: {  	v4 =	vld.idx.msk [tilespmem:v2+s14+$0x0], $0xffff  }
0x40: {  	v3 =	vld.idx.msk [tilespmem:v3+s2+$0x0], $0xffff;
	_ =	sdelay $0x4  }
0x41: {  	v3 =	vadd.f32 v4, v3;
	_ =	sdelay $0x1  }
0x42: {  	v4 =	vmul.f32 $2.000000030e-01, v3  }
0x43: {  	vm0 =	vge.f32 v3, $0.0e+00  }
0x44: {  	v3 =	vsel vm0, v3, v4  }
0x45: {  	v3 =	vsub.f32 v3, v1;
	_ =	sdelay $0x1  }
0x46: {  	v3 =	vmul.f32 $1.442695020e+00, v3;
	_ =	sdelay $0x1  }
0x47: {  	(erf) = vpow2.f32 v3;
	_ =	sdelay $0x8  }
0x48: {  	s23 =	sadd.s32 s23, s10;
	s22 =	sadd.s32 $0x1, s22;
	v3 =	vpop (erf)  }
0x49: {  	s23 =	sshrl.u32 s23, $0x3;
	p0 =	sne.s32 s22, $0x10;
	[tilespmem:s24+$0x8E80] =	vst v3  }
.Ltmp2:
0x4a: {  	s23 =	sadd.s32 s5, s23;
	[tilespmem:v2+s18+$0x0] =	vst.idx.add.f32.msk $0xffff, v3;
	(pc) =	sbr.rel @p0 .LBB2_4-.Ltmp2, $4  }
0x4b: {  	[hbm4b:s23+s2] =	stream.linear.scatter [tilespmem:s19], [sflag:$0x1], $0xB00, $0x38;
	[tilespmem:$0x9980] =	vst v63  }
0x4c: {  	_ =	swait.ge [sflag:s13], $0xB00  }
0x4d: {  	[sflag:s13] =	ssyncset.done $0x0  }
0x4e: {  	[sflag:s13] =	ssyncadd.s32 $0xFFFFF500  }
0x4f: {  	s20 =	sadd.s32 $0x1, s20  }
0x50: {  	p0 =	sne.s32 s20, s12  }
.Ltmp3:
0x51: {  	_ = 	snop;
	(pc) =	sbr.rel @p0 .LBB2_1-.Ltmp3, $4  }
0x52: {  	[hbm4b:s11+s2] =	stream.linear.scatter [tilespmem:s18], [sflag:$0x1], $0x2800, $0x38;
	[tilespmem:$0x9980] =	vst v63  }
0x53: {  	_ =	swait.ge [sflag:s13], $0x2800  }
0x54: {  	[sflag:s13] =	ssyncset.done $0x0  }
0x55: {  	[sflag:s13] =	ssyncadd.s32 $0xFFFFD800  }
0x56: {  	_ =	sfence.sel $0x180000  }
0x57: {  	[bflag:$0x0] =	sbarrier.arrive $0xFFFF  }
0x58: {  	p0 =	sne.s32 s1, $0x0;
	_ =	strace $0x90000047  }
0x59: {  	s0 =	sadd.s32 @!p0 $0x100000, s0;
	[bflag:$0x2] =	sbarrier.arrive $0xFFFF  }
0x5a: {  	[sflag:s0] =	ssyncadd.tile.s32 @!p0 $0x1;
	_ =	shalt  }
.Lfunc_end2:
_tile_overlayer_lowered:
.L_overlay_start_2:
0x5b: {  	(tag) =	ssettag $0x2  }
0x5c: {  	s0 =	rddreg [dreg:$0x0];
	s2 =	stileid.u32  }
0x5d: {  	s1 =	rddreg [dreg:$0x1];
	p0 =	sne.s32 s2, $0x0  }
0x5e: {  	s3 =	rddreg [dreg:$0x2];
	[bflag:$0x3] =	sbarrier.arrive $0xFFFF;
	s2 =	simm.s32 @!p0 $0x1C01  }
0x5f: {  	[timem:s3], [sflag:s2] =	dma.local @!p0 [hbm:s0], s1  }
0x60: {  	s0 =	simm.s32 @!p0 $0x1  }
0x61: {  	_ =	swait.ge @!p0 [sflag:s0], s1  }
0x62: {  	s1 =	ssub.s32 @!p0 $0x0, s1;
	[sflag:s0] =	ssyncset.done @!p0 $0x0  }
0x63: {  	[sflag:s0] =	ssyncadd.s32 @!p0 s1  }
0x64: {  	[bflag:$0x3] =	sbarrier.arrive $0xFFFF  }
0x65: {  	_ =	shalt  }

</sc_bundles>
